<compile_context>
chip_gen: v7x
topology: tpu7x:2x2x1
jax: 0.10.2.dev20260603
libtpu: 0.0.44.dev20260713+nightly
codegen_flags: <defaults>
</compile_context>

<pallas_src>
import functools

import jax
import jax.numpy as jnp
from jax import lax
from jax.experimental import pallas as pl
from jax.experimental.pallas import tpu as pltpu
from jax.experimental.pallas import tpu_sc as plsc

_NUM_CORES = 2
_NUM_SUBCORES = 16
_NUM_WORKERS = _NUM_CORES * _NUM_SUBCORES

_CH = 256
_NBUF = 4
_LANES = 16
_TPAD = 257


@functools.partial(jax.jit, static_argnames=("batch", "hist", "d"))
def _gather(ids_flat, table, *, batch, hist, d):
    b_cols = batch // _NUM_WORKERS
    chunks_per_h = b_cols // _CH
    n_chunks = hist * chunks_per_h
    n_rounds = n_chunks // _NBUF
    mesh = plsc.VectorSubcoreMesh(core_axis_name="c", subcore_axis_name="s")

    @functools.partial(
        pl.kernel,
        mesh=mesh,
        out_type=jax.ShapeDtypeStruct((hist, d, batch), jnp.float32),
        scratch_types=[
            pltpu.VMEM((hist * b_cols,), jnp.int32),
            [pltpu.VMEM((_CH, d), jnp.float32) for _ in range(_NBUF)],
            [pltpu.VMEM((d, _TPAD), jnp.float32) for _ in range(2)],
            [pltpu.SemaphoreType.DMA for _ in range(_NBUF)],
            [pltpu.SemaphoreType.DMA for _ in range(2)],
            pltpu.SemaphoreType.DMA,
        ],
        compiler_params=pltpu.CompilerParams(
            use_tc_tiling_on_sc=False, needs_layout_passes=False
        ),
    )
    def k(idx_hbm, table_hbm, out_hbm, idx_v, g, t, sem_g, sem_t, sem_i):
        wid = lax.axis_index("s") * _NUM_CORES + lax.axis_index("c")
        col0 = wid * b_cols

        for h in range(hist):
            pltpu.async_copy(
                idx_hbm.at[pl.ds(h * batch + col0, b_cols)],
                idx_v.at[pl.ds(h * b_cols, b_cols)],
                sem_i,
            )
        for h in range(hist):
            pltpu.make_async_copy(
                idx_hbm.at[pl.ds(h * batch + col0, b_cols)],
                idx_v.at[pl.ds(h * b_cols, b_cols)],
                sem_i,
            ).wait()

        def fire_gather(c, bslot):
            pltpu.async_copy(
                table_hbm.at[idx_v.at[pl.ds(c * _CH, _CH)]],
                g[bslot],
                sem_g[bslot],
            )

        def wait_gather(c, bslot):
            pltpu.make_async_copy(
                table_hbm.at[idx_v.at[pl.ds(c * _CH, _CH)]],
                g[bslot],
                sem_g[bslot],
            ).wait()

        def out_slice(h, s):
            return out_hbm.at[h, :, pl.ds(col0 + s * _CH, _CH)]

        def t_src(tslot):
            return t[tslot].at[:, pl.ds(0, _CH)]

        def fire_store(h, s, tslot):
            pltpu.async_copy(t_src(tslot), out_slice(h, s), sem_t[tslot])

        def wait_store(h, s, tslot):
            pltpu.make_async_copy(
                t_src(tslot), out_slice(h, s), sem_t[tslot]
            ).wait()

        def transpose(gbuf, tbuf):
            iota = lax.iota(jnp.int32, _LANES)

            @plsc.parallel_loop(0, _CH, unroll=4)
            def j_body(j):
                cols = jnp.full((_LANES,), j, jnp.int32)
                for e16 in range(d // _LANES):
                    plsc.store_scatter(
                        tbuf,
                        [e16 * _LANES + iota, cols],
                        gbuf[j, pl.ds(e16 * _LANES, _LANES)],
                    )

        def chunk_body(j, bslot, *, first_round, refire):
            c = _NBUF * j + bslot
            h = 2 * j + (bslot // 2)
            s = bslot % 2
            tslot = bslot % 2
            wait_gather(c, bslot)
            if not (first_round and bslot < 2):
                h_prev = 2 * j + (bslot - 2) // 2
                wait_store(h_prev, s, tslot)
            transpose(g[bslot], t[tslot])
            fire_store(h, s, tslot)
            if refire:
                fire_gather(c + _NBUF, bslot)

        for bslot in range(_NBUF):
            fire_gather(bslot, bslot)
        for bslot in range(_NBUF):
            chunk_body(0, bslot, first_round=True, refire=True)

        def body(j, carry):
            for bslot in range(_NBUF):
                chunk_body(j, bslot, first_round=False, refire=True)
            return carry

        lax.fori_loop(1, n_rounds - 1, body, 0)

        for bslot in range(_NBUF):
            chunk_body(n_rounds - 1, bslot, first_round=False, refire=False)
        for bslot in range(2):
            wait_store(hist - 1, bslot, bslot)

    return k(ids_flat, table)


def kernel(token_ids, embedding_table):
    batch, hist = token_ids.shape
    vocab, d = embedding_table.shape
    hist_pad = (hist + 7) // 8 * 8
    ids_flat = jnp.pad(
        token_ids.T.astype(jnp.int32), ((0, hist_pad - hist), (0, 0))
    ).reshape(hist_pad * batch)
    out_t = _gather(ids_flat, embedding_table, batch=batch, hist=hist, d=d)
    return jnp.transpose(out_t, (2, 0, 1))

# --- scband reference (transcript-rebuilt; emitter-appended) ---
"""Pipeline reference for scband-formula-embedding-model-41729902248159 (READ-ONLY COPY).

The authoritative reference and input builder live on the scoring server;
editing this copy changes nothing except your own understanding.
"""

import jax, jax.numpy as jnp
import numpy as np

VOCAB = 1000000
EMBED_DIM = 64
BATCH = 16384
HIST = 50

def setup_inputs(seed: int = 0) -> dict:
    key = jax.random.key(seed)
    k_idx, k_tab = jax.random.split(key)
    token_ids = jax.random.randint(k_idx, (BATCH, HIST), 0, VOCAB, dtype=jnp.int64 if jax.config.jax_enable_x64 else jnp.int32)
    embedding_table = jax.random.normal(k_tab, (VOCAB, EMBED_DIM), dtype=jnp.float32)
    return {"token_ids": token_ids, "embedding_table": embedding_table}

def reference(token_ids, embedding_table):
    # nn.Embedding forward: gather rows of the table by token id
    return jnp.take(embedding_table, token_ids, axis=0)

if __name__ == "__main__":
    import jax
    _d = setup_inputs()
    print(jax.jit(kernel)(*tuple(_d.values())))

</pallas_src>

<mosaic_0001>
#map = affine_map<(d0, d1) -> (0)>
#map1 = affine_map<(d0, d1) -> (0, 0)>
#map2 = affine_map<(d0, d1) -> (0, 0, 0)>
module attributes {stable_mosaic.version = 14 : i64} {
  func.func @k(%arg0: i32, %arg1: i32, %arg2: memref<917504xi32, #tpu.memory_space<hbm>>, %arg3: memref<1000000x64xf32, #tpu.memory_space<hbm>>, %arg4: memref<50x64x16384xf32, #tpu.memory_space<hbm>>, %arg5: memref<25600xi32, #tpu.memory_space<vmem>>, %arg6: memref<256x64xf32, #tpu.memory_space<vmem>>, %arg7: memref<256x64xf32, #tpu.memory_space<vmem>>, %arg8: memref<256x64xf32, #tpu.memory_space<vmem>>, %arg9: memref<256x64xf32, #tpu.memory_space<vmem>>, %arg10: memref<64x257xf32, #tpu.memory_space<vmem>>, %arg11: memref<64x257xf32, #tpu.memory_space<vmem>>, %arg12: memref<!tpu.dma_semaphore, #tpu.memory_space<semaphore_mem>>, %arg13: memref<!tpu.dma_semaphore, #tpu.memory_space<semaphore_mem>>, %arg14: memref<!tpu.dma_semaphore, #tpu.memory_space<semaphore_mem>>, %arg15: memref<!tpu.dma_semaphore, #tpu.memory_space<semaphore_mem>>, %arg16: memref<!tpu.dma_semaphore, #tpu.memory_space<semaphore_mem>>, %arg17: memref<!tpu.dma_semaphore, #tpu.memory_space<semaphore_mem>>, %arg18: memref<!tpu.dma_semaphore, #tpu.memory_space<semaphore_mem>>) attributes {dimension_semantics = [#tpu.dimension_semantics<core_parallel>, #tpu.dimension_semantics<subcore_parallel>], iteration_bounds = array<i64: 2, 16>, scalar_prefetch = 0 : i64, scratch_operands = 14 : i64, tpu.core_type = #tpu.core_type<sc_vector_subcore>, window_params = [{transform_indices = #map}, {transform_indices = #map1}, {transform_indices = #map2}]} {
    %mul3A = arith.constant 2 : i32
    %mul3A_0 = arith.muli %arg1, %mul3A : i32
    %add3A = arith.addi %mul3A_0, %arg0 : i32
    %mul3A_1 = arith.constant 512 : i32
    %mul3A_2 = arith.muli %add3A, %mul3A_1 : i32
    %add3A_3 = arith.constant 0 : i32
    %add3A_4 = arith.addi %add3A_3, %mul3A_2 : i32
    %dma_start3A = arith.constant 0 : i32
    %dma_start3A_5 = tpu.memref_slice %arg5[%dma_start3A] : memref<25600xi32, #tpu.memory_space<vmem>> -> memref<512xi32, #tpu.memory_space<vmem>>
    %dma_start3A_6 = tpu.memref_slice %arg2[%add3A_4] : memref<917504xi32, #tpu.memory_space<hbm>> -> memref<512xi32, #tpu.memory_space<hbm>>
    %dma_start3A_7 = arith.constant 0 : i32
    %dma_start3A_8 = tpu.memref_slice %arg5[%dma_start3A_7] : memref<25600xi32, #tpu.memory_space<vmem>> -> memref<512xi32, #tpu.memory_space<vmem>>
    %dma_start3A_9 = tpu.memref_slice %arg2[%add3A_4] : memref<917504xi32, #tpu.memory_space<hbm>> -> memref<512xi32, #tpu.memory_space<hbm>>
    tpu.enqueue_dma source(%dma_start3A_9 : memref<512xi32, #tpu.memory_space<hbm>>) target(%dma_start3A_8 : memref<512xi32, #tpu.memory_space<vmem>>) target_semaphore(%arg18 : memref<!tpu.dma_semaphore, #tpu.memory_space<semaphore_mem>>)
    %add3A_10 = arith.constant 16384 : i32
    %add3A_11 = arith.addi %add3A_10, %mul3A_2 : i32
    %dma_start3A_12 = arith.constant 512 : i32
    %dma_start3A_13 = tpu.memref_slice %arg5[%dma_start3A_12] : memref<25600xi32, #tpu.memory_space<vmem>> -> memref<512xi32, #tpu.memory_space<vmem>>
    %dma_start3A_14 = tpu.memref_slice %arg2[%add3A_11] : memref<917504xi32, #tpu.memory_space<hbm>> -> memref<512xi32, #tpu.memory_space<hbm>>
    %dma_start3A_15 = arith.constant 512 : i32
    %dma_start3A_16 = tpu.memref_slice %arg5[%dma_start3A_15] : memref<25600xi32, #tpu.memory_space<vmem>> -> memref<512xi32, #tpu.memory_space<vmem>>
    %dma_start3A_17 = tpu.memref_slice %arg2[%add3A_11] : memref<917504xi32, #tpu.memory_space<hbm>> -> memref<512xi32, #tpu.memory_space<hbm>>
    tpu.enqueue_dma source(%dma_start3A_17 : memref<512xi32, #tpu.memory_space<hbm>>) target(%dma_start3A_16 : memref<512xi32, #tpu.memory_space<vmem>>) target_semaphore(%arg18 : memref<!tpu.dma_semaphore, #tpu.memory_space<semaphore_mem>>)
    %add3A_18 = arith.constant 32768 : i32
    %add3A_19 = arith.addi %add3A_18, %mul3A_2 : i32
    %dma_start3A_20 = arith.constant 1024 : i32
    %dma_start3A_21 = tpu.memref_slice %arg5[%dma_start3A_20] : memref<25600xi32, #tpu.memory_space<vmem>> -> memref<512xi32, #tpu.memory_space<vmem>>
    %dma_start3A_22 = tpu.memref_slice %arg2[%add3A_19] : memref<917504xi32, #tpu.memory_space<hbm>> -> memref<512xi32, #tpu.memory_space<hbm>>
    %dma_start3A_23 = arith.constant 1024 : i32
    %dma_start3A_24 = tpu.memref_slice %arg5[%dma_start3A_23] : memref<25600xi32, #tpu.memory_space<vmem>> -> memref<512xi32, #tpu.memory_space<vmem>>
    %dma_start3A_25 = tpu.memref_slice %arg2[%add3A_19] : memref<917504xi32, #tpu.memory_space<hbm>> -> memref<512xi32, #tpu.memory_space<hbm>>
    tpu.enqueue_dma source(%dma_start3A_25 : memref<512xi32, #tpu.memory_space<hbm>>) target(%dma_start3A_24 : memref<512xi32, #tpu.memory_space<vmem>>) target_semaphore(%arg18 : memref<!tpu.dma_semaphore, #tpu.memory_space<semaphore_mem>>)
    %add3A_26 = arith.constant 49152 : i32
    %add3A_27 = arith.addi %add3A_26, %mul3A_2 : i32
    %dma_start3A_28 = arith.constant 1536 : i32
    %dma_start3A_29 = tpu.memref_slice %arg5[%dma_start3A_28] : memref<25600xi32, #tpu.memory_space<vmem>> -> memref<512xi32, #tpu.memory_space<vmem>>
    %dma_start3A_30 = tpu.memref_slice %arg2[%add3A_27] : memref<917504xi32, #tpu.memory_space<hbm>> -> memref<512xi32, #tpu.memory_space<hbm>>
    %dma_start3A_31 = arith.constant 1536 : i32
    %dma_start3A_32 = tpu.memref_slice %arg5[%dma_start3A_31] : memref<25600xi32, #tpu.memory_space<vmem>> -> memref<512xi32, #tpu.memory_space<vmem>>
    %dma_start3A_33 = tpu.memref_slice %arg2[%add3A_27] : memref<917504xi32, #tpu.memory_space<hbm>> -> memref<512xi32, #tpu.memory_space<hbm>>
    tpu.enqueue_dma source(%dma_start3A_33 : memref<512xi32, #tpu.memory_space<hbm>>) target(%dma_start3A_32 : memref<512xi32, #tpu.memory_space<vmem>>) target_semaphore(%arg18 : memref<!tpu.dma_semaphore, #tpu.memory_space<semaphore_mem>>)
    %add3A_34 = arith.constant 65536 : i32
    %add3A_35 = arith.addi %add3A_34, %mul3A_2 : i32
    %dma_start3A_36 = arith.constant 2048 : i32
    %dma_start3A_37 = tpu.memref_slice %arg5[%dma_start3A_36] : memref<25600xi32, #tpu.memory_space<vmem>> -> memref<512xi32, #tpu.memory_space<vmem>>
    %dma_start3A_38 = tpu.memref_slice %arg2[%add3A_35] : memref<917504xi32, #tpu.memory_space<hbm>> -> memref<512xi32, #tpu.memory_space<hbm>>
    %dma_start3A_39 = arith.constant 2048 : i32
    %dma_start3A_40 = tpu.memref_slice %arg5[%dma_start3A_39] : memref<25600xi32, #tpu.memory_space<vmem>> -> memref<512xi32, #tpu.memory_space<vmem>>
    %dma_start3A_41 = tpu.memref_slice %arg2[%add3A_35] : memref<917504xi32, #tpu.memory_space<hbm>> -> memref<512xi32, #tpu.memory_space<hbm>>
    tpu.enqueue_dma source(%dma_start3A_41 : memref<512xi32, #tpu.memory_space<hbm>>) target(%dma_start3A_40 : memref<512xi32, #tpu.memory_space<vmem>>) target_semaphore(%arg18 : memref<!tpu.dma_semaphore, #tpu.memory_space<semaphore_mem>>)
    %add3A_42 = arith.constant 81920 : i32
    %add3A_43 = arith.addi %add3A_42, %mul3A_2 : i32
    %dma_start3A_44 = arith.constant 2560 : i32
    %dma_start3A_45 = tpu.memref_slice %arg5[%dma_start3A_44] : memref<25600xi32, #tpu.memory_space<vmem>> -> memref<512xi32, #tpu.memory_space<vmem>>
    %dma_start3A_46 = tpu.memref_slice %arg2[%add3A_43] : memref<917504xi32, #tpu.memory_space<hbm>> -> memref<512xi32, #tpu.memory_space<hbm>>
    %dma_start3A_47 = arith.constant 2560 : i32
    %dma_start3A_48 = tpu.memref_slice %arg5[%dma_start3A_47] : memref<25600xi32, #tpu.memory_space<vmem>> -> memref<512xi32, #tpu.memory_space<vmem>>
    %dma_start3A_49 = tpu.memref_slice %arg2[%add3A_43] : memref<917504xi32, #tpu.memory_space<hbm>> -> memref<512xi32, #tpu.memory_space<hbm>>
    tpu.enqueue_dma source(%dma_start3A_49 : memref<512xi32, #tpu.memory_space<hbm>>) target(%dma_start3A_48 : memref<512xi32, #tpu.memory_space<vmem>>) target_semaphore(%arg18 : memref<!tpu.dma_semaphore, #tpu.memory_space<semaphore_mem>>)
    %add3A_50 = arith.constant 98304 : i32
    %add3A_51 = arith.addi %add3A_50, %mul3A_2 : i32
    %dma_start3A_52 = arith.constant 3072 : i32
    %dma_start3A_53 = tpu.memref_slice %arg5[%dma_start3A_52] : memref<25600xi32, #tpu.memory_space<vmem>> -> memref<512xi32, #tpu.memory_space<vmem>>
    %dma_start3A_54 = tpu.memref_slice %arg2[%add3A_51] : memref<917504xi32, #tpu.memory_space<hbm>> -> memref<512xi32, #tpu.memory_space<hbm>>
    %dma_start3A_55 = arith.constant 3072 : i32
    %dma_start3A_56 = tpu.memref_slice %arg5[%dma_start3A_55] : memref<25600xi32, #tpu.memory_space<vmem>> -> memref<512xi32, #tpu.memory_space<vmem>>
    %dma_start3A_57 = tpu.memref_slice %arg2[%add3A_51] : memref<917504xi32, #tpu.memory_space<hbm>> -> memref<512xi32, #tpu.memory_space<hbm>>
    tpu.enqueue_dma source(%dma_start3A_57 : memref<512xi32, #tpu.memory_space<hbm>>) target(%dma_start3A_56 : memref<512xi32, #tpu.memory_space<vmem>>) target_semaphore(%arg18 : memref<!tpu.dma_semaphore, #tpu.memory_space<semaphore_mem>>)
    %add3A_58 = arith.constant 114688 : i32
    %add3A_59 = arith.addi %add3A_58, %mul3A_2 : i32
    %dma_start3A_60 = arith.constant 3584 : i32
    %dma_start3A_61 = tpu.memref_slice %arg5[%dma_start3A_60] : memref<25600xi32, #tpu.memory_space<vmem>> -> memref<512xi32, #tpu.memory_space<vmem>>
    %dma_start3A_62 = tpu.memref_slice %arg2[%add3A_59] : memref<917504xi32, #tpu.memory_space<hbm>> -> memref<512xi32, #tpu.memory_space<hbm>>
    %dma_start3A_63 = arith.constant 3584 : i32
    %dma_start3A_64 = tpu.memref_slice %arg5[%dma_start3A_63] : memref<25600xi32, #tpu.memory_space<vmem>> -> memref<512xi32, #tpu.memory_space<vmem>>
    %dma_start3A_65 = tpu.memref_slice %arg2[%add3A_59] : memref<917504xi32, #tpu.memory_space<hbm>> -> memref<512xi32, #tpu.memory_space<hbm>>
    tpu.enqueue_dma source(%dma_start3A_65 : memref<512xi32, #tpu.memory_space<hbm>>) target(%dma_start3A_64 : memref<512xi32, #tpu.memory_space<vmem>>) target_semaphore(%arg18 : memref<!tpu.dma_semaphore, #tpu.memory_space<semaphore_mem>>)
    %add3A_66 = arith.constant 131072 : i32
    %add3A_67 = arith.addi %add3A_66, %mul3A_2 : i32
    %dma_start3A_68 = arith.constant 4096 : i32
    %dma_start3A_69 = tpu.memref_slice %arg5[%dma_start3A_68] : memref<25600xi32, #tpu.memory_space<vmem>> -> memref<512xi32, #tpu.memory_space<vmem>>
    %dma_start3A_70 = tpu.memref_slice %arg2[%add3A_67] : memref<917504xi32, #tpu.memory_space<hbm>> -> memref<512xi32, #tpu.memory_space<hbm>>
    %dma_start3A_71 = arith.constant 4096 : i32
    %dma_start3A_72 = tpu.memref_slice %arg5[%dma_start3A_71] : memref<25600xi32, #tpu.memory_space<vmem>> -> memref<512xi32, #tpu.memory_space<vmem>>
    %dma_start3A_73 = tpu.memref_slice %arg2[%add3A_67] : memref<917504xi32, #tpu.memory_space<hbm>> -> memref<512xi32, #tpu.memory_space<hbm>>
    tpu.enqueue_dma source(%dma_start3A_73 : memref<512xi32, #tpu.memory_space<hbm>>) target(%dma_start3A_72 : memref<512xi32, #tpu.memory_space<vmem>>) target_semaphore(%arg18 : memref<!tpu.dma_semaphore, #tpu.memory_space<semaphore_mem>>)
    %add3A_74 = arith.constant 147456 : i32
    %add3A_75 = arith.addi %add3A_74, %mul3A_2 : i32
    %dma_start3A_76 = arith.constant 4608 : i32
    %dma_start3A_77 = tpu.memref_slice %arg5[%dma_start3A_76] : memref<25600xi32, #tpu.memory_space<vmem>> -> memref<512xi32, #tpu.memory_space<vmem>>
    %dma_start3A_78 = tpu.memref_slice %arg2[%add3A_75] : memref<917504xi32, #tpu.memory_space<hbm>> -> memref<512xi32, #tpu.memory_space<hbm>>
    %dma_start3A_79 = arith.constant 4608 : i32
    %dma_start3A_80 = tpu.memref_slice %arg5[%dma_start3A_79] : memref<25600xi32, #tpu.memory_space<vmem>> -> memref<512xi32, #tpu.memory_space<vmem>>
    %dma_start3A_81 = tpu.memref_slice %arg2[%add3A_75] : memref<917504xi32, #tpu.memory_space<hbm>> -> memref<512xi32, #tpu.memory_space<hbm>>
    tpu.enqueue_dma source(%dma_start3A_81 : memref<512xi32, #tpu.memory_space<hbm>>) target(%dma_start3A_80 : memref<512xi32, #tpu.memory_space<vmem>>) target_semaphore(%arg18 : memref<!tpu.dma_semaphore, #tpu.memory_space<semaphore_mem>>)
    %add3A_82 = arith.constant 163840 : i32
    %add3A_83 = arith.addi %add3A_82, %mul3A_2 : i32
    %dma_start3A_84 = arith.constant 5120 : i32
    %dma_start3A_85 = tpu.memref_slice %arg5[%dma_start3A_84] : memref<25600xi32, #tpu.memory_space<vmem>> -> memref<512xi32, #tpu.memory_space<vmem>>
    %dma_start3A_86 = tpu.memref_slice %arg2[%add3A_83] : memref<917504xi32, #tpu.memory_space<hbm>> -> memref<512xi32, #tpu.memory_space<hbm>>
    %dma_start3A_87 = arith.constant 5120 : i32
    %dma_start3A_88 = tpu.memref_slice %arg5[%dma_start3A_87] : memref<25600xi32, #tpu.memory_space<vmem>> -> memref<512xi32, #tpu.memory_space<vmem>>
    %dma_start3A_89 = tpu.memref_slice %arg2[%add3A_83] : memref<917504xi32, #tpu.memory_space<hbm>> -> memref<512xi32, #tpu.memory_space<hbm>>
    tpu.enqueue_dma source(%dma_start3A_89 : memref<512xi32, #tpu.memory_space<hbm>>) target(%dma_start3A_88 : memref<512xi32, #tpu.memory_space<vmem>>) target_semaphore(%arg18 : memref<!tpu.dma_semaphore, #tpu.memory_space<semaphore_mem>>)
    %add3A_90 = arith.constant 180224 : i32
    %add3A_91 = arith.addi %add3A_90, %mul3A_2 : i32
    %dma_start3A_92 = arith.constant 5632 : i32
    %dma_start3A_93 = tpu.memref_slice %arg5[%dma_start3A_92] : memref<25600xi32, #tpu.memory_space<vmem>> -> memref<512xi32, #tpu.memory_space<vmem>>
    %dma_start3A_94 = tpu.memref_slice %arg2[%add3A_91] : memref<917504xi32, #tpu.memory_space<hbm>> -> memref<512xi32, #tpu.memory_space<hbm>>
    %dma_start3A_95 = arith.constant 5632 : i32
    %dma_start3A_96 = tpu.memref_slice %arg5[%dma_start3A_95] : memref<25600xi32, #tpu.memory_space<vmem>> -> memref<512xi32, #tpu.memory_space<vmem>>
    %dma_start3A_97 = tpu.memref_slice %arg2[%add3A_91] : memref<917504xi32, #tpu.memory_space<hbm>> -> memref<512xi32, #tpu.memory_space<hbm>>
    tpu.enqueue_dma source(%dma_start3A_97 : memref<512xi32, #tpu.memory_space<hbm>>) target(%dma_start3A_96 : memref<512xi32, #tpu.memory_space<vmem>>) target_semaphore(%arg18 : memref<!tpu.dma_semaphore, #tpu.memory_space<semaphore_mem>>)
    %add3A_98 = arith.constant 196608 : i32
    %add3A_99 = arith.addi %add3A_98, %mul3A_2 : i32
    %dma_start3A_100 = arith.constant 6144 : i32
    %dma_start3A_101 = tpu.memref_slice %arg5[%dma_start3A_100] : memref<25600xi32, #tpu.memory_space<vmem>> -> memref<512xi32, #tpu.memory_space<vmem>>
    %dma_start3A_102 = tpu.memref_slice %arg2[%add3A_99] : memref<917504xi32, #tpu.memory_space<hbm>> -> memref<512xi32, #tpu.memory_space<hbm>>
    %dma_start3A_103 = arith.constant 6144 : i32
    %dma_start3A_104 = tpu.memref_slice %arg5[%dma_start3A_103] : memref<25600xi32, #tpu.memory_space<vmem>> -> memref<512xi32, #tpu.memory_space<vmem>>
    %dma_start3A_105 = tpu.memref_slice %arg2[%add3A_99] : memref<917504xi32, #tpu.memory_space<hbm>> -> memref<512xi32, #tpu.memory_space<hbm>>
    tpu.enqueue_dma source(%dma_start3A_105 : memref<512xi32, #tpu.memory_space<hbm>>) target(%dma_start3A_104 : memref<512xi32, #tpu.memory_space<vmem>>) target_semaphore(%arg18 : memref<!tpu.dma_semaphore, #tpu.memory_space<semaphore_mem>>)
    %add3A_106 = arith.constant 212992 : i32
    %add3A_107 = arith.addi %add3A_106, %mul3A_2 : i32
    %dma_start3A_108 = arith.constant 6656 : i32
    %dma_start3A_109 = tpu.memref_slice %arg5[%dma_start3A_108] : memref<25600xi32, #tpu.memory_space<vmem>> -> memref<512xi32, #tpu.memory_space<vmem>>
    %dma_start3A_110 = tpu.memref_slice %arg2[%add3A_107] : memref<917504xi32, #tpu.memory_space<hbm>> -> memref<512xi32, #tpu.memory_space<hbm>>
    %dma_start3A_111 = arith.constant 6656 : i32
    %dma_start3A_112 = tpu.memref_slice %arg5[%dma_start3A_111] : memref<25600xi32, #tpu.memory_space<vmem>> -> memref<512xi32, #tpu.memory_space<vmem>>
    %dma_start3A_113 = tpu.memref_slice %arg2[%add3A_107] : memref<917504xi32, #tpu.memory_space<hbm>> -> memref<512xi32, #tpu.memory_space<hbm>>
    tpu.enqueue_dma source(%dma_start3A_113 : memref<512xi32, #tpu.memory_space<hbm>>) target(%dma_start3A_112 : memref<512xi32, #tpu.memory_space<vmem>>) target_semaphore(%arg18 : memref<!tpu.dma_semaphore, #tpu.memory_space<semaphore_mem>>)
    %add3A_114 = arith.constant 229376 : i32
    %add3A_115 = arith.addi %add3A_114, %mul3A_2 : i32
    %dma_start3A_116 = arith.constant 7168 : i32
    %dma_start3A_117 = tpu.memref_slice %arg5[%dma_start3A_116] : memref<25600xi32, #tpu.memory_space<vmem>> -> memref<512xi32, #tpu.memory_space<vmem>>
    %dma_start3A_118 = tpu.memref_slice %arg2[%add3A_115] : memref<917504xi32, #tpu.memory_space<hbm>> -> memref<512xi32, #tpu.memory_space<hbm>>
    %dma_start3A_119 = arith.constant 7168 : i32
    %dma_start3A_120 = tpu.memref_slice %arg5[%dma_start3A_119] : memref<25600xi32, #tpu.memory_space<vmem>> -> memref<512xi32, #tpu.memory_space<vmem>>
    %dma_start3A_121 = tpu.memref_slice %arg2[%add3A_115] : memref<917504xi32, #tpu.memory_space<hbm>> -> memref<512xi32, #tpu.memory_space<hbm>>
    tpu.enqueue_dma source(%dma_start3A_121 : memref<512xi32, #tpu.memory_space<hbm>>) target(%dma_start3A_120 : memref<512xi32, #tpu.memory_space<vmem>>) target_semaphore(%arg18 : memref<!tpu.dma_semaphore, #tpu.memory_space<semaphore_mem>>)
    %add3A_122 = arith.constant 245760 : i32
    %add3A_123 = arith.addi %add3A_122, %mul3A_2 : i32
    %dma_start3A_124 = arith.constant 7680 : i32
    %dma_start3A_125 = tpu.memref_slice %arg5[%dma_start3A_124] : memref<25600xi32, #tpu.memory_space<vmem>> -> memref<512xi32, #tpu.memory_space<vmem>>
    %dma_start3A_126 = tpu.memref_slice %arg2[%add3A_123] : memref<917504xi32, #tpu.memory_space<hbm>> -> memref<512xi32, #tpu.memory_space<hbm>>
    %dma_start3A_127 = arith.constant 7680 : i32
    %dma_start3A_128 = tpu.memref_slice %arg5[%dma_start3A_127] : memref<25600xi32, #tpu.memory_space<vmem>> -> memref<512xi32, #tpu.memory_space<vmem>>
    %dma_start3A_129 = tpu.memref_slice %arg2[%add3A_123] : memref<917504xi32, #tpu.memory_space<hbm>> -> memref<512xi32, #tpu.memory_space<hbm>>
    tpu.enqueue_dma source(%dma_start3A_129 : memref<512xi32, #tpu.memory_space<hbm>>) target(%dma_start3A_128 : memref<512xi32, #tpu.memory_space<vmem>>) target_semaphore(%arg18 : memref<!tpu.dma_semaphore, #tpu.memory_space<semaphore_mem>>)
    %add3A_130 = arith.constant 262144 : i32
    %add3A_131 = arith.addi %add3A_130, %mul3A_2 : i32
    %dma_start3A_132 = arith.constant 8192 : i32
    %dma_start3A_133 = tpu.memref_slice %arg5[%dma_start3A_132] : memref<25600xi32, #tpu.memory_space<vmem>> -> memref<512xi32, #tpu.memory_space<vmem>>
    %dma_start3A_134 = tpu.memref_slice %arg2[%add3A_131] : memref<917504xi32, #tpu.memory_space<hbm>> -> memref<512xi32, #tpu.memory_space<hbm>>
    %dma_start3A_135 = arith.constant 8192 : i32
    %dma_start3A_136 = tpu.memref_slice %arg5[%dma_start3A_135] : memref<25600xi32, #tpu.memory_space<vmem>> -> memref<512xi32, #tpu.memory_space<vmem>>
    %dma_start3A_137 = tpu.memref_slice %arg2[%add3A_131] : memref<917504xi32, #tpu.memory_space<hbm>> -> memref<512xi32, #tpu.memory_space<hbm>>
    tpu.enqueue_dma source(%dma_start3A_137 : memref<512xi32, #tpu.memory_space<hbm>>) target(%dma_start3A_136 : memref<512xi32, #tpu.memory_space<vmem>>) target_semaphore(%arg18 : memref<!tpu.dma_semaphore, #tpu.memory_space<semaphore_mem>>)
    %add3A_138 = arith.constant 278528 : i32
    %add3A_139 = arith.addi %add3A_138, %mul3A_2 : i32
    %dma_start3A_140 = arith.constant 8704 : i32
    %dma_start3A_141 = tpu.memref_slice %arg5[%dma_start3A_140] : memref<25600xi32, #tpu.memory_space<vmem>> -> memref<512xi32, #tpu.memory_space<vmem>>
    %dma_start3A_142 = tpu.memref_slice %arg2[%add3A_139] : memref<917504xi32, #tpu.memory_space<hbm>> -> memref<512xi32, #tpu.memory_space<hbm>>
    %dma_start3A_143 = arith.constant 8704 : i32
    %dma_start3A_144 = tpu.memref_slice %arg5[%dma_start3A_143] : memref<25600xi32, #tpu.memory_space<vmem>> -> memref<512xi32, #tpu.memory_space<vmem>>
    %dma_start3A_145 = tpu.memref_slice %arg2[%add3A_139] : memref<917504xi32, #tpu.memory_space<hbm>> -> memref<512xi32, #tpu.memory_space<hbm>>
    tpu.enqueue_dma source(%dma_start3A_145 : memref<512xi32, #tpu.memory_space<hbm>>) target(%dma_start3A_144 : memref<512xi32, #tpu.memory_space<vmem>>) target_semaphore(%arg18 : memref<!tpu.dma_semaphore, #tpu.memory_space<semaphore_mem>>)
    %add3A_146 = arith.constant 294912 : i32
    %add3A_147 = arith.addi %add3A_146, %mul3A_2 : i32
    %dma_start3A_148 = arith.constant 9216 : i32
    %dma_start3A_149 = tpu.memref_slice %arg5[%dma_start3A_148] : memref<25600xi32, #tpu.memory_space<vmem>> -> memref<512xi32, #tpu.memory_space<vmem>>
    %dma_start3A_150 = tpu.memref_slice %arg2[%add3A_147] : memref<917504xi32, #tpu.memory_space<hbm>> -> memref<512xi32, #tpu.memory_space<hbm>>
    %dma_start3A_151 = arith.constant 9216 : i32
    %dma_start3A_152 = tpu.memref_slice %arg5[%dma_start3A_151] : memref<25600xi32, #tpu.memory_space<vmem>> -> memref<512xi32, #tpu.memory_space<vmem>>
    %dma_start3A_153 = tpu.memref_slice %arg2[%add3A_147] : memref<917504xi32, #tpu.memory_space<hbm>> -> memref<512xi32, #tpu.memory_space<hbm>>
    tpu.enqueue_dma source(%dma_start3A_153 : memref<512xi32, #tpu.memory_space<hbm>>) target(%dma_start3A_152 : memref<512xi32, #tpu.memory_space<vmem>>) target_semaphore(%arg18 : memref<!tpu.dma_semaphore, #tpu.memory_space<semaphore_mem>>)
    %add3A_154 = arith.constant 311296 : i32
    %add3A_155 = arith.addi %add3A_154, %mul3A_2 : i32
    %dma_start3A_156 = arith.constant 9728 : i32
    %dma_start3A_157 = tpu.memref_slice %arg5[%dma_start3A_156] : memref<25600xi32, #tpu.memory_space<vmem>> -> memref<512xi32, #tpu.memory_space<vmem>>
    %dma_start3A_158 = tpu.memref_slice %arg2[%add3A_155] : memref<917504xi32, #tpu.memory_space<hbm>> -> memref<512xi32, #tpu.memory_space<hbm>>
    %dma_start3A_159 = arith.constant 9728 : i32
    %dma_start3A_160 = tpu.memref_slice %arg5[%dma_start3A_159] : memref<25600xi32, #tpu.memory_space<vmem>> -> memref<512xi32, #tpu.memory_space<vmem>>
    %dma_start3A_161 = tpu.memref_slice %arg2[%add3A_155] : memref<917504xi32, #tpu.memory_space<hbm>> -> memref<512xi32, #tpu.memory_space<hbm>>
    tpu.enqueue_dma source(%dma_start3A_161 : memref<512xi32, #tpu.memory_space<hbm>>) target(%dma_start3A_160 : memref<512xi32, #tpu.memory_space<vmem>>) target_semaphore(%arg18 : memref<!tpu.dma_semaphore, #tpu.memory_space<semaphore_mem>>)
    %add3A_162 = arith.constant 327680 : i32
    %add3A_163 = arith.addi %add3A_162, %mul3A_2 : i32
    %dma_start3A_164 = arith.constant 10240 : i32
    %dma_start3A_165 = tpu.memref_slice %arg5[%dma_start3A_164] : memref<25600xi32, #tpu.memory_space<vmem>> -> memref<512xi32, #tpu.memory_space<vmem>>
    %dma_start3A_166 = tpu.memref_slice %arg2[%add3A_163] : memref<917504xi32, #tpu.memory_space<hbm>> -> memref<512xi32, #tpu.memory_space<hbm>>
    %dma_start3A_167 = arith.constant 10240 : i32
    %dma_start3A_168 = tpu.memref_slice %arg5[%dma_start3A_167] : memref<25600xi32, #tpu.memory_space<vmem>> -> memref<512xi32, #tpu.memory_space<vmem>>
    %dma_start3A_169 = tpu.memref_slice %arg2[%add3A_163] : memref<917504xi32, #tpu.memory_space<hbm>> -> memref<512xi32, #tpu.memory_space<hbm>>
    tpu.enqueue_dma source(%dma_start3A_169 : memref<512xi32, #tpu.memory_space<hbm>>) target(%dma_start3A_168 : memref<512xi32, #tpu.memory_space<vmem>>) target_semaphore(%arg18 : memref<!tpu.dma_semaphore, #tpu.memory_space<semaphore_mem>>)
    %add3A_170 = arith.constant 344064 : i32
    %add3A_171 = arith.addi %add3A_170, %mul3A_2 : i32
    %dma_start3A_172 = arith.constant 10752 : i32
    %dma_start3A_173 = tpu.memref_slice %arg5[%dma_start3A_172] : memref<25600xi32, #tpu.memory_space<vmem>> -> memref<512xi32, #tpu.memory_space<vmem>>
    %dma_start3A_174 = tpu.memref_slice %arg2[%add3A_171] : memref<917504xi32, #tpu.memory_space<hbm>> -> memref<512xi32, #tpu.memory_space<hbm>>
    %dma_start3A_175 = arith.constant 10752 : i32
    %dma_start3A_176 = tpu.memref_slice %arg5[%dma_start3A_175] : memref<25600xi32, #tpu.memory_space<vmem>> -> memref<512xi32, #tpu.memory_space<vmem>>
    %dma_start3A_177 = tpu.memref_slice %arg2[%add3A_171] : memref<917504xi32, #tpu.memory_space<hbm>> -> memref<512xi32, #tpu.memory_space<hbm>>
    tpu.enqueue_dma source(%dma_start3A_177 : memref<512xi32, #tpu.memory_space<hbm>>) target(%dma_start3A_176 : memref<512xi32, #tpu.memory_space<vmem>>) target_semaphore(%arg18 : memref<!tpu.dma_semaphore, #tpu.memory_space<semaphore_mem>>)
    %add3A_178 = arith.constant 360448 : i32
    %add3A_179 = arith.addi %add3A_178, %mul3A_2 : i32
    %dma_start3A_180 = arith.constant 11264 : i32
    %dma_start3A_181 = tpu.memref_slice %arg5[%dma_start3A_180] : memref<25600xi32, #tpu.memory_space<vmem>> -> memref<512xi32, #tpu.memory_space<vmem>>
    %dma_start3A_182 = tpu.memref_slice %arg2[%add3A_179] : memref<917504xi32, #tpu.memory_space<hbm>> -> memref<512xi32, #tpu.memory_space<hbm>>
    %dma_start3A_183 = arith.constant 11264 : i32
    %dma_start3A_184 = tpu.memref_slice %arg5[%dma_start3A_183] : memref<25600xi32, #tpu.memory_space<vmem>> -> memref<512xi32, #tpu.memory_space<vmem>>
    %dma_start3A_185 = tpu.memref_slice %arg2[%add3A_179] : memref<917504xi32, #tpu.memory_space<hbm>> -> memref<512xi32, #tpu.memory_space<hbm>>
    tpu.enqueue_dma source(%dma_start3A_185 : memref<512xi32, #tpu.memory_space<hbm>>) target(%dma_start3A_184 : memref<512xi32, #tpu.memory_space<vmem>>) target_semaphore(%arg18 : memref<!tpu.dma_semaphore, #tpu.memory_space<semaphore_mem>>)
    %add3A_186 = arith.constant 376832 : i32
    %add3A_187 = arith.addi %add3A_186, %mul3A_2 : i32
    %dma_start3A_188 = arith.constant 11776 : i32
    %dma_start3A_189 = tpu.memref_slice %arg5[%dma_start3A_188] : memref<25600xi32, #tpu.memory_space<vmem>> -> memref<512xi32, #tpu.memory_space<vmem>>
    %dma_start3A_190 = tpu.memref_slice %arg2[%add3A_187] : memref<917504xi32, #tpu.memory_space<hbm>> -> memref<512xi32, #tpu.memory_space<hbm>>
    %dma_start3A_191 = arith.constant 11776 : i32
    %dma_start3A_192 = tpu.memref_slice %arg5[%dma_start3A_191] : memref<25600xi32, #tpu.memory_space<vmem>> -> memref<512xi32, #tpu.memory_space<vmem>>
    %dma_start3A_193 = tpu.memref_slice %arg2[%add3A_187] : memref<917504xi32, #tpu.memory_space<hbm>> -> memref<512xi32, #tpu.memory_space<hbm>>
    tpu.enqueue_dma source(%dma_start3A_193 : memref<512xi32, #tpu.memory_space<hbm>>) target(%dma_start3A_192 : memref<512xi32, #tpu.memory_space<vmem>>) target_semaphore(%arg18 : memref<!tpu.dma_semaphore, #tpu.memory_space<semaphore_mem>>)
    %add3A_194 = arith.constant 393216 : i32
    %add3A_195 = arith.addi %add3A_194, %mul3A_2 : i32
    %dma_start3A_196 = arith.constant 12288 : i32
    %dma_start3A_197 = tpu.memref_slice %arg5[%dma_start3A_196] : memref<25600xi32, #tpu.memory_space<vmem>> -> memref<512xi32, #tpu.memory_space<vmem>>
    %dma_start3A_198 = tpu.memref_slice %arg2[%add3A_195] : memref<917504xi32, #tpu.memory_space<hbm>> -> memref<512xi32, #tpu.memory_space<hbm>>
    %dma_start3A_199 = arith.constant 12288 : i32
    %dma_start3A_200 = tpu.memref_slice %arg5[%dma_start3A_199] : memref<25600xi32, #tpu.memory_space<vmem>> -> memref<512xi32, #tpu.memory_space<vmem>>
    %dma_start3A_201 = tpu.memref_slice %arg2[%add3A_195] : memref<917504xi32, #tpu.memory_space<hbm>> -> memref<512xi32, #tpu.memory_space<hbm>>
    tpu.enqueue_dma source(%dma_start3A_201 : memref<512xi32, #tpu.memory_space<hbm>>) target(%dma_start3A_200 : memref<512xi32, #tpu.memory_space<vmem>>) target_semaphore(%arg18 : memref<!tpu.dma_semaphore, #tpu.memory_space<semaphore_mem>>)
    %add3A_202 = arith.constant 409600 : i32
    %add3A_203 = arith.addi %add3A_202, %mul3A_2 : i32
    %dma_start3A_204 = arith.constant 12800 : i32
    %dma_start3A_205 = tpu.memref_slice %arg5[%dma_start3A_204] : memref<25600xi32, #tpu.memory_space<vmem>> -> memref<512xi32, #tpu.memory_space<vmem>>
    %dma_start3A_206 = tpu.memref_slice %arg2[%add3A_203] : memref<917504xi32, #tpu.memory_space<hbm>> -> memref<512xi32, #tpu.memory_space<hbm>>
    %dma_start3A_207 = arith.constant 12800 : i32
    %dma_start3A_208 = tpu.memref_slice %arg5[%dma_start3A_207] : memref<25600xi32, #tpu.memory_space<vmem>> -> memref<512xi32, #tpu.memory_space<vmem>>
    %dma_start3A_209 = tpu.memref_slice %arg2[%add3A_203] : memref<917504xi32, #tpu.memory_space<hbm>> -> memref<512xi32, #tpu.memory_space<hbm>>
    tpu.enqueue_dma source(%dma_start3A_209 : memref<512xi32, #tpu.memory_space<hbm>>) target(%dma_start3A_208 : memref<512xi32, #tpu.memory_space<vmem>>) target_semaphore(%arg18 : memref<!tpu.dma_semaphore, #tpu.memory_space<semaphore_mem>>)
    %add3A_210 = arith.constant 425984 : i32
    %add3A_211 = arith.addi %add3A_210, %mul3A_2 : i32
    %dma_start3A_212 = arith.constant 13312 : i32
    %dma_start3A_213 = tpu.memref_slice %arg5[%dma_start3A_212] : memref<25600xi32, #tpu.memory_space<vmem>> -> memref<512xi32, #tpu.memory_space<vmem>>
    %dma_start3A_214 = tpu.memref_slice %arg2[%add3A_211] : memref<917504xi32, #tpu.memory_space<hbm>> -> memref<512xi32, #tpu.memory_space<hbm>>
    %dma_start3A_215 = arith.constant 13312 : i32
    %dma_start3A_216 = tpu.memref_slice %arg5[%dma_start3A_215] : memref<25600xi32, #tpu.memory_space<vmem>> -> memref<512xi32, #tpu.memory_space<vmem>>
    %dma_start3A_217 = tpu.memref_slice %arg2[%add3A_211] : memref<917504xi32, #tpu.memory_space<hbm>> -> memref<512xi32, #tpu.memory_space<hbm>>
    tpu.enqueue_dma source(%dma_start3A_217 : memref<512xi32, #tpu.memory_space<hbm>>) target(%dma_start3A_216 : memref<512xi32, #tpu.memory_space<vmem>>) target_semaphore(%arg18 : memref<!tpu.dma_semaphore, #tpu.memory_space<semaphore_mem>>)
    %add3A_218 = arith.constant 442368 : i32
    %add3A_219 = arith.addi %add3A_218, %mul3A_2 : i32
    %dma_start3A_220 = arith.constant 13824 : i32
    %dma_start3A_221 = tpu.memref_slice %arg5[%dma_start3A_220] : memref<25600xi32, #tpu.memory_space<vmem>> -> memref<512xi32, #tpu.memory_space<vmem>>
    %dma_start3A_222 = tpu.memref_slice %arg2[%add3A_219] : memref<917504xi32, #tpu.memory_space<hbm>> -> memref<512xi32, #tpu.memory_space<hbm>>
    %dma_start3A_223 = arith.constant 13824 : i32
    %dma_start3A_224 = tpu.memref_slice %arg5[%dma_start3A_223] : memref<25600xi32, #tpu.memory_space<vmem>> -> memref<512xi32, #tpu.memory_space<vmem>>
    %dma_start3A_225 = tpu.memref_slice %arg2[%add3A_219] : memref<917504xi32, #tpu.memory_space<hbm>> -> memref<512xi32, #tpu.memory_space<hbm>>
    tpu.enqueue_dma source(%dma_start3A_225 : memref<512xi32, #tpu.memory_space<hbm>>) target(%dma_start3A_224 : memref<512xi32, #tpu.memory_space<vmem>>) target_semaphore(%arg18 : memref<!tpu.dma_semaphore, #tpu.memory_space<semaphore_mem>>)
    %add3A_226 = arith.constant 458752 : i32
    %add3A_227 = arith.addi %add3A_226, %mul3A_2 : i32
    %dma_start3A_228 = arith.constant 14336 : i32
    %dma_start3A_229 = tpu.memref_slice %arg5[%dma_start3A_228] : memref<25600xi32, #tpu.memory_space<vmem>> -> memref<512xi32, #tpu.memory_space<vmem>>
    %dma_start3A_230 = tpu.memref_slice %arg2[%add3A_227] : memref<917504xi32, #tpu.memory_space<hbm>> -> memref<512xi32, #tpu.memory_space<hbm>>
    %dma_start3A_231 = arith.constant 14336 : i32
    %dma_start3A_232 = tpu.memref_slice %arg5[%dma_start3A_231] : memref<25600xi32, #tpu.memory_space<vmem>> -> memref<512xi32, #tpu.memory_space<vmem>>
    %dma_start3A_233 = tpu.memref_slice %arg2[%add3A_227] : memref<917504xi32, #tpu.memory_space<hbm>> -> memref<512xi32, #tpu.memory_space<hbm>>
    tpu.enqueue_dma source(%dma_start3A_233 : memref<512xi32, #tpu.memory_space<hbm>>) target(%dma_start3A_232 : memref<512xi32, #tpu.memory_space<vmem>>) target_semaphore(%arg18 : memref<!tpu.dma_semaphore, #tpu.memory_space<semaphore_mem>>)
    %add3A_234 = arith.constant 475136 : i32
    %add3A_235 = arith.addi %add3A_234, %mul3A_2 : i32
    %dma_start3A_236 = arith.constant 14848 : i32
    %dma_start3A_237 = tpu.memref_slice %arg5[%dma_start3A_236] : memref<25600xi32, #tpu.memory_space<vmem>> -> memref<512xi32, #tpu.memory_space<vmem>>
    %dma_start3A_238 = tpu.memref_slice %arg2[%add3A_235] : memref<917504xi32, #tpu.memory_space<hbm>> -> memref<512xi32, #tpu.memory_space<hbm>>
    %dma_start3A_239 = arith.constant 14848 : i32
    %dma_start3A_240 = tpu.memref_slice %arg5[%dma_start3A_239] : memref<25600xi32, #tpu.memory_space<vmem>> -> memref<512xi32, #tpu.memory_space<vmem>>
    %dma_start3A_241 = tpu.memref_slice %arg2[%add3A_235] : memref<917504xi32, #tpu.memory_space<hbm>> -> memref<512xi32, #tpu.memory_space<hbm>>
    tpu.enqueue_dma source(%dma_start3A_241 : memref<512xi32, #tpu.memory_space<hbm>>) target(%dma_start3A_240 : memref<512xi32, #tpu.memory_space<vmem>>) target_semaphore(%arg18 : memref<!tpu.dma_semaphore, #tpu.memory_space<semaphore_mem>>)
    %add3A_242 = arith.constant 491520 : i32
    %add3A_243 = arith.addi %add3A_242, %mul3A_2 : i32
    %dma_start3A_244 = arith.constant 15360 : i32
    %dma_start3A_245 = tpu.memref_slice %arg5[%dma_start3A_244] : memref<25600xi32, #tpu.memory_space<vmem>> -> memref<512xi32, #tpu.memory_space<vmem>>
    %dma_start3A_246 = tpu.memref_slice %arg2[%add3A_243] : memref<917504xi32, #tpu.memory_space<hbm>> -> memref<512xi32, #tpu.memory_space<hbm>>
    %dma_start3A_247 = arith.constant 15360 : i32
    %dma_start3A_248 = tpu.memref_slice %arg5[%dma_start3A_247] : memref<25600xi32, #tpu.memory_space<vmem>> -> memref<512xi32, #tpu.memory_space<vmem>>
    %dma_start3A_249 = tpu.memref_slice %arg2[%add3A_243] : memref<917504xi32, #tpu.memory_space<hbm>> -> memref<512xi32, #tpu.memory_space<hbm>>
    tpu.enqueue_dma source(%dma_start3A_249 : memref<512xi32, #tpu.memory_space<hbm>>) target(%dma_start3A_248 : memref<512xi32, #tpu.memory_space<vmem>>) target_semaphore(%arg18 : memref<!tpu.dma_semaphore, #tpu.memory_space<semaphore_mem>>)
    %add3A_250 = arith.constant 507904 : i32
    %add3A_251 = arith.addi %add3A_250, %mul3A_2 : i32
    %dma_start3A_252 = arith.constant 15872 : i32
    %dma_start3A_253 = tpu.memref_slice %arg5[%dma_start3A_252] : memref<25600xi32, #tpu.memory_space<vmem>> -> memref<512xi32, #tpu.memory_space<vmem>>
    %dma_start3A_254 = tpu.memref_slice %arg2[%add3A_251] : memref<917504xi32, #tpu.memory_space<hbm>> -> memref<512xi32, #tpu.memory_space<hbm>>
    %dma_start3A_255 = arith.constant 15872 : i32
    %dma_start3A_256 = tpu.memref_slice %arg5[%dma_start3A_255] : memref<25600xi32, #tpu.memory_space<vmem>> -> memref<512xi32, #tpu.memory_space<vmem>>
    %dma_start3A_257 = tpu.memref_slice %arg2[%add3A_251] : memref<917504xi32, #tpu.memory_space<hbm>> -> memref<512xi32, #tpu.memory_space<hbm>>
    tpu.enqueue_dma source(%dma_start3A_257 : memref<512xi32, #tpu.memory_space<hbm>>) target(%dma_start3A_256 : memref<512xi32, #tpu.memory_space<vmem>>) target_semaphore(%arg18 : memref<!tpu.dma_semaphore, #tpu.memory_space<semaphore_mem>>)
    %add3A_258 = arith.constant 524288 : i32
    %add3A_259 = arith.addi %add3A_258, %mul3A_2 : i32
    %dma_start3A_260 = arith.constant 16384 : i32
    %dma_start3A_261 = tpu.memref_slice %arg5[%dma_start3A_260] : memref<25600xi32, #tpu.memory_space<vmem>> -> memref<512xi32, #tpu.memory_space<vmem>>
    %dma_start3A_262 = tpu.memref_slice %arg2[%add3A_259] : memref<917504xi32, #tpu.memory_space<hbm>> -> memref<512xi32, #tpu.memory_space<hbm>>
    %dma_start3A_263 = arith.constant 16384 : i32
    %dma_start3A_264 = tpu.memref_slice %arg5[%dma_start3A_263] : memref<25600xi32, #tpu.memory_space<vmem>> -> memref<512xi32, #tpu.memory_space<vmem>>
    %dma_start3A_265 = tpu.memref_slice %arg2[%add3A_259] : memref<917504xi32, #tpu.memory_space<hbm>> -> memref<512xi32, #tpu.memory_space<hbm>>
    tpu.enqueue_dma source(%dma_start3A_265 : memref<512xi32, #tpu.memory_space<hbm>>) target(%dma_start3A_264 : memref<512xi32, #tpu.memory_space<vmem>>) target_semaphore(%arg18 : memref<!tpu.dma_semaphore, #tpu.memory_space<semaphore_mem>>)
    %add3A_266 = arith.constant 540672 : i32
    %add3A_267 = arith.addi %add3A_266, %mul3A_2 : i32
    %dma_start3A_268 = arith.constant 16896 : i32
    %dma_start3A_269 = tpu.memref_slice %arg5[%dma_start3A_268] : memref<25600xi32, #tpu.memory_space<vmem>> -> memref<512xi32, #tpu.memory_space<vmem>>
    %dma_start3A_270 = tpu.memref_slice %arg2[%add3A_267] : memref<917504xi32, #tpu.memory_space<hbm>> -> memref<512xi32, #tpu.memory_space<hbm>>
    %dma_start3A_271 = arith.constant 16896 : i32
    %dma_start3A_272 = tpu.memref_slice %arg5[%dma_start3A_271] : memref<25600xi32, #tpu.memory_space<vmem>> -> memref<512xi32, #tpu.memory_space<vmem>>
    %dma_start3A_273 = tpu.memref_slice %arg2[%add3A_267] : memref<917504xi32, #tpu.memory_space<hbm>> -> memref<512xi32, #tpu.memory_space<hbm>>
    tpu.enqueue_dma source(%dma_start3A_273 : memref<512xi32, #tpu.memory_space<hbm>>) target(%dma_start3A_272 : memref<512xi32, #tpu.memory_space<vmem>>) target_semaphore(%arg18 : memref<!tpu.dma_semaphore, #tpu.memory_space<semaphore_mem>>)
    %add3A_274 = arith.constant 557056 : i32
    %add3A_275 = arith.addi %add3A_274, %mul3A_2 : i32
    %dma_start3A_276 = arith.constant 17408 : i32
    %dma_start3A_277 = tpu.memref_slice %arg5[%dma_start3A_276] : memref<25600xi32, #tpu.memory_space<vmem>> -> memref<512xi32, #tpu.memory_space<vmem>>
    %dma_start3A_278 = tpu.memref_slice %arg2[%add3A_275] : memref<917504xi32, #tpu.memory_space<hbm>> -> memref<512xi32, #tpu.memory_space<hbm>>
    %dma_start3A_279 = arith.constant 17408 : i32
    %dma_start3A_280 = tpu.memref_slice %arg5[%dma_start3A_279] : memref<25600xi32, #tpu.memory_space<vmem>> -> memref<512xi32, #tpu.memory_space<vmem>>
    %dma_start3A_281 = tpu.memref_slice %arg2[%add3A_275] : memref<917504xi32, #tpu.memory_space<hbm>> -> memref<512xi32, #tpu.memory_space<hbm>>
    tpu.enqueue_dma source(%dma_start3A_281 : memref<512xi32, #tpu.memory_space<hbm>>) target(%dma_start3A_280 : memref<512xi32, #tpu.memory_space<vmem>>) target_semaphore(%arg18 : memref<!tpu.dma_semaphore, #tpu.memory_space<semaphore_mem>>)
    %add3A_282 = arith.constant 573440 : i32
    %add3A_283 = arith.addi %add3A_282, %mul3A_2 : i32
    %dma_start3A_284 = arith.constant 17920 : i32
    %dma_start3A_285 = tpu.memref_slice %arg5[%dma_start3A_284] : memref<25600xi32, #tpu.memory_space<vmem>> -> memref<512xi32, #tpu.memory_space<vmem>>
    %dma_start3A_286 = tpu.memref_slice %arg2[%add3A_283] : memref<917504xi32, #tpu.memory_space<hbm>> -> memref<512xi32, #tpu.memory_space<hbm>>
    %dma_start3A_287 = arith.constant 17920 : i32
    %dma_start3A_288 = tpu.memref_slice %arg5[%dma_start3A_287] : memref<25600xi32, #tpu.memory_space<vmem>> -> memref<512xi32, #tpu.memory_space<vmem>>
    %dma_start3A_289 = tpu.memref_slice %arg2[%add3A_283] : memref<917504xi32, #tpu.memory_space<hbm>> -> memref<512xi32, #tpu.memory_space<hbm>>
    tpu.enqueue_dma source(%dma_start3A_289 : memref<512xi32, #tpu.memory_space<hbm>>) target(%dma_start3A_288 : memref<512xi32, #tpu.memory_space<vmem>>) target_semaphore(%arg18 : memref<!tpu.dma_semaphore, #tpu.memory_space<semaphore_mem>>)
    %add3A_290 = arith.constant 589824 : i32
    %add3A_291 = arith.addi %add3A_290, %mul3A_2 : i32
    %dma_start3A_292 = arith.constant 18432 : i32
    %dma_start3A_293 = tpu.memref_slice %arg5[%dma_start3A_292] : memref<25600xi32, #tpu.memory_space<vmem>> -> memref<512xi32, #tpu.memory_space<vmem>>
    %dma_start3A_294 = tpu.memref_slice %arg2[%add3A_291] : memref<917504xi32, #tpu.memory_space<hbm>> -> memref<512xi32, #tpu.memory_space<hbm>>
    %dma_start3A_295 = arith.constant 18432 : i32
    %dma_start3A_296 = tpu.memref_slice %arg5[%dma_start3A_295] : memref<25600xi32, #tpu.memory_space<vmem>> -> memref<512xi32, #tpu.memory_space<vmem>>
    %dma_start3A_297 = tpu.memref_slice %arg2[%add3A_291] : memref<917504xi32, #tpu.memory_space<hbm>> -> memref<512xi32, #tpu.memory_space<hbm>>
    tpu.enqueue_dma source(%dma_start3A_297 : memref<512xi32, #tpu.memory_space<hbm>>) target(%dma_start3A_296 : memref<512xi32, #tpu.memory_space<vmem>>) target_semaphore(%arg18 : memref<!tpu.dma_semaphore, #tpu.memory_space<semaphore_mem>>)
    %add3A_298 = arith.constant 606208 : i32
    %add3A_299 = arith.addi %add3A_298, %mul3A_2 : i32
    %dma_start3A_300 = arith.constant 18944 : i32
    %dma_start3A_301 = tpu.memref_slice %arg5[%dma_start3A_300] : memref<25600xi32, #tpu.memory_space<vmem>> -> memref<512xi32, #tpu.memory_space<vmem>>
    %dma_start3A_302 = tpu.memref_slice %arg2[%add3A_299] : memref<917504xi32, #tpu.memory_space<hbm>> -> memref<512xi32, #tpu.memory_space<hbm>>
    %dma_start3A_303 = arith.constant 18944 : i32
    %dma_start3A_304 = tpu.memref_slice %arg5[%dma_start3A_303] : memref<25600xi32, #tpu.memory_space<vmem>> -> memref<512xi32, #tpu.memory_space<vmem>>
    %dma_start3A_305 = tpu.memref_slice %arg2[%add3A_299] : memref<917504xi32, #tpu.memory_space<hbm>> -> memref<512xi32, #tpu.memory_space<hbm>>
    tpu.enqueue_dma source(%dma_start3A_305 : memref<512xi32, #tpu.memory_space<hbm>>) target(%dma_start3A_304 : memref<512xi32, #tpu.memory_space<vmem>>) target_semaphore(%arg18 : memref<!tpu.dma_semaphore, #tpu.memory_space<semaphore_mem>>)
    %add3A_306 = arith.constant 622592 : i32
    %add3A_307 = arith.addi %add3A_306, %mul3A_2 : i32
    %dma_start3A_308 = arith.constant 19456 : i32
    %dma_start3A_309 = tpu.memref_slice %arg5[%dma_start3A_308] : memref<25600xi32, #tpu.memory_space<vmem>> -> memref<512xi32, #tpu.memory_space<vmem>>
    %dma_start3A_310 = tpu.memref_slice %arg2[%add3A_307] : memref<917504xi32, #tpu.memory_space<hbm>> -> memref<512xi32, #tpu.memory_space<hbm>>
    %dma_start3A_311 = arith.constant 19456 : i32
    %dma_start3A_312 = tpu.memref_slice %arg5[%dma_start3A_311] : memref<25600xi32, #tpu.memory_space<vmem>> -> memref<512xi32, #tpu.memory_space<vmem>>
    %dma_start3A_313 = tpu.memref_slice %arg2[%add3A_307] : memref<917504xi32, #tpu.memory_space<hbm>> -> memref<512xi32, #tpu.memory_space<hbm>>
    tpu.enqueue_dma source(%dma_start3A_313 : memref<512xi32, #tpu.memory_space<hbm>>) target(%dma_start3A_312 : memref<512xi32, #tpu.memory_space<vmem>>) target_semaphore(%arg18 : memref<!tpu.dma_semaphore, #tpu.memory_space<semaphore_mem>>)
    %add3A_314 = arith.constant 638976 : i32
    %add3A_315 = arith.addi %add3A_314, %mul3A_2 : i32
    %dma_start3A_316 = arith.constant 19968 : i32
    %dma_start3A_317 = tpu.memref_slice %arg5[%dma_start3A_316] : memref<25600xi32, #tpu.memory_space<vmem>> -> memref<512xi32, #tpu.memory_space<vmem>>
    %dma_start3A_318 = tpu.memref_slice %arg2[%add3A_315] : memref<917504xi32, #tpu.memory_space<hbm>> -> memref<512xi32, #tpu.memory_space<hbm>>
    %dma_start3A_319 = arith.constant 19968 : i32
    %dma_start3A_320 = tpu.memref_slice %arg5[%dma_start3A_319] : memref<25600xi32, #tpu.memory_space<vmem>> -> memref<512xi32, #tpu.memory_space<vmem>>
    %dma_start3A_321 = tpu.memref_slice %arg2[%add3A_315] : memref<917504xi32, #tpu.memory_space<hbm>> -> memref<512xi32, #tpu.memory_space<hbm>>
    tpu.enqueue_dma source(%dma_start3A_321 : memref<512xi32, #tpu.memory_space<hbm>>) target(%dma_start3A_320 : memref<512xi32, #tpu.memory_space<vmem>>) target_semaphore(%arg18 : memref<!tpu.dma_semaphore, #tpu.memory_space<semaphore_mem>>)
    %add3A_322 = arith.constant 655360 : i32
    %add3A_323 = arith.addi %add3A_322, %mul3A_2 : i32
    %dma_start3A_324 = arith.constant 20480 : i32
    %dma_start3A_325 = tpu.memref_slice %arg5[%dma_start3A_324] : memref<25600xi32, #tpu.memory_space<vmem>> -> memref<512xi32, #tpu.memory_space<vmem>>
    %dma_start3A_326 = tpu.memref_slice %arg2[%add3A_323] : memref<917504xi32, #tpu.memory_space<hbm>> -> memref<512xi32, #tpu.memory_space<hbm>>
    %dma_start3A_327 = arith.constant 20480 : i32
    %dma_start3A_328 = tpu.memref_slice %arg5[%dma_start3A_327] : memref<25600xi32, #tpu.memory_space<vmem>> -> memref<512xi32, #tpu.memory_space<vmem>>
    %dma_start3A_329 = tpu.memref_slice %arg2[%add3A_323] : memref<917504xi32, #tpu.memory_space<hbm>> -> memref<512xi32, #tpu.memory_space<hbm>>
    tpu.enqueue_dma source(%dma_start3A_329 : memref<512xi32, #tpu.memory_space<hbm>>) target(%dma_start3A_328 : memref<512xi32, #tpu.memory_space<vmem>>) target_semaphore(%arg18 : memref<!tpu.dma_semaphore, #tpu.memory_space<semaphore_mem>>)
    %add3A_330 = arith.constant 671744 : i32
    %add3A_331 = arith.addi %add3A_330, %mul3A_2 : i32
    %dma_start3A_332 = arith.constant 20992 : i32
    %dma_start3A_333 = tpu.memref_slice %arg5[%dma_start3A_332] : memref<25600xi32, #tpu.memory_space<vmem>> -> memref<512xi32, #tpu.memory_space<vmem>>
    %dma_start3A_334 = tpu.memref_slice %arg2[%add3A_331] : memref<917504xi32, #tpu.memory_space<hbm>> -> memref<512xi32, #tpu.memory_space<hbm>>
    %dma_start3A_335 = arith.constant 20992 : i32
    %dma_start3A_336 = tpu.memref_slice %arg5[%dma_start3A_335] : memref<25600xi32, #tpu.memory_space<vmem>> -> memref<512xi32, #tpu.memory_space<vmem>>
    %dma_start3A_337 = tpu.memref_slice %arg2[%add3A_331] : memref<917504xi32, #tpu.memory_space<hbm>> -> memref<512xi32, #tpu.memory_space<hbm>>
    tpu.enqueue_dma source(%dma_start3A_337 : memref<512xi32, #tpu.memory_space<hbm>>) target(%dma_start3A_336 : memref<512xi32, #tpu.memory_space<vmem>>) target_semaphore(%arg18 : memref<!tpu.dma_semaphore, #tpu.memory_space<semaphore_mem>>)
    %add3A_338 = arith.constant 688128 : i32
    %add3A_339 = arith.addi %add3A_338, %mul3A_2 : i32
    %dma_start3A_340 = arith.constant 21504 : i32
    %dma_start3A_341 = tpu.memref_slice %arg5[%dma_start3A_340] : memref<25600xi32, #tpu.memory_space<vmem>> -> memref<512xi32, #tpu.memory_space<vmem>>
    %dma_start3A_342 = tpu.memref_slice %arg2[%add3A_339] : memref<917504xi32, #tpu.memory_space<hbm>> -> memref<512xi32, #tpu.memory_space<hbm>>
    %dma_start3A_343 = arith.constant 21504 : i32
    %dma_start3A_344 = tpu.memref_slice %arg5[%dma_start3A_343] : memref<25600xi32, #tpu.memory_space<vmem>> -> memref<512xi32, #tpu.memory_space<vmem>>
    %dma_start3A_345 = tpu.memref_slice %arg2[%add3A_339] : memref<917504xi32, #tpu.memory_space<hbm>> -> memref<512xi32, #tpu.memory_space<hbm>>
    tpu.enqueue_dma source(%dma_start3A_345 : memref<512xi32, #tpu.memory_space<hbm>>) target(%dma_start3A_344 : memref<512xi32, #tpu.memory_space<vmem>>) target_semaphore(%arg18 : memref<!tpu.dma_semaphore, #tpu.memory_space<semaphore_mem>>)
    %add3A_346 = arith.constant 704512 : i32
    %add3A_347 = arith.addi %add3A_346, %mul3A_2 : i32
    %dma_start3A_348 = arith.constant 22016 : i32
    %dma_start3A_349 = tpu.memref_slice %arg5[%dma_start3A_348] : memref<25600xi32, #tpu.memory_space<vmem>> -> memref<512xi32, #tpu.memory_space<vmem>>
    %dma_start3A_350 = tpu.memref_slice %arg2[%add3A_347] : memref<917504xi32, #tpu.memory_space<hbm>> -> memref<512xi32, #tpu.memory_space<hbm>>
    %dma_start3A_351 = arith.constant 22016 : i32
    %dma_start3A_352 = tpu.memref_slice %arg5[%dma_start3A_351] : memref<25600xi32, #tpu.memory_space<vmem>> -> memref<512xi32, #tpu.memory_space<vmem>>
    %dma_start3A_353 = tpu.memref_slice %arg2[%add3A_347] : memref<917504xi32, #tpu.memory_space<hbm>> -> memref<512xi32, #tpu.memory_space<hbm>>
    tpu.enqueue_dma source(%dma_start3A_353 : memref<512xi32, #tpu.memory_space<hbm>>) target(%dma_start3A_352 : memref<512xi32, #tpu.memory_space<vmem>>) target_semaphore(%arg18 : memref<!tpu.dma_semaphore, #tpu.memory_space<semaphore_mem>>)
    %add3A_354 = arith.constant 720896 : i32
    %add3A_355 = arith.addi %add3A_354, %mul3A_2 : i32
    %dma_start3A_356 = arith.constant 22528 : i32
    %dma_start3A_357 = tpu.memref_slice %arg5[%dma_start3A_356] : memref<25600xi32, #tpu.memory_space<vmem>> -> memref<512xi32, #tpu.memory_space<vmem>>
    %dma_start3A_358 = tpu.memref_slice %arg2[%add3A_355] : memref<917504xi32, #tpu.memory_space<hbm>> -> memref<512xi32, #tpu.memory_space<hbm>>
    %dma_start3A_359 = arith.constant 22528 : i32
    %dma_start3A_360 = tpu.memref_slice %arg5[%dma_start3A_359] : memref<25600xi32, #tpu.memory_space<vmem>> -> memref<512xi32, #tpu.memory_space<vmem>>
    %dma_start3A_361 = tpu.memref_slice %arg2[%add3A_355] : memref<917504xi32, #tpu.memory_space<hbm>> -> memref<512xi32, #tpu.memory_space<hbm>>
    tpu.enqueue_dma source(%dma_start3A_361 : memref<512xi32, #tpu.memory_space<hbm>>) target(%dma_start3A_360 : memref<512xi32, #tpu.memory_space<vmem>>) target_semaphore(%arg18 : memref<!tpu.dma_semaphore, #tpu.memory_space<semaphore_mem>>)
    %add3A_362 = arith.constant 737280 : i32
    %add3A_363 = arith.addi %add3A_362, %mul3A_2 : i32
    %dma_start3A_364 = arith.constant 23040 : i32
    %dma_start3A_365 = tpu.memref_slice %arg5[%dma_start3A_364] : memref<25600xi32, #tpu.memory_space<vmem>> -> memref<512xi32, #tpu.memory_space<vmem>>
    %dma_start3A_366 = tpu.memref_slice %arg2[%add3A_363] : memref<917504xi32, #tpu.memory_space<hbm>> -> memref<512xi32, #tpu.memory_space<hbm>>
    %dma_start3A_367 = arith.constant 23040 : i32
    %dma_start3A_368 = tpu.memref_slice %arg5[%dma_start3A_367] : memref<25600xi32, #tpu.memory_space<vmem>> -> memref<512xi32, #tpu.memory_space<vmem>>
    %dma_start3A_369 = tpu.memref_slice %arg2[%add3A_363] : memref<917504xi32, #tpu.memory_space<hbm>> -> memref<512xi32, #tpu.memory_space<hbm>>
    tpu.enqueue_dma source(%dma_start3A_369 : memref<512xi32, #tpu.memory_space<hbm>>) target(%dma_start3A_368 : memref<512xi32, #tpu.memory_space<vmem>>) target_semaphore(%arg18 : memref<!tpu.dma_semaphore, #tpu.memory_space<semaphore_mem>>)
    %add3A_370 = arith.constant 753664 : i32
    %add3A_371 = arith.addi %add3A_370, %mul3A_2 : i32
    %dma_start3A_372 = arith.constant 23552 : i32
    %dma_start3A_373 = tpu.memref_slice %arg5[%dma_start3A_372] : memref<25600xi32, #tpu.memory_space<vmem>> -> memref<512xi32, #tpu.memory_space<vmem>>
    %dma_start3A_374 = tpu.memref_slice %arg2[%add3A_371] : memref<917504xi32, #tpu.memory_space<hbm>> -> memref<512xi32, #tpu.memory_space<hbm>>
    %dma_start3A_375 = arith.constant 23552 : i32
    %dma_start3A_376 = tpu.memref_slice %arg5[%dma_start3A_375] : memref<25600xi32, #tpu.memory_space<vmem>> -> memref<512xi32, #tpu.memory_space<vmem>>
    %dma_start3A_377 = tpu.memref_slice %arg2[%add3A_371] : memref<917504xi32, #tpu.memory_space<hbm>> -> memref<512xi32, #tpu.memory_space<hbm>>
    tpu.enqueue_dma source(%dma_start3A_377 : memref<512xi32, #tpu.memory_space<hbm>>) target(%dma_start3A_376 : memref<512xi32, #tpu.memory_space<vmem>>) target_semaphore(%arg18 : memref<!tpu.dma_semaphore, #tpu.memory_space<semaphore_mem>>)
    %add3A_378 = arith.constant 770048 : i32
    %add3A_379 = arith.addi %add3A_378, %mul3A_2 : i32
    %dma_start3A_380 = arith.constant 24064 : i32
    %dma_start3A_381 = tpu.memref_slice %arg5[%dma_start3A_380] : memref<25600xi32, #tpu.memory_space<vmem>> -> memref<512xi32, #tpu.memory_space<vmem>>
    %dma_start3A_382 = tpu.memref_slice %arg2[%add3A_379] : memref<917504xi32, #tpu.memory_space<hbm>> -> memref<512xi32, #tpu.memory_space<hbm>>
    %dma_start3A_383 = arith.constant 24064 : i32
    %dma_start3A_384 = tpu.memref_slice %arg5[%dma_start3A_383] : memref<25600xi32, #tpu.memory_space<vmem>> -> memref<512xi32, #tpu.memory_space<vmem>>
    %dma_start3A_385 = tpu.memref_slice %arg2[%add3A_379] : memref<917504xi32, #tpu.memory_space<hbm>> -> memref<512xi32, #tpu.memory_space<hbm>>
    tpu.enqueue_dma source(%dma_start3A_385 : memref<512xi32, #tpu.memory_space<hbm>>) target(%dma_start3A_384 : memref<512xi32, #tpu.memory_space<vmem>>) target_semaphore(%arg18 : memref<!tpu.dma_semaphore, #tpu.memory_space<semaphore_mem>>)
    %add3A_386 = arith.constant 786432 : i32
    %add3A_387 = arith.addi %add3A_386, %mul3A_2 : i32
    %dma_start3A_388 = arith.constant 24576 : i32
    %dma_start3A_389 = tpu.memref_slice %arg5[%dma_start3A_388] : memref<25600xi32, #tpu.memory_space<vmem>> -> memref<512xi32, #tpu.memory_space<vmem>>
    %dma_start3A_390 = tpu.memref_slice %arg2[%add3A_387] : memref<917504xi32, #tpu.memory_space<hbm>> -> memref<512xi32, #tpu.memory_space<hbm>>
    %dma_start3A_391 = arith.constant 24576 : i32
    %dma_start3A_392 = tpu.memref_slice %arg5[%dma_start3A_391] : memref<25600xi32, #tpu.memory_space<vmem>> -> memref<512xi32, #tpu.memory_space<vmem>>
    %dma_start3A_393 = tpu.memref_slice %arg2[%add3A_387] : memref<917504xi32, #tpu.memory_space<hbm>> -> memref<512xi32, #tpu.memory_space<hbm>>
    tpu.enqueue_dma source(%dma_start3A_393 : memref<512xi32, #tpu.memory_space<hbm>>) target(%dma_start3A_392 : memref<512xi32, #tpu.memory_space<vmem>>) target_semaphore(%arg18 : memref<!tpu.dma_semaphore, #tpu.memory_space<semaphore_mem>>)
    %add3A_394 = arith.constant 802816 : i32
    %add3A_395 = arith.addi %add3A_394, %mul3A_2 : i32
    %dma_start3A_396 = arith.constant 25088 : i32
    %dma_start3A_397 = tpu.memref_slice %arg5[%dma_start3A_396] : memref<25600xi32, #tpu.memory_space<vmem>> -> memref<512xi32, #tpu.memory_space<vmem>>
    %dma_start3A_398 = tpu.memref_slice %arg2[%add3A_395] : memref<917504xi32, #tpu.memory_space<hbm>> -> memref<512xi32, #tpu.memory_space<hbm>>
    %dma_start3A_399 = arith.constant 25088 : i32
    %dma_start3A_400 = tpu.memref_slice %arg5[%dma_start3A_399] : memref<25600xi32, #tpu.memory_space<vmem>> -> memref<512xi32, #tpu.memory_space<vmem>>
    %dma_start3A_401 = tpu.memref_slice %arg2[%add3A_395] : memref<917504xi32, #tpu.memory_space<hbm>> -> memref<512xi32, #tpu.memory_space<hbm>>
    tpu.enqueue_dma source(%dma_start3A_401 : memref<512xi32, #tpu.memory_space<hbm>>) target(%dma_start3A_400 : memref<512xi32, #tpu.memory_space<vmem>>) target_semaphore(%arg18 : memref<!tpu.dma_semaphore, #tpu.memory_space<semaphore_mem>>)
    %add3A_402 = arith.constant 0 : i32
    %add3A_403 = arith.addi %add3A_402, %mul3A_2 : i32
    %dma_wait3A = arith.constant 0 : i32
    %dma_wait3A_404 = tpu.memref_slice %arg5[%dma_wait3A] : memref<25600xi32, #tpu.memory_space<vmem>> -> memref<512xi32, #tpu.memory_space<vmem>>
    %dma_wait3A_405 = tpu.memref_slice %arg2[%add3A_403] : memref<917504xi32, #tpu.memory_space<hbm>> -> memref<512xi32, #tpu.memory_space<hbm>>
    %dma_wait3A_406 = arith.constant 0 : i32
    %dma_wait3A_407 = tpu.memref_slice %arg5[%dma_wait3A_406] : memref<25600xi32, #tpu.memory_space<vmem>> -> memref<512xi32, #tpu.memory_space<vmem>>
    %dma_wait3A_408 = tpu.memref_slice %arg2[%add3A_403] : memref<917504xi32, #tpu.memory_space<hbm>> -> memref<512xi32, #tpu.memory_space<hbm>>
    tpu.wait_dma2 semaphore(%arg18 : memref<!tpu.dma_semaphore, #tpu.memory_space<semaphore_mem>>) src(%dma_wait3A_408 : memref<512xi32, #tpu.memory_space<hbm>>) dst(%dma_wait3A_407 : memref<512xi32, #tpu.memory_space<vmem>>)
    %add3A_409 = arith.constant 16384 : i32
    %add3A_410 = arith.addi %add3A_409, %mul3A_2 : i32
    %dma_wait3A_411 = arith.constant 512 : i32
    %dma_wait3A_412 = tpu.memref_slice %arg5[%dma_wait3A_411] : memref<25600xi32, #tpu.memory_space<vmem>> -> memref<512xi32, #tpu.memory_space<vmem>>
    %dma_wait3A_413 = tpu.memref_slice %arg2[%add3A_410] : memref<917504xi32, #tpu.memory_space<hbm>> -> memref<512xi32, #tpu.memory_space<hbm>>
    %dma_wait3A_414 = arith.constant 512 : i32
    %dma_wait3A_415 = tpu.memref_slice %arg5[%dma_wait3A_414] : memref<25600xi32, #tpu.memory_space<vmem>> -> memref<512xi32, #tpu.memory_space<vmem>>
    %dma_wait3A_416 = tpu.memref_slice %arg2[%add3A_410] : memref<917504xi32, #tpu.memory_space<hbm>> -> memref<512xi32, #tpu.memory_space<hbm>>
    tpu.wait_dma2 semaphore(%arg18 : memref<!tpu.dma_semaphore, #tpu.memory_space<semaphore_mem>>) src(%dma_wait3A_416 : memref<512xi32, #tpu.memory_space<hbm>>) dst(%dma_wait3A_415 : memref<512xi32, #tpu.memory_space<vmem>>)
    %add3A_417 = arith.constant 32768 : i32
    %add3A_418 = arith.addi %add3A_417, %mul3A_2 : i32
    %dma_wait3A_419 = arith.constant 1024 : i32
    %dma_wait3A_420 = tpu.memref_slice %arg5[%dma_wait3A_419] : memref<25600xi32, #tpu.memory_space<vmem>> -> memref<512xi32, #tpu.memory_space<vmem>>
    %dma_wait3A_421 = tpu.memref_slice %arg2[%add3A_418] : memref<917504xi32, #tpu.memory_space<hbm>> -> memref<512xi32, #tpu.memory_space<hbm>>
    %dma_wait3A_422 = arith.constant 1024 : i32
    %dma_wait3A_423 = tpu.memref_slice %arg5[%dma_wait3A_422] : memref<25600xi32, #tpu.memory_space<vmem>> -> memref<512xi32, #tpu.memory_space<vmem>>
    %dma_wait3A_424 = tpu.memref_slice %arg2[%add3A_418] : memref<917504xi32, #tpu.memory_space<hbm>> -> memref<512xi32, #tpu.memory_space<hbm>>
    tpu.wait_dma2 semaphore(%arg18 : memref<!tpu.dma_semaphore, #tpu.memory_space<semaphore_mem>>) src(%dma_wait3A_424 : memref<512xi32, #tpu.memory_space<hbm>>) dst(%dma_wait3A_423 : memref<512xi32, #tpu.memory_space<vmem>>)
    %add3A_425 = arith.constant 49152 : i32
    %add3A_426 = arith.addi %add3A_425, %mul3A_2 : i32
    %dma_wait3A_427 = arith.constant 1536 : i32
    %dma_wait3A_428 = tpu.memref_slice %arg5[%dma_wait3A_427] : memref<25600xi32, #tpu.memory_space<vmem>> -> memref<512xi32, #tpu.memory_space<vmem>>
    %dma_wait3A_429 = tpu.memref_slice %arg2[%add3A_426] : memref<917504xi32, #tpu.memory_space<hbm>> -> memref<512xi32, #tpu.memory_space<hbm>>
    %dma_wait3A_430 = arith.constant 1536 : i32
    %dma_wait3A_431 = tpu.memref_slice %arg5[%dma_wait3A_430] : memref<25600xi32, #tpu.memory_space<vmem>> -> memref<512xi32, #tpu.memory_space<vmem>>
    %dma_wait3A_432 = tpu.memref_slice %arg2[%add3A_426] : memref<917504xi32, #tpu.memory_space<hbm>> -> memref<512xi32, #tpu.memory_space<hbm>>
    tpu.wait_dma2 semaphore(%arg18 : memref<!tpu.dma_semaphore, #tpu.memory_space<semaphore_mem>>) src(%dma_wait3A_432 : memref<512xi32, #tpu.memory_space<hbm>>) dst(%dma_wait3A_431 : memref<512xi32, #tpu.memory_space<vmem>>)
    %add3A_433 = arith.constant 65536 : i32
    %add3A_434 = arith.addi %add3A_433, %mul3A_2 : i32
    %dma_wait3A_435 = arith.constant 2048 : i32
    %dma_wait3A_436 = tpu.memref_slice %arg5[%dma_wait3A_435] : memref<25600xi32, #tpu.memory_space<vmem>> -> memref<512xi32, #tpu.memory_space<vmem>>
    %dma_wait3A_437 = tpu.memref_slice %arg2[%add3A_434] : memref<917504xi32, #tpu.memory_space<hbm>> -> memref<512xi32, #tpu.memory_space<hbm>>
    %dma_wait3A_438 = arith.constant 2048 : i32
    %dma_wait3A_439 = tpu.memref_slice %arg5[%dma_wait3A_438] : memref<25600xi32, #tpu.memory_space<vmem>> -> memref<512xi32, #tpu.memory_space<vmem>>
    %dma_wait3A_440 = tpu.memref_slice %arg2[%add3A_434] : memref<917504xi32, #tpu.memory_space<hbm>> -> memref<512xi32, #tpu.memory_space<hbm>>
    tpu.wait_dma2 semaphore(%arg18 : memref<!tpu.dma_semaphore, #tpu.memory_space<semaphore_mem>>) src(%dma_wait3A_440 : memref<512xi32, #tpu.memory_space<hbm>>) dst(%dma_wait3A_439 : memref<512xi32, #tpu.memory_space<vmem>>)
    %add3A_441 = arith.constant 81920 : i32
    %add3A_442 = arith.addi %add3A_441, %mul3A_2 : i32
    %dma_wait3A_443 = arith.constant 2560 : i32
    %dma_wait3A_444 = tpu.memref_slice %arg5[%dma_wait3A_443] : memref<25600xi32, #tpu.memory_space<vmem>> -> memref<512xi32, #tpu.memory_space<vmem>>
    %dma_wait3A_445 = tpu.memref_slice %arg2[%add3A_442] : memref<917504xi32, #tpu.memory_space<hbm>> -> memref<512xi32, #tpu.memory_space<hbm>>
    %dma_wait3A_446 = arith.constant 2560 : i32
    %dma_wait3A_447 = tpu.memref_slice %arg5[%dma_wait3A_446] : memref<25600xi32, #tpu.memory_space<vmem>> -> memref<512xi32, #tpu.memory_space<vmem>>
    %dma_wait3A_448 = tpu.memref_slice %arg2[%add3A_442] : memref<917504xi32, #tpu.memory_space<hbm>> -> memref<512xi32, #tpu.memory_space<hbm>>
    tpu.wait_dma2 semaphore(%arg18 : memref<!tpu.dma_semaphore, #tpu.memory_space<semaphore_mem>>) src(%dma_wait3A_448 : memref<512xi32, #tpu.memory_space<hbm>>) dst(%dma_wait3A_447 : memref<512xi32, #tpu.memory_space<vmem>>)
    %add3A_449 = arith.constant 98304 : i32
    %add3A_450 = arith.addi %add3A_449, %mul3A_2 : i32
    %dma_wait3A_451 = arith.constant 3072 : i32
    %dma_wait3A_452 = tpu.memref_slice %arg5[%dma_wait3A_451] : memref<25600xi32, #tpu.memory_space<vmem>> -> memref<512xi32, #tpu.memory_space<vmem>>
    %dma_wait3A_453 = tpu.memref_slice %arg2[%add3A_450] : memref<917504xi32, #tpu.memory_space<hbm>> -> memref<512xi32, #tpu.memory_space<hbm>>
    %dma_wait3A_454 = arith.constant 3072 : i32
    %dma_wait3A_455 = tpu.memref_slice %arg5[%dma_wait3A_454] : memref<25600xi32, #tpu.memory_space<vmem>> -> memref<512xi32, #tpu.memory_space<vmem>>
    %dma_wait3A_456 = tpu.memref_slice %arg2[%add3A_450] : memref<917504xi32, #tpu.memory_space<hbm>> -> memref<512xi32, #tpu.memory_space<hbm>>
    tpu.wait_dma2 semaphore(%arg18 : memref<!tpu.dma_semaphore, #tpu.memory_space<semaphore_mem>>) src(%dma_wait3A_456 : memref<512xi32, #tpu.memory_space<hbm>>) dst(%dma_wait3A_455 : memref<512xi32, #tpu.memory_space<vmem>>)
    %add3A_457 = arith.constant 114688 : i32
    %add3A_458 = arith.addi %add3A_457, %mul3A_2 : i32
    %dma_wait3A_459 = arith.constant 3584 : i32
    %dma_wait3A_460 = tpu.memref_slice %arg5[%dma_wait3A_459] : memref<25600xi32, #tpu.memory_space<vmem>> -> memref<512xi32, #tpu.memory_space<vmem>>
    %dma_wait3A_461 = tpu.memref_slice %arg2[%add3A_458] : memref<917504xi32, #tpu.memory_space<hbm>> -> memref<512xi32, #tpu.memory_space<hbm>>
    %dma_wait3A_462 = arith.constant 3584 : i32
    %dma_wait3A_463 = tpu.memref_slice %arg5[%dma_wait3A_462] : memref<25600xi32, #tpu.memory_space<vmem>> -> memref<512xi32, #tpu.memory_space<vmem>>
    %dma_wait3A_464 = tpu.memref_slice %arg2[%add3A_458] : memref<917504xi32, #tpu.memory_space<hbm>> -> memref<512xi32, #tpu.memory_space<hbm>>
    tpu.wait_dma2 semaphore(%arg18 : memref<!tpu.dma_semaphore, #tpu.memory_space<semaphore_mem>>) src(%dma_wait3A_464 : memref<512xi32, #tpu.memory_space<hbm>>) dst(%dma_wait3A_463 : memref<512xi32, #tpu.memory_space<vmem>>)
    %add3A_465 = arith.constant 131072 : i32
    %add3A_466 = arith.addi %add3A_465, %mul3A_2 : i32
    %dma_wait3A_467 = arith.constant 4096 : i32
    %dma_wait3A_468 = tpu.memref_slice %arg5[%dma_wait3A_467] : memref<25600xi32, #tpu.memory_space<vmem>> -> memref<512xi32, #tpu.memory_space<vmem>>
    %dma_wait3A_469 = tpu.memref_slice %arg2[%add3A_466] : memref<917504xi32, #tpu.memory_space<hbm>> -> memref<512xi32, #tpu.memory_space<hbm>>
    %dma_wait3A_470 = arith.constant 4096 : i32
    %dma_wait3A_471 = tpu.memref_slice %arg5[%dma_wait3A_470] : memref<25600xi32, #tpu.memory_space<vmem>> -> memref<512xi32, #tpu.memory_space<vmem>>
    %dma_wait3A_472 = tpu.memref_slice %arg2[%add3A_466] : memref<917504xi32, #tpu.memory_space<hbm>> -> memref<512xi32, #tpu.memory_space<hbm>>
    tpu.wait_dma2 semaphore(%arg18 : memref<!tpu.dma_semaphore, #tpu.memory_space<semaphore_mem>>) src(%dma_wait3A_472 : memref<512xi32, #tpu.memory_space<hbm>>) dst(%dma_wait3A_471 : memref<512xi32, #tpu.memory_space<vmem>>)
    %add3A_473 = arith.constant 147456 : i32
    %add3A_474 = arith.addi %add3A_473, %mul3A_2 : i32
    %dma_wait3A_475 = arith.constant 4608 : i32
    %dma_wait3A_476 = tpu.memref_slice %arg5[%dma_wait3A_475] : memref<25600xi32, #tpu.memory_space<vmem>> -> memref<512xi32, #tpu.memory_space<vmem>>
    %dma_wait3A_477 = tpu.memref_slice %arg2[%add3A_474] : memref<917504xi32, #tpu.memory_space<hbm>> -> memref<512xi32, #tpu.memory_space<hbm>>
    %dma_wait3A_478 = arith.constant 4608 : i32
    %dma_wait3A_479 = tpu.memref_slice %arg5[%dma_wait3A_478] : memref<25600xi32, #tpu.memory_space<vmem>> -> memref<512xi32, #tpu.memory_space<vmem>>
    %dma_wait3A_480 = tpu.memref_slice %arg2[%add3A_474] : memref<917504xi32, #tpu.memory_space<hbm>> -> memref<512xi32, #tpu.memory_space<hbm>>
    tpu.wait_dma2 semaphore(%arg18 : memref<!tpu.dma_semaphore, #tpu.memory_space<semaphore_mem>>) src(%dma_wait3A_480 : memref<512xi32, #tpu.memory_space<hbm>>) dst(%dma_wait3A_479 : memref<512xi32, #tpu.memory_space<vmem>>)
    %add3A_481 = arith.constant 163840 : i32
    %add3A_482 = arith.addi %add3A_481, %mul3A_2 : i32
    %dma_wait3A_483 = arith.constant 5120 : i32
    %dma_wait3A_484 = tpu.memref_slice %arg5[%dma_wait3A_483] : memref<25600xi32, #tpu.memory_space<vmem>> -> memref<512xi32, #tpu.memory_space<vmem>>
    %dma_wait3A_485 = tpu.memref_slice %arg2[%add3A_482] : memref<917504xi32, #tpu.memory_space<hbm>> -> memref<512xi32, #tpu.memory_space<hbm>>
    %dma_wait3A_486 = arith.constant 5120 : i32
    %dma_wait3A_487 = tpu.memref_slice %arg5[%dma_wait3A_486] : memref<25600xi32, #tpu.memory_space<vmem>> -> memref<512xi32, #tpu.memory_space<vmem>>
    %dma_wait3A_488 = tpu.memref_slice %arg2[%add3A_482] : memref<917504xi32, #tpu.memory_space<hbm>> -> memref<512xi32, #tpu.memory_space<hbm>>
    tpu.wait_dma2 semaphore(%arg18 : memref<!tpu.dma_semaphore, #tpu.memory_space<semaphore_mem>>) src(%dma_wait3A_488 : memref<512xi32, #tpu.memory_space<hbm>>) dst(%dma_wait3A_487 : memref<512xi32, #tpu.memory_space<vmem>>)
    %add3A_489 = arith.constant 180224 : i32
    %add3A_490 = arith.addi %add3A_489, %mul3A_2 : i32
    %dma_wait3A_491 = arith.constant 5632 : i32
    %dma_wait3A_492 = tpu.memref_slice %arg5[%dma_wait3A_491] : memref<25600xi32, #tpu.memory_space<vmem>> -> memref<512xi32, #tpu.memory_space<vmem>>
    %dma_wait3A_493 = tpu.memref_slice %arg2[%add3A_490] : memref<917504xi32, #tpu.memory_space<hbm>> -> memref<512xi32, #tpu.memory_space<hbm>>
    %dma_wait3A_494 = arith.constant 5632 : i32
    %dma_wait3A_495 = tpu.memref_slice %arg5[%dma_wait3A_494] : memref<25600xi32, #tpu.memory_space<vmem>> -> memref<512xi32, #tpu.memory_space<vmem>>
    %dma_wait3A_496 = tpu.memref_slice %arg2[%add3A_490] : memref<917504xi32, #tpu.memory_space<hbm>> -> memref<512xi32, #tpu.memory_space<hbm>>
    tpu.wait_dma2 semaphore(%arg18 : memref<!tpu.dma_semaphore, #tpu.memory_space<semaphore_mem>>) src(%dma_wait3A_496 : memref<512xi32, #tpu.memory_space<hbm>>) dst(%dma_wait3A_495 : memref<512xi32, #tpu.memory_space<vmem>>)
    %add3A_497 = arith.constant 196608 : i32
    %add3A_498 = arith.addi %add3A_497, %mul3A_2 : i32
    %dma_wait3A_499 = arith.constant 6144 : i32
    %dma_wait3A_500 = tpu.memref_slice %arg5[%dma_wait3A_499] : memref<25600xi32, #tpu.memory_space<vmem>> -> memref<512xi32, #tpu.memory_space<vmem>>
    %dma_wait3A_501 = tpu.memref_slice %arg2[%add3A_498] : memref<917504xi32, #tpu.memory_space<hbm>> -> memref<512xi32, #tpu.memory_space<hbm>>
    %dma_wait3A_502 = arith.constant 6144 : i32
    %dma_wait3A_503 = tpu.memref_slice %arg5[%dma_wait3A_502] : memref<25600xi32, #tpu.memory_space<vmem>> -> memref<512xi32, #tpu.memory_space<vmem>>
    %dma_wait3A_504 = tpu.memref_slice %arg2[%add3A_498] : memref<917504xi32, #tpu.memory_space<hbm>> -> memref<512xi32, #tpu.memory_space<hbm>>
    tpu.wait_dma2 semaphore(%arg18 : memref<!tpu.dma_semaphore, #tpu.memory_space<semaphore_mem>>) src(%dma_wait3A_504 : memref<512xi32, #tpu.memory_space<hbm>>) dst(%dma_wait3A_503 : memref<512xi32, #tpu.memory_space<vmem>>)
    %add3A_505 = arith.constant 212992 : i32
    %add3A_506 = arith.addi %add3A_505, %mul3A_2 : i32
    %dma_wait3A_507 = arith.constant 6656 : i32
    %dma_wait3A_508 = tpu.memref_slice %arg5[%dma_wait3A_507] : memref<25600xi32, #tpu.memory_space<vmem>> -> memref<512xi32, #tpu.memory_space<vmem>>
    %dma_wait3A_509 = tpu.memref_slice %arg2[%add3A_506] : memref<917504xi32, #tpu.memory_space<hbm>> -> memref<512xi32, #tpu.memory_space<hbm>>
    %dma_wait3A_510 = arith.constant 6656 : i32
    %dma_wait3A_511 = tpu.memref_slice %arg5[%dma_wait3A_510] : memref<25600xi32, #tpu.memory_space<vmem>> -> memref<512xi32, #tpu.memory_space<vmem>>
    %dma_wait3A_512 = tpu.memref_slice %arg2[%add3A_506] : memref<917504xi32, #tpu.memory_space<hbm>> -> memref<512xi32, #tpu.memory_space<hbm>>
    tpu.wait_dma2 semaphore(%arg18 : memref<!tpu.dma_semaphore, #tpu.memory_space<semaphore_mem>>) src(%dma_wait3A_512 : memref<512xi32, #tpu.memory_space<hbm>>) dst(%dma_wait3A_511 : memref<512xi32, #tpu.memory_space<vmem>>)
    %add3A_513 = arith.constant 229376 : i32
    %add3A_514 = arith.addi %add3A_513, %mul3A_2 : i32
    %dma_wait3A_515 = arith.constant 7168 : i32
    %dma_wait3A_516 = tpu.memref_slice %arg5[%dma_wait3A_515] : memref<25600xi32, #tpu.memory_space<vmem>> -> memref<512xi32, #tpu.memory_space<vmem>>
    %dma_wait3A_517 = tpu.memref_slice %arg2[%add3A_514] : memref<917504xi32, #tpu.memory_space<hbm>> -> memref<512xi32, #tpu.memory_space<hbm>>
    %dma_wait3A_518 = arith.constant 7168 : i32
    %dma_wait3A_519 = tpu.memref_slice %arg5[%dma_wait3A_518] : memref<25600xi32, #tpu.memory_space<vmem>> -> memref<512xi32, #tpu.memory_space<vmem>>
    %dma_wait3A_520 = tpu.memref_slice %arg2[%add3A_514] : memref<917504xi32, #tpu.memory_space<hbm>> -> memref<512xi32, #tpu.memory_space<hbm>>
    tpu.wait_dma2 semaphore(%arg18 : memref<!tpu.dma_semaphore, #tpu.memory_space<semaphore_mem>>) src(%dma_wait3A_520 : memref<512xi32, #tpu.memory_space<hbm>>) dst(%dma_wait3A_519 : memref<512xi32, #tpu.memory_space<vmem>>)
    %add3A_521 = arith.constant 245760 : i32
    %add3A_522 = arith.addi %add3A_521, %mul3A_2 : i32
    %dma_wait3A_523 = arith.constant 7680 : i32
    %dma_wait3A_524 = tpu.memref_slice %arg5[%dma_wait3A_523] : memref<25600xi32, #tpu.memory_space<vmem>> -> memref<512xi32, #tpu.memory_space<vmem>>
    %dma_wait3A_525 = tpu.memref_slice %arg2[%add3A_522] : memref<917504xi32, #tpu.memory_space<hbm>> -> memref<512xi32, #tpu.memory_space<hbm>>
    %dma_wait3A_526 = arith.constant 7680 : i32
    %dma_wait3A_527 = tpu.memref_slice %arg5[%dma_wait3A_526] : memref<25600xi32, #tpu.memory_space<vmem>> -> memref<512xi32, #tpu.memory_space<vmem>>
    %dma_wait3A_528 = tpu.memref_slice %arg2[%add3A_522] : memref<917504xi32, #tpu.memory_space<hbm>> -> memref<512xi32, #tpu.memory_space<hbm>>
    tpu.wait_dma2 semaphore(%arg18 : memref<!tpu.dma_semaphore, #tpu.memory_space<semaphore_mem>>) src(%dma_wait3A_528 : memref<512xi32, #tpu.memory_space<hbm>>) dst(%dma_wait3A_527 : memref<512xi32, #tpu.memory_space<vmem>>)
    %add3A_529 = arith.constant 262144 : i32
    %add3A_530 = arith.addi %add3A_529, %mul3A_2 : i32
    %dma_wait3A_531 = arith.constant 8192 : i32
    %dma_wait3A_532 = tpu.memref_slice %arg5[%dma_wait3A_531] : memref<25600xi32, #tpu.memory_space<vmem>> -> memref<512xi32, #tpu.memory_space<vmem>>
    %dma_wait3A_533 = tpu.memref_slice %arg2[%add3A_530] : memref<917504xi32, #tpu.memory_space<hbm>> -> memref<512xi32, #tpu.memory_space<hbm>>
    %dma_wait3A_534 = arith.constant 8192 : i32
    %dma_wait3A_535 = tpu.memref_slice %arg5[%dma_wait3A_534] : memref<25600xi32, #tpu.memory_space<vmem>> -> memref<512xi32, #tpu.memory_space<vmem>>
    %dma_wait3A_536 = tpu.memref_slice %arg2[%add3A_530] : memref<917504xi32, #tpu.memory_space<hbm>> -> memref<512xi32, #tpu.memory_space<hbm>>
    tpu.wait_dma2 semaphore(%arg18 : memref<!tpu.dma_semaphore, #tpu.memory_space<semaphore_mem>>) src(%dma_wait3A_536 : memref<512xi32, #tpu.memory_space<hbm>>) dst(%dma_wait3A_535 : memref<512xi32, #tpu.memory_space<vmem>>)
    %add3A_537 = arith.constant 278528 : i32
    %add3A_538 = arith.addi %add3A_537, %mul3A_2 : i32
    %dma_wait3A_539 = arith.constant 8704 : i32
    %dma_wait3A_540 = tpu.memref_slice %arg5[%dma_wait3A_539] : memref<25600xi32, #tpu.memory_space<vmem>> -> memref<512xi32, #tpu.memory_space<vmem>>
    %dma_wait3A_541 = tpu.memref_slice %arg2[%add3A_538] : memref<917504xi32, #tpu.memory_space<hbm>> -> memref<512xi32, #tpu.memory_space<hbm>>
    %dma_wait3A_542 = arith.constant 8704 : i32
    %dma_wait3A_543 = tpu.memref_slice %arg5[%dma_wait3A_542] : memref<25600xi32, #tpu.memory_space<vmem>> -> memref<512xi32, #tpu.memory_space<vmem>>
    %dma_wait3A_544 = tpu.memref_slice %arg2[%add3A_538] : memref<917504xi32, #tpu.memory_space<hbm>> -> memref<512xi32, #tpu.memory_space<hbm>>
    tpu.wait_dma2 semaphore(%arg18 : memref<!tpu.dma_semaphore, #tpu.memory_space<semaphore_mem>>) src(%dma_wait3A_544 : memref<512xi32, #tpu.memory_space<hbm>>) dst(%dma_wait3A_543 : memref<512xi32, #tpu.memory_space<vmem>>)
    %add3A_545 = arith.constant 294912 : i32
    %add3A_546 = arith.addi %add3A_545, %mul3A_2 : i32
    %dma_wait3A_547 = arith.constant 9216 : i32
    %dma_wait3A_548 = tpu.memref_slice %arg5[%dma_wait3A_547] : memref<25600xi32, #tpu.memory_space<vmem>> -> memref<512xi32, #tpu.memory_space<vmem>>
    %dma_wait3A_549 = tpu.memref_slice %arg2[%add3A_546] : memref<917504xi32, #tpu.memory_space<hbm>> -> memref<512xi32, #tpu.memory_space<hbm>>
    %dma_wait3A_550 = arith.constant 9216 : i32
    %dma_wait3A_551 = tpu.memref_slice %arg5[%dma_wait3A_550] : memref<25600xi32, #tpu.memory_space<vmem>> -> memref<512xi32, #tpu.memory_space<vmem>>
    %dma_wait3A_552 = tpu.memref_slice %arg2[%add3A_546] : memref<917504xi32, #tpu.memory_space<hbm>> -> memref<512xi32, #tpu.memory_space<hbm>>
    tpu.wait_dma2 semaphore(%arg18 : memref<!tpu.dma_semaphore, #tpu.memory_space<semaphore_mem>>) src(%dma_wait3A_552 : memref<512xi32, #tpu.memory_space<hbm>>) dst(%dma_wait3A_551 : memref<512xi32, #tpu.memory_space<vmem>>)
    %add3A_553 = arith.constant 311296 : i32
    %add3A_554 = arith.addi %add3A_553, %mul3A_2 : i32
    %dma_wait3A_555 = arith.constant 9728 : i32
    %dma_wait3A_556 = tpu.memref_slice %arg5[%dma_wait3A_555] : memref<25600xi32, #tpu.memory_space<vmem>> -> memref<512xi32, #tpu.memory_space<vmem>>
    %dma_wait3A_557 = tpu.memref_slice %arg2[%add3A_554] : memref<917504xi32, #tpu.memory_space<hbm>> -> memref<512xi32, #tpu.memory_space<hbm>>
    %dma_wait3A_558 = arith.constant 9728 : i32
    %dma_wait3A_559 = tpu.memref_slice %arg5[%dma_wait3A_558] : memref<25600xi32, #tpu.memory_space<vmem>> -> memref<512xi32, #tpu.memory_space<vmem>>
    %dma_wait3A_560 = tpu.memref_slice %arg2[%add3A_554] : memref<917504xi32, #tpu.memory_space<hbm>> -> memref<512xi32, #tpu.memory_space<hbm>>
    tpu.wait_dma2 semaphore(%arg18 : memref<!tpu.dma_semaphore, #tpu.memory_space<semaphore_mem>>) src(%dma_wait3A_560 : memref<512xi32, #tpu.memory_space<hbm>>) dst(%dma_wait3A_559 : memref<512xi32, #tpu.memory_space<vmem>>)
    %add3A_561 = arith.constant 327680 : i32
    %add3A_562 = arith.addi %add3A_561, %mul3A_2 : i32
    %dma_wait3A_563 = arith.constant 10240 : i32
    %dma_wait3A_564 = tpu.memref_slice %arg5[%dma_wait3A_563] : memref<25600xi32, #tpu.memory_space<vmem>> -> memref<512xi32, #tpu.memory_space<vmem>>
    %dma_wait3A_565 = tpu.memref_slice %arg2[%add3A_562] : memref<917504xi32, #tpu.memory_space<hbm>> -> memref<512xi32, #tpu.memory_space<hbm>>
    %dma_wait3A_566 = arith.constant 10240 : i32
    %dma_wait3A_567 = tpu.memref_slice %arg5[%dma_wait3A_566] : memref<25600xi32, #tpu.memory_space<vmem>> -> memref<512xi32, #tpu.memory_space<vmem>>
    %dma_wait3A_568 = tpu.memref_slice %arg2[%add3A_562] : memref<917504xi32, #tpu.memory_space<hbm>> -> memref<512xi32, #tpu.memory_space<hbm>>
    tpu.wait_dma2 semaphore(%arg18 : memref<!tpu.dma_semaphore, #tpu.memory_space<semaphore_mem>>) src(%dma_wait3A_568 : memref<512xi32, #tpu.memory_space<hbm>>) dst(%dma_wait3A_567 : memref<512xi32, #tpu.memory_space<vmem>>)
    %add3A_569 = arith.constant 344064 : i32
    %add3A_570 = arith.addi %add3A_569, %mul3A_2 : i32
    %dma_wait3A_571 = arith.constant 10752 : i32
    %dma_wait3A_572 = tpu.memref_slice %arg5[%dma_wait3A_571] : memref<25600xi32, #tpu.memory_space<vmem>> -> memref<512xi32, #tpu.memory_space<vmem>>
    %dma_wait3A_573 = tpu.memref_slice %arg2[%add3A_570] : memref<917504xi32, #tpu.memory_space<hbm>> -> memref<512xi32, #tpu.memory_space<hbm>>
    %dma_wait3A_574 = arith.constant 10752 : i32
    %dma_wait3A_575 = tpu.memref_slice %arg5[%dma_wait3A_574] : memref<25600xi32, #tpu.memory_space<vmem>> -> memref<512xi32, #tpu.memory_space<vmem>>
    %dma_wait3A_576 = tpu.memref_slice %arg2[%add3A_570] : memref<917504xi32, #tpu.memory_space<hbm>> -> memref<512xi32, #tpu.memory_space<hbm>>
    tpu.wait_dma2 semaphore(%arg18 : memref<!tpu.dma_semaphore, #tpu.memory_space<semaphore_mem>>) src(%dma_wait3A_576 : memref<512xi32, #tpu.memory_space<hbm>>) dst(%dma_wait3A_575 : memref<512xi32, #tpu.memory_space<vmem>>)
    %add3A_577 = arith.constant 360448 : i32
    %add3A_578 = arith.addi %add3A_577, %mul3A_2 : i32
    %dma_wait3A_579 = arith.constant 11264 : i32
    %dma_wait3A_580 = tpu.memref_slice %arg5[%dma_wait3A_579] : memref<25600xi32, #tpu.memory_space<vmem>> -> memref<512xi32, #tpu.memory_space<vmem>>
    %dma_wait3A_581 = tpu.memref_slice %arg2[%add3A_578] : memref<917504xi32, #tpu.memory_space<hbm>> -> memref<512xi32, #tpu.memory_space<hbm>>
    %dma_wait3A_582 = arith.constant 11264 : i32
    %dma_wait3A_583 = tpu.memref_slice %arg5[%dma_wait3A_582] : memref<25600xi32, #tpu.memory_space<vmem>> -> memref<512xi32, #tpu.memory_space<vmem>>
    %dma_wait3A_584 = tpu.memref_slice %arg2[%add3A_578] : memref<917504xi32, #tpu.memory_space<hbm>> -> memref<512xi32, #tpu.memory_space<hbm>>
    tpu.wait_dma2 semaphore(%arg18 : memref<!tpu.dma_semaphore, #tpu.memory_space<semaphore_mem>>) src(%dma_wait3A_584 : memref<512xi32, #tpu.memory_space<hbm>>) dst(%dma_wait3A_583 : memref<512xi32, #tpu.memory_space<vmem>>)
    %add3A_585 = arith.constant 376832 : i32
    %add3A_586 = arith.addi %add3A_585, %mul3A_2 : i32
    %dma_wait3A_587 = arith.constant 11776 : i32
    %dma_wait3A_588 = tpu.memref_slice %arg5[%dma_wait3A_587] : memref<25600xi32, #tpu.memory_space<vmem>> -> memref<512xi32, #tpu.memory_space<vmem>>
    %dma_wait3A_589 = tpu.memref_slice %arg2[%add3A_586] : memref<917504xi32, #tpu.memory_space<hbm>> -> memref<512xi32, #tpu.memory_space<hbm>>
    %dma_wait3A_590 = arith.constant 11776 : i32
    %dma_wait3A_591 = tpu.memref_slice %arg5[%dma_wait3A_590] : memref<25600xi32, #tpu.memory_space<vmem>> -> memref<512xi32, #tpu.memory_space<vmem>>
    %dma_wait3A_592 = tpu.memref_slice %arg2[%add3A_586] : memref<917504xi32, #tpu.memory_space<hbm>> -> memref<512xi32, #tpu.memory_space<hbm>>
    tpu.wait_dma2 semaphore(%arg18 : memref<!tpu.dma_semaphore, #tpu.memory_space<semaphore_mem>>) src(%dma_wait3A_592 : memref<512xi32, #tpu.memory_space<hbm>>) dst(%dma_wait3A_591 : memref<512xi32, #tpu.memory_space<vmem>>)
    %add3A_593 = arith.constant 393216 : i32
    %add3A_594 = arith.addi %add3A_593, %mul3A_2 : i32
    %dma_wait3A_595 = arith.constant 12288 : i32
    %dma_wait3A_596 = tpu.memref_slice %arg5[%dma_wait3A_595] : memref<25600xi32, #tpu.memory_space<vmem>> -> memref<512xi32, #tpu.memory_space<vmem>>
    %dma_wait3A_597 = tpu.memref_slice %arg2[%add3A_594] : memref<917504xi32, #tpu.memory_space<hbm>> -> memref<512xi32, #tpu.memory_space<hbm>>
    %dma_wait3A_598 = arith.constant 12288 : i32
    %dma_wait3A_599 = tpu.memref_slice %arg5[%dma_wait3A_598] : memref<25600xi32, #tpu.memory_space<vmem>> -> memref<512xi32, #tpu.memory_space<vmem>>
    %dma_wait3A_600 = tpu.memref_slice %arg2[%add3A_594] : memref<917504xi32, #tpu.memory_space<hbm>> -> memref<512xi32, #tpu.memory_space<hbm>>
    tpu.wait_dma2 semaphore(%arg18 : memref<!tpu.dma_semaphore, #tpu.memory_space<semaphore_mem>>) src(%dma_wait3A_600 : memref<512xi32, #tpu.memory_space<hbm>>) dst(%dma_wait3A_599 : memref<512xi32, #tpu.memory_space<vmem>>)
    %add3A_601 = arith.constant 409600 : i32
    %add3A_602 = arith.addi %add3A_601, %mul3A_2 : i32
    %dma_wait3A_603 = arith.constant 12800 : i32
    %dma_wait3A_604 = tpu.memref_slice %arg5[%dma_wait3A_603] : memref<25600xi32, #tpu.memory_space<vmem>> -> memref<512xi32, #tpu.memory_space<vmem>>
    %dma_wait3A_605 = tpu.memref_slice %arg2[%add3A_602] : memref<917504xi32, #tpu.memory_space<hbm>> -> memref<512xi32, #tpu.memory_space<hbm>>
    %dma_wait3A_606 = arith.constant 12800 : i32
    %dma_wait3A_607 = tpu.memref_slice %arg5[%dma_wait3A_606] : memref<25600xi32, #tpu.memory_space<vmem>> -> memref<512xi32, #tpu.memory_space<vmem>>
    %dma_wait3A_608 = tpu.memref_slice %arg2[%add3A_602] : memref<917504xi32, #tpu.memory_space<hbm>> -> memref<512xi32, #tpu.memory_space<hbm>>
    tpu.wait_dma2 semaphore(%arg18 : memref<!tpu.dma_semaphore, #tpu.memory_space<semaphore_mem>>) src(%dma_wait3A_608 : memref<512xi32, #tpu.memory_space<hbm>>) dst(%dma_wait3A_607 : memref<512xi32, #tpu.memory_space<vmem>>)
    %add3A_609 = arith.constant 425984 : i32
    %add3A_610 = arith.addi %add3A_609, %mul3A_2 : i32
    %dma_wait3A_611 = arith.constant 13312 : i32
    %dma_wait3A_612 = tpu.memref_slice %arg5[%dma_wait3A_611] : memref<25600xi32, #tpu.memory_space<vmem>> -> memref<512xi32, #tpu.memory_space<vmem>>
    %dma_wait3A_613 = tpu.memref_slice %arg2[%add3A_610] : memref<917504xi32, #tpu.memory_space<hbm>> -> memref<512xi32, #tpu.memory_space<hbm>>
    %dma_wait3A_614 = arith.constant 13312 : i32
    %dma_wait3A_615 = tpu.memref_slice %arg5[%dma_wait3A_614] : memref<25600xi32, #tpu.memory_space<vmem>> -> memref<512xi32, #tpu.memory_space<vmem>>
    %dma_wait3A_616 = tpu.memref_slice %arg2[%add3A_610] : memref<917504xi32, #tpu.memory_space<hbm>> -> memref<512xi32, #tpu.memory_space<hbm>>
    tpu.wait_dma2 semaphore(%arg18 : memref<!tpu.dma_semaphore, #tpu.memory_space<semaphore_mem>>) src(%dma_wait3A_616 : memref<512xi32, #tpu.memory_space<hbm>>) dst(%dma_wait3A_615 : memref<512xi32, #tpu.memory_space<vmem>>)
    %add3A_617 = arith.constant 442368 : i32
    %add3A_618 = arith.addi %add3A_617, %mul3A_2 : i32
    %dma_wait3A_619 = arith.constant 13824 : i32
    %dma_wait3A_620 = tpu.memref_slice %arg5[%dma_wait3A_619] : memref<25600xi32, #tpu.memory_space<vmem>> -> memref<512xi32, #tpu.memory_space<vmem>>
    %dma_wait3A_621 = tpu.memref_slice %arg2[%add3A_618] : memref<917504xi32, #tpu.memory_space<hbm>> -> memref<512xi32, #tpu.memory_space<hbm>>
    %dma_wait3A_622 = arith.constant 13824 : i32
    %dma_wait3A_623 = tpu.memref_slice %arg5[%dma_wait3A_622] : memref<25600xi32, #tpu.memory_space<vmem>> -> memref<512xi32, #tpu.memory_space<vmem>>
    %dma_wait3A_624 = tpu.memref_slice %arg2[%add3A_618] : memref<917504xi32, #tpu.memory_space<hbm>> -> memref<512xi32, #tpu.memory_space<hbm>>
    tpu.wait_dma2 semaphore(%arg18 : memref<!tpu.dma_semaphore, #tpu.memory_space<semaphore_mem>>) src(%dma_wait3A_624 : memref<512xi32, #tpu.memory_space<hbm>>) dst(%dma_wait3A_623 : memref<512xi32, #tpu.memory_space<vmem>>)
    %add3A_625 = arith.constant 458752 : i32
    %add3A_626 = arith.addi %add3A_625, %mul3A_2 : i32
    %dma_wait3A_627 = arith.constant 14336 : i32
    %dma_wait3A_628 = tpu.memref_slice %arg5[%dma_wait3A_627] : memref<25600xi32, #tpu.memory_space<vmem>> -> memref<512xi32, #tpu.memory_space<vmem>>
    %dma_wait3A_629 = tpu.memref_slice %arg2[%add3A_626] : memref<917504xi32, #tpu.memory_space<hbm>> -> memref<512xi32, #tpu.memory_space<hbm>>
    %dma_wait3A_630 = arith.constant 14336 : i32
    %dma_wait3A_631 = tpu.memref_slice %arg5[%dma_wait3A_630] : memref<25600xi32, #tpu.memory_space<vmem>> -> memref<512xi32, #tpu.memory_space<vmem>>
    %dma_wait3A_632 = tpu.memref_slice %arg2[%add3A_626] : memref<917504xi32, #tpu.memory_space<hbm>> -> memref<512xi32, #tpu.memory_space<hbm>>
    tpu.wait_dma2 semaphore(%arg18 : memref<!tpu.dma_semaphore, #tpu.memory_space<semaphore_mem>>) src(%dma_wait3A_632 : memref<512xi32, #tpu.memory_space<hbm>>) dst(%dma_wait3A_631 : memref<512xi32, #tpu.memory_space<vmem>>)
    %add3A_633 = arith.constant 475136 : i32
    %add3A_634 = arith.addi %add3A_633, %mul3A_2 : i32
    %dma_wait3A_635 = arith.constant 14848 : i32
    %dma_wait3A_636 = tpu.memref_slice %arg5[%dma_wait3A_635] : memref<25600xi32, #tpu.memory_space<vmem>> -> memref<512xi32, #tpu.memory_space<vmem>>
    %dma_wait3A_637 = tpu.memref_slice %arg2[%add3A_634] : memref<917504xi32, #tpu.memory_space<hbm>> -> memref<512xi32, #tpu.memory_space<hbm>>
    %dma_wait3A_638 = arith.constant 14848 : i32
    %dma_wait3A_639 = tpu.memref_slice %arg5[%dma_wait3A_638] : memref<25600xi32, #tpu.memory_space<vmem>> -> memref<512xi32, #tpu.memory_space<vmem>>
    %dma_wait3A_640 = tpu.memref_slice %arg2[%add3A_634] : memref<917504xi32, #tpu.memory_space<hbm>> -> memref<512xi32, #tpu.memory_space<hbm>>
    tpu.wait_dma2 semaphore(%arg18 : memref<!tpu.dma_semaphore, #tpu.memory_space<semaphore_mem>>) src(%dma_wait3A_640 : memref<512xi32, #tpu.memory_space<hbm>>) dst(%dma_wait3A_639 : memref<512xi32, #tpu.memory_space<vmem>>)
    %add3A_641 = arith.constant 491520 : i32
    %add3A_642 = arith.addi %add3A_641, %mul3A_2 : i32
    %dma_wait3A_643 = arith.constant 15360 : i32
    %dma_wait3A_644 = tpu.memref_slice %arg5[%dma_wait3A_643] : memref<25600xi32, #tpu.memory_space<vmem>> -> memref<512xi32, #tpu.memory_space<vmem>>
    %dma_wait3A_645 = tpu.memref_slice %arg2[%add3A_642] : memref<917504xi32, #tpu.memory_space<hbm>> -> memref<512xi32, #tpu.memory_space<hbm>>
    %dma_wait3A_646 = arith.constant 15360 : i32
    %dma_wait3A_647 = tpu.memref_slice %arg5[%dma_wait3A_646] : memref<25600xi32, #tpu.memory_space<vmem>> -> memref<512xi32, #tpu.memory_space<vmem>>
    %dma_wait3A_648 = tpu.memref_slice %arg2[%add3A_642] : memref<917504xi32, #tpu.memory_space<hbm>> -> memref<512xi32, #tpu.memory_space<hbm>>
    tpu.wait_dma2 semaphore(%arg18 : memref<!tpu.dma_semaphore, #tpu.memory_space<semaphore_mem>>) src(%dma_wait3A_648 : memref<512xi32, #tpu.memory_space<hbm>>) dst(%dma_wait3A_647 : memref<512xi32, #tpu.memory_space<vmem>>)
    %add3A_649 = arith.constant 507904 : i32
    %add3A_650 = arith.addi %add3A_649, %mul3A_2 : i32
    %dma_wait3A_651 = arith.constant 15872 : i32
    %dma_wait3A_652 = tpu.memref_slice %arg5[%dma_wait3A_651] : memref<25600xi32, #tpu.memory_space<vmem>> -> memref<512xi32, #tpu.memory_space<vmem>>
    %dma_wait3A_653 = tpu.memref_slice %arg2[%add3A_650] : memref<917504xi32, #tpu.memory_space<hbm>> -> memref<512xi32, #tpu.memory_space<hbm>>
    %dma_wait3A_654 = arith.constant 15872 : i32
    %dma_wait3A_655 = tpu.memref_slice %arg5[%dma_wait3A_654] : memref<25600xi32, #tpu.memory_space<vmem>> -> memref<512xi32, #tpu.memory_space<vmem>>
    %dma_wait3A_656 = tpu.memref_slice %arg2[%add3A_650] : memref<917504xi32, #tpu.memory_space<hbm>> -> memref<512xi32, #tpu.memory_space<hbm>>
    tpu.wait_dma2 semaphore(%arg18 : memref<!tpu.dma_semaphore, #tpu.memory_space<semaphore_mem>>) src(%dma_wait3A_656 : memref<512xi32, #tpu.memory_space<hbm>>) dst(%dma_wait3A_655 : memref<512xi32, #tpu.memory_space<vmem>>)
    %add3A_657 = arith.constant 524288 : i32
    %add3A_658 = arith.addi %add3A_657, %mul3A_2 : i32
    %dma_wait3A_659 = arith.constant 16384 : i32
    %dma_wait3A_660 = tpu.memref_slice %arg5[%dma_wait3A_659] : memref<25600xi32, #tpu.memory_space<vmem>> -> memref<512xi32, #tpu.memory_space<vmem>>
    %dma_wait3A_661 = tpu.memref_slice %arg2[%add3A_658] : memref<917504xi32, #tpu.memory_space<hbm>> -> memref<512xi32, #tpu.memory_space<hbm>>
    %dma_wait3A_662 = arith.constant 16384 : i32
    %dma_wait3A_663 = tpu.memref_slice %arg5[%dma_wait3A_662] : memref<25600xi32, #tpu.memory_space<vmem>> -> memref<512xi32, #tpu.memory_space<vmem>>
    %dma_wait3A_664 = tpu.memref_slice %arg2[%add3A_658] : memref<917504xi32, #tpu.memory_space<hbm>> -> memref<512xi32, #tpu.memory_space<hbm>>
    tpu.wait_dma2 semaphore(%arg18 : memref<!tpu.dma_semaphore, #tpu.memory_space<semaphore_mem>>) src(%dma_wait3A_664 : memref<512xi32, #tpu.memory_space<hbm>>) dst(%dma_wait3A_663 : memref<512xi32, #tpu.memory_space<vmem>>)
    %add3A_665 = arith.constant 540672 : i32
    %add3A_666 = arith.addi %add3A_665, %mul3A_2 : i32
    %dma_wait3A_667 = arith.constant 16896 : i32
    %dma_wait3A_668 = tpu.memref_slice %arg5[%dma_wait3A_667] : memref<25600xi32, #tpu.memory_space<vmem>> -> memref<512xi32, #tpu.memory_space<vmem>>
    %dma_wait3A_669 = tpu.memref_slice %arg2[%add3A_666] : memref<917504xi32, #tpu.memory_space<hbm>> -> memref<512xi32, #tpu.memory_space<hbm>>
    %dma_wait3A_670 = arith.constant 16896 : i32
    %dma_wait3A_671 = tpu.memref_slice %arg5[%dma_wait3A_670] : memref<25600xi32, #tpu.memory_space<vmem>> -> memref<512xi32, #tpu.memory_space<vmem>>
    %dma_wait3A_672 = tpu.memref_slice %arg2[%add3A_666] : memref<917504xi32, #tpu.memory_space<hbm>> -> memref<512xi32, #tpu.memory_space<hbm>>
    tpu.wait_dma2 semaphore(%arg18 : memref<!tpu.dma_semaphore, #tpu.memory_space<semaphore_mem>>) src(%dma_wait3A_672 : memref<512xi32, #tpu.memory_space<hbm>>) dst(%dma_wait3A_671 : memref<512xi32, #tpu.memory_space<vmem>>)
    %add3A_673 = arith.constant 557056 : i32
    %add3A_674 = arith.addi %add3A_673, %mul3A_2 : i32
    %dma_wait3A_675 = arith.constant 17408 : i32
    %dma_wait3A_676 = tpu.memref_slice %arg5[%dma_wait3A_675] : memref<25600xi32, #tpu.memory_space<vmem>> -> memref<512xi32, #tpu.memory_space<vmem>>
    %dma_wait3A_677 = tpu.memref_slice %arg2[%add3A_674] : memref<917504xi32, #tpu.memory_space<hbm>> -> memref<512xi32, #tpu.memory_space<hbm>>
    %dma_wait3A_678 = arith.constant 17408 : i32
    %dma_wait3A_679 = tpu.memref_slice %arg5[%dma_wait3A_678] : memref<25600xi32, #tpu.memory_space<vmem>> -> memref<512xi32, #tpu.memory_space<vmem>>
    %dma_wait3A_680 = tpu.memref_slice %arg2[%add3A_674] : memref<917504xi32, #tpu.memory_space<hbm>> -> memref<512xi32, #tpu.memory_space<hbm>>
    tpu.wait_dma2 semaphore(%arg18 : memref<!tpu.dma_semaphore, #tpu.memory_space<semaphore_mem>>) src(%dma_wait3A_680 : memref<512xi32, #tpu.memory_space<hbm>>) dst(%dma_wait3A_679 : memref<512xi32, #tpu.memory_space<vmem>>)
    %add3A_681 = arith.constant 573440 : i32
    %add3A_682 = arith.addi %add3A_681, %mul3A_2 : i32
    %dma_wait3A_683 = arith.constant 17920 : i32
    %dma_wait3A_684 = tpu.memref_slice %arg5[%dma_wait3A_683] : memref<25600xi32, #tpu.memory_space<vmem>> -> memref<512xi32, #tpu.memory_space<vmem>>
    %dma_wait3A_685 = tpu.memref_slice %arg2[%add3A_682] : memref<917504xi32, #tpu.memory_space<hbm>> -> memref<512xi32, #tpu.memory_space<hbm>>
    %dma_wait3A_686 = arith.constant 17920 : i32
    %dma_wait3A_687 = tpu.memref_slice %arg5[%dma_wait3A_686] : memref<25600xi32, #tpu.memory_space<vmem>> -> memref<512xi32, #tpu.memory_space<vmem>>
    %dma_wait3A_688 = tpu.memref_slice %arg2[%add3A_682] : memref<917504xi32, #tpu.memory_space<hbm>> -> memref<512xi32, #tpu.memory_space<hbm>>
    tpu.wait_dma2 semaphore(%arg18 : memref<!tpu.dma_semaphore, #tpu.memory_space<semaphore_mem>>) src(%dma_wait3A_688 : memref<512xi32, #tpu.memory_space<hbm>>) dst(%dma_wait3A_687 : memref<512xi32, #tpu.memory_space<vmem>>)
    %add3A_689 = arith.constant 589824 : i32
    %add3A_690 = arith.addi %add3A_689, %mul3A_2 : i32
    %dma_wait3A_691 = arith.constant 18432 : i32
    %dma_wait3A_692 = tpu.memref_slice %arg5[%dma_wait3A_691] : memref<25600xi32, #tpu.memory_space<vmem>> -> memref<512xi32, #tpu.memory_space<vmem>>
    %dma_wait3A_693 = tpu.memref_slice %arg2[%add3A_690] : memref<917504xi32, #tpu.memory_space<hbm>> -> memref<512xi32, #tpu.memory_space<hbm>>
    %dma_wait3A_694 = arith.constant 18432 : i32
    %dma_wait3A_695 = tpu.memref_slice %arg5[%dma_wait3A_694] : memref<25600xi32, #tpu.memory_space<vmem>> -> memref<512xi32, #tpu.memory_space<vmem>>
    %dma_wait3A_696 = tpu.memref_slice %arg2[%add3A_690] : memref<917504xi32, #tpu.memory_space<hbm>> -> memref<512xi32, #tpu.memory_space<hbm>>
    tpu.wait_dma2 semaphore(%arg18 : memref<!tpu.dma_semaphore, #tpu.memory_space<semaphore_mem>>) src(%dma_wait3A_696 : memref<512xi32, #tpu.memory_space<hbm>>) dst(%dma_wait3A_695 : memref<512xi32, #tpu.memory_space<vmem>>)
    %add3A_697 = arith.constant 606208 : i32
    %add3A_698 = arith.addi %add3A_697, %mul3A_2 : i32
    %dma_wait3A_699 = arith.constant 18944 : i32
    %dma_wait3A_700 = tpu.memref_slice %arg5[%dma_wait3A_699] : memref<25600xi32, #tpu.memory_space<vmem>> -> memref<512xi32, #tpu.memory_space<vmem>>
    %dma_wait3A_701 = tpu.memref_slice %arg2[%add3A_698] : memref<917504xi32, #tpu.memory_space<hbm>> -> memref<512xi32, #tpu.memory_space<hbm>>
    %dma_wait3A_702 = arith.constant 18944 : i32
    %dma_wait3A_703 = tpu.memref_slice %arg5[%dma_wait3A_702] : memref<25600xi32, #tpu.memory_space<vmem>> -> memref<512xi32, #tpu.memory_space<vmem>>
    %dma_wait3A_704 = tpu.memref_slice %arg2[%add3A_698] : memref<917504xi32, #tpu.memory_space<hbm>> -> memref<512xi32, #tpu.memory_space<hbm>>
    tpu.wait_dma2 semaphore(%arg18 : memref<!tpu.dma_semaphore, #tpu.memory_space<semaphore_mem>>) src(%dma_wait3A_704 : memref<512xi32, #tpu.memory_space<hbm>>) dst(%dma_wait3A_703 : memref<512xi32, #tpu.memory_space<vmem>>)
    %add3A_705 = arith.constant 622592 : i32
    %add3A_706 = arith.addi %add3A_705, %mul3A_2 : i32
    %dma_wait3A_707 = arith.constant 19456 : i32
    %dma_wait3A_708 = tpu.memref_slice %arg5[%dma_wait3A_707] : memref<25600xi32, #tpu.memory_space<vmem>> -> memref<512xi32, #tpu.memory_space<vmem>>
    %dma_wait3A_709 = tpu.memref_slice %arg2[%add3A_706] : memref<917504xi32, #tpu.memory_space<hbm>> -> memref<512xi32, #tpu.memory_space<hbm>>
    %dma_wait3A_710 = arith.constant 19456 : i32
    %dma_wait3A_711 = tpu.memref_slice %arg5[%dma_wait3A_710] : memref<25600xi32, #tpu.memory_space<vmem>> -> memref<512xi32, #tpu.memory_space<vmem>>
    %dma_wait3A_712 = tpu.memref_slice %arg2[%add3A_706] : memref<917504xi32, #tpu.memory_space<hbm>> -> memref<512xi32, #tpu.memory_space<hbm>>
    tpu.wait_dma2 semaphore(%arg18 : memref<!tpu.dma_semaphore, #tpu.memory_space<semaphore_mem>>) src(%dma_wait3A_712 : memref<512xi32, #tpu.memory_space<hbm>>) dst(%dma_wait3A_711 : memref<512xi32, #tpu.memory_space<vmem>>)
    %add3A_713 = arith.constant 638976 : i32
    %add3A_714 = arith.addi %add3A_713, %mul3A_2 : i32
    %dma_wait3A_715 = arith.constant 19968 : i32
    %dma_wait3A_716 = tpu.memref_slice %arg5[%dma_wait3A_715] : memref<25600xi32, #tpu.memory_space<vmem>> -> memref<512xi32, #tpu.memory_space<vmem>>
    %dma_wait3A_717 = tpu.memref_slice %arg2[%add3A_714] : memref<917504xi32, #tpu.memory_space<hbm>> -> memref<512xi32, #tpu.memory_space<hbm>>
    %dma_wait3A_718 = arith.constant 19968 : i32
    %dma_wait3A_719 = tpu.memref_slice %arg5[%dma_wait3A_718] : memref<25600xi32, #tpu.memory_space<vmem>> -> memref<512xi32, #tpu.memory_space<vmem>>
    %dma_wait3A_720 = tpu.memref_slice %arg2[%add3A_714] : memref<917504xi32, #tpu.memory_space<hbm>> -> memref<512xi32, #tpu.memory_space<hbm>>
    tpu.wait_dma2 semaphore(%arg18 : memref<!tpu.dma_semaphore, #tpu.memory_space<semaphore_mem>>) src(%dma_wait3A_720 : memref<512xi32, #tpu.memory_space<hbm>>) dst(%dma_wait3A_719 : memref<512xi32, #tpu.memory_space<vmem>>)
    %add3A_721 = arith.constant 655360 : i32
    %add3A_722 = arith.addi %add3A_721, %mul3A_2 : i32
    %dma_wait3A_723 = arith.constant 20480 : i32
    %dma_wait3A_724 = tpu.memref_slice %arg5[%dma_wait3A_723] : memref<25600xi32, #tpu.memory_space<vmem>> -> memref<512xi32, #tpu.memory_space<vmem>>
    %dma_wait3A_725 = tpu.memref_slice %arg2[%add3A_722] : memref<917504xi32, #tpu.memory_space<hbm>> -> memref<512xi32, #tpu.memory_space<hbm>>
    %dma_wait3A_726 = arith.constant 20480 : i32
    %dma_wait3A_727 = tpu.memref_slice %arg5[%dma_wait3A_726] : memref<25600xi32, #tpu.memory_space<vmem>> -> memref<512xi32, #tpu.memory_space<vmem>>
    %dma_wait3A_728 = tpu.memref_slice %arg2[%add3A_722] : memref<917504xi32, #tpu.memory_space<hbm>> -> memref<512xi32, #tpu.memory_space<hbm>>
    tpu.wait_dma2 semaphore(%arg18 : memref<!tpu.dma_semaphore, #tpu.memory_space<semaphore_mem>>) src(%dma_wait3A_728 : memref<512xi32, #tpu.memory_space<hbm>>) dst(%dma_wait3A_727 : memref<512xi32, #tpu.memory_space<vmem>>)
    %add3A_729 = arith.constant 671744 : i32
    %add3A_730 = arith.addi %add3A_729, %mul3A_2 : i32
    %dma_wait3A_731 = arith.constant 20992 : i32
    %dma_wait3A_732 = tpu.memref_slice %arg5[%dma_wait3A_731] : memref<25600xi32, #tpu.memory_space<vmem>> -> memref<512xi32, #tpu.memory_space<vmem>>
    %dma_wait3A_733 = tpu.memref_slice %arg2[%add3A_730] : memref<917504xi32, #tpu.memory_space<hbm>> -> memref<512xi32, #tpu.memory_space<hbm>>
    %dma_wait3A_734 = arith.constant 20992 : i32
    %dma_wait3A_735 = tpu.memref_slice %arg5[%dma_wait3A_734] : memref<25600xi32, #tpu.memory_space<vmem>> -> memref<512xi32, #tpu.memory_space<vmem>>
    %dma_wait3A_736 = tpu.memref_slice %arg2[%add3A_730] : memref<917504xi32, #tpu.memory_space<hbm>> -> memref<512xi32, #tpu.memory_space<hbm>>
    tpu.wait_dma2 semaphore(%arg18 : memref<!tpu.dma_semaphore, #tpu.memory_space<semaphore_mem>>) src(%dma_wait3A_736 : memref<512xi32, #tpu.memory_space<hbm>>) dst(%dma_wait3A_735 : memref<512xi32, #tpu.memory_space<vmem>>)
    %add3A_737 = arith.constant 688128 : i32
    %add3A_738 = arith.addi %add3A_737, %mul3A_2 : i32
    %dma_wait3A_739 = arith.constant 21504 : i32
    %dma_wait3A_740 = tpu.memref_slice %arg5[%dma_wait3A_739] : memref<25600xi32, #tpu.memory_space<vmem>> -> memref<512xi32, #tpu.memory_space<vmem>>
    %dma_wait3A_741 = tpu.memref_slice %arg2[%add3A_738] : memref<917504xi32, #tpu.memory_space<hbm>> -> memref<512xi32, #tpu.memory_space<hbm>>
    %dma_wait3A_742 = arith.constant 21504 : i32
    %dma_wait3A_743 = tpu.memref_slice %arg5[%dma_wait3A_742] : memref<25600xi32, #tpu.memory_space<vmem>> -> memref<512xi32, #tpu.memory_space<vmem>>
    %dma_wait3A_744 = tpu.memref_slice %arg2[%add3A_738] : memref<917504xi32, #tpu.memory_space<hbm>> -> memref<512xi32, #tpu.memory_space<hbm>>
    tpu.wait_dma2 semaphore(%arg18 : memref<!tpu.dma_semaphore, #tpu.memory_space<semaphore_mem>>) src(%dma_wait3A_744 : memref<512xi32, #tpu.memory_space<hbm>>) dst(%dma_wait3A_743 : memref<512xi32, #tpu.memory_space<vmem>>)
    %add3A_745 = arith.constant 704512 : i32
    %add3A_746 = arith.addi %add3A_745, %mul3A_2 : i32
    %dma_wait3A_747 = arith.constant 22016 : i32
    %dma_wait3A_748 = tpu.memref_slice %arg5[%dma_wait3A_747] : memref<25600xi32, #tpu.memory_space<vmem>> -> memref<512xi32, #tpu.memory_space<vmem>>
    %dma_wait3A_749 = tpu.memref_slice %arg2[%add3A_746] : memref<917504xi32, #tpu.memory_space<hbm>> -> memref<512xi32, #tpu.memory_space<hbm>>
    %dma_wait3A_750 = arith.constant 22016 : i32
    %dma_wait3A_751 = tpu.memref_slice %arg5[%dma_wait3A_750] : memref<25600xi32, #tpu.memory_space<vmem>> -> memref<512xi32, #tpu.memory_space<vmem>>
    %dma_wait3A_752 = tpu.memref_slice %arg2[%add3A_746] : memref<917504xi32, #tpu.memory_space<hbm>> -> memref<512xi32, #tpu.memory_space<hbm>>
    tpu.wait_dma2 semaphore(%arg18 : memref<!tpu.dma_semaphore, #tpu.memory_space<semaphore_mem>>) src(%dma_wait3A_752 : memref<512xi32, #tpu.memory_space<hbm>>) dst(%dma_wait3A_751 : memref<512xi32, #tpu.memory_space<vmem>>)
    %add3A_753 = arith.constant 720896 : i32
    %add3A_754 = arith.addi %add3A_753, %mul3A_2 : i32
    %dma_wait3A_755 = arith.constant 22528 : i32
    %dma_wait3A_756 = tpu.memref_slice %arg5[%dma_wait3A_755] : memref<25600xi32, #tpu.memory_space<vmem>> -> memref<512xi32, #tpu.memory_space<vmem>>
    %dma_wait3A_757 = tpu.memref_slice %arg2[%add3A_754] : memref<917504xi32, #tpu.memory_space<hbm>> -> memref<512xi32, #tpu.memory_space<hbm>>
    %dma_wait3A_758 = arith.constant 22528 : i32
    %dma_wait3A_759 = tpu.memref_slice %arg5[%dma_wait3A_758] : memref<25600xi32, #tpu.memory_space<vmem>> -> memref<512xi32, #tpu.memory_space<vmem>>
    %dma_wait3A_760 = tpu.memref_slice %arg2[%add3A_754] : memref<917504xi32, #tpu.memory_space<hbm>> -> memref<512xi32, #tpu.memory_space<hbm>>
    tpu.wait_dma2 semaphore(%arg18 : memref<!tpu.dma_semaphore, #tpu.memory_space<semaphore_mem>>) src(%dma_wait3A_760 : memref<512xi32, #tpu.memory_space<hbm>>) dst(%dma_wait3A_759 : memref<512xi32, #tpu.memory_space<vmem>>)
    %add3A_761 = arith.constant 737280 : i32
    %add3A_762 = arith.addi %add3A_761, %mul3A_2 : i32
    %dma_wait3A_763 = arith.constant 23040 : i32
    %dma_wait3A_764 = tpu.memref_slice %arg5[%dma_wait3A_763] : memref<25600xi32, #tpu.memory_space<vmem>> -> memref<512xi32, #tpu.memory_space<vmem>>
    %dma_wait3A_765 = tpu.memref_slice %arg2[%add3A_762] : memref<917504xi32, #tpu.memory_space<hbm>> -> memref<512xi32, #tpu.memory_space<hbm>>
    %dma_wait3A_766 = arith.constant 23040 : i32
    %dma_wait3A_767 = tpu.memref_slice %arg5[%dma_wait3A_766] : memref<25600xi32, #tpu.memory_space<vmem>> -> memref<512xi32, #tpu.memory_space<vmem>>
    %dma_wait3A_768 = tpu.memref_slice %arg2[%add3A_762] : memref<917504xi32, #tpu.memory_space<hbm>> -> memref<512xi32, #tpu.memory_space<hbm>>
    tpu.wait_dma2 semaphore(%arg18 : memref<!tpu.dma_semaphore, #tpu.memory_space<semaphore_mem>>) src(%dma_wait3A_768 : memref<512xi32, #tpu.memory_space<hbm>>) dst(%dma_wait3A_767 : memref<512xi32, #tpu.memory_space<vmem>>)
    %add3A_769 = arith.constant 753664 : i32
    %add3A_770 = arith.addi %add3A_769, %mul3A_2 : i32
    %dma_wait3A_771 = arith.constant 23552 : i32
    %dma_wait3A_772 = tpu.memref_slice %arg5[%dma_wait3A_771] : memref<25600xi32, #tpu.memory_space<vmem>> -> memref<512xi32, #tpu.memory_space<vmem>>
    %dma_wait3A_773 = tpu.memref_slice %arg2[%add3A_770] : memref<917504xi32, #tpu.memory_space<hbm>> -> memref<512xi32, #tpu.memory_space<hbm>>
    %dma_wait3A_774 = arith.constant 23552 : i32
    %dma_wait3A_775 = tpu.memref_slice %arg5[%dma_wait3A_774] : memref<25600xi32, #tpu.memory_space<vmem>> -> memref<512xi32, #tpu.memory_space<vmem>>
    %dma_wait3A_776 = tpu.memref_slice %arg2[%add3A_770] : memref<917504xi32, #tpu.memory_space<hbm>> -> memref<512xi32, #tpu.memory_space<hbm>>
    tpu.wait_dma2 semaphore(%arg18 : memref<!tpu.dma_semaphore, #tpu.memory_space<semaphore_mem>>) src(%dma_wait3A_776 : memref<512xi32, #tpu.memory_space<hbm>>) dst(%dma_wait3A_775 : memref<512xi32, #tpu.memory_space<vmem>>)
    %add3A_777 = arith.constant 770048 : i32
    %add3A_778 = arith.addi %add3A_777, %mul3A_2 : i32
    %dma_wait3A_779 = arith.constant 24064 : i32
    %dma_wait3A_780 = tpu.memref_slice %arg5[%dma_wait3A_779] : memref<25600xi32, #tpu.memory_space<vmem>> -> memref<512xi32, #tpu.memory_space<vmem>>
    %dma_wait3A_781 = tpu.memref_slice %arg2[%add3A_778] : memref<917504xi32, #tpu.memory_space<hbm>> -> memref<512xi32, #tpu.memory_space<hbm>>
    %dma_wait3A_782 = arith.constant 24064 : i32
    %dma_wait3A_783 = tpu.memref_slice %arg5[%dma_wait3A_782] : memref<25600xi32, #tpu.memory_space<vmem>> -> memref<512xi32, #tpu.memory_space<vmem>>
    %dma_wait3A_784 = tpu.memref_slice %arg2[%add3A_778] : memref<917504xi32, #tpu.memory_space<hbm>> -> memref<512xi32, #tpu.memory_space<hbm>>
    tpu.wait_dma2 semaphore(%arg18 : memref<!tpu.dma_semaphore, #tpu.memory_space<semaphore_mem>>) src(%dma_wait3A_784 : memref<512xi32, #tpu.memory_space<hbm>>) dst(%dma_wait3A_783 : memref<512xi32, #tpu.memory_space<vmem>>)
    %add3A_785 = arith.constant 786432 : i32
    %add3A_786 = arith.addi %add3A_785, %mul3A_2 : i32
    %dma_wait3A_787 = arith.constant 24576 : i32
    %dma_wait3A_788 = tpu.memref_slice %arg5[%dma_wait3A_787] : memref<25600xi32, #tpu.memory_space<vmem>> -> memref<512xi32, #tpu.memory_space<vmem>>
    %dma_wait3A_789 = tpu.memref_slice %arg2[%add3A_786] : memref<917504xi32, #tpu.memory_space<hbm>> -> memref<512xi32, #tpu.memory_space<hbm>>
    %dma_wait3A_790 = arith.constant 24576 : i32
    %dma_wait3A_791 = tpu.memref_slice %arg5[%dma_wait3A_790] : memref<25600xi32, #tpu.memory_space<vmem>> -> memref<512xi32, #tpu.memory_space<vmem>>
    %dma_wait3A_792 = tpu.memref_slice %arg2[%add3A_786] : memref<917504xi32, #tpu.memory_space<hbm>> -> memref<512xi32, #tpu.memory_space<hbm>>
    tpu.wait_dma2 semaphore(%arg18 : memref<!tpu.dma_semaphore, #tpu.memory_space<semaphore_mem>>) src(%dma_wait3A_792 : memref<512xi32, #tpu.memory_space<hbm>>) dst(%dma_wait3A_791 : memref<512xi32, #tpu.memory_space<vmem>>)
    %add3A_793 = arith.constant 802816 : i32
    %add3A_794 = arith.addi %add3A_793, %mul3A_2 : i32
    %dma_wait3A_795 = arith.constant 25088 : i32
    %dma_wait3A_796 = tpu.memref_slice %arg5[%dma_wait3A_795] : memref<25600xi32, #tpu.memory_space<vmem>> -> memref<512xi32, #tpu.memory_space<vmem>>
    %dma_wait3A_797 = tpu.memref_slice %arg2[%add3A_794] : memref<917504xi32, #tpu.memory_space<hbm>> -> memref<512xi32, #tpu.memory_space<hbm>>
    %dma_wait3A_798 = arith.constant 25088 : i32
    %dma_wait3A_799 = tpu.memref_slice %arg5[%dma_wait3A_798] : memref<25600xi32, #tpu.memory_space<vmem>> -> memref<512xi32, #tpu.memory_space<vmem>>
    %dma_wait3A_800 = tpu.memref_slice %arg2[%add3A_794] : memref<917504xi32, #tpu.memory_space<hbm>> -> memref<512xi32, #tpu.memory_space<hbm>>
    tpu.wait_dma2 semaphore(%arg18 : memref<!tpu.dma_semaphore, #tpu.memory_space<semaphore_mem>>) src(%dma_wait3A_800 : memref<512xi32, #tpu.memory_space<hbm>>) dst(%dma_wait3A_799 : memref<512xi32, #tpu.memory_space<vmem>>)
    %dma_start3A_801 = arith.constant 0 : i32
    %dma_start3A_802 = tpu.memref_slice %arg5[%dma_start3A_801] : memref<25600xi32, #tpu.memory_space<vmem>> -> memref<256xi32, #tpu.memory_space<vmem>>
    %dma_start3A_803 = arith.constant 0 : i32
    %dma_start3A_804 = arith.constant 0 : i32
    %dma_start3A_805 = tpu.memref_slice %arg3[%dma_start3A_803, %dma_start3A_804] : memref<1000000x64xf32, #tpu.memory_space<hbm>> -> memref<1000000x64xf32, #tpu.memory_space<hbm>>
    tpu.enqueue_indirect_dma source(%dma_start3A_805 : memref<1000000x64xf32, #tpu.memory_space<hbm>>) target(%arg6 : memref<256x64xf32, #tpu.memory_space<vmem>>) offsets(%dma_start3A_802 : memref<256xi32, #tpu.memory_space<vmem>>) semaphore(%arg12 : memref<!tpu.dma_semaphore, #tpu.memory_space<semaphore_mem>>)
    %dma_start3A_806 = arith.constant 256 : i32
    %dma_start3A_807 = tpu.memref_slice %arg5[%dma_start3A_806] : memref<25600xi32, #tpu.memory_space<vmem>> -> memref<256xi32, #tpu.memory_space<vmem>>
    %dma_start3A_808 = arith.constant 0 : i32
    %dma_start3A_809 = arith.constant 0 : i32
    %dma_start3A_810 = tpu.memref_slice %arg3[%dma_start3A_808, %dma_start3A_809] : memref<1000000x64xf32, #tpu.memory_space<hbm>> -> memref<1000000x64xf32, #tpu.memory_space<hbm>>
    tpu.enqueue_indirect_dma source(%dma_start3A_810 : memref<1000000x64xf32, #tpu.memory_space<hbm>>) target(%arg7 : memref<256x64xf32, #tpu.memory_space<vmem>>) offsets(%dma_start3A_807 : memref<256xi32, #tpu.memory_space<vmem>>) semaphore(%arg13 : memref<!tpu.dma_semaphore, #tpu.memory_space<semaphore_mem>>)
    %dma_start3A_811 = arith.constant 512 : i32
    %dma_start3A_812 = tpu.memref_slice %arg5[%dma_start3A_811] : memref<25600xi32, #tpu.memory_space<vmem>> -> memref<256xi32, #tpu.memory_space<vmem>>
    %dma_start3A_813 = arith.constant 0 : i32
    %dma_start3A_814 = arith.constant 0 : i32
    %dma_start3A_815 = tpu.memref_slice %arg3[%dma_start3A_813, %dma_start3A_814] : memref<1000000x64xf32, #tpu.memory_space<hbm>> -> memref<1000000x64xf32, #tpu.memory_space<hbm>>
    tpu.enqueue_indirect_dma source(%dma_start3A_815 : memref<1000000x64xf32, #tpu.memory_space<hbm>>) target(%arg8 : memref<256x64xf32, #tpu.memory_space<vmem>>) offsets(%dma_start3A_812 : memref<256xi32, #tpu.memory_space<vmem>>) semaphore(%arg14 : memref<!tpu.dma_semaphore, #tpu.memory_space<semaphore_mem>>)
    %dma_start3A_816 = arith.constant 768 : i32
    %dma_start3A_817 = tpu.memref_slice %arg5[%dma_start3A_816] : memref<25600xi32, #tpu.memory_space<vmem>> -> memref<256xi32, #tpu.memory_space<vmem>>
    %dma_start3A_818 = arith.constant 0 : i32
    %dma_start3A_819 = arith.constant 0 : i32
    %dma_start3A_820 = tpu.memref_slice %arg3[%dma_start3A_818, %dma_start3A_819] : memref<1000000x64xf32, #tpu.memory_space<hbm>> -> memref<1000000x64xf32, #tpu.memory_space<hbm>>
    tpu.enqueue_indirect_dma source(%dma_start3A_820 : memref<1000000x64xf32, #tpu.memory_space<hbm>>) target(%arg9 : memref<256x64xf32, #tpu.memory_space<vmem>>) offsets(%dma_start3A_817 : memref<256xi32, #tpu.memory_space<vmem>>) semaphore(%arg15 : memref<!tpu.dma_semaphore, #tpu.memory_space<semaphore_mem>>)
    %dma_wait3A_821 = arith.constant 0 : i32
    %dma_wait3A_822 = tpu.memref_slice %arg5[%dma_wait3A_821] : memref<25600xi32, #tpu.memory_space<vmem>> -> memref<256xi32, #tpu.memory_space<vmem>>
    %dma_wait3A_823 = arith.constant 0 : i32
    %dma_wait3A_824 = arith.constant 0 : i32
    %dma_wait3A_825 = tpu.memref_slice %arg3[%dma_wait3A_823, %dma_wait3A_824] : memref<1000000x64xf32, #tpu.memory_space<hbm>> -> memref<1000000x64xf32, #tpu.memory_space<hbm>>
    tpu.wait_indirect_dma semaphore(%arg12 : memref<!tpu.dma_semaphore, #tpu.memory_space<semaphore_mem>>) src(%dma_wait3A_825 : memref<1000000x64xf32, #tpu.memory_space<hbm>>) dst(%arg6 : memref<256x64xf32, #tpu.memory_space<vmem>>)
    %iota3A = tpu.iota {dimensions = array<i32: 0>} : vector<16xi32>
    %parallel_loop3A = arith.constant 0 : i32
    %parallel_loop3A_826 = arith.constant 256 : i32
    %parallel_loop3A_827 = arith.constant 1 : i32
    scf.for %parallel_loop3A_1156 = %parallel_loop3A to %parallel_loop3A_826 step %parallel_loop3A_827  : i32 {
      %parallel_loop3A_1157 = vector.broadcast %parallel_loop3A_1156 : i32 to vector<16xi32>
      %parallel_loop3A_1158 = arith.constant 0 : i32
      %parallel_loop3A_1159 = vector.broadcast %parallel_loop3A_1158 : i32 to vector<16xi32>
      %parallel_loop3A_1160 = arith.addi %parallel_loop3A_1159, %iota3A : vector<16xi32>
      %parallel_loop3A_1161 = arith.index_cast %parallel_loop3A_1156 : i32 to index
      %parallel_loop3A_1162 = arith.constant 0 : index
      %parallel_loop3A_1163 = tpu.vector_load %arg6[%parallel_loop3A_1161, %parallel_loop3A_1162] {strides = array<i32>} : memref<256x64xf32, #tpu.memory_space<vmem>>, vector<16xf32>,
      tpu.vector_store_idx %arg10[%parallel_loop3A_1160, %parallel_loop3A_1157], %parallel_loop3A_1163 : memref<64x257xf32, #tpu.memory_space<vmem>>[vector<16xi32>, vector<16xi32>], vector<16xf32>,
      %parallel_loop3A_1164 = arith.constant 16 : i32
      %parallel_loop3A_1165 = vector.broadcast %parallel_loop3A_1164 : i32 to vector<16xi32>
      %parallel_loop3A_1166 = arith.addi %parallel_loop3A_1165, %iota3A : vector<16xi32>
      %parallel_loop3A_1167 = arith.index_cast %parallel_loop3A_1156 : i32 to index
      %parallel_loop3A_1168 = arith.constant 16 : index
      %parallel_loop3A_1169 = tpu.vector_load %arg6[%parallel_loop3A_1167, %parallel_loop3A_1168] {strides = array<i32>} : memref<256x64xf32, #tpu.memory_space<vmem>>, vector<16xf32>,
      tpu.vector_store_idx %arg10[%parallel_loop3A_1166, %parallel_loop3A_1157], %parallel_loop3A_1169 : memref<64x257xf32, #tpu.memory_space<vmem>>[vector<16xi32>, vector<16xi32>], vector<16xf32>,
      %parallel_loop3A_1170 = arith.constant 32 : i32
      %parallel_loop3A_1171 = vector.broadcast %parallel_loop3A_1170 : i32 to vector<16xi32>
      %parallel_loop3A_1172 = arith.addi %parallel_loop3A_1171, %iota3A : vector<16xi32>
      %parallel_loop3A_1173 = arith.index_cast %parallel_loop3A_1156 : i32 to index
      %parallel_loop3A_1174 = arith.constant 32 : index
      %parallel_loop3A_1175 = tpu.vector_load %arg6[%parallel_loop3A_1173, %parallel_loop3A_1174] {strides = array<i32>} : memref<256x64xf32, #tpu.memory_space<vmem>>, vector<16xf32>,
      tpu.vector_store_idx %arg10[%parallel_loop3A_1172, %parallel_loop3A_1157], %parallel_loop3A_1175 : memref<64x257xf32, #tpu.memory_space<vmem>>[vector<16xi32>, vector<16xi32>], vector<16xf32>,
      %parallel_loop3A_1176 = arith.constant 48 : i32
      %parallel_loop3A_1177 = vector.broadcast %parallel_loop3A_1176 : i32 to vector<16xi32>
      %parallel_loop3A_1178 = arith.addi %parallel_loop3A_1177, %iota3A : vector<16xi32>
      %parallel_loop3A_1179 = arith.index_cast %parallel_loop3A_1156 : i32 to index
      %parallel_loop3A_1180 = arith.constant 48 : index
      %parallel_loop3A_1181 = tpu.vector_load %arg6[%parallel_loop3A_1179, %parallel_loop3A_1180] {strides = array<i32>} : memref<256x64xf32, #tpu.memory_space<vmem>>, vector<16xf32>,
      tpu.vector_store_idx %arg10[%parallel_loop3A_1178, %parallel_loop3A_1157], %parallel_loop3A_1181 : memref<64x257xf32, #tpu.memory_space<vmem>>[vector<16xi32>, vector<16xi32>], vector<16xf32>,
    } {sc.loop_unroll_factor = 4 : i64, sc.parallel_access}
    %add3A_828 = arith.constant 0 : i32
    %add3A_829 = arith.addi %mul3A_2, %add3A_828 : i32
    %dma_start3A_830 = arith.constant 0 : i32
    %dma_start3A_831 = arith.constant 0 : i32
    %dma_start3A_832 = arith.constant 0 : i32
    %dma_start3A_833 = tpu.memref_slice %arg10[%dma_start3A_831, %dma_start3A_832] : memref<64x257xf32, #tpu.memory_space<vmem>> -> memref<64x256xf32, #tpu.memory_space<vmem>>
    %dma_start3A_834 = arith.constant 0 : i32
    %dma_start3A_835 = tpu.memref_slice %arg4[%dma_start3A_830, %dma_start3A_834, %add3A_829] : memref<50x64x16384xf32, #tpu.memory_space<hbm>> -> memref<1x64x256xf32, #tpu.memory_space<hbm>>
    %dma_start3A_836 = tpu.memref_squeeze %dma_start3A_835 : memref<1x64x256xf32, #tpu.memory_space<hbm>> -> memref<64x256xf32, #tpu.memory_space<hbm>>
    %dma_start3A_837 = arith.constant 0 : i32
    %dma_start3A_838 = tpu.memref_slice %arg4[%dma_start3A_830, %dma_start3A_837, %add3A_829] : memref<50x64x16384xf32, #tpu.memory_space<hbm>> -> memref<1x64x256xf32, #tpu.memory_space<hbm>>
    %dma_start3A_839 = tpu.memref_squeeze %dma_start3A_838 : memref<1x64x256xf32, #tpu.memory_space<hbm>> -> memref<64x256xf32, #tpu.memory_space<hbm>>
    %dma_start3A_840 = arith.constant 0 : i32
    %dma_start3A_841 = arith.constant 0 : i32
    %dma_start3A_842 = tpu.memref_slice %arg10[%dma_start3A_840, %dma_start3A_841] : memref<64x257xf32, #tpu.memory_space<vmem>> -> memref<64x256xf32, #tpu.memory_space<vmem>>
    tpu.enqueue_dma source(%dma_start3A_842 : memref<64x256xf32, #tpu.memory_space<vmem>>) target(%dma_start3A_839 : memref<64x256xf32, #tpu.memory_space<hbm>>) target_semaphore(%arg16 : memref<!tpu.dma_semaphore, #tpu.memory_space<semaphore_mem>>)
    %dma_start3A_843 = arith.constant 1024 : i32
    %dma_start3A_844 = tpu.memref_slice %arg5[%dma_start3A_843] : memref<25600xi32, #tpu.memory_space<vmem>> -> memref<256xi32, #tpu.memory_space<vmem>>
    %dma_start3A_845 = arith.constant 0 : i32
    %dma_start3A_846 = arith.constant 0 : i32
    %dma_start3A_847 = tpu.memref_slice %arg3[%dma_start3A_845, %dma_start3A_846] : memref<1000000x64xf32, #tpu.memory_space<hbm>> -> memref<1000000x64xf32, #tpu.memory_space<hbm>>
    tpu.enqueue_indirect_dma source(%dma_start3A_847 : memref<1000000x64xf32, #tpu.memory_space<hbm>>) target(%arg6 : memref<256x64xf32, #tpu.memory_space<vmem>>) offsets(%dma_start3A_844 : memref<256xi32, #tpu.memory_space<vmem>>) semaphore(%arg12 : memref<!tpu.dma_semaphore, #tpu.memory_space<semaphore_mem>>)
    %dma_wait3A_848 = arith.constant 256 : i32
    %dma_wait3A_849 = tpu.memref_slice %arg5[%dma_wait3A_848] : memref<25600xi32, #tpu.memory_space<vmem>> -> memref<256xi32, #tpu.memory_space<vmem>>
    %dma_wait3A_850 = arith.constant 0 : i32
    %dma_wait3A_851 = arith.constant 0 : i32
    %dma_wait3A_852 = tpu.memref_slice %arg3[%dma_wait3A_850, %dma_wait3A_851] : memref<1000000x64xf32, #tpu.memory_space<hbm>> -> memref<1000000x64xf32, #tpu.memory_space<hbm>>
    tpu.wait_indirect_dma semaphore(%arg13 : memref<!tpu.dma_semaphore, #tpu.memory_space<semaphore_mem>>) src(%dma_wait3A_852 : memref<1000000x64xf32, #tpu.memory_space<hbm>>) dst(%arg7 : memref<256x64xf32, #tpu.memory_space<vmem>>)
    %iota3A_853 = tpu.iota {dimensions = array<i32: 0>} : vector<16xi32>
    %parallel_loop3A_854 = arith.constant 0 : i32
    %parallel_loop3A_855 = arith.constant 256 : i32
    %parallel_loop3A_856 = arith.constant 1 : i32
    scf.for %parallel_loop3A_1156 = %parallel_loop3A_854 to %parallel_loop3A_855 step %parallel_loop3A_856  : i32 {
      %parallel_loop3A_1157 = vector.broadcast %parallel_loop3A_1156 : i32 to vector<16xi32>
      %parallel_loop3A_1158 = arith.constant 0 : i32
      %parallel_loop3A_1159 = vector.broadcast %parallel_loop3A_1158 : i32 to vector<16xi32>
      %parallel_loop3A_1160 = arith.addi %parallel_loop3A_1159, %iota3A_853 : vector<16xi32>
      %parallel_loop3A_1161 = arith.index_cast %parallel_loop3A_1156 : i32 to index
      %parallel_loop3A_1162 = arith.constant 0 : index
      %parallel_loop3A_1163 = tpu.vector_load %arg7[%parallel_loop3A_1161, %parallel_loop3A_1162] {strides = array<i32>} : memref<256x64xf32, #tpu.memory_space<vmem>>, vector<16xf32>,
      tpu.vector_store_idx %arg11[%parallel_loop3A_1160, %parallel_loop3A_1157], %parallel_loop3A_1163 : memref<64x257xf32, #tpu.memory_space<vmem>>[vector<16xi32>, vector<16xi32>], vector<16xf32>,
      %parallel_loop3A_1164 = arith.constant 16 : i32
      %parallel_loop3A_1165 = vector.broadcast %parallel_loop3A_1164 : i32 to vector<16xi32>
      %parallel_loop3A_1166 = arith.addi %parallel_loop3A_1165, %iota3A_853 : vector<16xi32>
      %parallel_loop3A_1167 = arith.index_cast %parallel_loop3A_1156 : i32 to index
      %parallel_loop3A_1168 = arith.constant 16 : index
      %parallel_loop3A_1169 = tpu.vector_load %arg7[%parallel_loop3A_1167, %parallel_loop3A_1168] {strides = array<i32>} : memref<256x64xf32, #tpu.memory_space<vmem>>, vector<16xf32>,
      tpu.vector_store_idx %arg11[%parallel_loop3A_1166, %parallel_loop3A_1157], %parallel_loop3A_1169 : memref<64x257xf32, #tpu.memory_space<vmem>>[vector<16xi32>, vector<16xi32>], vector<16xf32>,
      %parallel_loop3A_1170 = arith.constant 32 : i32
      %parallel_loop3A_1171 = vector.broadcast %parallel_loop3A_1170 : i32 to vector<16xi32>
      %parallel_loop3A_1172 = arith.addi %parallel_loop3A_1171, %iota3A_853 : vector<16xi32>
      %parallel_loop3A_1173 = arith.index_cast %parallel_loop3A_1156 : i32 to index
      %parallel_loop3A_1174 = arith.constant 32 : index
      %parallel_loop3A_1175 = tpu.vector_load %arg7[%parallel_loop3A_1173, %parallel_loop3A_1174] {strides = array<i32>} : memref<256x64xf32, #tpu.memory_space<vmem>>, vector<16xf32>,
      tpu.vector_store_idx %arg11[%parallel_loop3A_1172, %parallel_loop3A_1157], %parallel_loop3A_1175 : memref<64x257xf32, #tpu.memory_space<vmem>>[vector<16xi32>, vector<16xi32>], vector<16xf32>,
      %parallel_loop3A_1176 = arith.constant 48 : i32
      %parallel_loop3A_1177 = vector.broadcast %parallel_loop3A_1176 : i32 to vector<16xi32>
      %parallel_loop3A_1178 = arith.addi %parallel_loop3A_1177, %iota3A_853 : vector<16xi32>
      %parallel_loop3A_1179 = arith.index_cast %parallel_loop3A_1156 : i32 to index
      %parallel_loop3A_1180 = arith.constant 48 : index
      %parallel_loop3A_1181 = tpu.vector_load %arg7[%parallel_loop3A_1179, %parallel_loop3A_1180] {strides = array<i32>} : memref<256x64xf32, #tpu.memory_space<vmem>>, vector<16xf32>,
      tpu.vector_store_idx %arg11[%parallel_loop3A_1178, %parallel_loop3A_1157], %parallel_loop3A_1181 : memref<64x257xf32, #tpu.memory_space<vmem>>[vector<16xi32>, vector<16xi32>], vector<16xf32>,
    } {sc.loop_unroll_factor = 4 : i64, sc.parallel_access}
    %add3A_857 = arith.constant 256 : i32
    %add3A_858 = arith.addi %mul3A_2, %add3A_857 : i32
    %dma_start3A_859 = arith.constant 0 : i32
    %dma_start3A_860 = arith.constant 0 : i32
    %dma_start3A_861 = arith.constant 0 : i32
    %dma_start3A_862 = tpu.memref_slice %arg11[%dma_start3A_860, %dma_start3A_861] : memref<64x257xf32, #tpu.memory_space<vmem>> -> memref<64x256xf32, #tpu.memory_space<vmem>>
    %dma_start3A_863 = arith.constant 0 : i32
    %dma_start3A_864 = tpu.memref_slice %arg4[%dma_start3A_859, %dma_start3A_863, %add3A_858] : memref<50x64x16384xf32, #tpu.memory_space<hbm>> -> memref<1x64x256xf32, #tpu.memory_space<hbm>>
    %dma_start3A_865 = tpu.memref_squeeze %dma_start3A_864 : memref<1x64x256xf32, #tpu.memory_space<hbm>> -> memref<64x256xf32, #tpu.memory_space<hbm>>
    %dma_start3A_866 = arith.constant 0 : i32
    %dma_start3A_867 = tpu.memref_slice %arg4[%dma_start3A_859, %dma_start3A_866, %add3A_858] : memref<50x64x16384xf32, #tpu.memory_space<hbm>> -> memref<1x64x256xf32, #tpu.memory_space<hbm>>
    %dma_start3A_868 = tpu.memref_squeeze %dma_start3A_867 : memref<1x64x256xf32, #tpu.memory_space<hbm>> -> memref<64x256xf32, #tpu.memory_space<hbm>>
    %dma_start3A_869 = arith.constant 0 : i32
    %dma_start3A_870 = arith.constant 0 : i32
    %dma_start3A_871 = tpu.memref_slice %arg11[%dma_start3A_869, %dma_start3A_870] : memref<64x257xf32, #tpu.memory_space<vmem>> -> memref<64x256xf32, #tpu.memory_space<vmem>>
    tpu.enqueue_dma source(%dma_start3A_871 : memref<64x256xf32, #tpu.memory_space<vmem>>) target(%dma_start3A_868 : memref<64x256xf32, #tpu.memory_space<hbm>>) target_semaphore(%arg17 : memref<!tpu.dma_semaphore, #tpu.memory_space<semaphore_mem>>)
    %dma_start3A_872 = arith.constant 1280 : i32
    %dma_start3A_873 = tpu.memref_slice %arg5[%dma_start3A_872] : memref<25600xi32, #tpu.memory_space<vmem>> -> memref<256xi32, #tpu.memory_space<vmem>>
    %dma_start3A_874 = arith.constant 0 : i32
    %dma_start3A_875 = arith.constant 0 : i32
    %dma_start3A_876 = tpu.memref_slice %arg3[%dma_start3A_874, %dma_start3A_875] : memref<1000000x64xf32, #tpu.memory_space<hbm>> -> memref<1000000x64xf32, #tpu.memory_space<hbm>>
    tpu.enqueue_indirect_dma source(%dma_start3A_876 : memref<1000000x64xf32, #tpu.memory_space<hbm>>) target(%arg7 : memref<256x64xf32, #tpu.memory_space<vmem>>) offsets(%dma_start3A_873 : memref<256xi32, #tpu.memory_space<vmem>>) semaphore(%arg13 : memref<!tpu.dma_semaphore, #tpu.memory_space<semaphore_mem>>)
    %dma_wait3A_877 = arith.constant 512 : i32
    %dma_wait3A_878 = tpu.memref_slice %arg5[%dma_wait3A_877] : memref<25600xi32, #tpu.memory_space<vmem>> -> memref<256xi32, #tpu.memory_space<vmem>>
    %dma_wait3A_879 = arith.constant 0 : i32
    %dma_wait3A_880 = arith.constant 0 : i32
    %dma_wait3A_881 = tpu.memref_slice %arg3[%dma_wait3A_879, %dma_wait3A_880] : memref<1000000x64xf32, #tpu.memory_space<hbm>> -> memref<1000000x64xf32, #tpu.memory_space<hbm>>
    tpu.wait_indirect_dma semaphore(%arg14 : memref<!tpu.dma_semaphore, #tpu.memory_space<semaphore_mem>>) src(%dma_wait3A_881 : memref<1000000x64xf32, #tpu.memory_space<hbm>>) dst(%arg8 : memref<256x64xf32, #tpu.memory_space<vmem>>)
    %add3A_882 = arith.constant 0 : i32
    %add3A_883 = arith.addi %mul3A_2, %add3A_882 : i32
    %dma_wait3A_884 = arith.constant 0 : i32
    %dma_wait3A_885 = arith.constant 0 : i32
    %dma_wait3A_886 = arith.constant 0 : i32
    %dma_wait3A_887 = tpu.memref_slice %arg10[%dma_wait3A_885, %dma_wait3A_886] : memref<64x257xf32, #tpu.memory_space<vmem>> -> memref<64x256xf32, #tpu.memory_space<vmem>>
    %dma_wait3A_888 = arith.constant 0 : i32
    %dma_wait3A_889 = tpu.memref_slice %arg4[%dma_wait3A_884, %dma_wait3A_888, %add3A_883] : memref<50x64x16384xf32, #tpu.memory_space<hbm>> -> memref<1x64x256xf32, #tpu.memory_space<hbm>>
    %dma_wait3A_890 = tpu.memref_squeeze %dma_wait3A_889 : memref<1x64x256xf32, #tpu.memory_space<hbm>> -> memref<64x256xf32, #tpu.memory_space<hbm>>
    %dma_wait3A_891 = arith.constant 0 : i32
    %dma_wait3A_892 = tpu.memref_slice %arg4[%dma_wait3A_884, %dma_wait3A_891, %add3A_883] : memref<50x64x16384xf32, #tpu.memory_space<hbm>> -> memref<1x64x256xf32, #tpu.memory_space<hbm>>
    %dma_wait3A_893 = tpu.memref_squeeze %dma_wait3A_892 : memref<1x64x256xf32, #tpu.memory_space<hbm>> -> memref<64x256xf32, #tpu.memory_space<hbm>>
    %dma_wait3A_894 = arith.constant 0 : i32
    %dma_wait3A_895 = arith.constant 0 : i32
    %dma_wait3A_896 = tpu.memref_slice %arg10[%dma_wait3A_894, %dma_wait3A_895] : memref<64x257xf32, #tpu.memory_space<vmem>> -> memref<64x256xf32, #tpu.memory_space<vmem>>
    tpu.wait_dma2 semaphore(%arg16 : memref<!tpu.dma_semaphore, #tpu.memory_space<semaphore_mem>>) src(%dma_wait3A_896 : memref<64x256xf32, #tpu.memory_space<vmem>>) dst(%dma_wait3A_893 : memref<64x256xf32, #tpu.memory_space<hbm>>)
    %iota3A_897 = tpu.iota {dimensions = array<i32: 0>} : vector<16xi32>
    %parallel_loop3A_898 = arith.constant 0 : i32
    %parallel_loop3A_899 = arith.constant 256 : i32
    %parallel_loop3A_900 = arith.constant 1 : i32
    scf.for %parallel_loop3A_1156 = %parallel_loop3A_898 to %parallel_loop3A_899 step %parallel_loop3A_900  : i32 {
      %parallel_loop3A_1157 = vector.broadcast %parallel_loop3A_1156 : i32 to vector<16xi32>
      %parallel_loop3A_1158 = arith.constant 0 : i32
      %parallel_loop3A_1159 = vector.broadcast %parallel_loop3A_1158 : i32 to vector<16xi32>
      %parallel_loop3A_1160 = arith.addi %parallel_loop3A_1159, %iota3A_897 : vector<16xi32>
      %parallel_loop3A_1161 = arith.index_cast %parallel_loop3A_1156 : i32 to index
      %parallel_loop3A_1162 = arith.constant 0 : index
      %parallel_loop3A_1163 = tpu.vector_load %arg8[%parallel_loop3A_1161, %parallel_loop3A_1162] {strides = array<i32>} : memref<256x64xf32, #tpu.memory_space<vmem>>, vector<16xf32>,
      tpu.vector_store_idx %arg10[%parallel_loop3A_1160, %parallel_loop3A_1157], %parallel_loop3A_1163 : memref<64x257xf32, #tpu.memory_space<vmem>>[vector<16xi32>, vector<16xi32>], vector<16xf32>,
      %parallel_loop3A_1164 = arith.constant 16 : i32
      %parallel_loop3A_1165 = vector.broadcast %parallel_loop3A_1164 : i32 to vector<16xi32>
      %parallel_loop3A_1166 = arith.addi %parallel_loop3A_1165, %iota3A_897 : vector<16xi32>
      %parallel_loop3A_1167 = arith.index_cast %parallel_loop3A_1156 : i32 to index
      %parallel_loop3A_1168 = arith.constant 16 : index
      %parallel_loop3A_1169 = tpu.vector_load %arg8[%parallel_loop3A_1167, %parallel_loop3A_1168] {strides = array<i32>} : memref<256x64xf32, #tpu.memory_space<vmem>>, vector<16xf32>,
      tpu.vector_store_idx %arg10[%parallel_loop3A_1166, %parallel_loop3A_1157], %parallel_loop3A_1169 : memref<64x257xf32, #tpu.memory_space<vmem>>[vector<16xi32>, vector<16xi32>], vector<16xf32>,
      %parallel_loop3A_1170 = arith.constant 32 : i32
      %parallel_loop3A_1171 = vector.broadcast %parallel_loop3A_1170 : i32 to vector<16xi32>
      %parallel_loop3A_1172 = arith.addi %parallel_loop3A_1171, %iota3A_897 : vector<16xi32>
      %parallel_loop3A_1173 = arith.index_cast %parallel_loop3A_1156 : i32 to index
      %parallel_loop3A_1174 = arith.constant 32 : index
      %parallel_loop3A_1175 = tpu.vector_load %arg8[%parallel_loop3A_1173, %parallel_loop3A_1174] {strides = array<i32>} : memref<256x64xf32, #tpu.memory_space<vmem>>, vector<16xf32>,
      tpu.vector_store_idx %arg10[%parallel_loop3A_1172, %parallel_loop3A_1157], %parallel_loop3A_1175 : memref<64x257xf32, #tpu.memory_space<vmem>>[vector<16xi32>, vector<16xi32>], vector<16xf32>,
      %parallel_loop3A_1176 = arith.constant 48 : i32
      %parallel_loop3A_1177 = vector.broadcast %parallel_loop3A_1176 : i32 to vector<16xi32>
      %parallel_loop3A_1178 = arith.addi %parallel_loop3A_1177, %iota3A_897 : vector<16xi32>
      %parallel_loop3A_1179 = arith.index_cast %parallel_loop3A_1156 : i32 to index
      %parallel_loop3A_1180 = arith.constant 48 : index
      %parallel_loop3A_1181 = tpu.vector_load %arg8[%parallel_loop3A_1179, %parallel_loop3A_1180] {strides = array<i32>} : memref<256x64xf32, #tpu.memory_space<vmem>>, vector<16xf32>,
      tpu.vector_store_idx %arg10[%parallel_loop3A_1178, %parallel_loop3A_1157], %parallel_loop3A_1181 : memref<64x257xf32, #tpu.memory_space<vmem>>[vector<16xi32>, vector<16xi32>], vector<16xf32>,
    } {sc.loop_unroll_factor = 4 : i64, sc.parallel_access}
    %add3A_901 = arith.constant 0 : i32
    %add3A_902 = arith.addi %mul3A_2, %add3A_901 : i32
    %dma_start3A_903 = arith.constant 1 : i32
    %dma_start3A_904 = arith.constant 0 : i32
    %dma_start3A_905 = arith.constant 0 : i32
    %dma_start3A_906 = tpu.memref_slice %arg10[%dma_start3A_904, %dma_start3A_905] : memref<64x257xf32, #tpu.memory_space<vmem>> -> memref<64x256xf32, #tpu.memory_space<vmem>>
    %dma_start3A_907 = arith.constant 0 : i32
    %dma_start3A_908 = tpu.memref_slice %arg4[%dma_start3A_903, %dma_start3A_907, %add3A_902] : memref<50x64x16384xf32, #tpu.memory_space<hbm>> -> memref<1x64x256xf32, #tpu.memory_space<hbm>>
    %dma_start3A_909 = tpu.memref_squeeze %dma_start3A_908 : memref<1x64x256xf32, #tpu.memory_space<hbm>> -> memref<64x256xf32, #tpu.memory_space<hbm>>
    %dma_start3A_910 = arith.constant 0 : i32
    %dma_start3A_911 = tpu.memref_slice %arg4[%dma_start3A_903, %dma_start3A_910, %add3A_902] : memref<50x64x16384xf32, #tpu.memory_space<hbm>> -> memref<1x64x256xf32, #tpu.memory_space<hbm>>
    %dma_start3A_912 = tpu.memref_squeeze %dma_start3A_911 : memref<1x64x256xf32, #tpu.memory_space<hbm>> -> memref<64x256xf32, #tpu.memory_space<hbm>>
    %dma_start3A_913 = arith.constant 0 : i32
    %dma_start3A_914 = arith.constant 0 : i32
    %dma_start3A_915 = tpu.memref_slice %arg10[%dma_start3A_913, %dma_start3A_914] : memref<64x257xf32, #tpu.memory_space<vmem>> -> memref<64x256xf32, #tpu.memory_space<vmem>>
    tpu.enqueue_dma source(%dma_start3A_915 : memref<64x256xf32, #tpu.memory_space<vmem>>) target(%dma_start3A_912 : memref<64x256xf32, #tpu.memory_space<hbm>>) target_semaphore(%arg16 : memref<!tpu.dma_semaphore, #tpu.memory_space<semaphore_mem>>)
    %dma_start3A_916 = arith.constant 1536 : i32
    %dma_start3A_917 = tpu.memref_slice %arg5[%dma_start3A_916] : memref<25600xi32, #tpu.memory_space<vmem>> -> memref<256xi32, #tpu.memory_space<vmem>>
    %dma_start3A_918 = arith.constant 0 : i32
    %dma_start3A_919 = arith.constant 0 : i32
    %dma_start3A_920 = tpu.memref_slice %arg3[%dma_start3A_918, %dma_start3A_919] : memref<1000000x64xf32, #tpu.memory_space<hbm>> -> memref<1000000x64xf32, #tpu.memory_space<hbm>>
    tpu.enqueue_indirect_dma source(%dma_start3A_920 : memref<1000000x64xf32, #tpu.memory_space<hbm>>) target(%arg8 : memref<256x64xf32, #tpu.memory_space<vmem>>) offsets(%dma_start3A_917 : memref<256xi32, #tpu.memory_space<vmem>>) semaphore(%arg14 : memref<!tpu.dma_semaphore, #tpu.memory_space<semaphore_mem>>)
    %dma_wait3A_921 = arith.constant 768 : i32
    %dma_wait3A_922 = tpu.memref_slice %arg5[%dma_wait3A_921] : memref<25600xi32, #tpu.memory_space<vmem>> -> memref<256xi32, #tpu.memory_space<vmem>>
    %dma_wait3A_923 = arith.constant 0 : i32
    %dma_wait3A_924 = arith.constant 0 : i32
    %dma_wait3A_925 = tpu.memref_slice %arg3[%dma_wait3A_923, %dma_wait3A_924] : memref<1000000x64xf32, #tpu.memory_space<hbm>> -> memref<1000000x64xf32, #tpu.memory_space<hbm>>
    tpu.wait_indirect_dma semaphore(%arg15 : memref<!tpu.dma_semaphore, #tpu.memory_space<semaphore_mem>>) src(%dma_wait3A_925 : memref<1000000x64xf32, #tpu.memory_space<hbm>>) dst(%arg9 : memref<256x64xf32, #tpu.memory_space<vmem>>)
    %add3A_926 = arith.constant 256 : i32
    %add3A_927 = arith.addi %mul3A_2, %add3A_926 : i32
    %dma_wait3A_928 = arith.constant 0 : i32
    %dma_wait3A_929 = arith.constant 0 : i32
    %dma_wait3A_930 = arith.constant 0 : i32
    %dma_wait3A_931 = tpu.memref_slice %arg11[%dma_wait3A_929, %dma_wait3A_930] : memref<64x257xf32, #tpu.memory_space<vmem>> -> memref<64x256xf32, #tpu.memory_space<vmem>>
    %dma_wait3A_932 = arith.constant 0 : i32
    %dma_wait3A_933 = tpu.memref_slice %arg4[%dma_wait3A_928, %dma_wait3A_932, %add3A_927] : memref<50x64x16384xf32, #tpu.memory_space<hbm>> -> memref<1x64x256xf32, #tpu.memory_space<hbm>>
    %dma_wait3A_934 = tpu.memref_squeeze %dma_wait3A_933 : memref<1x64x256xf32, #tpu.memory_space<hbm>> -> memref<64x256xf32, #tpu.memory_space<hbm>>
    %dma_wait3A_935 = arith.constant 0 : i32
    %dma_wait3A_936 = tpu.memref_slice %arg4[%dma_wait3A_928, %dma_wait3A_935, %add3A_927] : memref<50x64x16384xf32, #tpu.memory_space<hbm>> -> memref<1x64x256xf32, #tpu.memory_space<hbm>>
    %dma_wait3A_937 = tpu.memref_squeeze %dma_wait3A_936 : memref<1x64x256xf32, #tpu.memory_space<hbm>> -> memref<64x256xf32, #tpu.memory_space<hbm>>
    %dma_wait3A_938 = arith.constant 0 : i32
    %dma_wait3A_939 = arith.constant 0 : i32
    %dma_wait3A_940 = tpu.memref_slice %arg11[%dma_wait3A_938, %dma_wait3A_939] : memref<64x257xf32, #tpu.memory_space<vmem>> -> memref<64x256xf32, #tpu.memory_space<vmem>>
    tpu.wait_dma2 semaphore(%arg17 : memref<!tpu.dma_semaphore, #tpu.memory_space<semaphore_mem>>) src(%dma_wait3A_940 : memref<64x256xf32, #tpu.memory_space<vmem>>) dst(%dma_wait3A_937 : memref<64x256xf32, #tpu.memory_space<hbm>>)
    %iota3A_941 = tpu.iota {dimensions = array<i32: 0>} : vector<16xi32>
    %parallel_loop3A_942 = arith.constant 0 : i32
    %parallel_loop3A_943 = arith.constant 256 : i32
    %parallel_loop3A_944 = arith.constant 1 : i32
    scf.for %parallel_loop3A_1156 = %parallel_loop3A_942 to %parallel_loop3A_943 step %parallel_loop3A_944  : i32 {
      %parallel_loop3A_1157 = vector.broadcast %parallel_loop3A_1156 : i32 to vector<16xi32>
      %parallel_loop3A_1158 = arith.constant 0 : i32
      %parallel_loop3A_1159 = vector.broadcast %parallel_loop3A_1158 : i32 to vector<16xi32>
      %parallel_loop3A_1160 = arith.addi %parallel_loop3A_1159, %iota3A_941 : vector<16xi32>
      %parallel_loop3A_1161 = arith.index_cast %parallel_loop3A_1156 : i32 to index
      %parallel_loop3A_1162 = arith.constant 0 : index
      %parallel_loop3A_1163 = tpu.vector_load %arg9[%parallel_loop3A_1161, %parallel_loop3A_1162] {strides = array<i32>} : memref<256x64xf32, #tpu.memory_space<vmem>>, vector<16xf32>,
      tpu.vector_store_idx %arg11[%parallel_loop3A_1160, %parallel_loop3A_1157], %parallel_loop3A_1163 : memref<64x257xf32, #tpu.memory_space<vmem>>[vector<16xi32>, vector<16xi32>], vector<16xf32>,
      %parallel_loop3A_1164 = arith.constant 16 : i32
      %parallel_loop3A_1165 = vector.broadcast %parallel_loop3A_1164 : i32 to vector<16xi32>
      %parallel_loop3A_1166 = arith.addi %parallel_loop3A_1165, %iota3A_941 : vector<16xi32>
      %parallel_loop3A_1167 = arith.index_cast %parallel_loop3A_1156 : i32 to index
      %parallel_loop3A_1168 = arith.constant 16 : index
      %parallel_loop3A_1169 = tpu.vector_load %arg9[%parallel_loop3A_1167, %parallel_loop3A_1168] {strides = array<i32>} : memref<256x64xf32, #tpu.memory_space<vmem>>, vector<16xf32>,
      tpu.vector_store_idx %arg11[%parallel_loop3A_1166, %parallel_loop3A_1157], %parallel_loop3A_1169 : memref<64x257xf32, #tpu.memory_space<vmem>>[vector<16xi32>, vector<16xi32>], vector<16xf32>,
      %parallel_loop3A_1170 = arith.constant 32 : i32
      %parallel_loop3A_1171 = vector.broadcast %parallel_loop3A_1170 : i32 to vector<16xi32>
      %parallel_loop3A_1172 = arith.addi %parallel_loop3A_1171, %iota3A_941 : vector<16xi32>
      %parallel_loop3A_1173 = arith.index_cast %parallel_loop3A_1156 : i32 to index
      %parallel_loop3A_1174 = arith.constant 32 : index
      %parallel_loop3A_1175 = tpu.vector_load %arg9[%parallel_loop3A_1173, %parallel_loop3A_1174] {strides = array<i32>} : memref<256x64xf32, #tpu.memory_space<vmem>>, vector<16xf32>,
      tpu.vector_store_idx %arg11[%parallel_loop3A_1172, %parallel_loop3A_1157], %parallel_loop3A_1175 : memref<64x257xf32, #tpu.memory_space<vmem>>[vector<16xi32>, vector<16xi32>], vector<16xf32>,
      %parallel_loop3A_1176 = arith.constant 48 : i32
      %parallel_loop3A_1177 = vector.broadcast %parallel_loop3A_1176 : i32 to vector<16xi32>
      %parallel_loop3A_1178 = arith.addi %parallel_loop3A_1177, %iota3A_941 : vector<16xi32>
      %parallel_loop3A_1179 = arith.index_cast %parallel_loop3A_1156 : i32 to index
      %parallel_loop3A_1180 = arith.constant 48 : index
      %parallel_loop3A_1181 = tpu.vector_load %arg9[%parallel_loop3A_1179, %parallel_loop3A_1180] {strides = array<i32>} : memref<256x64xf32, #tpu.memory_space<vmem>>, vector<16xf32>,
      tpu.vector_store_idx %arg11[%parallel_loop3A_1178, %parallel_loop3A_1157], %parallel_loop3A_1181 : memref<64x257xf32, #tpu.memory_space<vmem>>[vector<16xi32>, vector<16xi32>], vector<16xf32>,
    } {sc.loop_unroll_factor = 4 : i64, sc.parallel_access}
    %add3A_945 = arith.constant 256 : i32
    %add3A_946 = arith.addi %mul3A_2, %add3A_945 : i32
    %dma_start3A_947 = arith.constant 1 : i32
    %dma_start3A_948 = arith.constant 0 : i32
    %dma_start3A_949 = arith.constant 0 : i32
    %dma_start3A_950 = tpu.memref_slice %arg11[%dma_start3A_948, %dma_start3A_949] : memref<64x257xf32, #tpu.memory_space<vmem>> -> memref<64x256xf32, #tpu.memory_space<vmem>>
    %dma_start3A_951 = arith.constant 0 : i32
    %dma_start3A_952 = tpu.memref_slice %arg4[%dma_start3A_947, %dma_start3A_951, %add3A_946] : memref<50x64x16384xf32, #tpu.memory_space<hbm>> -> memref<1x64x256xf32, #tpu.memory_space<hbm>>
    %dma_start3A_953 = tpu.memref_squeeze %dma_start3A_952 : memref<1x64x256xf32, #tpu.memory_space<hbm>> -> memref<64x256xf32, #tpu.memory_space<hbm>>
    %dma_start3A_954 = arith.constant 0 : i32
    %dma_start3A_955 = tpu.memref_slice %arg4[%dma_start3A_947, %dma_start3A_954, %add3A_946] : memref<50x64x16384xf32, #tpu.memory_space<hbm>> -> memref<1x64x256xf32, #tpu.memory_space<hbm>>
    %dma_start3A_956 = tpu.memref_squeeze %dma_start3A_955 : memref<1x64x256xf32, #tpu.memory_space<hbm>> -> memref<64x256xf32, #tpu.memory_space<hbm>>
    %dma_start3A_957 = arith.constant 0 : i32
    %dma_start3A_958 = arith.constant 0 : i32
    %dma_start3A_959 = tpu.memref_slice %arg11[%dma_start3A_957, %dma_start3A_958] : memref<64x257xf32, #tpu.memory_space<vmem>> -> memref<64x256xf32, #tpu.memory_space<vmem>>
    tpu.enqueue_dma source(%dma_start3A_959 : memref<64x256xf32, #tpu.memory_space<vmem>>) target(%dma_start3A_956 : memref<64x256xf32, #tpu.memory_space<hbm>>) target_semaphore(%arg17 : memref<!tpu.dma_semaphore, #tpu.memory_space<semaphore_mem>>)
    %dma_start3A_960 = arith.constant 1792 : i32
    %dma_start3A_961 = tpu.memref_slice %arg5[%dma_start3A_960] : memref<25600xi32, #tpu.memory_space<vmem>> -> memref<256xi32, #tpu.memory_space<vmem>>
    %dma_start3A_962 = arith.constant 0 : i32
    %dma_start3A_963 = arith.constant 0 : i32
    %dma_start3A_964 = tpu.memref_slice %arg3[%dma_start3A_962, %dma_start3A_963] : memref<1000000x64xf32, #tpu.memory_space<hbm>> -> memref<1000000x64xf32, #tpu.memory_space<hbm>>
    tpu.enqueue_indirect_dma source(%dma_start3A_964 : memref<1000000x64xf32, #tpu.memory_space<hbm>>) target(%arg9 : memref<256x64xf32, #tpu.memory_space<vmem>>) offsets(%dma_start3A_961 : memref<256xi32, #tpu.memory_space<vmem>>) semaphore(%arg15 : memref<!tpu.dma_semaphore, #tpu.memory_space<semaphore_mem>>)
    %scan3A = arith.constant 0 : i32
    %scan3A_965 = arith.constant 1 : i32
    %scan3A_966 = arith.constant 23 : i32
    %scan3A_967 = arith.addi %scan3A_965, %scan3A_966 : i32
    %scan3A_968 = arith.constant 1 : i32
    scf.for %scan3A_1156 = %scan3A_965 to %scan3A_967 step %scan3A_968  : i32 {
      %mul3A_1157 = arith.constant 4 : i32
      %mul3A_1158 = arith.muli %mul3A_1157, %scan3A_1156 : i32
      %add3A_1159 = arith.constant 0 : i32
      %add3A_1160 = arith.addi %mul3A_1158, %add3A_1159 : i32
      %mul3A_1161 = arith.constant 2 : i32
      %mul3A_1162 = arith.muli %mul3A_1161, %scan3A_1156 : i32
      %add3A_1163 = arith.constant 0 : i32
      %add3A_1164 = arith.addi %mul3A_1162, %add3A_1163 : i32
      %mul3A_1165 = arith.constant 256 : i32
      %mul3A_1166 = arith.muli %add3A_1160, %mul3A_1165 : i32
      %dma_wait3A_1167 = tpu.memref_slice %arg5[%mul3A_1166] : memref<25600xi32, #tpu.memory_space<vmem>> -> memref<256xi32, #tpu.memory_space<vmem>>
      %dma_wait3A_1168 = arith.constant 0 : i32
      %dma_wait3A_1169 = arith.constant 0 : i32
      %dma_wait3A_1170 = tpu.memref_slice %arg3[%dma_wait3A_1168, %dma_wait3A_1169] : memref<1000000x64xf32, #tpu.memory_space<hbm>> -> memref<1000000x64xf32, #tpu.memory_space<hbm>>
      tpu.wait_indirect_dma semaphore(%arg12 : memref<!tpu.dma_semaphore, #tpu.memory_space<semaphore_mem>>) src(%dma_wait3A_1170 : memref<1000000x64xf32, #tpu.memory_space<hbm>>) dst(%arg6 : memref<256x64xf32, #tpu.memory_space<vmem>>)
      %mul3A_1171 = arith.constant 2 : i32
      %mul3A_1172 = arith.muli %mul3A_1171, %scan3A_1156 : i32
      %add3A_1173 = arith.constant -1 : i32
      %add3A_1174 = arith.addi %mul3A_1172, %add3A_1173 : i32
      %add3A_1175 = arith.constant 0 : i32
      %add3A_1176 = arith.addi %mul3A_2, %add3A_1175 : i32
      %dma_wait3A_1177 = arith.constant 0 : i32
      %dma_wait3A_1178 = arith.constant 0 : i32
      %dma_wait3A_1179 = tpu.memref_slice %arg10[%dma_wait3A_1177, %dma_wait3A_1178] : memref<64x257xf32, #tpu.memory_space<vmem>> -> memref<64x256xf32, #tpu.memory_space<vmem>>
      %dma_wait3A_1180 = arith.constant 0 : i32
      %dma_wait3A_1181 = tpu.memref_slice %arg4[%add3A_1174, %dma_wait3A_1180, %add3A_1176] : memref<50x64x16384xf32, #tpu.memory_space<hbm>> -> memref<1x64x256xf32, #tpu.memory_space<hbm>>
      %dma_wait3A_1182 = tpu.memref_squeeze %dma_wait3A_1181 : memref<1x64x256xf32, #tpu.memory_space<hbm>> -> memref<64x256xf32, #tpu.memory_space<hbm>>
      %dma_wait3A_1183 = arith.constant 0 : i32
      %dma_wait3A_1184 = tpu.memref_slice %arg4[%add3A_1174, %dma_wait3A_1183, %add3A_1176] : memref<50x64x16384xf32, #tpu.memory_space<hbm>> -> memref<1x64x256xf32, #tpu.memory_space<hbm>>
      %dma_wait3A_1185 = tpu.memref_squeeze %dma_wait3A_1184 : memref<1x64x256xf32, #tpu.memory_space<hbm>> -> memref<64x256xf32, #tpu.memory_space<hbm>>
      %dma_wait3A_1186 = arith.constant 0 : i32
      %dma_wait3A_1187 = arith.constant 0 : i32
      %dma_wait3A_1188 = tpu.memref_slice %arg10[%dma_wait3A_1186, %dma_wait3A_1187] : memref<64x257xf32, #tpu.memory_space<vmem>> -> memref<64x256xf32, #tpu.memory_space<vmem>>
      tpu.wait_dma2 semaphore(%arg16 : memref<!tpu.dma_semaphore, #tpu.memory_space<semaphore_mem>>) src(%dma_wait3A_1188 : memref<64x256xf32, #tpu.memory_space<vmem>>) dst(%dma_wait3A_1185 : memref<64x256xf32, #tpu.memory_space<hbm>>)
      %iota3A_1189 = tpu.iota {dimensions = array<i32: 0>} : vector<16xi32>
      %parallel_loop3A_1190 = arith.constant 0 : i32
      %parallel_loop3A_1191 = arith.constant 256 : i32
      %parallel_loop3A_1192 = arith.constant 1 : i32
      scf.for %parallel_loop3A_1389 = %parallel_loop3A_1190 to %parallel_loop3A_1191 step %parallel_loop3A_1192  : i32 {
        %parallel_loop3A_1390 = vector.broadcast %parallel_loop3A_1389 : i32 to vector<16xi32>
        %parallel_loop3A_1391 = arith.constant 0 : i32
        %parallel_loop3A_1392 = vector.broadcast %parallel_loop3A_1391 : i32 to vector<16xi32>
        %parallel_loop3A_1393 = arith.addi %parallel_loop3A_1392, %iota3A_1189 : vector<16xi32>
        %parallel_loop3A_1394 = arith.index_cast %parallel_loop3A_1389 : i32 to index
        %parallel_loop3A_1395 = arith.constant 0 : index
        %parallel_loop3A_1396 = tpu.vector_load %arg6[%parallel_loop3A_1394, %parallel_loop3A_1395] {strides = array<i32>} : memref<256x64xf32, #tpu.memory_space<vmem>>, vector<16xf32>,
        tpu.vector_store_idx %arg10[%parallel_loop3A_1393, %parallel_loop3A_1390], %parallel_loop3A_1396 : memref<64x257xf32, #tpu.memory_space<vmem>>[vector<16xi32>, vector<16xi32>], vector<16xf32>,
        %parallel_loop3A_1397 = arith.constant 16 : i32
        %parallel_loop3A_1398 = vector.broadcast %parallel_loop3A_1397 : i32 to vector<16xi32>
        %parallel_loop3A_1399 = arith.addi %parallel_loop3A_1398, %iota3A_1189 : vector<16xi32>
        %parallel_loop3A_1400 = arith.index_cast %parallel_loop3A_1389 : i32 to index
        %parallel_loop3A_1401 = arith.constant 16 : index
        %parallel_loop3A_1402 = tpu.vector_load %arg6[%parallel_loop3A_1400, %parallel_loop3A_1401] {strides = array<i32>} : memref<256x64xf32, #tpu.memory_space<vmem>>, vector<16xf32>,
        tpu.vector_store_idx %arg10[%parallel_loop3A_1399, %parallel_loop3A_1390], %parallel_loop3A_1402 : memref<64x257xf32, #tpu.memory_space<vmem>>[vector<16xi32>, vector<16xi32>], vector<16xf32>,
        %parallel_loop3A_1403 = arith.constant 32 : i32
        %parallel_loop3A_1404 = vector.broadcast %parallel_loop3A_1403 : i32 to vector<16xi32>
        %parallel_loop3A_1405 = arith.addi %parallel_loop3A_1404, %iota3A_1189 : vector<16xi32>
        %parallel_loop3A_1406 = arith.index_cast %parallel_loop3A_1389 : i32 to index
        %parallel_loop3A_1407 = arith.constant 32 : index
        %parallel_loop3A_1408 = tpu.vector_load %arg6[%parallel_loop3A_1406, %parallel_loop3A_1407] {strides = array<i32>} : memref<256x64xf32, #tpu.memory_space<vmem>>, vector<16xf32>,
        tpu.vector_store_idx %arg10[%parallel_loop3A_1405, %parallel_loop3A_1390], %parallel_loop3A_1408 : memref<64x257xf32, #tpu.memory_space<vmem>>[vector<16xi32>, vector<16xi32>], vector<16xf32>,
        %parallel_loop3A_1409 = arith.constant 48 : i32
        %parallel_loop3A_1410 = vector.broadcast %parallel_loop3A_1409 : i32 to vector<16xi32>
        %parallel_loop3A_1411 = arith.addi %parallel_loop3A_1410, %iota3A_1189 : vector<16xi32>
        %parallel_loop3A_1412 = arith.index_cast %parallel_loop3A_1389 : i32 to index
        %parallel_loop3A_1413 = arith.constant 48 : index
        %parallel_loop3A_1414 = tpu.vector_load %arg6[%parallel_loop3A_1412, %parallel_loop3A_1413] {strides = array<i32>} : memref<256x64xf32, #tpu.memory_space<vmem>>, vector<16xf32>,
        tpu.vector_store_idx %arg10[%parallel_loop3A_1411, %parallel_loop3A_1390], %parallel_loop3A_1414 : memref<64x257xf32, #tpu.memory_space<vmem>>[vector<16xi32>, vector<16xi32>], vector<16xf32>,
      } {sc.loop_unroll_factor = 4 : i64, sc.parallel_access}
      %add3A_1193 = arith.constant 0 : i32
      %add3A_1194 = arith.addi %mul3A_2, %add3A_1193 : i32
      %dma_start3A_1195 = arith.constant 0 : i32
      %dma_start3A_1196 = arith.constant 0 : i32
      %dma_start3A_1197 = tpu.memref_slice %arg10[%dma_start3A_1195, %dma_start3A_1196] : memref<64x257xf32, #tpu.memory_space<vmem>> -> memref<64x256xf32, #tpu.memory_space<vmem>>
      %dma_start3A_1198 = arith.constant 0 : i32
      %dma_start3A_1199 = tpu.memref_slice %arg4[%add3A_1164, %dma_start3A_1198, %add3A_1194] : memref<50x64x16384xf32, #tpu.memory_space<hbm>> -> memref<1x64x256xf32, #tpu.memory_space<hbm>>
      %dma_start3A_1200 = tpu.memref_squeeze %dma_start3A_1199 : memref<1x64x256xf32, #tpu.memory_space<hbm>> -> memref<64x256xf32, #tpu.memory_space<hbm>>
      %dma_start3A_1201 = arith.constant 0 : i32
      %dma_start3A_1202 = tpu.memref_slice %arg4[%add3A_1164, %dma_start3A_1201, %add3A_1194] : memref<50x64x16384xf32, #tpu.memory_space<hbm>> -> memref<1x64x256xf32, #tpu.memory_space<hbm>>
      %dma_start3A_1203 = tpu.memref_squeeze %dma_start3A_1202 : memref<1x64x256xf32, #tpu.memory_space<hbm>> -> memref<64x256xf32, #tpu.memory_space<hbm>>
      %dma_start3A_1204 = arith.constant 0 : i32
      %dma_start3A_1205 = arith.constant 0 : i32
      %dma_start3A_1206 = tpu.memref_slice %arg10[%dma_start3A_1204, %dma_start3A_1205] : memref<64x257xf32, #tpu.memory_space<vmem>> -> memref<64x256xf32, #tpu.memory_space<vmem>>
      tpu.enqueue_dma source(%dma_start3A_1206 : memref<64x256xf32, #tpu.memory_space<vmem>>) target(%dma_start3A_1203 : memref<64x256xf32, #tpu.memory_space<hbm>>) target_semaphore(%arg16 : memref<!tpu.dma_semaphore, #tpu.memory_space<semaphore_mem>>)
      %add3A_1207 = arith.constant 4 : i32
      %add3A_1208 = arith.addi %add3A_1160, %add3A_1207 : i32
      %mul3A_1209 = arith.constant 256 : i32
      %mul3A_1210 = arith.muli %add3A_1208, %mul3A_1209 : i32
      %dma_start3A_1211 = tpu.memref_slice %arg5[%mul3A_1210] : memref<25600xi32, #tpu.memory_space<vmem>> -> memref<256xi32, #tpu.memory_space<vmem>>
      %dma_start3A_1212 = arith.constant 0 : i32
      %dma_start3A_1213 = arith.constant 0 : i32
      %dma_start3A_1214 = tpu.memref_slice %arg3[%dma_start3A_1212, %dma_start3A_1213] : memref<1000000x64xf32, #tpu.memory_space<hbm>> -> memref<1000000x64xf32, #tpu.memory_space<hbm>>
      tpu.enqueue_indirect_dma source(%dma_start3A_1214 : memref<1000000x64xf32, #tpu.memory_space<hbm>>) target(%arg6 : memref<256x64xf32, #tpu.memory_space<vmem>>) offsets(%dma_start3A_1211 : memref<256xi32, #tpu.memory_space<vmem>>) semaphore(%arg12 : memref<!tpu.dma_semaphore, #tpu.memory_space<semaphore_mem>>)
      %mul3A_1215 = arith.constant 4 : i32
      %mul3A_1216 = arith.muli %mul3A_1215, %scan3A_1156 : i32
      %add3A_1217 = arith.constant 1 : i32
      %add3A_1218 = arith.addi %mul3A_1216, %add3A_1217 : i32
      %mul3A_1219 = arith.constant 2 : i32
      %mul3A_1220 = arith.muli %mul3A_1219, %scan3A_1156 : i32
      %add3A_1221 = arith.constant 0 : i32
      %add3A_1222 = arith.addi %mul3A_1220, %add3A_1221 : i32
      %mul3A_1223 = arith.constant 256 : i32
      %mul3A_1224 = arith.muli %add3A_1218, %mul3A_1223 : i32
      %dma_wait3A_1225 = tpu.memref_slice %arg5[%mul3A_1224] : memref<25600xi32, #tpu.memory_space<vmem>> -> memref<256xi32, #tpu.memory_space<vmem>>
      %dma_wait3A_1226 = arith.constant 0 : i32
      %dma_wait3A_1227 = arith.constant 0 : i32
      %dma_wait3A_1228 = tpu.memref_slice %arg3[%dma_wait3A_1226, %dma_wait3A_1227] : memref<1000000x64xf32, #tpu.memory_space<hbm>> -> memref<1000000x64xf32, #tpu.memory_space<hbm>>
      tpu.wait_indirect_dma semaphore(%arg13 : memref<!tpu.dma_semaphore, #tpu.memory_space<semaphore_mem>>) src(%dma_wait3A_1228 : memref<1000000x64xf32, #tpu.memory_space<hbm>>) dst(%arg7 : memref<256x64xf32, #tpu.memory_space<vmem>>)
      %mul3A_1229 = arith.constant 2 : i32
      %mul3A_1230 = arith.muli %mul3A_1229, %scan3A_1156 : i32
      %add3A_1231 = arith.constant -1 : i32
      %add3A_1232 = arith.addi %mul3A_1230, %add3A_1231 : i32
      %add3A_1233 = arith.constant 256 : i32
      %add3A_1234 = arith.addi %mul3A_2, %add3A_1233 : i32
      %dma_wait3A_1235 = arith.constant 0 : i32
      %dma_wait3A_1236 = arith.constant 0 : i32
      %dma_wait3A_1237 = tpu.memref_slice %arg11[%dma_wait3A_1235, %dma_wait3A_1236] : memref<64x257xf32, #tpu.memory_space<vmem>> -> memref<64x256xf32, #tpu.memory_space<vmem>>
      %dma_wait3A_1238 = arith.constant 0 : i32
      %dma_wait3A_1239 = tpu.memref_slice %arg4[%add3A_1232, %dma_wait3A_1238, %add3A_1234] : memref<50x64x16384xf32, #tpu.memory_space<hbm>> -> memref<1x64x256xf32, #tpu.memory_space<hbm>>
      %dma_wait3A_1240 = tpu.memref_squeeze %dma_wait3A_1239 : memref<1x64x256xf32, #tpu.memory_space<hbm>> -> memref<64x256xf32, #tpu.memory_space<hbm>>
      %dma_wait3A_1241 = arith.constant 0 : i32
      %dma_wait3A_1242 = tpu.memref_slice %arg4[%add3A_1232, %dma_wait3A_1241, %add3A_1234] : memref<50x64x16384xf32, #tpu.memory_space<hbm>> -> memref<1x64x256xf32, #tpu.memory_space<hbm>>
      %dma_wait3A_1243 = tpu.memref_squeeze %dma_wait3A_1242 : memref<1x64x256xf32, #tpu.memory_space<hbm>> -> memref<64x256xf32, #tpu.memory_space<hbm>>
      %dma_wait3A_1244 = arith.constant 0 : i32
      %dma_wait3A_1245 = arith.constant 0 : i32
      %dma_wait3A_1246 = tpu.memref_slice %arg11[%dma_wait3A_1244, %dma_wait3A_1245] : memref<64x257xf32, #tpu.memory_space<vmem>> -> memref<64x256xf32, #tpu.memory_space<vmem>>
      tpu.wait_dma2 semaphore(%arg17 : memref<!tpu.dma_semaphore, #tpu.memory_space<semaphore_mem>>) src(%dma_wait3A_1246 : memref<64x256xf32, #tpu.memory_space<vmem>>) dst(%dma_wait3A_1243 : memref<64x256xf32, #tpu.memory_space<hbm>>)
      %iota3A_1247 = tpu.iota {dimensions = array<i32: 0>} : vector<16xi32>
      %parallel_loop3A_1248 = arith.constant 0 : i32
      %parallel_loop3A_1249 = arith.constant 256 : i32
      %parallel_loop3A_1250 = arith.constant 1 : i32
      scf.for %parallel_loop3A_1389 = %parallel_loop3A_1248 to %parallel_loop3A_1249 step %parallel_loop3A_1250  : i32 {
        %parallel_loop3A_1390 = vector.broadcast %parallel_loop3A_1389 : i32 to vector<16xi32>
        %parallel_loop3A_1391 = arith.constant 0 : i32
        %parallel_loop3A_1392 = vector.broadcast %parallel_loop3A_1391 : i32 to vector<16xi32>
        %parallel_loop3A_1393 = arith.addi %parallel_loop3A_1392, %iota3A_1247 : vector<16xi32>
        %parallel_loop3A_1394 = arith.index_cast %parallel_loop3A_1389 : i32 to index
        %parallel_loop3A_1395 = arith.constant 0 : index
        %parallel_loop3A_1396 = tpu.vector_load %arg7[%parallel_loop3A_1394, %parallel_loop3A_1395] {strides = array<i32>} : memref<256x64xf32, #tpu.memory_space<vmem>>, vector<16xf32>,
        tpu.vector_store_idx %arg11[%parallel_loop3A_1393, %parallel_loop3A_1390], %parallel_loop3A_1396 : memref<64x257xf32, #tpu.memory_space<vmem>>[vector<16xi32>, vector<16xi32>], vector<16xf32>,
        %parallel_loop3A_1397 = arith.constant 16 : i32
        %parallel_loop3A_1398 = vector.broadcast %parallel_loop3A_1397 : i32 to vector<16xi32>
        %parallel_loop3A_1399 = arith.addi %parallel_loop3A_1398, %iota3A_1247 : vector<16xi32>
        %parallel_loop3A_1400 = arith.index_cast %parallel_loop3A_1389 : i32 to index
        %parallel_loop3A_1401 = arith.constant 16 : index
        %parallel_loop3A_1402 = tpu.vector_load %arg7[%parallel_loop3A_1400, %parallel_loop3A_1401] {strides = array<i32>} : memref<256x64xf32, #tpu.memory_space<vmem>>, vector<16xf32>,
        tpu.vector_store_idx %arg11[%parallel_loop3A_1399, %parallel_loop3A_1390], %parallel_loop3A_1402 : memref<64x257xf32, #tpu.memory_space<vmem>>[vector<16xi32>, vector<16xi32>], vector<16xf32>,
        %parallel_loop3A_1403 = arith.constant 32 : i32
        %parallel_loop3A_1404 = vector.broadcast %parallel_loop3A_1403 : i32 to vector<16xi32>
        %parallel_loop3A_1405 = arith.addi %parallel_loop3A_1404, %iota3A_1247 : vector<16xi32>
        %parallel_loop3A_1406 = arith.index_cast %parallel_loop3A_1389 : i32 to index
        %parallel_loop3A_1407 = arith.constant 32 : index
        %parallel_loop3A_1408 = tpu.vector_load %arg7[%parallel_loop3A_1406, %parallel_loop3A_1407] {strides = array<i32>} : memref<256x64xf32, #tpu.memory_space<vmem>>, vector<16xf32>,
        tpu.vector_store_idx %arg11[%parallel_loop3A_1405, %parallel_loop3A_1390], %parallel_loop3A_1408 : memref<64x257xf32, #tpu.memory_space<vmem>>[vector<16xi32>, vector<16xi32>], vector<16xf32>,
        %parallel_loop3A_1409 = arith.constant 48 : i32
        %parallel_loop3A_1410 = vector.broadcast %parallel_loop3A_1409 : i32 to vector<16xi32>
        %parallel_loop3A_1411 = arith.addi %parallel_loop3A_1410, %iota3A_1247 : vector<16xi32>
        %parallel_loop3A_1412 = arith.index_cast %parallel_loop3A_1389 : i32 to index
        %parallel_loop3A_1413 = arith.constant 48 : index
        %parallel_loop3A_1414 = tpu.vector_load %arg7[%parallel_loop3A_1412, %parallel_loop3A_1413] {strides = array<i32>} : memref<256x64xf32, #tpu.memory_space<vmem>>, vector<16xf32>,
        tpu.vector_store_idx %arg11[%parallel_loop3A_1411, %parallel_loop3A_1390], %parallel_loop3A_1414 : memref<64x257xf32, #tpu.memory_space<vmem>>[vector<16xi32>, vector<16xi32>], vector<16xf32>,
      } {sc.loop_unroll_factor = 4 : i64, sc.parallel_access}
      %add3A_1251 = arith.constant 256 : i32
      %add3A_1252 = arith.addi %mul3A_2, %add3A_1251 : i32
      %dma_start3A_1253 = arith.constant 0 : i32
      %dma_start3A_1254 = arith.constant 0 : i32
      %dma_start3A_1255 = tpu.memref_slice %arg11[%dma_start3A_1253, %dma_start3A_1254] : memref<64x257xf32, #tpu.memory_space<vmem>> -> memref<64x256xf32, #tpu.memory_space<vmem>>
      %dma_start3A_1256 = arith.constant 0 : i32
      %dma_start3A_1257 = tpu.memref_slice %arg4[%add3A_1222, %dma_start3A_1256, %add3A_1252] : memref<50x64x16384xf32, #tpu.memory_space<hbm>> -> memref<1x64x256xf32, #tpu.memory_space<hbm>>
      %dma_start3A_1258 = tpu.memref_squeeze %dma_start3A_1257 : memref<1x64x256xf32, #tpu.memory_space<hbm>> -> memref<64x256xf32, #tpu.memory_space<hbm>>
      %dma_start3A_1259 = arith.constant 0 : i32
      %dma_start3A_1260 = tpu.memref_slice %arg4[%add3A_1222, %dma_start3A_1259, %add3A_1252] : memref<50x64x16384xf32, #tpu.memory_space<hbm>> -> memref<1x64x256xf32, #tpu.memory_space<hbm>>
      %dma_start3A_1261 = tpu.memref_squeeze %dma_start3A_1260 : memref<1x64x256xf32, #tpu.memory_space<hbm>> -> memref<64x256xf32, #tpu.memory_space<hbm>>
      %dma_start3A_1262 = arith.constant 0 : i32
      %dma_start3A_1263 = arith.constant 0 : i32
      %dma_start3A_1264 = tpu.memref_slice %arg11[%dma_start3A_1262, %dma_start3A_1263] : memref<64x257xf32, #tpu.memory_space<vmem>> -> memref<64x256xf32, #tpu.memory_space<vmem>>
      tpu.enqueue_dma source(%dma_start3A_1264 : memref<64x256xf32, #tpu.memory_space<vmem>>) target(%dma_start3A_1261 : memref<64x256xf32, #tpu.memory_space<hbm>>) target_semaphore(%arg17 : memref<!tpu.dma_semaphore, #tpu.memory_space<semaphore_mem>>)
      %add3A_1265 = arith.constant 4 : i32
      %add3A_1266 = arith.addi %add3A_1218, %add3A_1265 : i32
      %mul3A_1267 = arith.constant 256 : i32
      %mul3A_1268 = arith.muli %add3A_1266, %mul3A_1267 : i32
      %dma_start3A_1269 = tpu.memref_slice %arg5[%mul3A_1268] : memref<25600xi32, #tpu.memory_space<vmem>> -> memref<256xi32, #tpu.memory_space<vmem>>
      %dma_start3A_1270 = arith.constant 0 : i32
      %dma_start3A_1271 = arith.constant 0 : i32
      %dma_start3A_1272 = tpu.memref_slice %arg3[%dma_start3A_1270, %dma_start3A_1271] : memref<1000000x64xf32, #tpu.memory_space<hbm>> -> memref<1000000x64xf32, #tpu.memory_space<hbm>>
      tpu.enqueue_indirect_dma source(%dma_start3A_1272 : memref<1000000x64xf32, #tpu.memory_space<hbm>>) target(%arg7 : memref<256x64xf32, #tpu.memory_space<vmem>>) offsets(%dma_start3A_1269 : memref<256xi32, #tpu.memory_space<vmem>>) semaphore(%arg13 : memref<!tpu.dma_semaphore, #tpu.memory_space<semaphore_mem>>)
      %mul3A_1273 = arith.constant 4 : i32
      %mul3A_1274 = arith.muli %mul3A_1273, %scan3A_1156 : i32
      %add3A_1275 = arith.constant 2 : i32
      %add3A_1276 = arith.addi %mul3A_1274, %add3A_1275 : i32
      %mul3A_1277 = arith.constant 2 : i32
      %mul3A_1278 = arith.muli %mul3A_1277, %scan3A_1156 : i32
      %add3A_1279 = arith.constant 1 : i32
      %add3A_1280 = arith.addi %mul3A_1278, %add3A_1279 : i32
      %mul3A_1281 = arith.constant 256 : i32
      %mul3A_1282 = arith.muli %add3A_1276, %mul3A_1281 : i32
      %dma_wait3A_1283 = tpu.memref_slice %arg5[%mul3A_1282] : memref<25600xi32, #tpu.memory_space<vmem>> -> memref<256xi32, #tpu.memory_space<vmem>>
      %dma_wait3A_1284 = arith.constant 0 : i32
      %dma_wait3A_1285 = arith.constant 0 : i32
      %dma_wait3A_1286 = tpu.memref_slice %arg3[%dma_wait3A_1284, %dma_wait3A_1285] : memref<1000000x64xf32, #tpu.memory_space<hbm>> -> memref<1000000x64xf32, #tpu.memory_space<hbm>>
      tpu.wait_indirect_dma semaphore(%arg14 : memref<!tpu.dma_semaphore, #tpu.memory_space<semaphore_mem>>) src(%dma_wait3A_1286 : memref<1000000x64xf32, #tpu.memory_space<hbm>>) dst(%arg8 : memref<256x64xf32, #tpu.memory_space<vmem>>)
      %mul3A_1287 = arith.constant 2 : i32
      %mul3A_1288 = arith.muli %mul3A_1287, %scan3A_1156 : i32
      %add3A_1289 = arith.constant 0 : i32
      %add3A_1290 = arith.addi %mul3A_1288, %add3A_1289 : i32
      %add3A_1291 = arith.constant 0 : i32
      %add3A_1292 = arith.addi %mul3A_2, %add3A_1291 : i32
      %dma_wait3A_1293 = arith.constant 0 : i32
      %dma_wait3A_1294 = arith.constant 0 : i32
      %dma_wait3A_1295 = tpu.memref_slice %arg10[%dma_wait3A_1293, %dma_wait3A_1294] : memref<64x257xf32, #tpu.memory_space<vmem>> -> memref<64x256xf32, #tpu.memory_space<vmem>>
      %dma_wait3A_1296 = arith.constant 0 : i32
      %dma_wait3A_1297 = tpu.memref_slice %arg4[%add3A_1290, %dma_wait3A_1296, %add3A_1292] : memref<50x64x16384xf32, #tpu.memory_space<hbm>> -> memref<1x64x256xf32, #tpu.memory_space<hbm>>
      %dma_wait3A_1298 = tpu.memref_squeeze %dma_wait3A_1297 : memref<1x64x256xf32, #tpu.memory_space<hbm>> -> memref<64x256xf32, #tpu.memory_space<hbm>>
      %dma_wait3A_1299 = arith.constant 0 : i32
      %dma_wait3A_1300 = tpu.memref_slice %arg4[%add3A_1290, %dma_wait3A_1299, %add3A_1292] : memref<50x64x16384xf32, #tpu.memory_space<hbm>> -> memref<1x64x256xf32, #tpu.memory_space<hbm>>
      %dma_wait3A_1301 = tpu.memref_squeeze %dma_wait3A_1300 : memref<1x64x256xf32, #tpu.memory_space<hbm>> -> memref<64x256xf32, #tpu.memory_space<hbm>>
      %dma_wait3A_1302 = arith.constant 0 : i32
      %dma_wait3A_1303 = arith.constant 0 : i32
      %dma_wait3A_1304 = tpu.memref_slice %arg10[%dma_wait3A_1302, %dma_wait3A_1303] : memref<64x257xf32, #tpu.memory_space<vmem>> -> memref<64x256xf32, #tpu.memory_space<vmem>>
      tpu.wait_dma2 semaphore(%arg16 : memref<!tpu.dma_semaphore, #tpu.memory_space<semaphore_mem>>) src(%dma_wait3A_1304 : memref<64x256xf32, #tpu.memory_space<vmem>>) dst(%dma_wait3A_1301 : memref<64x256xf32, #tpu.memory_space<hbm>>)
      %iota3A_1305 = tpu.iota {dimensions = array<i32: 0>} : vector<16xi32>
      %parallel_loop3A_1306 = arith.constant 0 : i32
      %parallel_loop3A_1307 = arith.constant 256 : i32
      %parallel_loop3A_1308 = arith.constant 1 : i32
      scf.for %parallel_loop3A_1389 = %parallel_loop3A_1306 to %parallel_loop3A_1307 step %parallel_loop3A_1308  : i32 {
        %parallel_loop3A_1390 = vector.broadcast %parallel_loop3A_1389 : i32 to vector<16xi32>
        %parallel_loop3A_1391 = arith.constant 0 : i32
        %parallel_loop3A_1392 = vector.broadcast %parallel_loop3A_1391 : i32 to vector<16xi32>
        %parallel_loop3A_1393 = arith.addi %parallel_loop3A_1392, %iota3A_1305 : vector<16xi32>
        %parallel_loop3A_1394 = arith.index_cast %parallel_loop3A_1389 : i32 to index
        %parallel_loop3A_1395 = arith.constant 0 : index
        %parallel_loop3A_1396 = tpu.vector_load %arg8[%parallel_loop3A_1394, %parallel_loop3A_1395] {strides = array<i32>} : memref<256x64xf32, #tpu.memory_space<vmem>>, vector<16xf32>,
        tpu.vector_store_idx %arg10[%parallel_loop3A_1393, %parallel_loop3A_1390], %parallel_loop3A_1396 : memref<64x257xf32, #tpu.memory_space<vmem>>[vector<16xi32>, vector<16xi32>], vector<16xf32>,
        %parallel_loop3A_1397 = arith.constant 16 : i32
        %parallel_loop3A_1398 = vector.broadcast %parallel_loop3A_1397 : i32 to vector<16xi32>
        %parallel_loop3A_1399 = arith.addi %parallel_loop3A_1398, %iota3A_1305 : vector<16xi32>
        %parallel_loop3A_1400 = arith.index_cast %parallel_loop3A_1389 : i32 to index
        %parallel_loop3A_1401 = arith.constant 16 : index
        %parallel_loop3A_1402 = tpu.vector_load %arg8[%parallel_loop3A_1400, %parallel_loop3A_1401] {strides = array<i32>} : memref<256x64xf32, #tpu.memory_space<vmem>>, vector<16xf32>,
        tpu.vector_store_idx %arg10[%parallel_loop3A_1399, %parallel_loop3A_1390], %parallel_loop3A_1402 : memref<64x257xf32, #tpu.memory_space<vmem>>[vector<16xi32>, vector<16xi32>], vector<16xf32>,
        %parallel_loop3A_1403 = arith.constant 32 : i32
        %parallel_loop3A_1404 = vector.broadcast %parallel_loop3A_1403 : i32 to vector<16xi32>
        %parallel_loop3A_1405 = arith.addi %parallel_loop3A_1404, %iota3A_1305 : vector<16xi32>
        %parallel_loop3A_1406 = arith.index_cast %parallel_loop3A_1389 : i32 to index
        %parallel_loop3A_1407 = arith.constant 32 : index
        %parallel_loop3A_1408 = tpu.vector_load %arg8[%parallel_loop3A_1406, %parallel_loop3A_1407] {strides = array<i32>} : memref<256x64xf32, #tpu.memory_space<vmem>>, vector<16xf32>,
        tpu.vector_store_idx %arg10[%parallel_loop3A_1405, %parallel_loop3A_1390], %parallel_loop3A_1408 : memref<64x257xf32, #tpu.memory_space<vmem>>[vector<16xi32>, vector<16xi32>], vector<16xf32>,
        %parallel_loop3A_1409 = arith.constant 48 : i32
        %parallel_loop3A_1410 = vector.broadcast %parallel_loop3A_1409 : i32 to vector<16xi32>
        %parallel_loop3A_1411 = arith.addi %parallel_loop3A_1410, %iota3A_1305 : vector<16xi32>
        %parallel_loop3A_1412 = arith.index_cast %parallel_loop3A_1389 : i32 to index
        %parallel_loop3A_1413 = arith.constant 48 : index
        %parallel_loop3A_1414 = tpu.vector_load %arg8[%parallel_loop3A_1412, %parallel_loop3A_1413] {strides = array<i32>} : memref<256x64xf32, #tpu.memory_space<vmem>>, vector<16xf32>,
        tpu.vector_store_idx %arg10[%parallel_loop3A_1411, %parallel_loop3A_1390], %parallel_loop3A_1414 : memref<64x257xf32, #tpu.memory_space<vmem>>[vector<16xi32>, vector<16xi32>], vector<16xf32>,
      } {sc.loop_unroll_factor = 4 : i64, sc.parallel_access}
      %add3A_1309 = arith.constant 0 : i32
      %add3A_1310 = arith.addi %mul3A_2, %add3A_1309 : i32
      %dma_start3A_1311 = arith.constant 0 : i32
      %dma_start3A_1312 = arith.constant 0 : i32
      %dma_start3A_1313 = tpu.memref_slice %arg10[%dma_start3A_1311, %dma_start3A_1312] : memref<64x257xf32, #tpu.memory_space<vmem>> -> memref<64x256xf32, #tpu.memory_space<vmem>>
      %dma_start3A_1314 = arith.constant 0 : i32
      %dma_start3A_1315 = tpu.memref_slice %arg4[%add3A_1280, %dma_start3A_1314, %add3A_1310] : memref<50x64x16384xf32, #tpu.memory_space<hbm>> -> memref<1x64x256xf32, #tpu.memory_space<hbm>>
      %dma_start3A_1316 = tpu.memref_squeeze %dma_start3A_1315 : memref<1x64x256xf32, #tpu.memory_space<hbm>> -> memref<64x256xf32, #tpu.memory_space<hbm>>
      %dma_start3A_1317 = arith.constant 0 : i32
      %dma_start3A_1318 = tpu.memref_slice %arg4[%add3A_1280, %dma_start3A_1317, %add3A_1310] : memref<50x64x16384xf32, #tpu.memory_space<hbm>> -> memref<1x64x256xf32, #tpu.memory_space<hbm>>
      %dma_start3A_1319 = tpu.memref_squeeze %dma_start3A_1318 : memref<1x64x256xf32, #tpu.memory_space<hbm>> -> memref<64x256xf32, #tpu.memory_space<hbm>>
      %dma_start3A_1320 = arith.constant 0 : i32
      %dma_start3A_1321 = arith.constant 0 : i32
      %dma_start3A_1322 = tpu.memref_slice %arg10[%dma_start3A_1320, %dma_start3A_1321] : memref<64x257xf32, #tpu.memory_space<vmem>> -> memref<64x256xf32, #tpu.memory_space<vmem>>
      tpu.enqueue_dma source(%dma_start3A_1322 : memref<64x256xf32, #tpu.memory_space<vmem>>) target(%dma_start3A_1319 : memref<64x256xf32, #tpu.memory_space<hbm>>) target_semaphore(%arg16 : memref<!tpu.dma_semaphore, #tpu.memory_space<semaphore_mem>>)
      %add3A_1323 = arith.constant 4 : i32
      %add3A_1324 = arith.addi %add3A_1276, %add3A_1323 : i32
      %mul3A_1325 = arith.constant 256 : i32
      %mul3A_1326 = arith.muli %add3A_1324, %mul3A_1325 : i32
      %dma_start3A_1327 = tpu.memref_slice %arg5[%mul3A_1326] : memref<25600xi32, #tpu.memory_space<vmem>> -> memref<256xi32, #tpu.memory_space<vmem>>
      %dma_start3A_1328 = arith.constant 0 : i32
      %dma_start3A_1329 = arith.constant 0 : i32
      %dma_start3A_1330 = tpu.memref_slice %arg3[%dma_start3A_1328, %dma_start3A_1329] : memref<1000000x64xf32, #tpu.memory_space<hbm>> -> memref<1000000x64xf32, #tpu.memory_space<hbm>>
      tpu.enqueue_indirect_dma source(%dma_start3A_1330 : memref<1000000x64xf32, #tpu.memory_space<hbm>>) target(%arg8 : memref<256x64xf32, #tpu.memory_space<vmem>>) offsets(%dma_start3A_1327 : memref<256xi32, #tpu.memory_space<vmem>>) semaphore(%arg14 : memref<!tpu.dma_semaphore, #tpu.memory_space<semaphore_mem>>)
      %mul3A_1331 = arith.constant 4 : i32
      %mul3A_1332 = arith.muli %mul3A_1331, %scan3A_1156 : i32
      %add3A_1333 = arith.constant 3 : i32
      %add3A_1334 = arith.addi %mul3A_1332, %add3A_1333 : i32
      %mul3A_1335 = arith.constant 2 : i32
      %mul3A_1336 = arith.muli %mul3A_1335, %scan3A_1156 : i32
      %add3A_1337 = arith.constant 1 : i32
      %add3A_1338 = arith.addi %mul3A_1336, %add3A_1337 : i32
      %mul3A_1339 = arith.constant 256 : i32
      %mul3A_1340 = arith.muli %add3A_1334, %mul3A_1339 : i32
      %dma_wait3A_1341 = tpu.memref_slice %arg5[%mul3A_1340] : memref<25600xi32, #tpu.memory_space<vmem>> -> memref<256xi32, #tpu.memory_space<vmem>>
      %dma_wait3A_1342 = arith.constant 0 : i32
      %dma_wait3A_1343 = arith.constant 0 : i32
      %dma_wait3A_1344 = tpu.memref_slice %arg3[%dma_wait3A_1342, %dma_wait3A_1343] : memref<1000000x64xf32, #tpu.memory_space<hbm>> -> memref<1000000x64xf32, #tpu.memory_space<hbm>>
      tpu.wait_indirect_dma semaphore(%arg15 : memref<!tpu.dma_semaphore, #tpu.memory_space<semaphore_mem>>) src(%dma_wait3A_1344 : memref<1000000x64xf32, #tpu.memory_space<hbm>>) dst(%arg9 : memref<256x64xf32, #tpu.memory_space<vmem>>)
      %mul3A_1345 = arith.constant 2 : i32
      %mul3A_1346 = arith.muli %mul3A_1345, %scan3A_1156 : i32
      %add3A_1347 = arith.constant 0 : i32
      %add3A_1348 = arith.addi %mul3A_1346, %add3A_1347 : i32
      %add3A_1349 = arith.constant 256 : i32
      %add3A_1350 = arith.addi %mul3A_2, %add3A_1349 : i32
      %dma_wait3A_1351 = arith.constant 0 : i32
      %dma_wait3A_1352 = arith.constant 0 : i32
      %dma_wait3A_1353 = tpu.memref_slice %arg11[%dma_wait3A_1351, %dma_wait3A_1352] : memref<64x257xf32, #tpu.memory_space<vmem>> -> memref<64x256xf32, #tpu.memory_space<vmem>>
      %dma_wait3A_1354 = arith.constant 0 : i32
      %dma_wait3A_1355 = tpu.memref_slice %arg4[%add3A_1348, %dma_wait3A_1354, %add3A_1350] : memref<50x64x16384xf32, #tpu.memory_space<hbm>> -> memref<1x64x256xf32, #tpu.memory_space<hbm>>
      %dma_wait3A_1356 = tpu.memref_squeeze %dma_wait3A_1355 : memref<1x64x256xf32, #tpu.memory_space<hbm>> -> memref<64x256xf32, #tpu.memory_space<hbm>>
      %dma_wait3A_1357 = arith.constant 0 : i32
      %dma_wait3A_1358 = tpu.memref_slice %arg4[%add3A_1348, %dma_wait3A_1357, %add3A_1350] : memref<50x64x16384xf32, #tpu.memory_space<hbm>> -> memref<1x64x256xf32, #tpu.memory_space<hbm>>
      %dma_wait3A_1359 = tpu.memref_squeeze %dma_wait3A_1358 : memref<1x64x256xf32, #tpu.memory_space<hbm>> -> memref<64x256xf32, #tpu.memory_space<hbm>>
      %dma_wait3A_1360 = arith.constant 0 : i32
      %dma_wait3A_1361 = arith.constant 0 : i32
      %dma_wait3A_1362 = tpu.memref_slice %arg11[%dma_wait3A_1360, %dma_wait3A_1361] : memref<64x257xf32, #tpu.memory_space<vmem>> -> memref<64x256xf32, #tpu.memory_space<vmem>>
      tpu.wait_dma2 semaphore(%arg17 : memref<!tpu.dma_semaphore, #tpu.memory_space<semaphore_mem>>) src(%dma_wait3A_1362 : memref<64x256xf32, #tpu.memory_space<vmem>>) dst(%dma_wait3A_1359 : memref<64x256xf32, #tpu.memory_space<hbm>>)
      %iota3A_1363 = tpu.iota {dimensions = array<i32: 0>} : vector<16xi32>
      %parallel_loop3A_1364 = arith.constant 0 : i32
      %parallel_loop3A_1365 = arith.constant 256 : i32
      %parallel_loop3A_1366 = arith.constant 1 : i32
      scf.for %parallel_loop3A_1389 = %parallel_loop3A_1364 to %parallel_loop3A_1365 step %parallel_loop3A_1366  : i32 {
        %parallel_loop3A_1390 = vector.broadcast %parallel_loop3A_1389 : i32 to vector<16xi32>
        %parallel_loop3A_1391 = arith.constant 0 : i32
        %parallel_loop3A_1392 = vector.broadcast %parallel_loop3A_1391 : i32 to vector<16xi32>
        %parallel_loop3A_1393 = arith.addi %parallel_loop3A_1392, %iota3A_1363 : vector<16xi32>
        %parallel_loop3A_1394 = arith.index_cast %parallel_loop3A_1389 : i32 to index
        %parallel_loop3A_1395 = arith.constant 0 : index
        %parallel_loop3A_1396 = tpu.vector_load %arg9[%parallel_loop3A_1394, %parallel_loop3A_1395] {strides = array<i32>} : memref<256x64xf32, #tpu.memory_space<vmem>>, vector<16xf32>,
        tpu.vector_store_idx %arg11[%parallel_loop3A_1393, %parallel_loop3A_1390], %parallel_loop3A_1396 : memref<64x257xf32, #tpu.memory_space<vmem>>[vector<16xi32>, vector<16xi32>], vector<16xf32>,
        %parallel_loop3A_1397 = arith.constant 16 : i32
        %parallel_loop3A_1398 = vector.broadcast %parallel_loop3A_1397 : i32 to vector<16xi32>
        %parallel_loop3A_1399 = arith.addi %parallel_loop3A_1398, %iota3A_1363 : vector<16xi32>
        %parallel_loop3A_1400 = arith.index_cast %parallel_loop3A_1389 : i32 to index
        %parallel_loop3A_1401 = arith.constant 16 : index
        %parallel_loop3A_1402 = tpu.vector_load %arg9[%parallel_loop3A_1400, %parallel_loop3A_1401] {strides = array<i32>} : memref<256x64xf32, #tpu.memory_space<vmem>>, vector<16xf32>,
        tpu.vector_store_idx %arg11[%parallel_loop3A_1399, %parallel_loop3A_1390], %parallel_loop3A_1402 : memref<64x257xf32, #tpu.memory_space<vmem>>[vector<16xi32>, vector<16xi32>], vector<16xf32>,
        %parallel_loop3A_1403 = arith.constant 32 : i32
        %parallel_loop3A_1404 = vector.broadcast %parallel_loop3A_1403 : i32 to vector<16xi32>
        %parallel_loop3A_1405 = arith.addi %parallel_loop3A_1404, %iota3A_1363 : vector<16xi32>
        %parallel_loop3A_1406 = arith.index_cast %parallel_loop3A_1389 : i32 to index
        %parallel_loop3A_1407 = arith.constant 32 : index
        %parallel_loop3A_1408 = tpu.vector_load %arg9[%parallel_loop3A_1406, %parallel_loop3A_1407] {strides = array<i32>} : memref<256x64xf32, #tpu.memory_space<vmem>>, vector<16xf32>,
        tpu.vector_store_idx %arg11[%parallel_loop3A_1405, %parallel_loop3A_1390], %parallel_loop3A_1408 : memref<64x257xf32, #tpu.memory_space<vmem>>[vector<16xi32>, vector<16xi32>], vector<16xf32>,
        %parallel_loop3A_1409 = arith.constant 48 : i32
        %parallel_loop3A_1410 = vector.broadcast %parallel_loop3A_1409 : i32 to vector<16xi32>
        %parallel_loop3A_1411 = arith.addi %parallel_loop3A_1410, %iota3A_1363 : vector<16xi32>
        %parallel_loop3A_1412 = arith.index_cast %parallel_loop3A_1389 : i32 to index
        %parallel_loop3A_1413 = arith.constant 48 : index
        %parallel_loop3A_1414 = tpu.vector_load %arg9[%parallel_loop3A_1412, %parallel_loop3A_1413] {strides = array<i32>} : memref<256x64xf32, #tpu.memory_space<vmem>>, vector<16xf32>,
        tpu.vector_store_idx %arg11[%parallel_loop3A_1411, %parallel_loop3A_1390], %parallel_loop3A_1414 : memref<64x257xf32, #tpu.memory_space<vmem>>[vector<16xi32>, vector<16xi32>], vector<16xf32>,
      } {sc.loop_unroll_factor = 4 : i64, sc.parallel_access}
      %add3A_1367 = arith.constant 256 : i32
      %add3A_1368 = arith.addi %mul3A_2, %add3A_1367 : i32
      %dma_start3A_1369 = arith.constant 0 : i32
      %dma_start3A_1370 = arith.constant 0 : i32
      %dma_start3A_1371 = tpu.memref_slice %arg11[%dma_start3A_1369, %dma_start3A_1370] : memref<64x257xf32, #tpu.memory_space<vmem>> -> memref<64x256xf32, #tpu.memory_space<vmem>>
      %dma_start3A_1372 = arith.constant 0 : i32
      %dma_start3A_1373 = tpu.memref_slice %arg4[%add3A_1338, %dma_start3A_1372, %add3A_1368] : memref<50x64x16384xf32, #tpu.memory_space<hbm>> -> memref<1x64x256xf32, #tpu.memory_space<hbm>>
      %dma_start3A_1374 = tpu.memref_squeeze %dma_start3A_1373 : memref<1x64x256xf32, #tpu.memory_space<hbm>> -> memref<64x256xf32, #tpu.memory_space<hbm>>
      %dma_start3A_1375 = arith.constant 0 : i32
      %dma_start3A_1376 = tpu.memref_slice %arg4[%add3A_1338, %dma_start3A_1375, %add3A_1368] : memref<50x64x16384xf32, #tpu.memory_space<hbm>> -> memref<1x64x256xf32, #tpu.memory_space<hbm>>
      %dma_start3A_1377 = tpu.memref_squeeze %dma_start3A_1376 : memref<1x64x256xf32, #tpu.memory_space<hbm>> -> memref<64x256xf32, #tpu.memory_space<hbm>>
      %dma_start3A_1378 = arith.constant 0 : i32
      %dma_start3A_1379 = arith.constant 0 : i32
      %dma_start3A_1380 = tpu.memref_slice %arg11[%dma_start3A_1378, %dma_start3A_1379] : memref<64x257xf32, #tpu.memory_space<vmem>> -> memref<64x256xf32, #tpu.memory_space<vmem>>
      tpu.enqueue_dma source(%dma_start3A_1380 : memref<64x256xf32, #tpu.memory_space<vmem>>) target(%dma_start3A_1377 : memref<64x256xf32, #tpu.memory_space<hbm>>) target_semaphore(%arg17 : memref<!tpu.dma_semaphore, #tpu.memory_space<semaphore_mem>>)
      %add3A_1381 = arith.constant 4 : i32
      %add3A_1382 = arith.addi %add3A_1334, %add3A_1381 : i32
      %mul3A_1383 = arith.constant 256 : i32
      %mul3A_1384 = arith.muli %add3A_1382, %mul3A_1383 : i32
      %dma_start3A_1385 = tpu.memref_slice %arg5[%mul3A_1384] : memref<25600xi32, #tpu.memory_space<vmem>> -> memref<256xi32, #tpu.memory_space<vmem>>
      %dma_start3A_1386 = arith.constant 0 : i32
      %dma_start3A_1387 = arith.constant 0 : i32
      %dma_start3A_1388 = tpu.memref_slice %arg3[%dma_start3A_1386, %dma_start3A_1387] : memref<1000000x64xf32, #tpu.memory_space<hbm>> -> memref<1000000x64xf32, #tpu.memory_space<hbm>>
      tpu.enqueue_indirect_dma source(%dma_start3A_1388 : memref<1000000x64xf32, #tpu.memory_space<hbm>>) target(%arg9 : memref<256x64xf32, #tpu.memory_space<vmem>>) offsets(%dma_start3A_1385 : memref<256xi32, #tpu.memory_space<vmem>>) semaphore(%arg15 : memref<!tpu.dma_semaphore, #tpu.memory_space<semaphore_mem>>)
    }
    %scan3A_969 = arith.constant 23 : i32
    %dma_wait3A_970 = arith.constant 24576 : i32
    %dma_wait3A_971 = tpu.memref_slice %arg5[%dma_wait3A_970] : memref<25600xi32, #tpu.memory_space<vmem>> -> memref<256xi32, #tpu.memory_space<vmem>>
    %dma_wait3A_972 = arith.constant 0 : i32
    %dma_wait3A_973 = arith.constant 0 : i32
    %dma_wait3A_974 = tpu.memref_slice %arg3[%dma_wait3A_972, %dma_wait3A_973] : memref<1000000x64xf32, #tpu.memory_space<hbm>> -> memref<1000000x64xf32, #tpu.memory_space<hbm>>
    tpu.wait_indirect_dma semaphore(%arg12 : memref<!tpu.dma_semaphore, #tpu.memory_space<semaphore_mem>>) src(%dma_wait3A_974 : memref<1000000x64xf32, #tpu.memory_space<hbm>>) dst(%arg6 : memref<256x64xf32, #tpu.memory_space<vmem>>)
    %add3A_975 = arith.constant 0 : i32
    %add3A_976 = arith.addi %mul3A_2, %add3A_975 : i32
    %dma_wait3A_977 = arith.constant 47 : i32
    %dma_wait3A_978 = arith.constant 0 : i32
    %dma_wait3A_979 = arith.constant 0 : i32
    %dma_wait3A_980 = tpu.memref_slice %arg10[%dma_wait3A_978, %dma_wait3A_979] : memref<64x257xf32, #tpu.memory_space<vmem>> -> memref<64x256xf32, #tpu.memory_space<vmem>>
    %dma_wait3A_981 = arith.constant 0 : i32
    %dma_wait3A_982 = tpu.memref_slice %arg4[%dma_wait3A_977, %dma_wait3A_981, %add3A_976] : memref<50x64x16384xf32, #tpu.memory_space<hbm>> -> memref<1x64x256xf32, #tpu.memory_space<hbm>>
    %dma_wait3A_983 = tpu.memref_squeeze %dma_wait3A_982 : memref<1x64x256xf32, #tpu.memory_space<hbm>> -> memref<64x256xf32, #tpu.memory_space<hbm>>
    %dma_wait3A_984 = arith.constant 0 : i32
    %dma_wait3A_985 = tpu.memref_slice %arg4[%dma_wait3A_977, %dma_wait3A_984, %add3A_976] : memref<50x64x16384xf32, #tpu.memory_space<hbm>> -> memref<1x64x256xf32, #tpu.memory_space<hbm>>
    %dma_wait3A_986 = tpu.memref_squeeze %dma_wait3A_985 : memref<1x64x256xf32, #tpu.memory_space<hbm>> -> memref<64x256xf32, #tpu.memory_space<hbm>>
    %dma_wait3A_987 = arith.constant 0 : i32
    %dma_wait3A_988 = arith.constant 0 : i32
    %dma_wait3A_989 = tpu.memref_slice %arg10[%dma_wait3A_987, %dma_wait3A_988] : memref<64x257xf32, #tpu.memory_space<vmem>> -> memref<64x256xf32, #tpu.memory_space<vmem>>
    tpu.wait_dma2 semaphore(%arg16 : memref<!tpu.dma_semaphore, #tpu.memory_space<semaphore_mem>>) src(%dma_wait3A_989 : memref<64x256xf32, #tpu.memory_space<vmem>>) dst(%dma_wait3A_986 : memref<64x256xf32, #tpu.memory_space<hbm>>)
    %iota3A_990 = tpu.iota {dimensions = array<i32: 0>} : vector<16xi32>
    %parallel_loop3A_991 = arith.constant 0 : i32
    %parallel_loop3A_992 = arith.constant 256 : i32
    %parallel_loop3A_993 = arith.constant 1 : i32
    scf.for %parallel_loop3A_1156 = %parallel_loop3A_991 to %parallel_loop3A_992 step %parallel_loop3A_993  : i32 {
      %parallel_loop3A_1157 = vector.broadcast %parallel_loop3A_1156 : i32 to vector<16xi32>
      %parallel_loop3A_1158 = arith.constant 0 : i32
      %parallel_loop3A_1159 = vector.broadcast %parallel_loop3A_1158 : i32 to vector<16xi32>
      %parallel_loop3A_1160 = arith.addi %parallel_loop3A_1159, %iota3A_990 : vector<16xi32>
      %parallel_loop3A_1161 = arith.index_cast %parallel_loop3A_1156 : i32 to index
      %parallel_loop3A_1162 = arith.constant 0 : index
      %parallel_loop3A_1163 = tpu.vector_load %arg6[%parallel_loop3A_1161, %parallel_loop3A_1162] {strides = array<i32>} : memref<256x64xf32, #tpu.memory_space<vmem>>, vector<16xf32>,
      tpu.vector_store_idx %arg10[%parallel_loop3A_1160, %parallel_loop3A_1157], %parallel_loop3A_1163 : memref<64x257xf32, #tpu.memory_space<vmem>>[vector<16xi32>, vector<16xi32>], vector<16xf32>,
      %parallel_loop3A_1164 = arith.constant 16 : i32
      %parallel_loop3A_1165 = vector.broadcast %parallel_loop3A_1164 : i32 to vector<16xi32>
      %parallel_loop3A_1166 = arith.addi %parallel_loop3A_1165, %iota3A_990 : vector<16xi32>
      %parallel_loop3A_1167 = arith.index_cast %parallel_loop3A_1156 : i32 to index
      %parallel_loop3A_1168 = arith.constant 16 : index
      %parallel_loop3A_1169 = tpu.vector_load %arg6[%parallel_loop3A_1167, %parallel_loop3A_1168] {strides = array<i32>} : memref<256x64xf32, #tpu.memory_space<vmem>>, vector<16xf32>,
      tpu.vector_store_idx %arg10[%parallel_loop3A_1166, %parallel_loop3A_1157], %parallel_loop3A_1169 : memref<64x257xf32, #tpu.memory_space<vmem>>[vector<16xi32>, vector<16xi32>], vector<16xf32>,
      %parallel_loop3A_1170 = arith.constant 32 : i32
      %parallel_loop3A_1171 = vector.broadcast %parallel_loop3A_1170 : i32 to vector<16xi32>
      %parallel_loop3A_1172 = arith.addi %parallel_loop3A_1171, %iota3A_990 : vector<16xi32>
      %parallel_loop3A_1173 = arith.index_cast %parallel_loop3A_1156 : i32 to index
      %parallel_loop3A_1174 = arith.constant 32 : index
      %parallel_loop3A_1175 = tpu.vector_load %arg6[%parallel_loop3A_1173, %parallel_loop3A_1174] {strides = array<i32>} : memref<256x64xf32, #tpu.memory_space<vmem>>, vector<16xf32>,
      tpu.vector_store_idx %arg10[%parallel_loop3A_1172, %parallel_loop3A_1157], %parallel_loop3A_1175 : memref<64x257xf32, #tpu.memory_space<vmem>>[vector<16xi32>, vector<16xi32>], vector<16xf32>,
      %parallel_loop3A_1176 = arith.constant 48 : i32
      %parallel_loop3A_1177 = vector.broadcast %parallel_loop3A_1176 : i32 to vector<16xi32>
      %parallel_loop3A_1178 = arith.addi %parallel_loop3A_1177, %iota3A_990 : vector<16xi32>
      %parallel_loop3A_1179 = arith.index_cast %parallel_loop3A_1156 : i32 to index
      %parallel_loop3A_1180 = arith.constant 48 : index
      %parallel_loop3A_1181 = tpu.vector_load %arg6[%parallel_loop3A_1179, %parallel_loop3A_1180] {strides = array<i32>} : memref<256x64xf32, #tpu.memory_space<vmem>>, vector<16xf32>,
      tpu.vector_store_idx %arg10[%parallel_loop3A_1178, %parallel_loop3A_1157], %parallel_loop3A_1181 : memref<64x257xf32, #tpu.memory_space<vmem>>[vector<16xi32>, vector<16xi32>], vector<16xf32>,
    } {sc.loop_unroll_factor = 4 : i64, sc.parallel_access}
    %add3A_994 = arith.constant 0 : i32
    %add3A_995 = arith.addi %mul3A_2, %add3A_994 : i32
    %dma_start3A_996 = arith.constant 48 : i32
    %dma_start3A_997 = arith.constant 0 : i32
    %dma_start3A_998 = arith.constant 0 : i32
    %dma_start3A_999 = tpu.memref_slice %arg10[%dma_start3A_997, %dma_start3A_998] : memref<64x257xf32, #tpu.memory_space<vmem>> -> memref<64x256xf32, #tpu.memory_space<vmem>>
    %dma_start3A_1000 = arith.constant 0 : i32
    %dma_start3A_1001 = tpu.memref_slice %arg4[%dma_start3A_996, %dma_start3A_1000, %add3A_995] : memref<50x64x16384xf32, #tpu.memory_space<hbm>> -> memref<1x64x256xf32, #tpu.memory_space<hbm>>
    %dma_start3A_1002 = tpu.memref_squeeze %dma_start3A_1001 : memref<1x64x256xf32, #tpu.memory_space<hbm>> -> memref<64x256xf32, #tpu.memory_space<hbm>>
    %dma_start3A_1003 = arith.constant 0 : i32
    %dma_start3A_1004 = tpu.memref_slice %arg4[%dma_start3A_996, %dma_start3A_1003, %add3A_995] : memref<50x64x16384xf32, #tpu.memory_space<hbm>> -> memref<1x64x256xf32, #tpu.memory_space<hbm>>
    %dma_start3A_1005 = tpu.memref_squeeze %dma_start3A_1004 : memref<1x64x256xf32, #tpu.memory_space<hbm>> -> memref<64x256xf32, #tpu.memory_space<hbm>>
    %dma_start3A_1006 = arith.constant 0 : i32
    %dma_start3A_1007 = arith.constant 0 : i32
    %dma_start3A_1008 = tpu.memref_slice %arg10[%dma_start3A_1006, %dma_start3A_1007] : memref<64x257xf32, #tpu.memory_space<vmem>> -> memref<64x256xf32, #tpu.memory_space<vmem>>
    tpu.enqueue_dma source(%dma_start3A_1008 : memref<64x256xf32, #tpu.memory_space<vmem>>) target(%dma_start3A_1005 : memref<64x256xf32, #tpu.memory_space<hbm>>) target_semaphore(%arg16 : memref<!tpu.dma_semaphore, #tpu.memory_space<semaphore_mem>>)
    %dma_wait3A_1009 = arith.constant 24832 : i32
    %dma_wait3A_1010 = tpu.memref_slice %arg5[%dma_wait3A_1009] : memref<25600xi32, #tpu.memory_space<vmem>> -> memref<256xi32, #tpu.memory_space<vmem>>
    %dma_wait3A_1011 = arith.constant 0 : i32
    %dma_wait3A_1012 = arith.constant 0 : i32
    %dma_wait3A_1013 = tpu.memref_slice %arg3[%dma_wait3A_1011, %dma_wait3A_1012] : memref<1000000x64xf32, #tpu.memory_space<hbm>> -> memref<1000000x64xf32, #tpu.memory_space<hbm>>
    tpu.wait_indirect_dma semaphore(%arg13 : memref<!tpu.dma_semaphore, #tpu.memory_space<semaphore_mem>>) src(%dma_wait3A_1013 : memref<1000000x64xf32, #tpu.memory_space<hbm>>) dst(%arg7 : memref<256x64xf32, #tpu.memory_space<vmem>>)
    %add3A_1014 = arith.constant 256 : i32
    %add3A_1015 = arith.addi %mul3A_2, %add3A_1014 : i32
    %dma_wait3A_1016 = arith.constant 47 : i32
    %dma_wait3A_1017 = arith.constant 0 : i32
    %dma_wait3A_1018 = arith.constant 0 : i32
    %dma_wait3A_1019 = tpu.memref_slice %arg11[%dma_wait3A_1017, %dma_wait3A_1018] : memref<64x257xf32, #tpu.memory_space<vmem>> -> memref<64x256xf32, #tpu.memory_space<vmem>>
    %dma_wait3A_1020 = arith.constant 0 : i32
    %dma_wait3A_1021 = tpu.memref_slice %arg4[%dma_wait3A_1016, %dma_wait3A_1020, %add3A_1015] : memref<50x64x16384xf32, #tpu.memory_space<hbm>> -> memref<1x64x256xf32, #tpu.memory_space<hbm>>
    %dma_wait3A_1022 = tpu.memref_squeeze %dma_wait3A_1021 : memref<1x64x256xf32, #tpu.memory_space<hbm>> -> memref<64x256xf32, #tpu.memory_space<hbm>>
    %dma_wait3A_1023 = arith.constant 0 : i32
    %dma_wait3A_1024 = tpu.memref_slice %arg4[%dma_wait3A_1016, %dma_wait3A_1023, %add3A_1015] : memref<50x64x16384xf32, #tpu.memory_space<hbm>> -> memref<1x64x256xf32, #tpu.memory_space<hbm>>
    %dma_wait3A_1025 = tpu.memref_squeeze %dma_wait3A_1024 : memref<1x64x256xf32, #tpu.memory_space<hbm>> -> memref<64x256xf32, #tpu.memory_space<hbm>>
    %dma_wait3A_1026 = arith.constant 0 : i32
    %dma_wait3A_1027 = arith.constant 0 : i32
    %dma_wait3A_1028 = tpu.memref_slice %arg11[%dma_wait3A_1026, %dma_wait3A_1027] : memref<64x257xf32, #tpu.memory_space<vmem>> -> memref<64x256xf32, #tpu.memory_space<vmem>>
    tpu.wait_dma2 semaphore(%arg17 : memref<!tpu.dma_semaphore, #tpu.memory_space<semaphore_mem>>) src(%dma_wait3A_1028 : memref<64x256xf32, #tpu.memory_space<vmem>>) dst(%dma_wait3A_1025 : memref<64x256xf32, #tpu.memory_space<hbm>>)
    %iota3A_1029 = tpu.iota {dimensions = array<i32: 0>} : vector<16xi32>
    %parallel_loop3A_1030 = arith.constant 0 : i32
    %parallel_loop3A_1031 = arith.constant 256 : i32
    %parallel_loop3A_1032 = arith.constant 1 : i32
    scf.for %parallel_loop3A_1156 = %parallel_loop3A_1030 to %parallel_loop3A_1031 step %parallel_loop3A_1032  : i32 {
      %parallel_loop3A_1157 = vector.broadcast %parallel_loop3A_1156 : i32 to vector<16xi32>
      %parallel_loop3A_1158 = arith.constant 0 : i32
      %parallel_loop3A_1159 = vector.broadcast %parallel_loop3A_1158 : i32 to vector<16xi32>
      %parallel_loop3A_1160 = arith.addi %parallel_loop3A_1159, %iota3A_1029 : vector<16xi32>
      %parallel_loop3A_1161 = arith.index_cast %parallel_loop3A_1156 : i32 to index
      %parallel_loop3A_1162 = arith.constant 0 : index
      %parallel_loop3A_1163 = tpu.vector_load %arg7[%parallel_loop3A_1161, %parallel_loop3A_1162] {strides = array<i32>} : memref<256x64xf32, #tpu.memory_space<vmem>>, vector<16xf32>,
      tpu.vector_store_idx %arg11[%parallel_loop3A_1160, %parallel_loop3A_1157], %parallel_loop3A_1163 : memref<64x257xf32, #tpu.memory_space<vmem>>[vector<16xi32>, vector<16xi32>], vector<16xf32>,
      %parallel_loop3A_1164 = arith.constant 16 : i32
      %parallel_loop3A_1165 = vector.broadcast %parallel_loop3A_1164 : i32 to vector<16xi32>
      %parallel_loop3A_1166 = arith.addi %parallel_loop3A_1165, %iota3A_1029 : vector<16xi32>
      %parallel_loop3A_1167 = arith.index_cast %parallel_loop3A_1156 : i32 to index
      %parallel_loop3A_1168 = arith.constant 16 : index
      %parallel_loop3A_1169 = tpu.vector_load %arg7[%parallel_loop3A_1167, %parallel_loop3A_1168] {strides = array<i32>} : memref<256x64xf32, #tpu.memory_space<vmem>>, vector<16xf32>,
      tpu.vector_store_idx %arg11[%parallel_loop3A_1166, %parallel_loop3A_1157], %parallel_loop3A_1169 : memref<64x257xf32, #tpu.memory_space<vmem>>[vector<16xi32>, vector<16xi32>], vector<16xf32>,
      %parallel_loop3A_1170 = arith.constant 32 : i32
      %parallel_loop3A_1171 = vector.broadcast %parallel_loop3A_1170 : i32 to vector<16xi32>
      %parallel_loop3A_1172 = arith.addi %parallel_loop3A_1171, %iota3A_1029 : vector<16xi32>
      %parallel_loop3A_1173 = arith.index_cast %parallel_loop3A_1156 : i32 to index
      %parallel_loop3A_1174 = arith.constant 32 : index
      %parallel_loop3A_1175 = tpu.vector_load %arg7[%parallel_loop3A_1173, %parallel_loop3A_1174] {strides = array<i32>} : memref<256x64xf32, #tpu.memory_space<vmem>>, vector<16xf32>,
      tpu.vector_store_idx %arg11[%parallel_loop3A_1172, %parallel_loop3A_1157], %parallel_loop3A_1175 : memref<64x257xf32, #tpu.memory_space<vmem>>[vector<16xi32>, vector<16xi32>], vector<16xf32>,
      %parallel_loop3A_1176 = arith.constant 48 : i32
      %parallel_loop3A_1177 = vector.broadcast %parallel_loop3A_1176 : i32 to vector<16xi32>
      %parallel_loop3A_1178 = arith.addi %parallel_loop3A_1177, %iota3A_1029 : vector<16xi32>
      %parallel_loop3A_1179 = arith.index_cast %parallel_loop3A_1156 : i32 to index
      %parallel_loop3A_1180 = arith.constant 48 : index
      %parallel_loop3A_1181 = tpu.vector_load %arg7[%parallel_loop3A_1179, %parallel_loop3A_1180] {strides = array<i32>} : memref<256x64xf32, #tpu.memory_space<vmem>>, vector<16xf32>,
      tpu.vector_store_idx %arg11[%parallel_loop3A_1178, %parallel_loop3A_1157], %parallel_loop3A_1181 : memref<64x257xf32, #tpu.memory_space<vmem>>[vector<16xi32>, vector<16xi32>], vector<16xf32>,
    } {sc.loop_unroll_factor = 4 : i64, sc.parallel_access}
    %add3A_1033 = arith.constant 256 : i32
    %add3A_1034 = arith.addi %mul3A_2, %add3A_1033 : i32
    %dma_start3A_1035 = arith.constant 48 : i32
    %dma_start3A_1036 = arith.constant 0 : i32
    %dma_start3A_1037 = arith.constant 0 : i32
    %dma_start3A_1038 = tpu.memref_slice %arg11[%dma_start3A_1036, %dma_start3A_1037] : memref<64x257xf32, #tpu.memory_space<vmem>> -> memref<64x256xf32, #tpu.memory_space<vmem>>
    %dma_start3A_1039 = arith.constant 0 : i32
    %dma_start3A_1040 = tpu.memref_slice %arg4[%dma_start3A_1035, %dma_start3A_1039, %add3A_1034] : memref<50x64x16384xf32, #tpu.memory_space<hbm>> -> memref<1x64x256xf32, #tpu.memory_space<hbm>>
    %dma_start3A_1041 = tpu.memref_squeeze %dma_start3A_1040 : memref<1x64x256xf32, #tpu.memory_space<hbm>> -> memref<64x256xf32, #tpu.memory_space<hbm>>
    %dma_start3A_1042 = arith.constant 0 : i32
    %dma_start3A_1043 = tpu.memref_slice %arg4[%dma_start3A_1035, %dma_start3A_1042, %add3A_1034] : memref<50x64x16384xf32, #tpu.memory_space<hbm>> -> memref<1x64x256xf32, #tpu.memory_space<hbm>>
    %dma_start3A_1044 = tpu.memref_squeeze %dma_start3A_1043 : memref<1x64x256xf32, #tpu.memory_space<hbm>> -> memref<64x256xf32, #tpu.memory_space<hbm>>
    %dma_start3A_1045 = arith.constant 0 : i32
    %dma_start3A_1046 = arith.constant 0 : i32
    %dma_start3A_1047 = tpu.memref_slice %arg11[%dma_start3A_1045, %dma_start3A_1046] : memref<64x257xf32, #tpu.memory_space<vmem>> -> memref<64x256xf32, #tpu.memory_space<vmem>>
    tpu.enqueue_dma source(%dma_start3A_1047 : memref<64x256xf32, #tpu.memory_space<vmem>>) target(%dma_start3A_1044 : memref<64x256xf32, #tpu.memory_space<hbm>>) target_semaphore(%arg17 : memref<!tpu.dma_semaphore, #tpu.memory_space<semaphore_mem>>)
    %dma_wait3A_1048 = arith.constant 25088 : i32
    %dma_wait3A_1049 = tpu.memref_slice %arg5[%dma_wait3A_1048] : memref<25600xi32, #tpu.memory_space<vmem>> -> memref<256xi32, #tpu.memory_space<vmem>>
    %dma_wait3A_1050 = arith.constant 0 : i32
    %dma_wait3A_1051 = arith.constant 0 : i32
    %dma_wait3A_1052 = tpu.memref_slice %arg3[%dma_wait3A_1050, %dma_wait3A_1051] : memref<1000000x64xf32, #tpu.memory_space<hbm>> -> memref<1000000x64xf32, #tpu.memory_space<hbm>>
    tpu.wait_indirect_dma semaphore(%arg14 : memref<!tpu.dma_semaphore, #tpu.memory_space<semaphore_mem>>) src(%dma_wait3A_1052 : memref<1000000x64xf32, #tpu.memory_space<hbm>>) dst(%arg8 : memref<256x64xf32, #tpu.memory_space<vmem>>)
    %add3A_1053 = arith.constant 0 : i32
    %add3A_1054 = arith.addi %mul3A_2, %add3A_1053 : i32
    %dma_wait3A_1055 = arith.constant 48 : i32
    %dma_wait3A_1056 = arith.constant 0 : i32
    %dma_wait3A_1057 = arith.constant 0 : i32
    %dma_wait3A_1058 = tpu.memref_slice %arg10[%dma_wait3A_1056, %dma_wait3A_1057] : memref<64x257xf32, #tpu.memory_space<vmem>> -> memref<64x256xf32, #tpu.memory_space<vmem>>
    %dma_wait3A_1059 = arith.constant 0 : i32
    %dma_wait3A_1060 = tpu.memref_slice %arg4[%dma_wait3A_1055, %dma_wait3A_1059, %add3A_1054] : memref<50x64x16384xf32, #tpu.memory_space<hbm>> -> memref<1x64x256xf32, #tpu.memory_space<hbm>>
    %dma_wait3A_1061 = tpu.memref_squeeze %dma_wait3A_1060 : memref<1x64x256xf32, #tpu.memory_space<hbm>> -> memref<64x256xf32, #tpu.memory_space<hbm>>
    %dma_wait3A_1062 = arith.constant 0 : i32
    %dma_wait3A_1063 = tpu.memref_slice %arg4[%dma_wait3A_1055, %dma_wait3A_1062, %add3A_1054] : memref<50x64x16384xf32, #tpu.memory_space<hbm>> -> memref<1x64x256xf32, #tpu.memory_space<hbm>>
    %dma_wait3A_1064 = tpu.memref_squeeze %dma_wait3A_1063 : memref<1x64x256xf32, #tpu.memory_space<hbm>> -> memref<64x256xf32, #tpu.memory_space<hbm>>
    %dma_wait3A_1065 = arith.constant 0 : i32
    %dma_wait3A_1066 = arith.constant 0 : i32
    %dma_wait3A_1067 = tpu.memref_slice %arg10[%dma_wait3A_1065, %dma_wait3A_1066] : memref<64x257xf32, #tpu.memory_space<vmem>> -> memref<64x256xf32, #tpu.memory_space<vmem>>
    tpu.wait_dma2 semaphore(%arg16 : memref<!tpu.dma_semaphore, #tpu.memory_space<semaphore_mem>>) src(%dma_wait3A_1067 : memref<64x256xf32, #tpu.memory_space<vmem>>) dst(%dma_wait3A_1064 : memref<64x256xf32, #tpu.memory_space<hbm>>)
    %iota3A_1068 = tpu.iota {dimensions = array<i32: 0>} : vector<16xi32>
    %parallel_loop3A_1069 = arith.constant 0 : i32
    %parallel_loop3A_1070 = arith.constant 256 : i32
    %parallel_loop3A_1071 = arith.constant 1 : i32
    scf.for %parallel_loop3A_1156 = %parallel_loop3A_1069 to %parallel_loop3A_1070 step %parallel_loop3A_1071  : i32 {
      %parallel_loop3A_1157 = vector.broadcast %parallel_loop3A_1156 : i32 to vector<16xi32>
      %parallel_loop3A_1158 = arith.constant 0 : i32
      %parallel_loop3A_1159 = vector.broadcast %parallel_loop3A_1158 : i32 to vector<16xi32>
      %parallel_loop3A_1160 = arith.addi %parallel_loop3A_1159, %iota3A_1068 : vector<16xi32>
      %parallel_loop3A_1161 = arith.index_cast %parallel_loop3A_1156 : i32 to index
      %parallel_loop3A_1162 = arith.constant 0 : index
      %parallel_loop3A_1163 = tpu.vector_load %arg8[%parallel_loop3A_1161, %parallel_loop3A_1162] {strides = array<i32>} : memref<256x64xf32, #tpu.memory_space<vmem>>, vector<16xf32>,
      tpu.vector_store_idx %arg10[%parallel_loop3A_1160, %parallel_loop3A_1157], %parallel_loop3A_1163 : memref<64x257xf32, #tpu.memory_space<vmem>>[vector<16xi32>, vector<16xi32>], vector<16xf32>,
      %parallel_loop3A_1164 = arith.constant 16 : i32
      %parallel_loop3A_1165 = vector.broadcast %parallel_loop3A_1164 : i32 to vector<16xi32>
      %parallel_loop3A_1166 = arith.addi %parallel_loop3A_1165, %iota3A_1068 : vector<16xi32>
      %parallel_loop3A_1167 = arith.index_cast %parallel_loop3A_1156 : i32 to index
      %parallel_loop3A_1168 = arith.constant 16 : index
      %parallel_loop3A_1169 = tpu.vector_load %arg8[%parallel_loop3A_1167, %parallel_loop3A_1168] {strides = array<i32>} : memref<256x64xf32, #tpu.memory_space<vmem>>, vector<16xf32>,
      tpu.vector_store_idx %arg10[%parallel_loop3A_1166, %parallel_loop3A_1157], %parallel_loop3A_1169 : memref<64x257xf32, #tpu.memory_space<vmem>>[vector<16xi32>, vector<16xi32>], vector<16xf32>,
      %parallel_loop3A_1170 = arith.constant 32 : i32
      %parallel_loop3A_1171 = vector.broadcast %parallel_loop3A_1170 : i32 to vector<16xi32>
      %parallel_loop3A_1172 = arith.addi %parallel_loop3A_1171, %iota3A_1068 : vector<16xi32>
      %parallel_loop3A_1173 = arith.index_cast %parallel_loop3A_1156 : i32 to index
      %parallel_loop3A_1174 = arith.constant 32 : index
      %parallel_loop3A_1175 = tpu.vector_load %arg8[%parallel_loop3A_1173, %parallel_loop3A_1174] {strides = array<i32>} : memref<256x64xf32, #tpu.memory_space<vmem>>, vector<16xf32>,
      tpu.vector_store_idx %arg10[%parallel_loop3A_1172, %parallel_loop3A_1157], %parallel_loop3A_1175 : memref<64x257xf32, #tpu.memory_space<vmem>>[vector<16xi32>, vector<16xi32>], vector<16xf32>,
      %parallel_loop3A_1176 = arith.constant 48 : i32
      %parallel_loop3A_1177 = vector.broadcast %parallel_loop3A_1176 : i32 to vector<16xi32>
      %parallel_loop3A_1178 = arith.addi %parallel_loop3A_1177, %iota3A_1068 : vector<16xi32>
      %parallel_loop3A_1179 = arith.index_cast %parallel_loop3A_1156 : i32 to index
      %parallel_loop3A_1180 = arith.constant 48 : index
      %parallel_loop3A_1181 = tpu.vector_load %arg8[%parallel_loop3A_1179, %parallel_loop3A_1180] {strides = array<i32>} : memref<256x64xf32, #tpu.memory_space<vmem>>, vector<16xf32>,
      tpu.vector_store_idx %arg10[%parallel_loop3A_1178, %parallel_loop3A_1157], %parallel_loop3A_1181 : memref<64x257xf32, #tpu.memory_space<vmem>>[vector<16xi32>, vector<16xi32>], vector<16xf32>,
    } {sc.loop_unroll_factor = 4 : i64, sc.parallel_access}
    %add3A_1072 = arith.constant 0 : i32
    %add3A_1073 = arith.addi %mul3A_2, %add3A_1072 : i32
    %dma_start3A_1074 = arith.constant 49 : i32
    %dma_start3A_1075 = arith.constant 0 : i32
    %dma_start3A_1076 = arith.constant 0 : i32
    %dma_start3A_1077 = tpu.memref_slice %arg10[%dma_start3A_1075, %dma_start3A_1076] : memref<64x257xf32, #tpu.memory_space<vmem>> -> memref<64x256xf32, #tpu.memory_space<vmem>>
    %dma_start3A_1078 = arith.constant 0 : i32
    %dma_start3A_1079 = tpu.memref_slice %arg4[%dma_start3A_1074, %dma_start3A_1078, %add3A_1073] : memref<50x64x16384xf32, #tpu.memory_space<hbm>> -> memref<1x64x256xf32, #tpu.memory_space<hbm>>
    %dma_start3A_1080 = tpu.memref_squeeze %dma_start3A_1079 : memref<1x64x256xf32, #tpu.memory_space<hbm>> -> memref<64x256xf32, #tpu.memory_space<hbm>>
    %dma_start3A_1081 = arith.constant 0 : i32
    %dma_start3A_1082 = tpu.memref_slice %arg4[%dma_start3A_1074, %dma_start3A_1081, %add3A_1073] : memref<50x64x16384xf32, #tpu.memory_space<hbm>> -> memref<1x64x256xf32, #tpu.memory_space<hbm>>
    %dma_start3A_1083 = tpu.memref_squeeze %dma_start3A_1082 : memref<1x64x256xf32, #tpu.memory_space<hbm>> -> memref<64x256xf32, #tpu.memory_space<hbm>>
    %dma_start3A_1084 = arith.constant 0 : i32
    %dma_start3A_1085 = arith.constant 0 : i32
    %dma_start3A_1086 = tpu.memref_slice %arg10[%dma_start3A_1084, %dma_start3A_1085] : memref<64x257xf32, #tpu.memory_space<vmem>> -> memref<64x256xf32, #tpu.memory_space<vmem>>
    tpu.enqueue_dma source(%dma_start3A_1086 : memref<64x256xf32, #tpu.memory_space<vmem>>) target(%dma_start3A_1083 : memref<64x256xf32, #tpu.memory_space<hbm>>) target_semaphore(%arg16 : memref<!tpu.dma_semaphore, #tpu.memory_space<semaphore_mem>>)
    %dma_wait3A_1087 = arith.constant 25344 : i32
    %dma_wait3A_1088 = tpu.memref_slice %arg5[%dma_wait3A_1087] : memref<25600xi32, #tpu.memory_space<vmem>> -> memref<256xi32, #tpu.memory_space<vmem>>
    %dma_wait3A_1089 = arith.constant 0 : i32
    %dma_wait3A_1090 = arith.constant 0 : i32
    %dma_wait3A_1091 = tpu.memref_slice %arg3[%dma_wait3A_1089, %dma_wait3A_1090] : memref<1000000x64xf32, #tpu.memory_space<hbm>> -> memref<1000000x64xf32, #tpu.memory_space<hbm>>
    tpu.wait_indirect_dma semaphore(%arg15 : memref<!tpu.dma_semaphore, #tpu.memory_space<semaphore_mem>>) src(%dma_wait3A_1091 : memref<1000000x64xf32, #tpu.memory_space<hbm>>) dst(%arg9 : memref<256x64xf32, #tpu.memory_space<vmem>>)
    %add3A_1092 = arith.constant 256 : i32
    %add3A_1093 = arith.addi %mul3A_2, %add3A_1092 : i32
    %dma_wait3A_1094 = arith.constant 48 : i32
    %dma_wait3A_1095 = arith.constant 0 : i32
    %dma_wait3A_1096 = arith.constant 0 : i32
    %dma_wait3A_1097 = tpu.memref_slice %arg11[%dma_wait3A_1095, %dma_wait3A_1096] : memref<64x257xf32, #tpu.memory_space<vmem>> -> memref<64x256xf32, #tpu.memory_space<vmem>>
    %dma_wait3A_1098 = arith.constant 0 : i32
    %dma_wait3A_1099 = tpu.memref_slice %arg4[%dma_wait3A_1094, %dma_wait3A_1098, %add3A_1093] : memref<50x64x16384xf32, #tpu.memory_space<hbm>> -> memref<1x64x256xf32, #tpu.memory_space<hbm>>
    %dma_wait3A_1100 = tpu.memref_squeeze %dma_wait3A_1099 : memref<1x64x256xf32, #tpu.memory_space<hbm>> -> memref<64x256xf32, #tpu.memory_space<hbm>>
    %dma_wait3A_1101 = arith.constant 0 : i32
    %dma_wait3A_1102 = tpu.memref_slice %arg4[%dma_wait3A_1094, %dma_wait3A_1101, %add3A_1093] : memref<50x64x16384xf32, #tpu.memory_space<hbm>> -> memref<1x64x256xf32, #tpu.memory_space<hbm>>
    %dma_wait3A_1103 = tpu.memref_squeeze %dma_wait3A_1102 : memref<1x64x256xf32, #tpu.memory_space<hbm>> -> memref<64x256xf32, #tpu.memory_space<hbm>>
    %dma_wait3A_1104 = arith.constant 0 : i32
    %dma_wait3A_1105 = arith.constant 0 : i32
    %dma_wait3A_1106 = tpu.memref_slice %arg11[%dma_wait3A_1104, %dma_wait3A_1105] : memref<64x257xf32, #tpu.memory_space<vmem>> -> memref<64x256xf32, #tpu.memory_space<vmem>>
    tpu.wait_dma2 semaphore(%arg17 : memref<!tpu.dma_semaphore, #tpu.memory_space<semaphore_mem>>) src(%dma_wait3A_1106 : memref<64x256xf32, #tpu.memory_space<vmem>>) dst(%dma_wait3A_1103 : memref<64x256xf32, #tpu.memory_space<hbm>>)
    %iota3A_1107 = tpu.iota {dimensions = array<i32: 0>} : vector<16xi32>
    %parallel_loop3A_1108 = arith.constant 0 : i32
    %parallel_loop3A_1109 = arith.constant 256 : i32
    %parallel_loop3A_1110 = arith.constant 1 : i32
    scf.for %parallel_loop3A_1156 = %parallel_loop3A_1108 to %parallel_loop3A_1109 step %parallel_loop3A_1110  : i32 {
      %parallel_loop3A_1157 = vector.broadcast %parallel_loop3A_1156 : i32 to vector<16xi32>
      %parallel_loop3A_1158 = arith.constant 0 : i32
      %parallel_loop3A_1159 = vector.broadcast %parallel_loop3A_1158 : i32 to vector<16xi32>
      %parallel_loop3A_1160 = arith.addi %parallel_loop3A_1159, %iota3A_1107 : vector<16xi32>
      %parallel_loop3A_1161 = arith.index_cast %parallel_loop3A_1156 : i32 to index
      %parallel_loop3A_1162 = arith.constant 0 : index
      %parallel_loop3A_1163 = tpu.vector_load %arg9[%parallel_loop3A_1161, %parallel_loop3A_1162] {strides = array<i32>} : memref<256x64xf32, #tpu.memory_space<vmem>>, vector<16xf32>,
      tpu.vector_store_idx %arg11[%parallel_loop3A_1160, %parallel_loop3A_1157], %parallel_loop3A_1163 : memref<64x257xf32, #tpu.memory_space<vmem>>[vector<16xi32>, vector<16xi32>], vector<16xf32>,
      %parallel_loop3A_1164 = arith.constant 16 : i32
      %parallel_loop3A_1165 = vector.broadcast %parallel_loop3A_1164 : i32 to vector<16xi32>
      %parallel_loop3A_1166 = arith.addi %parallel_loop3A_1165, %iota3A_1107 : vector<16xi32>
      %parallel_loop3A_1167 = arith.index_cast %parallel_loop3A_1156 : i32 to index
      %parallel_loop3A_1168 = arith.constant 16 : index
      %parallel_loop3A_1169 = tpu.vector_load %arg9[%parallel_loop3A_1167, %parallel_loop3A_1168] {strides = array<i32>} : memref<256x64xf32, #tpu.memory_space<vmem>>, vector<16xf32>,
      tpu.vector_store_idx %arg11[%parallel_loop3A_1166, %parallel_loop3A_1157], %parallel_loop3A_1169 : memref<64x257xf32, #tpu.memory_space<vmem>>[vector<16xi32>, vector<16xi32>], vector<16xf32>,
      %parallel_loop3A_1170 = arith.constant 32 : i32
      %parallel_loop3A_1171 = vector.broadcast %parallel_loop3A_1170 : i32 to vector<16xi32>
      %parallel_loop3A_1172 = arith.addi %parallel_loop3A_1171, %iota3A_1107 : vector<16xi32>
      %parallel_loop3A_1173 = arith.index_cast %parallel_loop3A_1156 : i32 to index
      %parallel_loop3A_1174 = arith.constant 32 : index
      %parallel_loop3A_1175 = tpu.vector_load %arg9[%parallel_loop3A_1173, %parallel_loop3A_1174] {strides = array<i32>} : memref<256x64xf32, #tpu.memory_space<vmem>>, vector<16xf32>,
      tpu.vector_store_idx %arg11[%parallel_loop3A_1172, %parallel_loop3A_1157], %parallel_loop3A_1175 : memref<64x257xf32, #tpu.memory_space<vmem>>[vector<16xi32>, vector<16xi32>], vector<16xf32>,
      %parallel_loop3A_1176 = arith.constant 48 : i32
      %parallel_loop3A_1177 = vector.broadcast %parallel_loop3A_1176 : i32 to vector<16xi32>
      %parallel_loop3A_1178 = arith.addi %parallel_loop3A_1177, %iota3A_1107 : vector<16xi32>
      %parallel_loop3A_1179 = arith.index_cast %parallel_loop3A_1156 : i32 to index
      %parallel_loop3A_1180 = arith.constant 48 : index
      %parallel_loop3A_1181 = tpu.vector_load %arg9[%parallel_loop3A_1179, %parallel_loop3A_1180] {strides = array<i32>} : memref<256x64xf32, #tpu.memory_space<vmem>>, vector<16xf32>,
      tpu.vector_store_idx %arg11[%parallel_loop3A_1178, %parallel_loop3A_1157], %parallel_loop3A_1181 : memref<64x257xf32, #tpu.memory_space<vmem>>[vector<16xi32>, vector<16xi32>], vector<16xf32>,
    } {sc.loop_unroll_factor = 4 : i64, sc.parallel_access}
    %add3A_1111 = arith.constant 256 : i32
    %add3A_1112 = arith.addi %mul3A_2, %add3A_1111 : i32
    %dma_start3A_1113 = arith.constant 49 : i32
    %dma_start3A_1114 = arith.constant 0 : i32
    %dma_start3A_1115 = arith.constant 0 : i32
    %dma_start3A_1116 = tpu.memref_slice %arg11[%dma_start3A_1114, %dma_start3A_1115] : memref<64x257xf32, #tpu.memory_space<vmem>> -> memref<64x256xf32, #tpu.memory_space<vmem>>
    %dma_start3A_1117 = arith.constant 0 : i32
    %dma_start3A_1118 = tpu.memref_slice %arg4[%dma_start3A_1113, %dma_start3A_1117, %add3A_1112] : memref<50x64x16384xf32, #tpu.memory_space<hbm>> -> memref<1x64x256xf32, #tpu.memory_space<hbm>>
    %dma_start3A_1119 = tpu.memref_squeeze %dma_start3A_1118 : memref<1x64x256xf32, #tpu.memory_space<hbm>> -> memref<64x256xf32, #tpu.memory_space<hbm>>
    %dma_start3A_1120 = arith.constant 0 : i32
    %dma_start3A_1121 = tpu.memref_slice %arg4[%dma_start3A_1113, %dma_start3A_1120, %add3A_1112] : memref<50x64x16384xf32, #tpu.memory_space<hbm>> -> memref<1x64x256xf32, #tpu.memory_space<hbm>>
    %dma_start3A_1122 = tpu.memref_squeeze %dma_start3A_1121 : memref<1x64x256xf32, #tpu.memory_space<hbm>> -> memref<64x256xf32, #tpu.memory_space<hbm>>
    %dma_start3A_1123 = arith.constant 0 : i32
    %dma_start3A_1124 = arith.constant 0 : i32
    %dma_start3A_1125 = tpu.memref_slice %arg11[%dma_start3A_1123, %dma_start3A_1124] : memref<64x257xf32, #tpu.memory_space<vmem>> -> memref<64x256xf32, #tpu.memory_space<vmem>>
    tpu.enqueue_dma source(%dma_start3A_1125 : memref<64x256xf32, #tpu.memory_space<vmem>>) target(%dma_start3A_1122 : memref<64x256xf32, #tpu.memory_space<hbm>>) target_semaphore(%arg17 : memref<!tpu.dma_semaphore, #tpu.memory_space<semaphore_mem>>)
    %add3A_1126 = arith.constant 0 : i32
    %add3A_1127 = arith.addi %mul3A_2, %add3A_1126 : i32
    %dma_wait3A_1128 = arith.constant 49 : i32
    %dma_wait3A_1129 = arith.constant 0 : i32
    %dma_wait3A_1130 = arith.constant 0 : i32
    %dma_wait3A_1131 = tpu.memref_slice %arg10[%dma_wait3A_1129, %dma_wait3A_1130] : memref<64x257xf32, #tpu.memory_space<vmem>> -> memref<64x256xf32, #tpu.memory_space<vmem>>
    %dma_wait3A_1132 = arith.constant 0 : i32
    %dma_wait3A_1133 = tpu.memref_slice %arg4[%dma_wait3A_1128, %dma_wait3A_1132, %add3A_1127] : memref<50x64x16384xf32, #tpu.memory_space<hbm>> -> memref<1x64x256xf32, #tpu.memory_space<hbm>>
    %dma_wait3A_1134 = tpu.memref_squeeze %dma_wait3A_1133 : memref<1x64x256xf32, #tpu.memory_space<hbm>> -> memref<64x256xf32, #tpu.memory_space<hbm>>
    %dma_wait3A_1135 = arith.constant 0 : i32
    %dma_wait3A_1136 = tpu.memref_slice %arg4[%dma_wait3A_1128, %dma_wait3A_1135, %add3A_1127] : memref<50x64x16384xf32, #tpu.memory_space<hbm>> -> memref<1x64x256xf32, #tpu.memory_space<hbm>>
    %dma_wait3A_1137 = tpu.memref_squeeze %dma_wait3A_1136 : memref<1x64x256xf32, #tpu.memory_space<hbm>> -> memref<64x256xf32, #tpu.memory_space<hbm>>
    %dma_wait3A_1138 = arith.constant 0 : i32
    %dma_wait3A_1139 = arith.constant 0 : i32
    %dma_wait3A_1140 = tpu.memref_slice %arg10[%dma_wait3A_1138, %dma_wait3A_1139] : memref<64x257xf32, #tpu.memory_space<vmem>> -> memref<64x256xf32, #tpu.memory_space<vmem>>
    tpu.wait_dma2 semaphore(%arg16 : memref<!tpu.dma_semaphore, #tpu.memory_space<semaphore_mem>>) src(%dma_wait3A_1140 : memref<64x256xf32, #tpu.memory_space<vmem>>) dst(%dma_wait3A_1137 : memref<64x256xf32, #tpu.memory_space<hbm>>)
    %add3A_1141 = arith.constant 256 : i32
    %add3A_1142 = arith.addi %mul3A_2, %add3A_1141 : i32
    %dma_wait3A_1143 = arith.constant 49 : i32
    %dma_wait3A_1144 = arith.constant 0 : i32
    %dma_wait3A_1145 = arith.constant 0 : i32
    %dma_wait3A_1146 = tpu.memref_slice %arg11[%dma_wait3A_1144, %dma_wait3A_1145] : memref<64x257xf32, #tpu.memory_space<vmem>> -> memref<64x256xf32, #tpu.memory_space<vmem>>
    %dma_wait3A_1147 = arith.constant 0 : i32
    %dma_wait3A_1148 = tpu.memref_slice %arg4[%dma_wait3A_1143, %dma_wait3A_1147, %add3A_1142] : memref<50x64x16384xf32, #tpu.memory_space<hbm>> -> memref<1x64x256xf32, #tpu.memory_space<hbm>>
    %dma_wait3A_1149 = tpu.memref_squeeze %dma_wait3A_1148 : memref<1x64x256xf32, #tpu.memory_space<hbm>> -> memref<64x256xf32, #tpu.memory_space<hbm>>
    %dma_wait3A_1150 = arith.constant 0 : i32
    %dma_wait3A_1151 = tpu.memref_slice %arg4[%dma_wait3A_1143, %dma_wait3A_1150, %add3A_1142] : memref<50x64x16384xf32, #tpu.memory_space<hbm>> -> memref<1x64x256xf32, #tpu.memory_space<hbm>>
    %dma_wait3A_1152 = tpu.memref_squeeze %dma_wait3A_1151 : memref<1x64x256xf32, #tpu.memory_space<hbm>> -> memref<64x256xf32, #tpu.memory_space<hbm>>
    %dma_wait3A_1153 = arith.constant 0 : i32
    %dma_wait3A_1154 = arith.constant 0 : i32
    %dma_wait3A_1155 = tpu.memref_slice %arg11[%dma_wait3A_1153, %dma_wait3A_1154] : memref<64x257xf32, #tpu.memory_space<vmem>> -> memref<64x256xf32, #tpu.memory_space<vmem>>
    tpu.wait_dma2 semaphore(%arg17 : memref<!tpu.dma_semaphore, #tpu.memory_space<semaphore_mem>>) src(%dma_wait3A_1155 : memref<64x256xf32, #tpu.memory_space<vmem>>) dst(%dma_wait3A_1152 : memref<64x256xf32, #tpu.memory_space<hbm>>)
    return
  }
}

</mosaic_0001>

<sc_bundles>
// kernel: _gather.3.cloned.1.call-start
scs
__scs_entry_jumppad:
0x0: {  	(pc) =	sbr.rel $0x88, $3  }
0x1: {  	(tag) =	ssettag $0x0;
	lr =	simm.s32 $0x1  }
0x2: {  	[smem:$0x3F9F] =	sst lr;
	_ =	strace $0xD0000000  }
0x3: {  	_ = 	snop  }
0x4: {  	_ = 	snop  }
0x5: {  	_ = 	snop  }
0x6: {  	_ = 	snop  }
0x7: {  	_ = 	snop  }
__scs_overlays_trampoline_lowered:
0x8: {  	[smem:$0x3FAE] =	sst s0  }
0x9: {  	[smem:$0x3FAF] =	sst s1  }
0xa: {  	[smem:$0x3FB0] =	sst s2  }
0xb: {  	[smem:$0x3FB1] =	sst s3  }
0xc: {  	[smem:$0x3FB2] =	sst s4  }
0xd: {  	[smem:$0x3FB3] =	sst s5  }
0xe: {  	[smem:$0x3FB4] =	sst s6  }
0xf: {  	[smem:$0x3FB5] =	sst s7  }
0x10: {  	[smem:$0x3FB6] =	sst s8  }
0x11: {  	[smem:$0x3FB7] =	sst s9;
	s0 =	simm.s32 @!p0 $0x0  }
0x12: {  	s1 =	sld [smem:$0x3F9D];
	s0 =	simm.s32 @p0 $0x1  }
0x13: {  	[smem:$0x3FB8] =	sst s0;
	s0 =	simm.s32 @!p1 $0x0  }
0x14: {  	s2 =	sld [smem:$0x3F9C];
	s0 =	simm.s32 @p1 $0x1  }
0x15: {  	[smem:$0x3FB9] =	sst s0;
	s0 =	simm.s32 @!p2 $0x0  }
0x16: {  	s3 =	sld [smem:$0x3FDB];
	s0 =	simm.s32 @p2 $0x1  }
0x17: {  	s4 =	simm.s32 $0x1BF5;
	[smem:$0x3FBB] =	sst s0  }
0x18: {  	s0 =	sld [smem:$0x3F9E];
	_ =	swait.ge [sflag:s4], $0x0  }
0x19: {  	s7 =	sld [smem:$0x3F9F]  }
0x1a: {  	s8 =	sadd.s32 $0xFFFFE003, lr  }
0x1b: {  	s9 =	sadd.s32 $0xFFFFFEF7, lr;
	s5 =	simm.s32 $0xFFFFFFFF;
	p2 =	slt.u32 s8, $0xFFFFF086  }
0x1c: {  	p1 =	slt.u32 s9, $0xF7A;
	s5 =	simm.s32 @!p2 $0x0  }
0x1d: {  	s5 =	simm.s32 @p1 $0x1;
	p0 =	seq.s32 s7, s2  }
0x1e: {  	s7 =	smul.u32 @!p0 $0xF7A, s2;
	p2 =	seq.s32 @!p0 s5, $0x0  }
0x1f: {  	s9 =	smul.u32 $0xF7A, s1;
	s8 =	simm.s32 @!p0 $0x1BF5;
	p2 =	por !p2, p0  }
0x20: {  	[sflag:s8] =	ssyncset.s32 @!p0 $0xFFFFF086;
	s6 =	sadd.s32 @!p0 s3, s7;
	s7 =	simm.s32 @!p0 $0x108  }
0x21: {  	s3 =	sadd.s32 s3, s9;
	s6 =	sadd.s32 @!p0 $0x88, s6;
	s7 =	simm.s32 @p2 $0x1082  }
0x22: {  	[simem:s7], [sflag:s8] =	dma.local @!p0 [hbm:s6], $0xF7A  }
0x23: {  	s9 =	sor.u32 $0xD0000000, s2;
	s6 =	simm.s32 $0x108;
	_ =	swait.ge @!p0 [sflag:s8], $0x0  }
0x24: {  	s3 =	sadd.s32 $0x88, s3;
	s6 =	simm.s32 @!p1 $0x1082;
	[sflag:s4] =	ssyncset.s32 $0xFFFFF086  }
0x25: {  	[simem:s6], [sflag:s4] =	dma.local [hbm:s3], $0xF7A  }
0x26: {  	[smem:$0x3F9F] =	sst s1;
	(tag) =	ssettag s2;
	_ =	strace s9  }
0x27: {  	s1 =	sld [smem:$0x3FAF]  }
0x28: {  	s2 =	sld [smem:$0x3FB0]  }
0x29: {  	s4 =	sld [smem:$0x3FB2]  }
0x2a: {  	p0 =	seq.s32 s5, $0x0;
	s5 =	sld [smem:$0x3FB3]  }
0x2b: {  	s6 =	sld [smem:$0x3FB4]  }
0x2c: {  	s7 =	sld [smem:$0x3FB5]  }
0x2d: {  	s3 =	simm.s32 $0x108;
	s8 =	sld [smem:$0x3FB6]  }
0x2e: {  	s3 =	simm.s32 @!p0 $0x1082;
	s9 =	sld [smem:$0x3FB7]  }
0x2f: {  	lr =	sadd.s32 s0, s3;
	s0 =	sld [smem:$0x3FAE]  }
0x30: {  	s3 =	sld [smem:$0x3FB1]  }
0x31: {  	[smem:$0x3FBA] =	sst s10  }
0x32: {  	s10 =	sld [smem:$0x3FB8];
	_ =	sdelay $0x3  }
0x33: {  	p0 =	seq.s32 s10, $0x1;
	s10 =	sld [smem:$0x3FBA];
	_ =	sdelay $0x3  }
0x34: {  	[smem:$0x3FBA] =	sst s10  }
0x35: {  	s10 =	sld [smem:$0x3FB9];
	_ =	sdelay $0x3  }
0x36: {  	p1 =	seq.s32 s10, $0x1;
	s10 =	sld [smem:$0x3FBA];
	_ =	sdelay $0x3  }
0x37: {  	[smem:$0x3FBA] =	sst s10  }
0x38: {  	s10 =	sld [smem:$0x3FBB]  }
0x39: {  	_ = 	snop;
	(pc) =	sbr.ind lr, $3  }
0x3a: {  	_ = 	snop  }
0x3b: {  	_ = 	snop  }
0x3c: {  	p2 =	seq.s32 s10, $0x1;
	s10 =	sld [smem:$0x3FBA]  }
0x3d: {  	_ =	shalt  }
0x3e: {  	_ =	shalt  }
0x3f: {  	_ =	shalt  }
0x40: {  	_ =	shalt  }
0x41: {  	_ =	shalt  }
0x42: {  	_ =	shalt  }
0x43: {  	_ =	shalt  }
0x44: {  	_ =	shalt  }
0x45: {  	_ =	shalt  }
0x46: {  	_ =	shalt  }
0x47: {  	_ =	shalt  }
0x48: {  	_ =	shalt  }
0x49: {  	_ =	shalt  }
0x4a: {  	_ =	shalt  }
0x4b: {  	_ =	shalt  }
0x4c: {  	_ =	shalt  }
0x4d: {  	_ =	shalt  }
0x4e: {  	_ =	shalt  }
0x4f: {  	_ =	shalt  }
0x50: {  	_ =	shalt  }
0x51: {  	_ =	shalt  }
0x52: {  	_ =	shalt  }
0x53: {  	_ =	shalt  }
0x54: {  	_ =	shalt  }
0x55: {  	_ =	shalt  }
0x56: {  	_ =	shalt  }
0x57: {  	_ =	shalt  }
0x58: {  	_ =	shalt  }
0x59: {  	_ =	shalt  }
0x5a: {  	_ =	shalt  }
0x5b: {  	_ =	shalt  }
0x5c: {  	_ =	shalt  }
0x5d: {  	_ =	shalt  }
0x5e: {  	_ =	shalt  }
0x5f: {  	_ =	shalt  }
0x60: {  	_ =	shalt  }
0x61: {  	_ =	shalt  }
0x62: {  	_ =	shalt  }
0x63: {  	_ =	shalt  }
0x64: {  	_ =	shalt  }
0x65: {  	_ =	shalt  }
0x66: {  	_ =	shalt  }
0x67: {  	_ =	shalt  }
0x68: {  	_ =	shalt  }
0x69: {  	_ =	shalt  }
0x6a: {  	_ =	shalt  }
0x6b: {  	_ =	shalt  }
0x6c: {  	_ =	shalt  }
0x6d: {  	_ =	shalt  }
0x6e: {  	_ =	shalt  }
0x6f: {  	_ =	shalt  }
0x70: {  	_ =	shalt  }
0x71: {  	_ =	shalt  }
0x72: {  	_ =	shalt  }
0x73: {  	_ =	shalt  }
0x74: {  	_ =	shalt  }
0x75: {  	_ =	shalt  }
0x76: {  	_ =	shalt  }
0x77: {  	_ =	shalt  }
0x78: {  	_ =	shalt  }
0x79: {  	_ =	shalt  }
0x7a: {  	_ =	shalt  }
0x7b: {  	_ =	shalt  }
0x7c: {  	_ =	shalt  }
0x7d: {  	_ =	shalt  }
0x7e: {  	_ =	shalt  }
0x7f: {  	_ =	shalt  }
0x80: {  	_ =	shalt  }
0x81: {  	_ =	shalt  }
0x82: {  	_ =	shalt  }
0x83: {  	_ =	shalt  }
0x84: {  	_ =	shalt  }
0x85: {  	_ =	shalt  }
0x86: {  	_ =	shalt  }
0x87: {  	_ =	shalt  }
.Lfunc_end0:
.L_simem_size_0:
called_computation_lowered:
.L_overlay_start_0:
0x88: {  	s2 =	sld [smem:$0x3FD9]  }
0x89: {  	s3 =	sld [smem:$0x3FFE];
	_ =	sdelay $0x1  }
0x8a: {  	s1 =	srdreg.scid  }
0x8b: {  	s0 =	sand.u32 $0x1, s1  }
0x8c: {  	s17 =	sshll.u32 s0, $0xA;
	s2 =	sadd.s32 s3, s2  }
0x8d: {  	s2 =	sadd.s32 s2, s17  }
0x8e: {  	[smem:$0x3FC6] =	sst s2  }
0x8f: {  	_ = 	snop  }
0x90: {  	s2 =	sld [smem:$0x3FC9];
	(tm) =	ssettm $0x1  }
0x91: {  	s18 =	sld [smem:$0x3FFB];
	_ =	sdelay $0x3  }
0x92: {  	_ =	strace s18  }
0x93: {  	s3 =	sld [smem:$0x3FFC];
	_ =	sdelay $0x3  }
0x94: {  	_ =	strace s3  }
0x95: {  	s3 =	sld [smem:$0x3FFD];
	_ =	sdelay $0x3  }
0x96: {  	_ =	strace s3  }
0x97: {  	_ =	strace $0x8FFFFFFF  }
0x98: {  	s19 =	sld [smem:$0x3FDB];
	_ =	sdelay $0x1  }
0x99: {  	s4 =	simm.s32 $_scs_section_size  }
0x9a: {  	s5 =	simm.s32 $_size__tile_overlayer_lowered;
	s6 =	simm.s32 $_tile_overlayer_lowered  }
0x9b: {  	s22 =	simm.s32 $0x1BFF;
	s21 =	sshll.u32 s6, $0x1;
	s3 =	sadd.s32 s4, s19  }
0x9c: {  	s7 =	simm.s32 $0x0;
	s20 =	sshll.u32 s5, $0x1;
	s5 =	sadd.s32 s21, s3  }
0x9d: {  	[timem:s7], [sflag:s22] =	dma.local [hbm:s5], s20  }
0x9e: {  	_ =	swait.ge [sflag:s22], s20  }
0x9f: {  	s4 =	ssub.s32 $0x0, s20;
	[sflag:s22] =	ssyncset.done $0x0  }
0xa0: {  	[sflag:s22] =	ssyncadd.s32 s4;
	_ =	sdelay $0x1  }
0xa1: {  	s23 =	simm.s32 $0x1B8B  }
0xa2: {  	_ =	swait.ge [sflag:s23], $0x1  }
0xa3: {  	[sflag:s23] =	ssyncset.done $0x0  }
0xa4: {  	s25 =	simm.s32 $0x1B8E;
	s24 =	sld [smem:$0x3FFE];
	[sflag:s23] =	ssyncadd.s32 $0xFFFFFFFF  }
0xa5: {  	s26 =	simm.s32 $execute0_lowered;
	[smem:$0x3FD2] =	sst s25  }
0xa6: {  	s5 =	sshll.u32 s26, $0x1;
	_ =	strace $0x80000046;
	[dreg:$0x1] =	wrdreg $0xFFFFFFFF  }
0xa7: {  	s28 =	simm.s32 $_size_execute0_lowered;
	s3 =	sadd.s32 s3, s5;
	[dreg:$0x0] =	wrdreg $0x0  }
0xa8: {  	s5 =	sshll.u32 s28, $0x1;
	[dreg:$0x2] =	wrdreg s3  }
0xa9: {  	[dreg:$0x3] =	wrdreg s5  }
0xaa: {  	[dreg:$0x4] =	wrdreg $0xC0  }
0xab: {  	_ =	task [dreg:s7], $0x5FFFF  }
0xac: {  	[dreg:$0x1] =	wrdreg $0xFFFFFFFF  }
0xad: {  	[dreg:$0x0] =	wrdreg $0x60  }
0xae: {  	[dreg:$0x2] =	wrdreg s2  }
0xaf: {  	[dreg:$0x3] =	wrdreg s24  }
0xb0: {  	[dreg:$0x4] =	wrdreg $0x9  }
0xb1: {  	_ =	task.clear_ibuf [dreg:s7], $0x5FFFF;
	_ =	strace $0x90000046  }
0xb2: {  	s29 =	simm.s32 $0x9;
	_ =	strace $0x80000048  }
0xb3: {  	_ =	swait.ge [sflag:s29], $0x1  }
0xb4: {  	[sflag:s29] =	ssyncadd.s32 $0xFFFFFFFF  }
0xb5: {  	_ =	strace $0x90000048  }
0xb6: {  	_ =	sfence  }
0xb7: {  	s30 =	sld [smem:$0x0];
	_ =	sdelay $0x2  }
0xb8: {  	s31 =	sshll.u32 s1, $0xD;
	s1 =	sshrl.u32 s1, $0x2  }
0xb9: {  	s3 =	sand.u32 $0x4000, s31;
	s1 =	sadd.s32 s1, s30  }
0xba: {  	s0 =	sor.u32 s3, s0;
	s1 =	sshll.u32 s1, $0x11  }
0xbb: {  	s0 =	sor.u32 s1, s0  }
0xbc: {  	s0 =	sadd.s32 $0x8F2B, s0  }
0xbd: {  	[sflag:s0] =	ssyncadd.remote.s32 $0x1  }
0xbe: {  	_ =	sfence.sel $0xFFFF  }
0xbf: {  	[dreg:$0x0] =	wrdreg $0xFFFFFFFF;
	(pc) =	sbr.abs _section_cstart, $3  }
0xc0: {  	[dreg:$0x1] =	wrdreg $0xFFFFFFFF  }
0xc1: {  	_ =	task.clear_ibuf [dreg:s7], $0x2FFFF;
	_ =	strace $0x9FFFFFFF  }
0xc2: {  	(tm) =	ssettm $0x7FFFFFFF  }
0xc3: {  	_ =	shalt  }
tec
execute0_lowered:
.L_overlay_start_1:
0x0: {  	(tag) =	ssettag $0x1  }
0x1: {  	s2 =	srdreg.scid  }
0x2: {  	s0 =	rddreg [dreg:$0x0];
	s3 =	stileid.u32;
	s4 =	sand.u32 $0x1, s2  }
0x3: {  	s3 =	sshll.u32 s3, $0xA;
	s5 =	sshll.u32 s4, $0x9;
	s7 =	ssub.s32 $0x2, s4  }
0x4: {  	s1 =	rddreg [dreg:$0x1];
	s3 =	sor.u32 s5, s3;
	s9 =	sshrl.u32 s7, $0x1  }
0x5: {  	s2 =	simm.s32 $0x0;
	s8 =	sshrl.u32 s3, $0x3;
	s9 =	ssub.s32 s7, s9  }
0x6: {  	[smem:$0x7FF] =	sst s2;
	s5 =	sadd.s32 s0, s8;
	s0 =	smax.u32 s9, $0x1  }
0x7: {  	_ =	strace $0x80000047;
	s10 =	sadd.s32 $0x800, s5;
	[dreg:$0x13] =	wrdreg s0  }
0x8: {  	s11 =	sadd.s32 $0x1000, s5;
	[dreg:$0x3] =	wrdreg s10  }
0x9: {  	s12 =	sadd.s32 $0x1800, s5;
	[dreg:$0x4] =	wrdreg s11  }
0xa: {  	s13 =	sadd.s32 $0x2000, s5;
	[dreg:$0x5] =	wrdreg s12  }
0xb: {  	s14 =	sadd.s32 $0x2800, s5;
	[dreg:$0x6] =	wrdreg s13  }
0xc: {  	s15 =	sadd.s32 $0x3000, s5;
	[dreg:$0x7] =	wrdreg s14  }
0xd: {  	s16 =	sadd.s32 $0x3800, s5;
	[dreg:$0x8] =	wrdreg s15  }
0xe: {  	s17 =	sadd.s32 $0x4000, s5;
	[dreg:$0x9] =	wrdreg s16  }
0xf: {  	s18 =	sadd.s32 $0x4800, s5;
	[dreg:$0xa] =	wrdreg s17  }
0x10: {  	s19 =	sadd.s32 $0x5000, s5;
	[dreg:$0xb] =	wrdreg s18  }
0x11: {  	s20 =	sadd.s32 $0x5800, s5;
	[dreg:$0xc] =	wrdreg s19  }
0x12: {  	s21 =	sadd.s32 $0x6000, s5;
	[dreg:$0xd] =	wrdreg s20  }
0x13: {  	s22 =	sadd.s32 $0x6800, s5;
	[dreg:$0xe] =	wrdreg s21  }
0x14: {  	s23 =	sadd.s32 $0x7000, s5;
	[dreg:$0xf] =	wrdreg s22  }
0x15: {  	s25 =	sadd.s32 $0x7800, s5;
	[dreg:$0x10] =	wrdreg s23  }
0x16: {  	s26 =	sadd.s32 $0x8000, s5;
	[dreg:$0x11] =	wrdreg s25  }
0x17: {  	s7 =	sadd.s32 $0x9000, s5;
	[dreg:$0x14] =	wrdreg s26  }
0x18: {  	s6 =	sadd.s32 $0x400, s1;
	s9 =	sadd.s32 $0xA000, s5;
	[dreg:$0x16] =	wrdreg s7  }
0x19: {  	s23 =	sadd.s32 s6, s8;
	s8 =	sadd.s32 $0x9800, s5;
	[dreg:$0x18] =	wrdreg s9  }
0x1a: {  	s10 =	sadd.s32 $0xA800, s5;
	[dreg:$0x17] =	wrdreg s8  }
0x1b: {  	s11 =	sadd.s32 $0xB000, s5;
	[dreg:$0x19] =	wrdreg s10  }
0x1c: {  	s12 =	sadd.s32 $0xB800, s5;
	[dreg:$0x1a] =	wrdreg s11  }
0x1d: {  	s13 =	sadd.s32 $0xC000, s5;
	[dreg:$0x1b] =	wrdreg s12  }
0x1e: {  	s14 =	sadd.s32 $0xC800, s5;
	[dreg:$0x1c] =	wrdreg s13  }
0x1f: {  	s15 =	sadd.s32 $0xD000, s5;
	[dreg:$0x1d] =	wrdreg s14  }
0x20: {  	s16 =	sadd.s32 $0xD800, s5;
	[dreg:$0x1e] =	wrdreg s15  }
0x21: {  	s17 =	sadd.s32 $0xE000, s5;
	[dreg:$0x1f] =	wrdreg s16  }
0x22: {  	s18 =	sadd.s32 $0xE800, s5;
	[smem:$0x7E3] =	sst s17  }
0x23: {  	s20 =	sadd.s32 $0xF000, s5;
	[smem:$0x7E4] =	sst s18  }
0x24: {  	s21 =	sadd.s32 $0xF800, s5;
	[smem:$0x7E5] =	sst s20  }
0x25: {  	s22 =	sadd.s32 $0x10000, s5;
	[smem:$0x7E6] =	sst s21  }
0x26: {  	s25 =	sadd.s32 $0x11000, s5;
	[smem:$0x7E7] =	sst s22  }
0x27: {  	s26 =	sadd.s32 $0x11800, s5;
	[smem:$0x7E9] =	sst s25  }
0x28: {  	s7 =	sadd.s32 $0x12800, s5;
	[smem:$0x7EA] =	sst s26  }
0x29: {  	s9 =	sadd.s32 $0x13800, s5;
	[smem:$0x7EC] =	sst s7  }
0x2a: {  	s8 =	sadd.s32 $0x13000, s5;
	[smem:$0x7EE] =	sst s9  }
0x2b: {  	s10 =	sadd.s32 $0x14000, s5;
	[smem:$0x7ED] =	sst s8  }
0x2c: {  	s11 =	sadd.s32 $0x14800, s5;
	[smem:$0x7EF] =	sst s10  }
0x2d: {  	s12 =	sadd.s32 $0x15000, s5;
	[smem:$0x7F0] =	sst s11  }
0x2e: {  	s13 =	sadd.s32 $0x15800, s5;
	[smem:$0x7F1] =	sst s12  }
0x2f: {  	s28 =	simm.s32 $0x16400;
	s14 =	sadd.s32 $0x16000, s5;
	[smem:$0x7F2] =	sst s13  }
0x30: {  	s29 =	simm.s32 $0x2;
	s15 =	sadd.s32 $0x16800, s5;
	[smem:$0x7F3] =	sst s14  }
0x31: {  	s30 =	simm.s32 $0x1A600;
	s16 =	sadd.s32 $0x17000, s5;
	[smem:$0x7F4] =	sst s15  }
0x32: {  	s31 =	simm.s32 $0x3;
	s17 =	sadd.s32 $0x17800, s5;
	[smem:$0x7F5] =	sst s16  }
0x33: {  	s4 =	sadd.s32 $0xF42800, s1;
	s18 =	sadd.s32 $0x18000, s5;
	[smem:$0x7F6] =	sst s17  }
0x34: {  	s0 =	simm.s32 $0x5;
	s20 =	sadd.s32 $0x18800, s5;
	[smem:$0x7F7] =	sst s18  }
0x35: {  	s19 =	sor.u32 $0x100, s3;
	s21 =	sadd.s32 $0x20000, s23;
	[smem:$0x7F8] =	sst s20  }
0x36: {  	s24 =	sshrl.u32 s19, $0x3;
	s22 =	sadd.s32 $0x20020, s23;
	[smem:$0x7F9] =	sst s21  }
0x37: {  	s25 =	sadd.s32 $0x600020, s23;
	s26 =	sadd.s32 $0x620000, s23;
	[smem:$0x7FA] =	sst s22  }
0x38: {  	s7 =	simm.s32 $0x6;
	s1 =	sadd.s32 s6, s24;
	[smem:$0x7FC] =	sst s25  }
0x39: {  	s24 =	sadd.s32 $0x10800, s5;
	[smem:$0x7FD] =	sst s26;
	s16 =	sadd.s32 $0x620020, s23  }
0x3a: {  	s14 =	simm.s32 $0x400;
	s17 =	simm.s32 $0x7;
	s18 =	simm.s32 $0x100  }
0x3b: {  	s20 =	simm.s32 $0x6400;
	s21 =	simm.s32 $0xA400;
	[dreg:$0x12] =	wrdreg s1  }
0x3c: {  	v0 =	vlaneseq.u32;
	s22 =	simm.s32 $0xE400;
	s1 =	sadd.s32 $0x8800, s5;
	[smem:$0x7E8] =	sst s24  }
0x3d: {  	v0 =	vmul.u32 $0x108, v0;
	s25 =	simm.s32 $0x12400;
	s24 =	sadd.s32 $0x600000, s23;
	[dreg:$0x15] =	wrdreg s1  }
0x3e: {  	s26 =	simm.s32 $0x1;
	s1 =	sadd.s32 $0x12000, s5;
	[smem:$0x7FB] =	sst s24  }
0x3f: {  	v1 =	vadd.s32 $0x1080, v0;
	v2 =	vadd.s32 $0x2100, v0;
	v3 =	vadd.s32 $0x3180, v0;
	s8 =	simm.s32 $0x0;
	[smem:$0x7EB] =	sst s1;
	s1 =	simm.s32 $0x4  }
.LBB2_1:
0x40: {  	[tilespmem:s2], [sflag:$0x7] =	stream.linear.gather [hbm4b:s5+s2], $0x200, $0x38;
	[tilespmem:$0x1E800] =	vst v63  }
0x41: {  	s9 =	rddreg [dreg:$0x3]  }
0x42: {  	s10 =	simm.s32 $0x200;
	s12 =	rddreg [dreg:$0x4]  }
0x43: {  	[tilespmem:s10], [sflag:$0x7] =	stream.linear.gather [hbm4b:s9+s2], $0x200, $0x38;
	[tilespmem:$0x1E800] =	vst v63  }
0x44: {  	s13 =	rddreg [dreg:$0x5]  }
0x45: {  	[tilespmem:s14], [sflag:$0x7] =	stream.linear.gather [hbm4b:s12+s2], $0x200, $0x38;
	[tilespmem:$0x1E800] =	vst v63  }
0x46: {  	s11 =	simm.s32 $0x600;
	s15 =	rddreg [dreg:$0x6]  }
0x47: {  	[tilespmem:s11], [sflag:$0x7] =	stream.linear.gather [hbm4b:s13+s2], $0x200, $0x38;
	[tilespmem:$0x1E800] =	vst v63  }
0x48: {  	s24 =	simm.s32 $0x800;
	s12 =	rddreg [dreg:$0x7]  }
0x49: {  	[tilespmem:s24], [sflag:$0x7] =	stream.linear.gather [hbm4b:s15+s2], $0x200, $0x38;
	[tilespmem:$0x1E800] =	vst v63  }
0x4a: {  	s13 =	simm.s32 $0xA00;
	s15 =	rddreg [dreg:$0x8]  }
0x4b: {  	[tilespmem:s13], [sflag:$0x7] =	stream.linear.gather [hbm4b:s12+s2], $0x200, $0x38;
	[tilespmem:$0x1E800] =	vst v63  }
0x4c: {  	s24 =	simm.s32 $0xC00;
	s12 =	rddreg [dreg:$0x9]  }
0x4d: {  	[tilespmem:s24], [sflag:$0x7] =	stream.linear.gather [hbm4b:s15+s2], $0x200, $0x38;
	[tilespmem:$0x1E800] =	vst v63  }
0x4e: {  	s13 =	simm.s32 $0xE00;
	s15 =	rddreg [dreg:$0xa]  }
0x4f: {  	[tilespmem:s13], [sflag:$0x7] =	stream.linear.gather [hbm4b:s12+s2], $0x200, $0x38;
	[tilespmem:$0x1E800] =	vst v63  }
0x50: {  	s24 =	simm.s32 $0x1000;
	s12 =	rddreg [dreg:$0xb]  }
0x51: {  	[tilespmem:s24], [sflag:$0x7] =	stream.linear.gather [hbm4b:s15+s2], $0x200, $0x38;
	[tilespmem:$0x1E800] =	vst v63  }
0x52: {  	s13 =	simm.s32 $0x1200;
	s15 =	rddreg [dreg:$0xc]  }
0x53: {  	[tilespmem:s13], [sflag:$0x7] =	stream.linear.gather [hbm4b:s12+s2], $0x200, $0x38;
	[tilespmem:$0x1E800] =	vst v63  }
0x54: {  	s24 =	simm.s32 $0x1400;
	s12 =	rddreg [dreg:$0xd]  }
0x55: {  	[tilespmem:s24], [sflag:$0x7] =	stream.linear.gather [hbm4b:s15+s2], $0x200, $0x38;
	[tilespmem:$0x1E800] =	vst v63  }
0x56: {  	s13 =	simm.s32 $0x1600;
	s15 =	rddreg [dreg:$0xe]  }
0x57: {  	[tilespmem:s13], [sflag:$0x7] =	stream.linear.gather [hbm4b:s12+s2], $0x200, $0x38;
	[tilespmem:$0x1E800] =	vst v63  }
0x58: {  	s24 =	simm.s32 $0x1800;
	s12 =	rddreg [dreg:$0xf]  }
0x59: {  	[tilespmem:s24], [sflag:$0x7] =	stream.linear.gather [hbm4b:s15+s2], $0x200, $0x38;
	[tilespmem:$0x1E800] =	vst v63  }
0x5a: {  	s13 =	simm.s32 $0x1A00;
	s15 =	rddreg [dreg:$0x10]  }
0x5b: {  	[tilespmem:s13], [sflag:$0x7] =	stream.linear.gather [hbm4b:s12+s2], $0x200, $0x38;
	[tilespmem:$0x1E800] =	vst v63  }
0x5c: {  	s24 =	simm.s32 $0x1C00;
	s12 =	rddreg [dreg:$0x11]  }
0x5d: {  	[tilespmem:s24], [sflag:$0x7] =	stream.linear.gather [hbm4b:s15+s2], $0x200, $0x38;
	[tilespmem:$0x1E800] =	vst v63  }
0x5e: {  	s13 =	simm.s32 $0x1E00;
	s15 =	rddreg [dreg:$0x14]  }
0x5f: {  	[tilespmem:s13], [sflag:$0x7] =	stream.linear.gather [hbm4b:s12+s2], $0x200, $0x38;
	[tilespmem:$0x1E800] =	vst v63  }
0x60: {  	s24 =	simm.s32 $0x2000;
	s12 =	rddreg [dreg:$0x15]  }
0x61: {  	[tilespmem:s24], [sflag:$0x7] =	stream.linear.gather [hbm4b:s15+s2], $0x200, $0x38;
	[tilespmem:$0x1E800] =	vst v63  }
0x62: {  	s13 =	simm.s32 $0x2200;
	s15 =	rddreg [dreg:$0x16]  }
0x63: {  	[tilespmem:s13], [sflag:$0x7] =	stream.linear.gather [hbm4b:s12+s2], $0x200, $0x38;
	[tilespmem:$0x1E800] =	vst v63  }
0x64: {  	s24 =	simm.s32 $0x2400;
	s12 =	rddreg [dreg:$0x17]  }
0x65: {  	[tilespmem:s24], [sflag:$0x7] =	stream.linear.gather [hbm4b:s15+s2], $0x200, $0x38;
	[tilespmem:$0x1E800] =	vst v63  }
0x66: {  	s13 =	simm.s32 $0x2600;
	s15 =	rddreg [dreg:$0x18]  }
0x67: {  	[tilespmem:s13], [sflag:$0x7] =	stream.linear.gather [hbm4b:s12+s2], $0x200, $0x38;
	[tilespmem:$0x1E800] =	vst v63  }
0x68: {  	s24 =	simm.s32 $0x2800;
	s12 =	rddreg [dreg:$0x19]  }
0x69: {  	[tilespmem:s24], [sflag:$0x7] =	stream.linear.gather [hbm4b:s15+s2], $0x200, $0x38;
	[tilespmem:$0x1E800] =	vst v63  }
0x6a: {  	s13 =	simm.s32 $0x2A00;
	s15 =	rddreg [dreg:$0x1a]  }
0x6b: {  	[tilespmem:s13], [sflag:$0x7] =	stream.linear.gather [hbm4b:s12+s2], $0x200, $0x38;
	[tilespmem:$0x1E800] =	vst v63  }
0x6c: {  	s24 =	simm.s32 $0x2C00;
	s12 =	rddreg [dreg:$0x1b]  }
0x6d: {  	[tilespmem:s24], [sflag:$0x7] =	stream.linear.gather [hbm4b:s15+s2], $0x200, $0x38;
	[tilespmem:$0x1E800] =	vst v63  }
0x6e: {  	s13 =	simm.s32 $0x2E00;
	s15 =	rddreg [dreg:$0x1c]  }
0x6f: {  	[tilespmem:s13], [sflag:$0x7] =	stream.linear.gather [hbm4b:s12+s2], $0x200, $0x38;
	[tilespmem:$0x1E800] =	vst v63  }
0x70: {  	s24 =	simm.s32 $0x3000;
	s12 =	rddreg [dreg:$0x1d]  }
0x71: {  	[tilespmem:s24], [sflag:$0x7] =	stream.linear.gather [hbm4b:s15+s2], $0x200, $0x38;
	[tilespmem:$0x1E800] =	vst v63  }
0x72: {  	s13 =	simm.s32 $0x3200;
	s15 =	rddreg [dreg:$0x1e]  }
0x73: {  	[tilespmem:s13], [sflag:$0x7] =	stream.linear.gather [hbm4b:s12+s2], $0x200, $0x38;
	[tilespmem:$0x1E800] =	vst v63  }
0x74: {  	s24 =	simm.s32 $0x3400;
	s12 =	rddreg [dreg:$0x1f]  }
0x75: {  	[tilespmem:s24], [sflag:$0x7] =	stream.linear.gather [hbm4b:s15+s2], $0x200, $0x38;
	[tilespmem:$0x1E800] =	vst v63  }
0x76: {  	s13 =	simm.s32 $0x3600;
	s15 =	sld [smem:$0x7E3]  }
0x77: {  	[tilespmem:s13], [sflag:$0x7] =	stream.linear.gather [hbm4b:s12+s2], $0x200, $0x38;
	[tilespmem:$0x1E800] =	vst v63  }
0x78: {  	s24 =	simm.s32 $0x3800;
	s12 =	sld [smem:$0x7E4]  }
0x79: {  	[tilespmem:s24], [sflag:$0x7] =	stream.linear.gather [hbm4b:s15+s2], $0x200, $0x38;
	[tilespmem:$0x1E800] =	vst v63  }
0x7a: {  	s13 =	simm.s32 $0x3A00;
	s15 =	sld [smem:$0x7E5]  }
0x7b: {  	[tilespmem:s13], [sflag:$0x7] =	stream.linear.gather [hbm4b:s12+s2], $0x200, $0x38;
	[tilespmem:$0x1E800] =	vst v63  }
0x7c: {  	s24 =	simm.s32 $0x3C00;
	s12 =	sld [smem:$0x7E6]  }
0x7d: {  	[tilespmem:s24], [sflag:$0x7] =	stream.linear.gather [hbm4b:s15+s2], $0x200, $0x38;
	[tilespmem:$0x1E800] =	vst v63  }
0x7e: {  	s13 =	simm.s32 $0x3E00;
	s15 =	sld [smem:$0x7E7]  }
0x7f: {  	[tilespmem:s13], [sflag:$0x7] =	stream.linear.gather [hbm4b:s12+s2], $0x200, $0x38;
	[tilespmem:$0x1E800] =	vst v63  }
0x80: {  	s24 =	simm.s32 $0x4000;
	s12 =	sld [smem:$0x7E8]  }
0x81: {  	[tilespmem:s24], [sflag:$0x7] =	stream.linear.gather [hbm4b:s15+s2], $0x200, $0x38;
	[tilespmem:$0x1E800] =	vst v63  }
0x82: {  	s13 =	simm.s32 $0x4200;
	s15 =	sld [smem:$0x7E9]  }
0x83: {  	[tilespmem:s13], [sflag:$0x7] =	stream.linear.gather [hbm4b:s12+s2], $0x200, $0x38;
	[tilespmem:$0x1E800] =	vst v63  }
0x84: {  	s24 =	simm.s32 $0x4400;
	s12 =	sld [smem:$0x7EA]  }
0x85: {  	[tilespmem:s24], [sflag:$0x7] =	stream.linear.gather [hbm4b:s15+s2], $0x200, $0x38;
	[tilespmem:$0x1E800] =	vst v63  }
0x86: {  	s13 =	simm.s32 $0x4600;
	s15 =	sld [smem:$0x7EB]  }
0x87: {  	[tilespmem:s13], [sflag:$0x7] =	stream.linear.gather [hbm4b:s12+s2], $0x200, $0x38;
	[tilespmem:$0x1E800] =	vst v63  }
0x88: {  	s24 =	simm.s32 $0x4800;
	s12 =	sld [smem:$0x7EC]  }
0x89: {  	[tilespmem:s24], [sflag:$0x7] =	stream.linear.gather [hbm4b:s15+s2], $0x200, $0x38;
	[tilespmem:$0x1E800] =	vst v63  }
0x8a: {  	s13 =	simm.s32 $0x4A00;
	s15 =	sld [smem:$0x7ED]  }
0x8b: {  	[tilespmem:s13], [sflag:$0x7] =	stream.linear.gather [hbm4b:s12+s2], $0x200, $0x38;
	[tilespmem:$0x1E800] =	vst v63  }
0x8c: {  	s24 =	simm.s32 $0x4C00;
	s12 =	sld [smem:$0x7EE]  }
0x8d: {  	[tilespmem:s24], [sflag:$0x7] =	stream.linear.gather [hbm4b:s15+s2], $0x200, $0x38;
	[tilespmem:$0x1E800] =	vst v63  }
0x8e: {  	s13 =	simm.s32 $0x4E00;
	s15 =	sld [smem:$0x7EF]  }
0x8f: {  	[tilespmem:s13], [sflag:$0x7] =	stream.linear.gather [hbm4b:s12+s2], $0x200, $0x38;
	[tilespmem:$0x1E800] =	vst v63  }
0x90: {  	s24 =	simm.s32 $0x5000;
	s12 =	sld [smem:$0x7F0]  }
0x91: {  	[tilespmem:s24], [sflag:$0x7] =	stream.linear.gather [hbm4b:s15+s2], $0x200, $0x38;
	[tilespmem:$0x1E800] =	vst v63  }
0x92: {  	s13 =	simm.s32 $0x5200;
	s15 =	sld [smem:$0x7F1]  }
0x93: {  	[tilespmem:s13], [sflag:$0x7] =	stream.linear.gather [hbm4b:s12+s2], $0x200, $0x38;
	[tilespmem:$0x1E800] =	vst v63  }
0x94: {  	s24 =	simm.s32 $0x5400;
	s12 =	sld [smem:$0x7F2]  }
0x95: {  	[tilespmem:s24], [sflag:$0x7] =	stream.linear.gather [hbm4b:s15+s2], $0x200, $0x38;
	[tilespmem:$0x1E800] =	vst v63  }
0x96: {  	s13 =	simm.s32 $0x5600;
	s15 =	sld [smem:$0x7F3]  }
0x97: {  	[tilespmem:s13], [sflag:$0x7] =	stream.linear.gather [hbm4b:s12+s2], $0x200, $0x38;
	[tilespmem:$0x1E800] =	vst v63  }
0x98: {  	s24 =	simm.s32 $0x5800;
	s12 =	sld [smem:$0x7F4]  }
0x99: {  	[tilespmem:s24], [sflag:$0x7] =	stream.linear.gather [hbm4b:s15+s2], $0x200, $0x38;
	[tilespmem:$0x1E800] =	vst v63  }
0x9a: {  	s13 =	simm.s32 $0x5A00;
	s15 =	sld [smem:$0x7F5]  }
0x9b: {  	[tilespmem:s13], [sflag:$0x7] =	stream.linear.gather [hbm4b:s12+s2], $0x200, $0x38;
	[tilespmem:$0x1E800] =	vst v63  }
0x9c: {  	s24 =	simm.s32 $0x5C00;
	s12 =	sld [smem:$0x7F6]  }
0x9d: {  	[tilespmem:s24], [sflag:$0x7] =	stream.linear.gather [hbm4b:s15+s2], $0x200, $0x38;
	[tilespmem:$0x1E800] =	vst v63  }
0x9e: {  	s13 =	simm.s32 $0x5E00;
	s15 =	sld [smem:$0x7F7]  }
0x9f: {  	[tilespmem:s13], [sflag:$0x7] =	stream.linear.gather [hbm4b:s12+s2], $0x200, $0x38;
	[tilespmem:$0x1E800] =	vst v63  }
0xa0: {  	s11 =	sld [smem:$0x7F8];
	s24 =	simm.s32 $0x6000  }
0xa1: {  	[tilespmem:s24], [sflag:$0x7] =	stream.linear.gather [hbm4b:s15+s2], $0x200, $0x38;
	[tilespmem:$0x1E800] =	vst v63  }
0xa2: {  	s12 =	simm.s32 $0x6200  }
0xa3: {  	[tilespmem:s12], [sflag:$0x7] =	stream.linear.gather [hbm4b:s11+s2], $0x200, $0x38;
	[tilespmem:$0x1E800] =	vst v63  }
0xa4: {  	_ =	swait.ge [sflag:s17], $0x200  }
0xa5: {  	[sflag:s17] =	ssyncset.done $0x0  }
0xa6: {  	[sflag:s17] =	ssyncadd.s32 $0xFFFFFE00  }
0xa7: {  	_ =	swait.ge [sflag:s17], $0x200  }
0xa8: {  	[sflag:s17] =	ssyncset.done $0x0  }
0xa9: {  	[sflag:s17] =	ssyncadd.s32 $0xFFFFFE00  }
0xaa: {  	_ =	swait.ge [sflag:s17], $0x200  }
0xab: {  	[sflag:s17] =	ssyncset.done $0x0  }
0xac: {  	[sflag:s17] =	ssyncadd.s32 $0xFFFFFE00  }
0xad: {  	_ =	swait.ge [sflag:s17], $0x200  }
0xae: {  	[sflag:s17] =	ssyncset.done $0x0  }
0xaf: {  	[sflag:s17] =	ssyncadd.s32 $0xFFFFFE00  }
0xb0: {  	_ =	swait.ge [sflag:s17], $0x200  }
0xb1: {  	[sflag:s17] =	ssyncset.done $0x0  }
0xb2: {  	[sflag:s17] =	ssyncadd.s32 $0xFFFFFE00  }
0xb3: {  	_ =	swait.ge [sflag:s17], $0x200  }
0xb4: {  	[sflag:s17] =	ssyncset.done $0x0  }
0xb5: {  	[sflag:s17] =	ssyncadd.s32 $0xFFFFFE00  }
0xb6: {  	_ =	swait.ge [sflag:s17], $0x200  }
0xb7: {  	[sflag:s17] =	ssyncset.done $0x0  }
0xb8: {  	[sflag:s17] =	ssyncadd.s32 $0xFFFFFE00  }
0xb9: {  	_ =	swait.ge [sflag:s17], $0x200  }
0xba: {  	[sflag:s17] =	ssyncset.done $0x0  }
0xbb: {  	[sflag:s17] =	ssyncadd.s32 $0xFFFFFE00  }
0xbc: {  	_ =	swait.ge [sflag:s17], $0x200  }
0xbd: {  	[sflag:s17] =	ssyncset.done $0x0  }
0xbe: {  	[sflag:s17] =	ssyncadd.s32 $0xFFFFFE00  }
0xbf: {  	_ =	swait.ge [sflag:s17], $0x200  }
0xc0: {  	[sflag:s17] =	ssyncset.done $0x0  }
0xc1: {  	[sflag:s17] =	ssyncadd.s32 $0xFFFFFE00  }
0xc2: {  	_ =	swait.ge [sflag:s17], $0x200  }
0xc3: {  	[sflag:s17] =	ssyncset.done $0x0  }
0xc4: {  	[sflag:s17] =	ssyncadd.s32 $0xFFFFFE00  }
0xc5: {  	_ =	swait.ge [sflag:s17], $0x200  }
0xc6: {  	[sflag:s17] =	ssyncset.done $0x0  }
0xc7: {  	[sflag:s17] =	ssyncadd.s32 $0xFFFFFE00  }
0xc8: {  	_ =	swait.ge [sflag:s17], $0x200  }
0xc9: {  	[sflag:s17] =	ssyncset.done $0x0  }
0xca: {  	[sflag:s17] =	ssyncadd.s32 $0xFFFFFE00  }
0xcb: {  	_ =	swait.ge [sflag:s17], $0x200  }
0xcc: {  	[sflag:s17] =	ssyncset.done $0x0  }
0xcd: {  	[sflag:s17] =	ssyncadd.s32 $0xFFFFFE00  }
0xce: {  	_ =	swait.ge [sflag:s17], $0x200  }
0xcf: {  	[sflag:s17] =	ssyncset.done $0x0  }
0xd0: {  	[sflag:s17] =	ssyncadd.s32 $0xFFFFFE00  }
0xd1: {  	_ =	swait.ge [sflag:s17], $0x200  }
0xd2: {  	[sflag:s17] =	ssyncset.done $0x0  }
0xd3: {  	[sflag:s17] =	ssyncadd.s32 $0xFFFFFE00  }
0xd4: {  	_ =	swait.ge [sflag:s17], $0x200  }
0xd5: {  	[sflag:s17] =	ssyncset.done $0x0  }
0xd6: {  	[sflag:s17] =	ssyncadd.s32 $0xFFFFFE00  }
0xd7: {  	_ =	swait.ge [sflag:s17], $0x200  }
0xd8: {  	[sflag:s17] =	ssyncset.done $0x0  }
0xd9: {  	[sflag:s17] =	ssyncadd.s32 $0xFFFFFE00  }
0xda: {  	_ =	swait.ge [sflag:s17], $0x200  }
0xdb: {  	[sflag:s17] =	ssyncset.done $0x0  }
0xdc: {  	[sflag:s17] =	ssyncadd.s32 $0xFFFFFE00  }
0xdd: {  	_ =	swait.ge [sflag:s17], $0x200  }
0xde: {  	[sflag:s17] =	ssyncset.done $0x0  }
0xdf: {  	[sflag:s17] =	ssyncadd.s32 $0xFFFFFE00  }
0xe0: {  	_ =	swait.ge [sflag:s17], $0x200  }
0xe1: {  	[sflag:s17] =	ssyncset.done $0x0  }
0xe2: {  	[sflag:s17] =	ssyncadd.s32 $0xFFFFFE00  }
0xe3: {  	_ =	swait.ge [sflag:s17], $0x200  }
0xe4: {  	[sflag:s17] =	ssyncset.done $0x0  }
0xe5: {  	[sflag:s17] =	ssyncadd.s32 $0xFFFFFE00  }
0xe6: {  	_ =	swait.ge [sflag:s17], $0x200  }
0xe7: {  	[sflag:s17] =	ssyncset.done $0x0  }
0xe8: {  	[sflag:s17] =	ssyncadd.s32 $0xFFFFFE00  }
0xe9: {  	_ =	swait.ge [sflag:s17], $0x200  }
0xea: {  	[sflag:s17] =	ssyncset.done $0x0  }
0xeb: {  	[sflag:s17] =	ssyncadd.s32 $0xFFFFFE00  }
0xec: {  	_ =	swait.ge [sflag:s17], $0x200  }
0xed: {  	[sflag:s17] =	ssyncset.done $0x0  }
0xee: {  	[sflag:s17] =	ssyncadd.s32 $0xFFFFFE00  }
0xef: {  	_ =	swait.ge [sflag:s17], $0x200  }
0xf0: {  	[sflag:s17] =	ssyncset.done $0x0  }
0xf1: {  	[sflag:s17] =	ssyncadd.s32 $0xFFFFFE00  }
0xf2: {  	_ =	swait.ge [sflag:s17], $0x200  }
0xf3: {  	[sflag:s17] =	ssyncset.done $0x0  }
0xf4: {  	[sflag:s17] =	ssyncadd.s32 $0xFFFFFE00  }
0xf5: {  	_ =	swait.ge [sflag:s17], $0x200  }
0xf6: {  	[sflag:s17] =	ssyncset.done $0x0  }
0xf7: {  	[sflag:s17] =	ssyncadd.s32 $0xFFFFFE00  }
0xf8: {  	_ =	swait.ge [sflag:s17], $0x200  }
0xf9: {  	[sflag:s17] =	ssyncset.done $0x0  }
0xfa: {  	[sflag:s17] =	ssyncadd.s32 $0xFFFFFE00  }
0xfb: {  	_ =	swait.ge [sflag:s17], $0x200  }
0xfc: {  	[sflag:s17] =	ssyncset.done $0x0  }
0xfd: {  	[sflag:s17] =	ssyncadd.s32 $0xFFFFFE00  }
0xfe: {  	_ =	swait.ge [sflag:s17], $0x200  }
0xff: {  	[sflag:s17] =	ssyncset.done $0x0  }
0x100: {  	[sflag:s17] =	ssyncadd.s32 $0xFFFFFE00  }
0x101: {  	_ =	swait.ge [sflag:s17], $0x200  }
0x102: {  	[sflag:s17] =	ssyncset.done $0x0  }
0x103: {  	[sflag:s17] =	ssyncadd.s32 $0xFFFFFE00  }
0x104: {  	_ =	swait.ge [sflag:s17], $0x200  }
0x105: {  	[sflag:s17] =	ssyncset.done $0x0  }
0x106: {  	[sflag:s17] =	ssyncadd.s32 $0xFFFFFE00  }
0x107: {  	_ =	swait.ge [sflag:s17], $0x200  }
0x108: {  	[sflag:s17] =	ssyncset.done $0x0  }
0x109: {  	[sflag:s17] =	ssyncadd.s32 $0xFFFFFE00  }
0x10a: {  	_ =	swait.ge [sflag:s17], $0x200  }
0x10b: {  	[sflag:s17] =	ssyncset.done $0x0  }
0x10c: {  	[sflag:s17] =	ssyncadd.s32 $0xFFFFFE00  }
0x10d: {  	_ =	swait.ge [sflag:s17], $0x200  }
0x10e: {  	[sflag:s17] =	ssyncset.done $0x0  }
0x10f: {  	[sflag:s17] =	ssyncadd.s32 $0xFFFFFE00  }
0x110: {  	_ =	swait.ge [sflag:s17], $0x200  }
0x111: {  	[sflag:s17] =	ssyncset.done $0x0  }
0x112: {  	[sflag:s17] =	ssyncadd.s32 $0xFFFFFE00  }
0x113: {  	_ =	swait.ge [sflag:s17], $0x200  }
0x114: {  	[sflag:s17] =	ssyncset.done $0x0  }
0x115: {  	[sflag:s17] =	ssyncadd.s32 $0xFFFFFE00  }
0x116: {  	_ =	swait.ge [sflag:s17], $0x200  }
0x117: {  	[sflag:s17] =	ssyncset.done $0x0  }
0x118: {  	[sflag:s17] =	ssyncadd.s32 $0xFFFFFE00  }
0x119: {  	_ =	swait.ge [sflag:s17], $0x200  }
0x11a: {  	[sflag:s17] =	ssyncset.done $0x0  }
0x11b: {  	[sflag:s17] =	ssyncadd.s32 $0xFFFFFE00  }
0x11c: {  	_ =	swait.ge [sflag:s17], $0x200  }
0x11d: {  	[sflag:s17] =	ssyncset.done $0x0  }
0x11e: {  	[sflag:s17] =	ssyncadd.s32 $0xFFFFFE00  }
0x11f: {  	_ =	swait.ge [sflag:s17], $0x200  }
0x120: {  	[sflag:s17] =	ssyncset.done $0x0  }
0x121: {  	[sflag:s17] =	ssyncadd.s32 $0xFFFFFE00  }
0x122: {  	_ =	swait.ge [sflag:s17], $0x200  }
0x123: {  	[sflag:s17] =	ssyncset.done $0x0  }
0x124: {  	[sflag:s17] =	ssyncadd.s32 $0xFFFFFE00  }
0x125: {  	_ =	swait.ge [sflag:s17], $0x200  }
0x126: {  	[sflag:s17] =	ssyncset.done $0x0  }
0x127: {  	[sflag:s17] =	ssyncadd.s32 $0xFFFFFE00  }
0x128: {  	_ =	swait.ge [sflag:s17], $0x200  }
0x129: {  	[sflag:s17] =	ssyncset.done $0x0  }
0x12a: {  	[sflag:s17] =	ssyncadd.s32 $0xFFFFFE00  }
0x12b: {  	_ =	swait.ge [sflag:s17], $0x200  }
0x12c: {  	[sflag:s17] =	ssyncset.done $0x0  }
0x12d: {  	[sflag:s17] =	ssyncadd.s32 $0xFFFFFE00  }
0x12e: {  	_ =	swait.ge [sflag:s17], $0x200  }
0x12f: {  	[sflag:s17] =	ssyncset.done $0x0  }
0x130: {  	[sflag:s17] =	ssyncadd.s32 $0xFFFFFE00  }
0x131: {  	_ =	swait.ge [sflag:s17], $0x200  }
0x132: {  	[sflag:s17] =	ssyncset.done $0x0  }
0x133: {  	[sflag:s17] =	ssyncadd.s32 $0xFFFFFE00  }
0x134: {  	_ =	swait.ge [sflag:s17], $0x200  }
0x135: {  	[sflag:s17] =	ssyncset.done $0x0  }
0x136: {  	[sflag:s17] =	ssyncadd.s32 $0xFFFFFE00  }
0x137: {  	_ =	swait.ge [sflag:s17], $0x200  }
0x138: {  	[sflag:s17] =	ssyncset.done $0x0  }
0x139: {  	[sflag:s17] =	ssyncadd.s32 $0xFFFFFE00  }
0x13a: {  	[tilespmem:s20], [sflag:$0x1] =	stream.indirect.gather [hbm4b:s4+s18], $0x40, s2, s18, $0xb8;
	[tilespmem:$0x1E800] =	vst v63  }
0x13b: {  	_ = 	snop  }
0x13c: {  	[tilespmem:s21], [sflag:$0x2] =	stream.indirect.gather [hbm4b:s4+s18], $0x40, s18, s18, $0xb8;
	[tilespmem:$0x1E800] =	vst v63  }
0x13d: {  	_ = 	snop  }
0x13e: {  	[tilespmem:s22], [sflag:$0x3] =	stream.indirect.gather [hbm4b:s4+s18], $0x40, s10, s18, $0xb8;
	[tilespmem:$0x1E800] =	vst v63  }
0x13f: {  	s13 =	simm.s32 $0x300  }
0x140: {  	[tilespmem:s25], [sflag:$0x4] =	stream.indirect.gather [hbm4b:s4+s18], $0x40, s13, s18, $0xb8;
	[tilespmem:$0x1E800] =	vst v63  }
0x141: {  	s15 =	simm.s32 $0x3;
	_ =	swait.ge [sflag:s26], $0x4000  }
0x142: {  	v4 =	vmov s15;
	[sflag:s26] =	ssyncset.done $0x0  }
0x143: {  	s24 =	simm.s32 $0x1;
	v5 =	vand.u32 $0xFF, v4;
	v4 =	vmov s2;
	s10 =	simm.s32 $0x6480;
	[sflag:s26] =	ssyncadd.s32 $0xFFFFC000  }
0x144: {  	v8 =	vadd.s32 v0, v5;
	v6 =	vand.u32 $0xFC, v4;
	v4 =	vmov s24;
	v7 =	vld [tilespmem:s10+$0x40]  }
0x145: {  	v10 =	vadd.s32 v0, v6;
	v11 =	vand.u32 $0xFD, v4;
	v9 =	vld [tilespmem:s10+$0xFFFFFF80]  }
0x146: {  	s11 =	simm.s32 $0x2;
	v12 =	vadd.s32 v0, v11;
	v4 =	vld [tilespmem:s10+$0xFFFFFFC0]  }
0x147: {  	v13 =	vmov s11  }
0x148: {  	v13 =	vand.u32 $0xFE, v13  }
0x149: {  	v15 =	vadd.s32 v0, v13;
	v14 =	vld [tilespmem:s10+$0x0];
	[tilespmem:v8+s28+$0x0] =	vst.idx.msk $0xffff, v7  }
0x14a: {  	v8 =	vadd.s32 v1, v5;
	[tilespmem:v10+s28+$0x0] =	vst.idx.msk $0xffff, v9;
	v7 =	vld [tilespmem:s10+$0x50]  }
0x14b: {  	v10 =	vadd.s32 v1, v6;
	[tilespmem:v12+s28+$0x0] =	vst.idx.msk $0xffff, v4;
	v9 =	vld [tilespmem:s10+$0xFFFFFF90]  }
0x14c: {  	v12 =	vadd.s32 v1, v11;
	v4 =	vld [tilespmem:s10+$0xFFFFFFD0];
	_ =	sdelay $0x1  }
0x14d: {  	[tilespmem:v15+s28+$0x0] =	vst.idx.msk $0xffff, v14  }
0x14e: {  	v16 =	vadd.s32 v1, v13;
	v15 =	vld [tilespmem:s10+$0x10];
	[tilespmem:v8+s28+$0x0] =	vst.idx.msk $0xffff, v7  }
0x14f: {  	s12 =	simm.s32 $0x7;
	v14 =	vadd.s32 v2, v5;
	[tilespmem:v10+s28+$0x0] =	vst.idx.msk $0xffff, v9;
	v7 =	vld [tilespmem:s10+$0x60]  }
0x150: {  	v10 =	vadd.s32 v2, v6;
	v8 =	vmov s12;
	[tilespmem:v12+s28+$0x0] =	vst.idx.msk $0xffff, v4;
	v9 =	vld [tilespmem:s10+$0xFFFFFFA0]  }
0x151: {  	s9 =	simm.s32 $0x6580;
	v17 =	vadd.s32 v2, v11;
	v8 =	vand.u32 $0xFF, v8;
	v12 =	vld [tilespmem:s10+$0xFFFFFFE0]  }
0x152: {  	s13 =	simm.s32 $0x4;
	v18 =	vld [tilespmem:s9+$0x40];
	v19 =	vadd.s32 v0, v8  }
0x153: {  	s15 =	simm.s32 $0x5;
	v4 =	vmov s13;
	[tilespmem:v16+s28+$0x0] =	vst.idx.msk $0xffff, v15  }
0x154: {  	v22 =	vmov s15;
	v4 =	vand.u32 $0xFC, v4;
	[tilespmem:v14+s28+$0x0] =	vst.idx.msk $0xffff, v7  }
0x155: {  	s24 =	simm.s32 $0x6;
	v20 =	vld [tilespmem:s9+$0xFFFFFF80];
	v21 =	vadd.s32 v0, v4;
	v7 =	vand.u32 $0xFD, v22;
	[tilespmem:v10+s28+$0x0] =	vst.idx.msk $0xffff, v9  }
0x156: {  	v14 =	vmov s24;
	v9 =	vld [tilespmem:s9+$0xFFFFFFC0];
	[tilespmem:v17+s28+$0x0] =	vst.idx.msk $0xffff, v12;
	v10 =	vadd.s32 v0, v7  }
0x157: {  	v16 =	vadd.s32 v3, v5;
	v12 =	vld [tilespmem:s10+$0x20];
	v5 =	vand.u32 $0xFE, v14;
	[tilespmem:v19+s28+$0x0] =	vst.idx.msk $0xffff, v18;
	v18 =	vadd.s32 v2, v13  }
0x158: {  	v14 =	vld [tilespmem:s9+$0x0];
	v63 =	vadd.s32 v0, v5  }
0x159: {  	v15 =	vld [tilespmem:s10+$0x70]  }
0x15a: {  	[tilespmem:v21+s28+$0x0] =	vst.idx.msk $0xffff, v20;
	v20 =	vadd.s32 v1, v8;
	v19 =	vld [tilespmem:s9+$0x50]  }
0x15b: {  	v23 =	vadd.s32 v1, v4;
	v21 =	vld [tilespmem:s9+$0xFFFFFF90];
	[tilespmem:v10+s28+$0x0] =	vst.idx.msk $0xffff, v9  }
0x15c: {  	v25 =	vadd.s32 v3, v11;
	v24 =	vld [tilespmem:s10+$0xFFFFFFF0];
	[tilespmem:v18+s28+$0x0] =	vst.idx.msk $0xffff, v12  }
0x15d: {  	v18 =	vadd.s32 v1, v7;
	v17 =	vld [tilespmem:s9+$0xFFFFFFD0];
	[tilespmem:v63+s28+$0x0] =	vst.idx.msk $0xffff, v14  }
0x15e: {  	[tilespmem:v16+s28+$0x0] =	vst.idx.msk $0xffff, v15;
	v16 =	vadd.s32 v1, v5;
	v15 =	vld [tilespmem:s9+$0x10]  }
0x15f: {  	[tilespmem:v20+s28+$0x0] =	vst.idx.msk $0xffff, v19;
	v11 =	vld [tilespmem:s10+$0x30];
	v14 =	vadd.s32 v3, v13  }
0x160: {  	v12 =	vadd.s32 v2, v8;
	[tilespmem:v23+s28+$0x0] =	vst.idx.msk $0xffff, v21;
	v9 =	vld [tilespmem:s9+$0x60]  }
0x161: {  	s11 =	simm.s32 $0x8;
	s13 =	simm.s32 $0xB;
	s12 =	simm.s32 $0xC;
	[tilespmem:v25+s28+$0x0] =	vst.idx.msk $0xffff, v24;
	v13 =	vadd.s32 v2, v4;
	v10 =	vld [tilespmem:s9+$0xFFFFFFA0]  }
.LBB2_2:
0x162: {  	p0 =	slt.u32 s12, $0xFC;
	v19 =	vmov s13;
	[tilespmem:v18+s28+$0x0] =	vst.idx.msk $0xffff, v17;
	v17 =	vld [tilespmem:s10+$0xFFFFFFB0];
	v18 =	vadd.s32 v3, v6;
	v6 =	vmov v4;
	s10 =	smov.u32 s9  }
0x163: {  	v4 =	vmov s11;
	v21 =	vadd.s32 v2, v7;
	s9 =	sadd.s32 $0x100, s9;
	v19 =	vand.u32 $0xFF, v19;
	v20 =	vld [tilespmem:s10+$0xFFFFFFE0];
	[tilespmem:v16+s28+$0x0] =	vst.idx.msk $0xffff, v15  }
0x164: {  	s13 =	sadd.s32 $0x1, s11;
	v4 =	vand.u32 $0xFC, v4;
	v15 =	vld [tilespmem:s9+$0x40];
	v16 =	vadd.s32 v0, v19;
	[tilespmem:v14+s28+$0x0] =	vst.idx.msk $0xffff, v11  }
0x165: {  	v22 =	vmov s13;
	s13 =	sadd.s32 $0x2, s11;
	s11 =	smov.u32 s12;
	v14 =	vadd.s32 v0, v4;
	v11 =	vld [tilespmem:s9+$0xFFFFFF80];
	[tilespmem:v12+s28+$0x0] =	vst.idx.msk $0xffff, v9  }
0x166: {  	v9 =	vand.u32 $0xFD, v22;
	v12 =	vmov s13;
	[tilespmem:v13+s28+$0x0] =	vst.idx.msk $0xffff, v10;
	v10 =	vld [tilespmem:s10+$0x70];
	v13 =	vadd.s32 v3, v8;
	v8 =	vmovc v19  }
0x167: {  	v22 =	vadd.s32 v0, v9;
	v12 =	vand.u32 $0xFE, v12;
	v19 =	vld [tilespmem:s9+$0xFFFFFFC0];
	[tilespmem:v18+s28+$0x0] =	vst.idx.msk $0xffff, v17  }
0x168: {  	v24 =	vadd.s32 v0, v12;
	v23 =	vld [tilespmem:s9+$0x0];
	[tilespmem:v21+s28+$0x0] =	vst.idx.msk $0xffff, v20  }
0x169: {  	v21 =	vadd.s32 v2, v5;
	[tilespmem:v16+s28+$0x0] =	vst.idx.msk $0xffff, v15;
	v20 =	vld [tilespmem:s10+$0x20]  }
0x16a: {  	[tilespmem:v14+s28+$0x0] =	vst.idx.msk $0xffff, v11;
	v11 =	vld [tilespmem:s9+$0x50];
	v14 =	vadd.s32 v1, v8  }
0x16b: {  	v26 =	vadd.s32 v1, v4;
	v25 =	vld [tilespmem:s9+$0xFFFFFF90];
	[tilespmem:v13+s28+$0x0] =	vst.idx.msk $0xffff, v10  }
0x16c: {  	[tilespmem:v22+s28+$0x0] =	vst.idx.msk $0xffff, v19;
	v19 =	vld [tilespmem:s10+$0xFFFFFFF0];
	v22 =	vadd.s32 v3, v7;
	v7 =	vmov v9  }
.Ltmp0:
0x16d: {  	v17 =	vld [tilespmem:s9+$0xFFFFFFD0];
	v18 =	vadd.s32 v1, v7;
	[tilespmem:v24+s28+$0x0] =	vst.idx.msk $0xffff, v23;
	(pc) =	sbr.rel @p0 .LBB2_2-.Ltmp0, $4  }
0x16e: {  	v16 =	vadd.s32 v1, v12;
	v15 =	vld [tilespmem:s9+$0x10];
	[tilespmem:v21+s28+$0x0] =	vst.idx.msk $0xffff, v20  }
0x16f: {  	[tilespmem:v14+s28+$0x0] =	vst.idx.msk $0xffff, v11;
	v11 =	vld [tilespmem:s10+$0x30];
	v14 =	vadd.s32 v3, v5;
	v5 =	vmov v12  }
0x170: {  	v12 =	vadd.s32 v2, v8;
	[tilespmem:v26+s28+$0x0] =	vst.idx.msk $0xffff, v25;
	v9 =	vld [tilespmem:s9+$0x60]  }
0x171: {  	s12 =	sadd.s32 $0x4, s12;
	s13 =	sadd.s32 $0x3, s11;
	v13 =	vadd.s32 v2, v4;
	v10 =	vld [tilespmem:s9+$0xFFFFFFA0];
	[tilespmem:v22+s28+$0x0] =	vst.idx.msk $0xffff, v19  }
0x172: {  	_ =	sdelay $0x2  }
0x173: {  	v19 =	vmov s13  }
0x174: {  	s12 =	sadd.s32 $0x1, s11;
	[tilespmem:v18+s28+$0x0] =	vst.idx.msk $0xffff, v17;
	v30 =	vld [tilespmem:s10+$0xFFFFFFB0];
	v6 =	vadd.s32 v3, v6;
	s13 =	sadd.s32 $0x100, s9;
	v21 =	vmov s11;
	v31 =	vand.u32 $0xFF, v19  }
0x175: {  	s15 =	sadd.s32 $0x2, s11;
	v32 =	vmov s12;
	[tilespmem:v16+s28+$0x0] =	vst.idx.msk $0xffff, v15;
	v33 =	vld [tilespmem:s13+$0x40];
	v21 =	vand.u32 $0xFC, v21;
	v34 =	vadd.s32 v0, v31  }
0x176: {  	v20 =	vmov s15;
	v22 =	vld [tilespmem:s13+$0xFFFFFF80];
	v19 =	vand.u32 $0xFD, v32;
	[tilespmem:v14+s28+$0x0] =	vst.idx.msk $0xffff, v11;
	v39 =	vadd.s32 v0, v21  }
0x177: {  	v35 =	vld [tilespmem:s13+$0xFFFFFFC0];
	v20 =	vand.u32 $0xFE, v20;
	v36 =	vadd.s32 v0, v19;
	[tilespmem:v12+s28+$0x0] =	vst.idx.msk $0xffff, v9  }
0x178: {  	v37 =	vld [tilespmem:s13+$0x0];
	v38 =	vadd.s32 v0, v20;
	[tilespmem:v13+s28+$0x0] =	vst.idx.msk $0xffff, v10  }
0x179: {  	v41 =	vadd.s32 v2, v7;
	v40 =	vld [tilespmem:s9+$0xFFFFFFE0];
	[tilespmem:v6+s28+$0x0] =	vst.idx.msk $0xffff, v30  }
0x17a: {  	v49 =	vadd.s32 v2, v5;
	v48 =	vld [tilespmem:s9+$0x20];
	[tilespmem:v34+s28+$0x0] =	vst.idx.msk $0xffff, v33  }
0x17b: {  	v43 =	vadd.s32 v1, v31;
	[tilespmem:v39+s28+$0x0] =	vst.idx.msk $0xffff, v22;
	v15 =	vld [tilespmem:s13+$0x50]  }
0x17c: {  	v47 =	vadd.s32 v1, v21;
	[tilespmem:v36+s28+$0x0] =	vst.idx.msk $0xffff, v35;
	v46 =	vld [tilespmem:s13+$0xFFFFFF90]  }
0x17d: {  	v44 =	vadd.s32 v1, v19;
	[tilespmem:v38+s28+$0x0] =	vst.idx.msk $0xffff, v37;
	v11 =	vld [tilespmem:s13+$0xFFFFFFD0]  }
0x17e: {  	v45 =	vadd.s32 v1, v20;
	[tilespmem:v41+s28+$0x0] =	vst.idx.msk $0xffff, v40;
	v9 =	vld [tilespmem:s13+$0x10]  }
0x17f: {  	v8 =	vadd.s32 v3, v8;
	v42 =	vld [tilespmem:s9+$0x70];
	[tilespmem:v49+s28+$0x0] =	vst.idx.msk $0xffff, v48  }
0x180: {  	v5 =	vadd.s32 v3, v5;
	v13 =	vld [tilespmem:s9+$0x30];
	[tilespmem:v43+s28+$0x0] =	vst.idx.msk $0xffff, v15  }
0x181: {  	v52 =	vadd.s32 v2, v31;
	[tilespmem:v47+s28+$0x0] =	vst.idx.msk $0xffff, v46;
	v15 =	vld [tilespmem:s13+$0x60]  }
0x182: {  	v57 =	vadd.s32 v2, v21;
	[tilespmem:v44+s28+$0x0] =	vst.idx.msk $0xffff, v11;
	v56 =	vld [tilespmem:s13+$0xFFFFFFA0]  }
0x183: {  	v53 =	vadd.s32 v2, v19;
	[tilespmem:v45+s28+$0x0] =	vst.idx.msk $0xffff, v9;
	v11 =	vld [tilespmem:s13+$0xFFFFFFE0]  }
0x184: {  	v55 =	vadd.s32 v2, v20;
	[tilespmem:v8+s28+$0x0] =	vst.idx.msk $0xffff, v42;
	v54 =	vld [tilespmem:s13+$0x20]  }
0x185: {  	v4 =	vadd.s32 v3, v4;
	v58 =	vld [tilespmem:s9+$0xFFFFFFB0];
	[tilespmem:v5+s28+$0x0] =	vst.idx.msk $0xffff, v13  }
0x186: {  	v51 =	vadd.s32 v3, v7;
	v50 =	vld [tilespmem:s9+$0xFFFFFFF0];
	[tilespmem:v52+s28+$0x0] =	vst.idx.msk $0xffff, v15  }
0x187: {  	v60 =	vadd.s32 v3, v31;
	[tilespmem:v57+s28+$0x0] =	vst.idx.msk $0xffff, v56;
	v59 =	vld [tilespmem:s13+$0x70]  }
0x188: {  	v63 =	vadd.s32 v3, v21;
	[tilespmem:v53+s28+$0x0] =	vst.idx.msk $0xffff, v11;
	v5 =	vld [tilespmem:s13+$0xFFFFFFB0]  }
0x189: {  	v61 =	vadd.s32 v3, v19;
	[tilespmem:v55+s28+$0x0] =	vst.idx.msk $0xffff, v54;
	v11 =	vld [tilespmem:s13+$0xFFFFFFF0]  }
0x18a: {  	v62 =	vadd.s32 v3, v20;
	[tilespmem:v4+s28+$0x0] =	vst.idx.msk $0xffff, v58;
	v6 =	vld [tilespmem:s13+$0x30]  }
0x18b: {  	[tilespmem:v51+s28+$0x0] =	vst.idx.msk $0xffff, v50  }
0x18c: {  	[tilespmem:v60+s28+$0x0] =	vst.idx.msk $0xffff, v59  }
0x18d: {  	[tilespmem:v63+s28+$0x0] =	vst.idx.msk $0xffff, v5  }
0x18e: {  	[tilespmem:v61+s28+$0x0] =	vst.idx.msk $0xffff, v11  }
0x18f: {  	s24 =	simm.s32 $0x16400;
	s10 =	smov.u32 s23;
	s9 =	simm.s32 $0x420;
	[tilespmem:v62+s28+$0x0] =	vst.idx.msk $0xffff, v6  }
0x190: {  	[hbm4b:s23+s2] =	stream.linear.scatter [tilespmem:s24], [sflag:$0x5], $0x100, $0x38;
	[tilespmem:$0x1E800] =	vst v63  }
.LBB2_4:
0x191: {  	p0 =	sne.s32 s9, $0x103E0  }
.Ltmp1:
0x192: {  	_ = 	snop;
	(pc) =	sbr.rel @p0 .LBB2_4-.Ltmp1, $4  }
0x193: {  	_ = 	snop  }
0x194: {  	s11 =	sshra.s32 s9, $0x2;
	s9 =	sadd.s32 $0x420, s9  }
0x195: {  	s10 =	sadd.s32 $0x800, s10;
	s11 =	sadd.s32 $0x16400, s11  }
0x196: {  	[hbm4b:s10+s2] =	stream.linear.scatter [tilespmem:s11], [sflag:$0x5], $0x100, $0x38;
	[tilespmem:$0x1E800] =	vst v63  }
0x197: {  	[tilespmem:s20], [sflag:$0x1] =	stream.indirect.gather [hbm4b:s4+s18], $0x40, s14, s18, $0xb8;
	[tilespmem:$0x1E800] =	vst v63  }
0x198: {  	s9 =	simm.s32 $0x3;
	_ =	swait.ge [sflag:s29], $0x4000  }
0x199: {  	s11 =	simm.s32 $0x0;
	v4 =	vmov s9;
	[sflag:s29] =	ssyncset.done $0x0  }
0x19a: {  	s10 =	simm.s32 $0xA480;
	s12 =	simm.s32 $0x1;
	v5 =	vand.u32 $0xFF, v4;
	v4 =	vmov s11;
	[sflag:s29] =	ssyncadd.s32 $0xFFFFC000  }
0x19b: {  	v8 =	vadd.s32 v0, v5;
	v6 =	vand.u32 $0xFC, v4;
	v4 =	vmov s12;
	v7 =	vld [tilespmem:s10+$0x40]  }
0x19c: {  	v9 =	vld [tilespmem:s10+$0xFFFFFF80];
	v10 =	vadd.s32 v0, v6;
	v11 =	vand.u32 $0xFD, v4  }
0x19d: {  	s13 =	simm.s32 $0x2;
	v4 =	vld [tilespmem:s10+$0xFFFFFFC0];
	v12 =	vadd.s32 v0, v11  }
0x19e: {  	v13 =	vmov s13  }
0x19f: {  	v13 =	vand.u32 $0xFE, v13  }
0x1a0: {  	v15 =	vadd.s32 v0, v13;
	v14 =	vld [tilespmem:s10+$0x0];
	[tilespmem:v8+s30+$0x0] =	vst.idx.msk $0xffff, v7  }
0x1a1: {  	v8 =	vadd.s32 v1, v5;
	[tilespmem:v10+s30+$0x0] =	vst.idx.msk $0xffff, v9;
	v7 =	vld [tilespmem:s10+$0x50]  }
0x1a2: {  	v10 =	vadd.s32 v1, v6;
	v9 =	vld [tilespmem:s10+$0xFFFFFF90];
	[tilespmem:v12+s30+$0x0] =	vst.idx.msk $0xffff, v4  }
0x1a3: {  	v12 =	vadd.s32 v1, v11;
	v4 =	vld [tilespmem:s10+$0xFFFFFFD0];
	_ =	sdelay $0x1  }
0x1a4: {  	[tilespmem:v15+s30+$0x0] =	vst.idx.msk $0xffff, v14  }
0x1a5: {  	v16 =	vadd.s32 v1, v13;
	v15 =	vld [tilespmem:s10+$0x10];
	[tilespmem:v8+s30+$0x0] =	vst.idx.msk $0xffff, v7  }
0x1a6: {  	s14 =	simm.s32 $0x7;
	v14 =	vadd.s32 v2, v5;
	[tilespmem:v10+s30+$0x0] =	vst.idx.msk $0xffff, v9;
	v7 =	vld [tilespmem:s10+$0x60]  }
0x1a7: {  	v10 =	vadd.s32 v2, v6;
	v8 =	vmov s14;
	v9 =	vld [tilespmem:s10+$0xFFFFFFA0];
	[tilespmem:v12+s30+$0x0] =	vst.idx.msk $0xffff, v4  }
0x1a8: {  	s9 =	simm.s32 $0xA580;
	v17 =	vadd.s32 v2, v11;
	v8 =	vand.u32 $0xFF, v8;
	v12 =	vld [tilespmem:s10+$0xFFFFFFE0]  }
0x1a9: {  	s11 =	simm.s32 $0x4;
	v18 =	vld [tilespmem:s9+$0x40];
	v19 =	vadd.s32 v0, v8  }
0x1aa: {  	s15 =	simm.s32 $0x5;
	[tilespmem:v16+s30+$0x0] =	vst.idx.msk $0xffff, v15;
	v4 =	vmov s11  }
0x1ab: {  	v22 =	vmov s15;
	v4 =	vand.u32 $0xFC, v4;
	[tilespmem:v14+s30+$0x0] =	vst.idx.msk $0xffff, v7  }
0x1ac: {  	s24 =	simm.s32 $0x6;
	v20 =	vld [tilespmem:s9+$0xFFFFFF80];
	v21 =	vadd.s32 v0, v4;
	v7 =	vand.u32 $0xFD, v22;
	[tilespmem:v10+s30+$0x0] =	vst.idx.msk $0xffff, v9  }
0x1ad: {  	v14 =	vmov s24;
	v9 =	vld [tilespmem:s9+$0xFFFFFFC0];
	v10 =	vadd.s32 v0, v7;
	[tilespmem:v17+s30+$0x0] =	vst.idx.msk $0xffff, v12  }
0x1ae: {  	v16 =	vadd.s32 v3, v5;
	v5 =	vand.u32 $0xFE, v14;
	[tilespmem:v19+s30+$0x0] =	vst.idx.msk $0xffff, v18;
	v12 =	vld [tilespmem:s10+$0x20];
	v18 =	vadd.s32 v2, v13  }
0x1af: {  	v14 =	vld [tilespmem:s9+$0x0];
	v63 =	vadd.s32 v0, v5  }
0x1b0: {  	v15 =	vld [tilespmem:s10+$0x70]  }
0x1b1: {  	[tilespmem:v21+s30+$0x0] =	vst.idx.msk $0xffff, v20;
	v19 =	vld [tilespmem:s9+$0x50];
	v20 =	vadd.s32 v1, v8  }
0x1b2: {  	v23 =	vadd.s32 v1, v4;
	v21 =	vld [tilespmem:s9+$0xFFFFFF90];
	[tilespmem:v10+s30+$0x0] =	vst.idx.msk $0xffff, v9  }
0x1b3: {  	v25 =	vadd.s32 v3, v11;
	v24 =	vld [tilespmem:s10+$0xFFFFFFF0];
	[tilespmem:v18+s30+$0x0] =	vst.idx.msk $0xffff, v12  }
0x1b4: {  	v18 =	vadd.s32 v1, v7;
	v17 =	vld [tilespmem:s9+$0xFFFFFFD0];
	[tilespmem:v63+s30+$0x0] =	vst.idx.msk $0xffff, v14  }
0x1b5: {  	[tilespmem:v16+s30+$0x0] =	vst.idx.msk $0xffff, v15;
	v16 =	vadd.s32 v1, v5;
	v15 =	vld [tilespmem:s9+$0x10]  }
0x1b6: {  	[tilespmem:v20+s30+$0x0] =	vst.idx.msk $0xffff, v19;
	v11 =	vld [tilespmem:s10+$0x30];
	v14 =	vadd.s32 v3, v13  }
0x1b7: {  	v12 =	vadd.s32 v2, v8;
	[tilespmem:v23+s30+$0x0] =	vst.idx.msk $0xffff, v21;
	v9 =	vld [tilespmem:s9+$0x60]  }
0x1b8: {  	s13 =	simm.s32 $0xB;
	s12 =	simm.s32 $0xC;
	s11 =	simm.s32 $0x8;
	v13 =	vadd.s32 v2, v4;
	[tilespmem:v25+s30+$0x0] =	vst.idx.msk $0xffff, v24;
	v10 =	vld [tilespmem:s9+$0xFFFFFFA0]  }
.LBB2_6:
0x1b9: {  	p0 =	slt.u32 s12, $0xFC;
	v19 =	vmov s13;
	[tilespmem:v18+s30+$0x0] =	vst.idx.msk $0xffff, v17;
	v17 =	vld [tilespmem:s10+$0xFFFFFFB0];
	v18 =	vadd.s32 v3, v6;
	v6 =	vmov v4;
	s10 =	smov.u32 s9  }
0x1ba: {  	v4 =	vmov s11;
	v21 =	vadd.s32 v2, v7;
	s9 =	sadd.s32 $0x100, s9;
	v19 =	vand.u32 $0xFF, v19;
	v20 =	vld [tilespmem:s10+$0xFFFFFFE0];
	[tilespmem:v16+s30+$0x0] =	vst.idx.msk $0xffff, v15  }
0x1bb: {  	s13 =	sadd.s32 $0x1, s11;
	v4 =	vand.u32 $0xFC, v4;
	v15 =	vld [tilespmem:s9+$0x40];
	v16 =	vadd.s32 v0, v19;
	[tilespmem:v14+s30+$0x0] =	vst.idx.msk $0xffff, v11  }
0x1bc: {  	v22 =	vmov s13;
	s13 =	sadd.s32 $0x2, s11;
	s11 =	smov.u32 s12;
	v14 =	vadd.s32 v0, v4;
	v11 =	vld [tilespmem:s9+$0xFFFFFF80];
	[tilespmem:v12+s30+$0x0] =	vst.idx.msk $0xffff, v9  }
0x1bd: {  	v9 =	vand.u32 $0xFD, v22;
	v12 =	vmov s13;
	[tilespmem:v13+s30+$0x0] =	vst.idx.msk $0xffff, v10;
	v10 =	vld [tilespmem:s10+$0x70];
	v13 =	vadd.s32 v3, v8;
	v8 =	vmovc v19  }
0x1be: {  	v22 =	vadd.s32 v0, v9;
	v12 =	vand.u32 $0xFE, v12;
	v19 =	vld [tilespmem:s9+$0xFFFFFFC0];
	[tilespmem:v18+s30+$0x0] =	vst.idx.msk $0xffff, v17  }
0x1bf: {  	v24 =	vadd.s32 v0, v12;
	v23 =	vld [tilespmem:s9+$0x0];
	[tilespmem:v21+s30+$0x0] =	vst.idx.msk $0xffff, v20  }
0x1c0: {  	v21 =	vadd.s32 v2, v5;
	[tilespmem:v16+s30+$0x0] =	vst.idx.msk $0xffff, v15;
	v20 =	vld [tilespmem:s10+$0x20]  }
0x1c1: {  	[tilespmem:v14+s30+$0x0] =	vst.idx.msk $0xffff, v11;
	v11 =	vld [tilespmem:s9+$0x50];
	v14 =	vadd.s32 v1, v8  }
0x1c2: {  	v26 =	vadd.s32 v1, v4;
	v25 =	vld [tilespmem:s9+$0xFFFFFF90];
	[tilespmem:v13+s30+$0x0] =	vst.idx.msk $0xffff, v10  }
0x1c3: {  	[tilespmem:v22+s30+$0x0] =	vst.idx.msk $0xffff, v19;
	v19 =	vld [tilespmem:s10+$0xFFFFFFF0];
	v22 =	vadd.s32 v3, v7;
	v7 =	vmov v9  }
.Ltmp2:
0x1c4: {  	v17 =	vld [tilespmem:s9+$0xFFFFFFD0];
	v18 =	vadd.s32 v1, v7;
	[tilespmem:v24+s30+$0x0] =	vst.idx.msk $0xffff, v23;
	(pc) =	sbr.rel @p0 .LBB2_6-.Ltmp2, $4  }
0x1c5: {  	v16 =	vadd.s32 v1, v12;
	v15 =	vld [tilespmem:s9+$0x10];
	[tilespmem:v21+s30+$0x0] =	vst.idx.msk $0xffff, v20  }
0x1c6: {  	[tilespmem:v14+s30+$0x0] =	vst.idx.msk $0xffff, v11;
	v11 =	vld [tilespmem:s10+$0x30];
	v14 =	vadd.s32 v3, v5;
	v5 =	vmov v12  }
0x1c7: {  	v12 =	vadd.s32 v2, v8;
	[tilespmem:v26+s30+$0x0] =	vst.idx.msk $0xffff, v25;
	v9 =	vld [tilespmem:s9+$0x60]  }
0x1c8: {  	s12 =	sadd.s32 $0x4, s12;
	s13 =	sadd.s32 $0x3, s11;
	v13 =	vadd.s32 v2, v4;
	v10 =	vld [tilespmem:s9+$0xFFFFFFA0];
	[tilespmem:v22+s30+$0x0] =	vst.idx.msk $0xffff, v19  }
0x1c9: {  	_ =	sdelay $0x2  }
0x1ca: {  	v19 =	vmov s13  }
0x1cb: {  	s12 =	sadd.s32 $0x1, s11;
	[tilespmem:v18+s30+$0x0] =	vst.idx.msk $0xffff, v17;
	v30 =	vld [tilespmem:s10+$0xFFFFFFB0];
	v6 =	vadd.s32 v3, v6;
	s14 =	sadd.s32 $0x100, s9;
	v21 =	vmov s11;
	v31 =	vand.u32 $0xFF, v19  }
0x1cc: {  	s15 =	sadd.s32 $0x2, s11;
	v32 =	vmov s12;
	[tilespmem:v16+s30+$0x0] =	vst.idx.msk $0xffff, v15;
	v33 =	vld [tilespmem:s14+$0x40];
	v21 =	vand.u32 $0xFC, v21;
	v34 =	vadd.s32 v0, v31  }
0x1cd: {  	v20 =	vmov s15;
	v22 =	vld [tilespmem:s14+$0xFFFFFF80];
	v19 =	vand.u32 $0xFD, v32;
	[tilespmem:v14+s30+$0x0] =	vst.idx.msk $0xffff, v11;
	v39 =	vadd.s32 v0, v21  }
0x1ce: {  	v35 =	vld [tilespmem:s14+$0xFFFFFFC0];
	v20 =	vand.u32 $0xFE, v20;
	v36 =	vadd.s32 v0, v19;
	[tilespmem:v12+s30+$0x0] =	vst.idx.msk $0xffff, v9  }
0x1cf: {  	v37 =	vld [tilespmem:s14+$0x0];
	v38 =	vadd.s32 v0, v20;
	[tilespmem:v13+s30+$0x0] =	vst.idx.msk $0xffff, v10  }
0x1d0: {  	v41 =	vadd.s32 v2, v7;
	v40 =	vld [tilespmem:s9+$0xFFFFFFE0];
	[tilespmem:v6+s30+$0x0] =	vst.idx.msk $0xffff, v30  }
0x1d1: {  	v49 =	vadd.s32 v2, v5;
	v48 =	vld [tilespmem:s9+$0x20];
	[tilespmem:v34+s30+$0x0] =	vst.idx.msk $0xffff, v33  }
0x1d2: {  	v43 =	vadd.s32 v1, v31;
	[tilespmem:v39+s30+$0x0] =	vst.idx.msk $0xffff, v22;
	v15 =	vld [tilespmem:s14+$0x50]  }
0x1d3: {  	v47 =	vadd.s32 v1, v21;
	[tilespmem:v36+s30+$0x0] =	vst.idx.msk $0xffff, v35;
	v46 =	vld [tilespmem:s14+$0xFFFFFF90]  }
0x1d4: {  	v44 =	vadd.s32 v1, v19;
	[tilespmem:v38+s30+$0x0] =	vst.idx.msk $0xffff, v37;
	v11 =	vld [tilespmem:s14+$0xFFFFFFD0]  }
0x1d5: {  	v45 =	vadd.s32 v1, v20;
	[tilespmem:v41+s30+$0x0] =	vst.idx.msk $0xffff, v40;
	v9 =	vld [tilespmem:s14+$0x10]  }
0x1d6: {  	v8 =	vadd.s32 v3, v8;
	v42 =	vld [tilespmem:s9+$0x70];
	[tilespmem:v49+s30+$0x0] =	vst.idx.msk $0xffff, v48  }
0x1d7: {  	v5 =	vadd.s32 v3, v5;
	v13 =	vld [tilespmem:s9+$0x30];
	[tilespmem:v43+s30+$0x0] =	vst.idx.msk $0xffff, v15  }
0x1d8: {  	v52 =	vadd.s32 v2, v31;
	[tilespmem:v47+s30+$0x0] =	vst.idx.msk $0xffff, v46;
	v15 =	vld [tilespmem:s14+$0x60]  }
0x1d9: {  	v57 =	vadd.s32 v2, v21;
	[tilespmem:v44+s30+$0x0] =	vst.idx.msk $0xffff, v11;
	v56 =	vld [tilespmem:s14+$0xFFFFFFA0]  }
0x1da: {  	v53 =	vadd.s32 v2, v19;
	[tilespmem:v45+s30+$0x0] =	vst.idx.msk $0xffff, v9;
	v11 =	vld [tilespmem:s14+$0xFFFFFFE0]  }
0x1db: {  	v55 =	vadd.s32 v2, v20;
	[tilespmem:v8+s30+$0x0] =	vst.idx.msk $0xffff, v42;
	v54 =	vld [tilespmem:s14+$0x20]  }
0x1dc: {  	v4 =	vadd.s32 v3, v4;
	v58 =	vld [tilespmem:s9+$0xFFFFFFB0];
	[tilespmem:v5+s30+$0x0] =	vst.idx.msk $0xffff, v13  }
0x1dd: {  	v51 =	vadd.s32 v3, v7;
	v50 =	vld [tilespmem:s9+$0xFFFFFFF0];
	[tilespmem:v52+s30+$0x0] =	vst.idx.msk $0xffff, v15  }
0x1de: {  	v60 =	vadd.s32 v3, v31;
	[tilespmem:v57+s30+$0x0] =	vst.idx.msk $0xffff, v56;
	v59 =	vld [tilespmem:s14+$0x70]  }
0x1df: {  	v63 =	vadd.s32 v3, v21;
	[tilespmem:v53+s30+$0x0] =	vst.idx.msk $0xffff, v11;
	v5 =	vld [tilespmem:s14+$0xFFFFFFB0]  }
0x1e0: {  	v61 =	vadd.s32 v3, v19;
	[tilespmem:v55+s30+$0x0] =	vst.idx.msk $0xffff, v54;
	v11 =	vld [tilespmem:s14+$0xFFFFFFF0]  }
0x1e1: {  	v62 =	vadd.s32 v3, v20;
	[tilespmem:v4+s30+$0x0] =	vst.idx.msk $0xffff, v58;
	v6 =	vld [tilespmem:s14+$0x30]  }
0x1e2: {  	[tilespmem:v51+s30+$0x0] =	vst.idx.msk $0xffff, v50  }
0x1e3: {  	[tilespmem:v60+s30+$0x0] =	vst.idx.msk $0xffff, v59  }
0x1e4: {  	[tilespmem:v63+s30+$0x0] =	vst.idx.msk $0xffff, v5  }
0x1e5: {  	[tilespmem:v61+s30+$0x0] =	vst.idx.msk $0xffff, v11  }
0x1e6: {  	[tilespmem:v62+s30+$0x0] =	vst.idx.msk $0xffff, v6  }
0x1e7: {  	s24 =	simm.s32 $0x1A600;
	s9 =	simm.s32 $0x420;
	s10 =	rddreg [dreg:$0x12]  }
0x1e8: {  	[hbm4b:s10+s2] =	stream.linear.scatter [tilespmem:s24], [sflag:$0x6], $0x100, $0x38;
	[tilespmem:$0x1E800] =	vst v63  }
.LBB2_8:
0x1e9: {  	p0 =	sne.s32 s9, $0x103E0  }
.Ltmp3:
0x1ea: {  	_ = 	snop;
	(pc) =	sbr.rel @p0 .LBB2_8-.Ltmp3, $4  }
0x1eb: {  	_ = 	snop  }
0x1ec: {  	s11 =	sshra.s32 s9, $0x2;
	s9 =	sadd.s32 $0x420, s9  }
0x1ed: {  	s10 =	sadd.s32 $0x800, s10;
	s11 =	sadd.s32 $0x1A600, s11  }
0x1ee: {  	[hbm4b:s10+s2] =	stream.linear.scatter [tilespmem:s11], [sflag:$0x6], $0x100, $0x38;
	[tilespmem:$0x1E800] =	vst v63  }
0x1ef: {  	s9 =	simm.s32 $0x500  }
0x1f0: {  	[tilespmem:s21], [sflag:$0x2] =	stream.indirect.gather [hbm4b:s4+s18], $0x40, s9, s18, $0xb8;
	[tilespmem:$0x1E800] =	vst v63  }
0x1f1: {  	_ =	swait.ge [sflag:s31], $0x4000  }
0x1f2: {  	[sflag:s31] =	ssyncset.done $0x0  }
0x1f3: {  	[sflag:s31] =	ssyncadd.s32 $0xFFFFC000  }
0x1f4: {  	s10 =	simm.s32 $0x3;
	_ =	swait.ge [sflag:s0], $0x4000  }
0x1f5: {  	s11 =	simm.s32 $0x0;
	v4 =	vmov s10;
	[sflag:s0] =	ssyncset.done $0x0  }
0x1f6: {  	s12 =	simm.s32 $0x1;
	s10 =	simm.s32 $0xE480;
	v5 =	vand.u32 $0xFF, v4;
	v4 =	vmov s11;
	[sflag:s0] =	ssyncadd.s32 $0xFFFFC000  }
0x1f7: {  	v8 =	vadd.s32 v0, v5;
	v6 =	vand.u32 $0xFC, v4;
	v4 =	vmov s12;
	v7 =	vld [tilespmem:s10+$0x40]  }
0x1f8: {  	v10 =	vadd.s32 v0, v6;
	v11 =	vand.u32 $0xFD, v4;
	v9 =	vld [tilespmem:s10+$0xFFFFFF80]  }
0x1f9: {  	s13 =	simm.s32 $0x2;
	v12 =	vadd.s32 v0, v11;
	v4 =	vld [tilespmem:s10+$0xFFFFFFC0]  }
0x1fa: {  	v13 =	vmov s13  }
0x1fb: {  	v13 =	vand.u32 $0xFE, v13  }
0x1fc: {  	v15 =	vadd.s32 v0, v13;
	v14 =	vld [tilespmem:s10+$0x0];
	[tilespmem:v8+s28+$0x0] =	vst.idx.msk $0xffff, v7  }
0x1fd: {  	v8 =	vadd.s32 v1, v5;
	[tilespmem:v10+s28+$0x0] =	vst.idx.msk $0xffff, v9;
	v7 =	vld [tilespmem:s10+$0x50]  }
0x1fe: {  	v10 =	vadd.s32 v1, v6;
	[tilespmem:v12+s28+$0x0] =	vst.idx.msk $0xffff, v4;
	v9 =	vld [tilespmem:s10+$0xFFFFFF90]  }
0x1ff: {  	v12 =	vadd.s32 v1, v11;
	v4 =	vld [tilespmem:s10+$0xFFFFFFD0];
	_ =	sdelay $0x1  }
0x200: {  	[tilespmem:v15+s28+$0x0] =	vst.idx.msk $0xffff, v14  }
0x201: {  	v16 =	vadd.s32 v1, v13;
	v15 =	vld [tilespmem:s10+$0x10];
	[tilespmem:v8+s28+$0x0] =	vst.idx.msk $0xffff, v7  }
0x202: {  	s14 =	simm.s32 $0x7;
	v14 =	vadd.s32 v2, v5;
	[tilespmem:v10+s28+$0x0] =	vst.idx.msk $0xffff, v9;
	v7 =	vld [tilespmem:s10+$0x60]  }
0x203: {  	v10 =	vadd.s32 v2, v6;
	v8 =	vmov s14;
	[tilespmem:v12+s28+$0x0] =	vst.idx.msk $0xffff, v4;
	v9 =	vld [tilespmem:s10+$0xFFFFFFA0]  }
0x204: {  	s9 =	simm.s32 $0xE580;
	v17 =	vadd.s32 v2, v11;
	v8 =	vand.u32 $0xFF, v8;
	v12 =	vld [tilespmem:s10+$0xFFFFFFE0]  }
0x205: {  	s11 =	simm.s32 $0x4;
	v18 =	vld [tilespmem:s9+$0x40];
	v19 =	vadd.s32 v0, v8  }
0x206: {  	s15 =	simm.s32 $0x5;
	v4 =	vmov s11;
	[tilespmem:v16+s28+$0x0] =	vst.idx.msk $0xffff, v15  }
0x207: {  	v22 =	vmov s15;
	v4 =	vand.u32 $0xFC, v4;
	[tilespmem:v14+s28+$0x0] =	vst.idx.msk $0xffff, v7  }
0x208: {  	s24 =	simm.s32 $0x6;
	v20 =	vld [tilespmem:s9+$0xFFFFFF80];
	v21 =	vadd.s32 v0, v4;
	v7 =	vand.u32 $0xFD, v22;
	[tilespmem:v10+s28+$0x0] =	vst.idx.msk $0xffff, v9  }
0x209: {  	v14 =	vmov s24;
	v9 =	vld [tilespmem:s9+$0xFFFFFFC0];
	[tilespmem:v17+s28+$0x0] =	vst.idx.msk $0xffff, v12;
	v10 =	vadd.s32 v0, v7  }
0x20a: {  	v16 =	vadd.s32 v3, v5;
	v12 =	vld [tilespmem:s10+$0x20];
	v5 =	vand.u32 $0xFE, v14;
	[tilespmem:v19+s28+$0x0] =	vst.idx.msk $0xffff, v18;
	v18 =	vadd.s32 v2, v13  }
0x20b: {  	v14 =	vld [tilespmem:s9+$0x0];
	v63 =	vadd.s32 v0, v5  }
0x20c: {  	v15 =	vld [tilespmem:s10+$0x70]  }
0x20d: {  	[tilespmem:v21+s28+$0x0] =	vst.idx.msk $0xffff, v20;
	v20 =	vadd.s32 v1, v8;
	v19 =	vld [tilespmem:s9+$0x50]  }
0x20e: {  	v23 =	vadd.s32 v1, v4;
	v21 =	vld [tilespmem:s9+$0xFFFFFF90];
	[tilespmem:v10+s28+$0x0] =	vst.idx.msk $0xffff, v9  }
0x20f: {  	v25 =	vadd.s32 v3, v11;
	v24 =	vld [tilespmem:s10+$0xFFFFFFF0];
	[tilespmem:v18+s28+$0x0] =	vst.idx.msk $0xffff, v12  }
0x210: {  	v18 =	vadd.s32 v1, v7;
	v17 =	vld [tilespmem:s9+$0xFFFFFFD0];
	[tilespmem:v63+s28+$0x0] =	vst.idx.msk $0xffff, v14  }
0x211: {  	[tilespmem:v16+s28+$0x0] =	vst.idx.msk $0xffff, v15;
	v16 =	vadd.s32 v1, v5;
	v15 =	vld [tilespmem:s9+$0x10]  }
0x212: {  	[tilespmem:v20+s28+$0x0] =	vst.idx.msk $0xffff, v19;
	v11 =	vld [tilespmem:s10+$0x30];
	v14 =	vadd.s32 v3, v13  }
0x213: {  	v12 =	vadd.s32 v2, v8;
	[tilespmem:v23+s28+$0x0] =	vst.idx.msk $0xffff, v21;
	v9 =	vld [tilespmem:s9+$0x60]  }
0x214: {  	s13 =	simm.s32 $0xB;
	s12 =	simm.s32 $0xC;
	s11 =	simm.s32 $0x8;
	[tilespmem:v25+s28+$0x0] =	vst.idx.msk $0xffff, v24;
	v13 =	vadd.s32 v2, v4;
	v10 =	vld [tilespmem:s9+$0xFFFFFFA0]  }
.LBB2_10:
0x215: {  	p0 =	slt.u32 s12, $0xFC;
	v19 =	vmov s13;
	[tilespmem:v18+s28+$0x0] =	vst.idx.msk $0xffff, v17;
	v17 =	vld [tilespmem:s10+$0xFFFFFFB0];
	v18 =	vadd.s32 v3, v6;
	v6 =	vmov v4;
	s10 =	smov.u32 s9  }
0x216: {  	v4 =	vmov s11;
	v21 =	vadd.s32 v2, v7;
	s9 =	sadd.s32 $0x100, s9;
	v19 =	vand.u32 $0xFF, v19;
	v20 =	vld [tilespmem:s10+$0xFFFFFFE0];
	[tilespmem:v16+s28+$0x0] =	vst.idx.msk $0xffff, v15  }
0x217: {  	s13 =	sadd.s32 $0x1, s11;
	v4 =	vand.u32 $0xFC, v4;
	v15 =	vld [tilespmem:s9+$0x40];
	v16 =	vadd.s32 v0, v19;
	[tilespmem:v14+s28+$0x0] =	vst.idx.msk $0xffff, v11  }
0x218: {  	v22 =	vmov s13;
	s13 =	sadd.s32 $0x2, s11;
	s11 =	smov.u32 s12;
	v14 =	vadd.s32 v0, v4;
	v11 =	vld [tilespmem:s9+$0xFFFFFF80];
	[tilespmem:v12+s28+$0x0] =	vst.idx.msk $0xffff, v9  }
0x219: {  	v9 =	vand.u32 $0xFD, v22;
	v12 =	vmov s13;
	[tilespmem:v13+s28+$0x0] =	vst.idx.msk $0xffff, v10;
	v10 =	vld [tilespmem:s10+$0x70];
	v13 =	vadd.s32 v3, v8;
	v8 =	vmovc v19  }
0x21a: {  	v22 =	vadd.s32 v0, v9;
	v12 =	vand.u32 $0xFE, v12;
	v19 =	vld [tilespmem:s9+$0xFFFFFFC0];
	[tilespmem:v18+s28+$0x0] =	vst.idx.msk $0xffff, v17  }
0x21b: {  	v24 =	vadd.s32 v0, v12;
	v23 =	vld [tilespmem:s9+$0x0];
	[tilespmem:v21+s28+$0x0] =	vst.idx.msk $0xffff, v20  }
0x21c: {  	v21 =	vadd.s32 v2, v5;
	[tilespmem:v16+s28+$0x0] =	vst.idx.msk $0xffff, v15;
	v20 =	vld [tilespmem:s10+$0x20]  }
0x21d: {  	[tilespmem:v14+s28+$0x0] =	vst.idx.msk $0xffff, v11;
	v11 =	vld [tilespmem:s9+$0x50];
	v14 =	vadd.s32 v1, v8  }
0x21e: {  	v26 =	vadd.s32 v1, v4;
	v25 =	vld [tilespmem:s9+$0xFFFFFF90];
	[tilespmem:v13+s28+$0x0] =	vst.idx.msk $0xffff, v10  }
0x21f: {  	[tilespmem:v22+s28+$0x0] =	vst.idx.msk $0xffff, v19;
	v19 =	vld [tilespmem:s10+$0xFFFFFFF0];
	v22 =	vadd.s32 v3, v7;
	v7 =	vmov v9  }
.Ltmp4:
0x220: {  	v17 =	vld [tilespmem:s9+$0xFFFFFFD0];
	v18 =	vadd.s32 v1, v7;
	[tilespmem:v24+s28+$0x0] =	vst.idx.msk $0xffff, v23;
	(pc) =	sbr.rel @p0 .LBB2_10-.Ltmp4, $4  }
0x221: {  	v16 =	vadd.s32 v1, v12;
	v15 =	vld [tilespmem:s9+$0x10];
	[tilespmem:v21+s28+$0x0] =	vst.idx.msk $0xffff, v20  }
0x222: {  	[tilespmem:v14+s28+$0x0] =	vst.idx.msk $0xffff, v11;
	v11 =	vld [tilespmem:s10+$0x30];
	v14 =	vadd.s32 v3, v5;
	v5 =	vmov v12  }
0x223: {  	v12 =	vadd.s32 v2, v8;
	[tilespmem:v26+s28+$0x0] =	vst.idx.msk $0xffff, v25;
	v9 =	vld [tilespmem:s9+$0x60]  }
0x224: {  	s12 =	sadd.s32 $0x4, s12;
	s13 =	sadd.s32 $0x3, s11;
	v13 =	vadd.s32 v2, v4;
	v10 =	vld [tilespmem:s9+$0xFFFFFFA0];
	[tilespmem:v22+s28+$0x0] =	vst.idx.msk $0xffff, v19  }
0x225: {  	_ =	sdelay $0x2  }
0x226: {  	v19 =	vmov s13  }
0x227: {  	s12 =	sadd.s32 $0x1, s11;
	[tilespmem:v18+s28+$0x0] =	vst.idx.msk $0xffff, v17;
	v30 =	vld [tilespmem:s10+$0xFFFFFFB0];
	v6 =	vadd.s32 v3, v6;
	s14 =	sadd.s32 $0x100, s9;
	v21 =	vmov s11;
	v31 =	vand.u32 $0xFF, v19  }
0x228: {  	s15 =	sadd.s32 $0x2, s11;
	v32 =	vmov s12;
	[tilespmem:v16+s28+$0x0] =	vst.idx.msk $0xffff, v15;
	v33 =	vld [tilespmem:s14+$0x40];
	v21 =	vand.u32 $0xFC, v21;
	v34 =	vadd.s32 v0, v31  }
0x229: {  	v20 =	vmov s15;
	v22 =	vld [tilespmem:s14+$0xFFFFFF80];
	v19 =	vand.u32 $0xFD, v32;
	[tilespmem:v14+s28+$0x0] =	vst.idx.msk $0xffff, v11;
	v39 =	vadd.s32 v0, v21  }
0x22a: {  	v35 =	vld [tilespmem:s14+$0xFFFFFFC0];
	v20 =	vand.u32 $0xFE, v20;
	v36 =	vadd.s32 v0, v19;
	[tilespmem:v12+s28+$0x0] =	vst.idx.msk $0xffff, v9  }
0x22b: {  	v37 =	vld [tilespmem:s14+$0x0];
	v38 =	vadd.s32 v0, v20;
	[tilespmem:v13+s28+$0x0] =	vst.idx.msk $0xffff, v10  }
0x22c: {  	v41 =	vadd.s32 v2, v7;
	v40 =	vld [tilespmem:s9+$0xFFFFFFE0];
	[tilespmem:v6+s28+$0x0] =	vst.idx.msk $0xffff, v30  }
0x22d: {  	v49 =	vadd.s32 v2, v5;
	v48 =	vld [tilespmem:s9+$0x20];
	[tilespmem:v34+s28+$0x0] =	vst.idx.msk $0xffff, v33  }
0x22e: {  	v43 =	vadd.s32 v1, v31;
	[tilespmem:v39+s28+$0x0] =	vst.idx.msk $0xffff, v22;
	v15 =	vld [tilespmem:s14+$0x50]  }
0x22f: {  	v47 =	vadd.s32 v1, v21;
	[tilespmem:v36+s28+$0x0] =	vst.idx.msk $0xffff, v35;
	v46 =	vld [tilespmem:s14+$0xFFFFFF90]  }
0x230: {  	v44 =	vadd.s32 v1, v19;
	[tilespmem:v38+s28+$0x0] =	vst.idx.msk $0xffff, v37;
	v11 =	vld [tilespmem:s14+$0xFFFFFFD0]  }
0x231: {  	v45 =	vadd.s32 v1, v20;
	[tilespmem:v41+s28+$0x0] =	vst.idx.msk $0xffff, v40;
	v9 =	vld [tilespmem:s14+$0x10]  }
0x232: {  	v8 =	vadd.s32 v3, v8;
	v42 =	vld [tilespmem:s9+$0x70];
	[tilespmem:v49+s28+$0x0] =	vst.idx.msk $0xffff, v48  }
0x233: {  	v5 =	vadd.s32 v3, v5;
	v13 =	vld [tilespmem:s9+$0x30];
	[tilespmem:v43+s28+$0x0] =	vst.idx.msk $0xffff, v15  }
0x234: {  	v52 =	vadd.s32 v2, v31;
	[tilespmem:v47+s28+$0x0] =	vst.idx.msk $0xffff, v46;
	v15 =	vld [tilespmem:s14+$0x60]  }
0x235: {  	v57 =	vadd.s32 v2, v21;
	[tilespmem:v44+s28+$0x0] =	vst.idx.msk $0xffff, v11;
	v56 =	vld [tilespmem:s14+$0xFFFFFFA0]  }
0x236: {  	v53 =	vadd.s32 v2, v19;
	[tilespmem:v45+s28+$0x0] =	vst.idx.msk $0xffff, v9;
	v11 =	vld [tilespmem:s14+$0xFFFFFFE0]  }
0x237: {  	v55 =	vadd.s32 v2, v20;
	[tilespmem:v8+s28+$0x0] =	vst.idx.msk $0xffff, v42;
	v54 =	vld [tilespmem:s14+$0x20]  }
0x238: {  	v4 =	vadd.s32 v3, v4;
	v58 =	vld [tilespmem:s9+$0xFFFFFFB0];
	[tilespmem:v5+s28+$0x0] =	vst.idx.msk $0xffff, v13  }
0x239: {  	v51 =	vadd.s32 v3, v7;
	v50 =	vld [tilespmem:s9+$0xFFFFFFF0];
	[tilespmem:v52+s28+$0x0] =	vst.idx.msk $0xffff, v15  }
0x23a: {  	v60 =	vadd.s32 v3, v31;
	[tilespmem:v57+s28+$0x0] =	vst.idx.msk $0xffff, v56;
	v59 =	vld [tilespmem:s14+$0x70]  }
0x23b: {  	v63 =	vadd.s32 v3, v21;
	[tilespmem:v53+s28+$0x0] =	vst.idx.msk $0xffff, v11;
	v5 =	vld [tilespmem:s14+$0xFFFFFFB0]  }
0x23c: {  	v61 =	vadd.s32 v3, v19;
	[tilespmem:v55+s28+$0x0] =	vst.idx.msk $0xffff, v54;
	v11 =	vld [tilespmem:s14+$0xFFFFFFF0]  }
0x23d: {  	v62 =	vadd.s32 v3, v20;
	[tilespmem:v4+s28+$0x0] =	vst.idx.msk $0xffff, v58;
	v6 =	vld [tilespmem:s14+$0x30]  }
0x23e: {  	[tilespmem:v51+s28+$0x0] =	vst.idx.msk $0xffff, v50  }
0x23f: {  	[tilespmem:v60+s28+$0x0] =	vst.idx.msk $0xffff, v59  }
0x240: {  	[tilespmem:v63+s28+$0x0] =	vst.idx.msk $0xffff, v5  }
0x241: {  	[tilespmem:v61+s28+$0x0] =	vst.idx.msk $0xffff, v11  }
0x242: {  	[tilespmem:v62+s28+$0x0] =	vst.idx.msk $0xffff, v6  }
0x243: {  	s10 =	sld [smem:$0x7F9];
	_ =	sdelay $0x1  }
0x244: {  	s24 =	simm.s32 $0x16400;
	s9 =	simm.s32 $0x420  }
0x245: {  	[hbm4b:s10+s2] =	stream.linear.scatter [tilespmem:s24], [sflag:$0x5], $0x100, $0x38;
	[tilespmem:$0x1E800] =	vst v63  }
.LBB2_12:
0x246: {  	p0 =	sne.s32 s9, $0x103E0  }
.Ltmp5:
0x247: {  	_ = 	snop;
	(pc) =	sbr.rel @p0 .LBB2_12-.Ltmp5, $4  }
0x248: {  	_ = 	snop  }
0x249: {  	s11 =	sshra.s32 s9, $0x2;
	s9 =	sadd.s32 $0x420, s9  }
0x24a: {  	s10 =	sadd.s32 $0x800, s10;
	s11 =	sadd.s32 $0x16400, s11  }
0x24b: {  	[hbm4b:s10+s2] =	stream.linear.scatter [tilespmem:s11], [sflag:$0x5], $0x100, $0x38;
	[tilespmem:$0x1E800] =	vst v63  }
0x24c: {  	s9 =	simm.s32 $0x600  }
0x24d: {  	[tilespmem:s22], [sflag:$0x3] =	stream.indirect.gather [hbm4b:s4+s18], $0x40, s9, s18, $0xb8;
	[tilespmem:$0x1E800] =	vst v63  }
0x24e: {  	_ =	swait.ge [sflag:s1], $0x4000  }
0x24f: {  	[sflag:s1] =	ssyncset.done $0x0  }
0x250: {  	[sflag:s1] =	ssyncadd.s32 $0xFFFFC000  }
0x251: {  	s10 =	simm.s32 $0x3;
	_ =	swait.ge [sflag:s7], $0x4000  }
0x252: {  	s11 =	simm.s32 $0x0;
	v4 =	vmov s10;
	[sflag:s7] =	ssyncset.done $0x0  }
0x253: {  	s12 =	simm.s32 $0x1;
	s10 =	simm.s32 $0x12480;
	v5 =	vand.u32 $0xFF, v4;
	v4 =	vmov s11;
	[sflag:s7] =	ssyncadd.s32 $0xFFFFC000  }
0x254: {  	v8 =	vadd.s32 v0, v5;
	v6 =	vand.u32 $0xFC, v4;
	v4 =	vmov s12;
	v7 =	vld [tilespmem:s10+$0x40]  }
0x255: {  	v10 =	vadd.s32 v0, v6;
	v11 =	vand.u32 $0xFD, v4;
	v9 =	vld [tilespmem:s10+$0xFFFFFF80]  }
0x256: {  	s13 =	simm.s32 $0x2;
	v12 =	vadd.s32 v0, v11;
	v4 =	vld [tilespmem:s10+$0xFFFFFFC0]  }
0x257: {  	v13 =	vmov s13  }
0x258: {  	v13 =	vand.u32 $0xFE, v13  }
0x259: {  	v15 =	vadd.s32 v0, v13;
	v14 =	vld [tilespmem:s10+$0x0];
	[tilespmem:v8+s30+$0x0] =	vst.idx.msk $0xffff, v7  }
0x25a: {  	v8 =	vadd.s32 v1, v5;
	[tilespmem:v10+s30+$0x0] =	vst.idx.msk $0xffff, v9;
	v7 =	vld [tilespmem:s10+$0x50]  }
0x25b: {  	v10 =	vadd.s32 v1, v6;
	[tilespmem:v12+s30+$0x0] =	vst.idx.msk $0xffff, v4;
	v9 =	vld [tilespmem:s10+$0xFFFFFF90]  }
0x25c: {  	v12 =	vadd.s32 v1, v11;
	v4 =	vld [tilespmem:s10+$0xFFFFFFD0];
	_ =	sdelay $0x1  }
0x25d: {  	[tilespmem:v15+s30+$0x0] =	vst.idx.msk $0xffff, v14  }
0x25e: {  	v16 =	vadd.s32 v1, v13;
	v15 =	vld [tilespmem:s10+$0x10];
	[tilespmem:v8+s30+$0x0] =	vst.idx.msk $0xffff, v7  }
0x25f: {  	s14 =	simm.s32 $0x7;
	v14 =	vadd.s32 v2, v5;
	[tilespmem:v10+s30+$0x0] =	vst.idx.msk $0xffff, v9;
	v7 =	vld [tilespmem:s10+$0x60]  }
0x260: {  	v10 =	vadd.s32 v2, v6;
	v8 =	vmov s14;
	[tilespmem:v12+s30+$0x0] =	vst.idx.msk $0xffff, v4;
	v9 =	vld [tilespmem:s10+$0xFFFFFFA0]  }
0x261: {  	s9 =	simm.s32 $0x12580;
	v17 =	vadd.s32 v2, v11;
	v8 =	vand.u32 $0xFF, v8;
	v12 =	vld [tilespmem:s10+$0xFFFFFFE0]  }
0x262: {  	s11 =	simm.s32 $0x4;
	v18 =	vld [tilespmem:s9+$0x40];
	v19 =	vadd.s32 v0, v8  }
0x263: {  	s15 =	simm.s32 $0x5;
	v4 =	vmov s11;
	[tilespmem:v16+s30+$0x0] =	vst.idx.msk $0xffff, v15  }
0x264: {  	v22 =	vmov s15;
	v4 =	vand.u32 $0xFC, v4;
	[tilespmem:v14+s30+$0x0] =	vst.idx.msk $0xffff, v7  }
0x265: {  	s24 =	simm.s32 $0x6;
	v20 =	vld [tilespmem:s9+$0xFFFFFF80];
	v21 =	vadd.s32 v0, v4;
	v7 =	vand.u32 $0xFD, v22;
	[tilespmem:v10+s30+$0x0] =	vst.idx.msk $0xffff, v9  }
0x266: {  	v14 =	vmov s24;
	v9 =	vld [tilespmem:s9+$0xFFFFFFC0];
	[tilespmem:v17+s30+$0x0] =	vst.idx.msk $0xffff, v12;
	v10 =	vadd.s32 v0, v7  }
0x267: {  	v16 =	vadd.s32 v3, v5;
	v12 =	vld [tilespmem:s10+$0x20];
	v5 =	vand.u32 $0xFE, v14;
	[tilespmem:v19+s30+$0x0] =	vst.idx.msk $0xffff, v18;
	v18 =	vadd.s32 v2, v13  }
0x268: {  	v14 =	vld [tilespmem:s9+$0x0];
	v63 =	vadd.s32 v0, v5  }
0x269: {  	v15 =	vld [tilespmem:s10+$0x70]  }
0x26a: {  	[tilespmem:v21+s30+$0x0] =	vst.idx.msk $0xffff, v20;
	v20 =	vadd.s32 v1, v8;
	v19 =	vld [tilespmem:s9+$0x50]  }
0x26b: {  	v23 =	vadd.s32 v1, v4;
	v21 =	vld [tilespmem:s9+$0xFFFFFF90];
	[tilespmem:v10+s30+$0x0] =	vst.idx.msk $0xffff, v9  }
0x26c: {  	v25 =	vadd.s32 v3, v11;
	v24 =	vld [tilespmem:s10+$0xFFFFFFF0];
	[tilespmem:v18+s30+$0x0] =	vst.idx.msk $0xffff, v12  }
0x26d: {  	v18 =	vadd.s32 v1, v7;
	v17 =	vld [tilespmem:s9+$0xFFFFFFD0];
	[tilespmem:v63+s30+$0x0] =	vst.idx.msk $0xffff, v14  }
0x26e: {  	[tilespmem:v16+s30+$0x0] =	vst.idx.msk $0xffff, v15;
	v16 =	vadd.s32 v1, v5;
	v15 =	vld [tilespmem:s9+$0x10]  }
0x26f: {  	[tilespmem:v20+s30+$0x0] =	vst.idx.msk $0xffff, v19;
	v11 =	vld [tilespmem:s10+$0x30];
	v14 =	vadd.s32 v3, v13  }
0x270: {  	v12 =	vadd.s32 v2, v8;
	[tilespmem:v23+s30+$0x0] =	vst.idx.msk $0xffff, v21;
	v9 =	vld [tilespmem:s9+$0x60]  }
0x271: {  	s13 =	simm.s32 $0xB;
	s12 =	simm.s32 $0xC;
	s11 =	simm.s32 $0x8;
	[tilespmem:v25+s30+$0x0] =	vst.idx.msk $0xffff, v24;
	v13 =	vadd.s32 v2, v4;
	v10 =	vld [tilespmem:s9+$0xFFFFFFA0]  }
.LBB2_14:
0x272: {  	p0 =	slt.u32 s12, $0xFC;
	v19 =	vmov s13;
	[tilespmem:v18+s30+$0x0] =	vst.idx.msk $0xffff, v17;
	v17 =	vld [tilespmem:s10+$0xFFFFFFB0];
	v18 =	vadd.s32 v3, v6;
	v6 =	vmov v4;
	s10 =	smov.u32 s9  }
0x273: {  	v4 =	vmov s11;
	v21 =	vadd.s32 v2, v7;
	s9 =	sadd.s32 $0x100, s9;
	v19 =	vand.u32 $0xFF, v19;
	v20 =	vld [tilespmem:s10+$0xFFFFFFE0];
	[tilespmem:v16+s30+$0x0] =	vst.idx.msk $0xffff, v15  }
0x274: {  	s13 =	sadd.s32 $0x1, s11;
	v4 =	vand.u32 $0xFC, v4;
	v15 =	vld [tilespmem:s9+$0x40];
	v16 =	vadd.s32 v0, v19;
	[tilespmem:v14+s30+$0x0] =	vst.idx.msk $0xffff, v11  }
0x275: {  	v22 =	vmov s13;
	s13 =	sadd.s32 $0x2, s11;
	s11 =	smov.u32 s12;
	v14 =	vadd.s32 v0, v4;
	v11 =	vld [tilespmem:s9+$0xFFFFFF80];
	[tilespmem:v12+s30+$0x0] =	vst.idx.msk $0xffff, v9  }
0x276: {  	v9 =	vand.u32 $0xFD, v22;
	v12 =	vmov s13;
	[tilespmem:v13+s30+$0x0] =	vst.idx.msk $0xffff, v10;
	v10 =	vld [tilespmem:s10+$0x70];
	v13 =	vadd.s32 v3, v8;
	v8 =	vmovc v19  }
0x277: {  	v22 =	vadd.s32 v0, v9;
	v12 =	vand.u32 $0xFE, v12;
	v19 =	vld [tilespmem:s9+$0xFFFFFFC0];
	[tilespmem:v18+s30+$0x0] =	vst.idx.msk $0xffff, v17  }
0x278: {  	v24 =	vadd.s32 v0, v12;
	v23 =	vld [tilespmem:s9+$0x0];
	[tilespmem:v21+s30+$0x0] =	vst.idx.msk $0xffff, v20  }
0x279: {  	v21 =	vadd.s32 v2, v5;
	[tilespmem:v16+s30+$0x0] =	vst.idx.msk $0xffff, v15;
	v20 =	vld [tilespmem:s10+$0x20]  }
0x27a: {  	[tilespmem:v14+s30+$0x0] =	vst.idx.msk $0xffff, v11;
	v11 =	vld [tilespmem:s9+$0x50];
	v14 =	vadd.s32 v1, v8  }
0x27b: {  	v26 =	vadd.s32 v1, v4;
	v25 =	vld [tilespmem:s9+$0xFFFFFF90];
	[tilespmem:v13+s30+$0x0] =	vst.idx.msk $0xffff, v10  }
0x27c: {  	[tilespmem:v22+s30+$0x0] =	vst.idx.msk $0xffff, v19;
	v19 =	vld [tilespmem:s10+$0xFFFFFFF0];
	v22 =	vadd.s32 v3, v7;
	v7 =	vmov v9  }
.Ltmp6:
0x27d: {  	v17 =	vld [tilespmem:s9+$0xFFFFFFD0];
	v18 =	vadd.s32 v1, v7;
	[tilespmem:v24+s30+$0x0] =	vst.idx.msk $0xffff, v23;
	(pc) =	sbr.rel @p0 .LBB2_14-.Ltmp6, $4  }
0x27e: {  	v16 =	vadd.s32 v1, v12;
	v15 =	vld [tilespmem:s9+$0x10];
	[tilespmem:v21+s30+$0x0] =	vst.idx.msk $0xffff, v20  }
0x27f: {  	[tilespmem:v14+s30+$0x0] =	vst.idx.msk $0xffff, v11;
	v11 =	vld [tilespmem:s10+$0x30];
	v14 =	vadd.s32 v3, v5;
	v5 =	vmov v12  }
0x280: {  	v12 =	vadd.s32 v2, v8;
	[tilespmem:v26+s30+$0x0] =	vst.idx.msk $0xffff, v25;
	v9 =	vld [tilespmem:s9+$0x60]  }
0x281: {  	s12 =	sadd.s32 $0x4, s12;
	s13 =	sadd.s32 $0x3, s11;
	v13 =	vadd.s32 v2, v4;
	v10 =	vld [tilespmem:s9+$0xFFFFFFA0];
	[tilespmem:v22+s30+$0x0] =	vst.idx.msk $0xffff, v19  }
0x282: {  	_ =	sdelay $0x2  }
0x283: {  	v19 =	vmov s13  }
0x284: {  	s12 =	sadd.s32 $0x1, s11;
	[tilespmem:v18+s30+$0x0] =	vst.idx.msk $0xffff, v17;
	v30 =	vld [tilespmem:s10+$0xFFFFFFB0];
	v6 =	vadd.s32 v3, v6;
	s14 =	sadd.s32 $0x100, s9;
	v21 =	vmov s11;
	v31 =	vand.u32 $0xFF, v19  }
0x285: {  	s15 =	sadd.s32 $0x2, s11;
	v32 =	vmov s12;
	[tilespmem:v16+s30+$0x0] =	vst.idx.msk $0xffff, v15;
	v33 =	vld [tilespmem:s14+$0x40];
	v21 =	vand.u32 $0xFC, v21;
	v34 =	vadd.s32 v0, v31  }
0x286: {  	v20 =	vmov s15;
	v22 =	vld [tilespmem:s14+$0xFFFFFF80];
	v19 =	vand.u32 $0xFD, v32;
	[tilespmem:v14+s30+$0x0] =	vst.idx.msk $0xffff, v11;
	v39 =	vadd.s32 v0, v21  }
0x287: {  	v35 =	vld [tilespmem:s14+$0xFFFFFFC0];
	v20 =	vand.u32 $0xFE, v20;
	v36 =	vadd.s32 v0, v19;
	[tilespmem:v12+s30+$0x0] =	vst.idx.msk $0xffff, v9  }
0x288: {  	v37 =	vld [tilespmem:s14+$0x0];
	v38 =	vadd.s32 v0, v20;
	[tilespmem:v13+s30+$0x0] =	vst.idx.msk $0xffff, v10  }
0x289: {  	v41 =	vadd.s32 v2, v7;
	v40 =	vld [tilespmem:s9+$0xFFFFFFE0];
	[tilespmem:v6+s30+$0x0] =	vst.idx.msk $0xffff, v30  }
0x28a: {  	v49 =	vadd.s32 v2, v5;
	v48 =	vld [tilespmem:s9+$0x20];
	[tilespmem:v34+s30+$0x0] =	vst.idx.msk $0xffff, v33  }
0x28b: {  	v43 =	vadd.s32 v1, v31;
	[tilespmem:v39+s30+$0x0] =	vst.idx.msk $0xffff, v22;
	v15 =	vld [tilespmem:s14+$0x50]  }
0x28c: {  	v47 =	vadd.s32 v1, v21;
	[tilespmem:v36+s30+$0x0] =	vst.idx.msk $0xffff, v35;
	v46 =	vld [tilespmem:s14+$0xFFFFFF90]  }
0x28d: {  	v44 =	vadd.s32 v1, v19;
	[tilespmem:v38+s30+$0x0] =	vst.idx.msk $0xffff, v37;
	v11 =	vld [tilespmem:s14+$0xFFFFFFD0]  }
0x28e: {  	v45 =	vadd.s32 v1, v20;
	[tilespmem:v41+s30+$0x0] =	vst.idx.msk $0xffff, v40;
	v9 =	vld [tilespmem:s14+$0x10]  }
0x28f: {  	v8 =	vadd.s32 v3, v8;
	v42 =	vld [tilespmem:s9+$0x70];
	[tilespmem:v49+s30+$0x0] =	vst.idx.msk $0xffff, v48  }
0x290: {  	v5 =	vadd.s32 v3, v5;
	v13 =	vld [tilespmem:s9+$0x30];
	[tilespmem:v43+s30+$0x0] =	vst.idx.msk $0xffff, v15  }
0x291: {  	v52 =	vadd.s32 v2, v31;
	[tilespmem:v47+s30+$0x0] =	vst.idx.msk $0xffff, v46;
	v15 =	vld [tilespmem:s14+$0x60]  }
0x292: {  	v57 =	vadd.s32 v2, v21;
	[tilespmem:v44+s30+$0x0] =	vst.idx.msk $0xffff, v11;
	v56 =	vld [tilespmem:s14+$0xFFFFFFA0]  }
0x293: {  	v53 =	vadd.s32 v2, v19;
	[tilespmem:v45+s30+$0x0] =	vst.idx.msk $0xffff, v9;
	v11 =	vld [tilespmem:s14+$0xFFFFFFE0]  }
0x294: {  	v55 =	vadd.s32 v2, v20;
	[tilespmem:v8+s30+$0x0] =	vst.idx.msk $0xffff, v42;
	v54 =	vld [tilespmem:s14+$0x20]  }
0x295: {  	v4 =	vadd.s32 v3, v4;
	v58 =	vld [tilespmem:s9+$0xFFFFFFB0];
	[tilespmem:v5+s30+$0x0] =	vst.idx.msk $0xffff, v13  }
0x296: {  	v51 =	vadd.s32 v3, v7;
	v50 =	vld [tilespmem:s9+$0xFFFFFFF0];
	[tilespmem:v52+s30+$0x0] =	vst.idx.msk $0xffff, v15  }
0x297: {  	v60 =	vadd.s32 v3, v31;
	[tilespmem:v57+s30+$0x0] =	vst.idx.msk $0xffff, v56;
	v59 =	vld [tilespmem:s14+$0x70]  }
0x298: {  	v63 =	vadd.s32 v3, v21;
	[tilespmem:v53+s30+$0x0] =	vst.idx.msk $0xffff, v11;
	v5 =	vld [tilespmem:s14+$0xFFFFFFB0]  }
0x299: {  	v61 =	vadd.s32 v3, v19;
	[tilespmem:v55+s30+$0x0] =	vst.idx.msk $0xffff, v54;
	v11 =	vld [tilespmem:s14+$0xFFFFFFF0]  }
0x29a: {  	v62 =	vadd.s32 v3, v20;
	[tilespmem:v4+s30+$0x0] =	vst.idx.msk $0xffff, v58;
	v6 =	vld [tilespmem:s14+$0x30]  }
0x29b: {  	[tilespmem:v51+s30+$0x0] =	vst.idx.msk $0xffff, v50  }
0x29c: {  	[tilespmem:v60+s30+$0x0] =	vst.idx.msk $0xffff, v59  }
0x29d: {  	[tilespmem:v63+s30+$0x0] =	vst.idx.msk $0xffff, v5  }
0x29e: {  	[tilespmem:v61+s30+$0x0] =	vst.idx.msk $0xffff, v11  }
0x29f: {  	[tilespmem:v62+s30+$0x0] =	vst.idx.msk $0xffff, v6  }
0x2a0: {  	s10 =	sld [smem:$0x7FA];
	_ =	sdelay $0x1  }
0x2a1: {  	s24 =	simm.s32 $0x1A600;
	s9 =	simm.s32 $0x420  }
0x2a2: {  	[hbm4b:s10+s2] =	stream.linear.scatter [tilespmem:s24], [sflag:$0x6], $0x100, $0x38;
	[tilespmem:$0x1E800] =	vst v63  }
.LBB2_16:
0x2a3: {  	p0 =	sne.s32 s9, $0x103E0  }
.Ltmp7:
0x2a4: {  	_ = 	snop;
	(pc) =	sbr.rel @p0 .LBB2_16-.Ltmp7, $4  }
0x2a5: {  	_ = 	snop  }
0x2a6: {  	s11 =	sshra.s32 s9, $0x2;
	s9 =	sadd.s32 $0x420, s9  }
0x2a7: {  	s10 =	sadd.s32 $0x800, s10;
	s11 =	sadd.s32 $0x1A600, s11  }
0x2a8: {  	[hbm4b:s10+s2] =	stream.linear.scatter [tilespmem:s11], [sflag:$0x6], $0x100, $0x38;
	[tilespmem:$0x1E800] =	vst v63  }
0x2a9: {  	s9 =	simm.s32 $0x700  }
0x2aa: {  	[tilespmem:s25], [sflag:$0x4] =	stream.indirect.gather [hbm4b:s4+s18], $0x40, s9, s18, $0xb8;
	[tilespmem:$0x1E800] =	vst v63  }
0x2ab: {  	s9 =	simm.s32 $0x1  }
.LBB2_18:
0x2ac: {  	_ =	swait.ge [sflag:s26], $0x4000  }
0x2ad: {  	[sflag:s26] =	ssyncset.done $0x0  }
0x2ae: {  	[sflag:s26] =	ssyncadd.s32 $0xFFFFC000  }
0x2af: {  	s10 =	simm.s32 $0x3;
	_ =	swait.ge [sflag:s0], $0x4000  }
0x2b0: {  	s24 =	simm.s32 $0x0;
	v4 =	vmov s10;
	[sflag:s0] =	ssyncset.done $0x0  }
0x2b1: {  	s11 =	simm.s32 $0x6480;
	s12 =	simm.s32 $0x1;
	v5 =	vand.u32 $0xFF, v4;
	v4 =	vmov s24;
	[sflag:s0] =	ssyncadd.s32 $0xFFFFC000  }
0x2b2: {  	v8 =	vadd.s32 v0, v5;
	v6 =	vand.u32 $0xFC, v4;
	v4 =	vmov s12;
	v7 =	vld [tilespmem:s11+$0x40]  }
0x2b3: {  	v10 =	vadd.s32 v0, v6;
	v11 =	vand.u32 $0xFD, v4;
	v9 =	vld [tilespmem:s11+$0xFFFFFF80]  }
0x2b4: {  	s13 =	simm.s32 $0x2;
	v12 =	vadd.s32 v0, v11;
	v4 =	vld [tilespmem:s11+$0xFFFFFFC0]  }
0x2b5: {  	v13 =	vmov s13  }
0x2b6: {  	v13 =	vand.u32 $0xFE, v13  }
0x2b7: {  	v15 =	vadd.s32 v0, v13;
	v14 =	vld [tilespmem:s11+$0x0];
	[tilespmem:v8+s28+$0x0] =	vst.idx.msk $0xffff, v7  }
0x2b8: {  	v8 =	vadd.s32 v1, v5;
	[tilespmem:v10+s28+$0x0] =	vst.idx.msk $0xffff, v9;
	v7 =	vld [tilespmem:s11+$0x50]  }
0x2b9: {  	v10 =	vadd.s32 v1, v6;
	[tilespmem:v12+s28+$0x0] =	vst.idx.msk $0xffff, v4;
	v9 =	vld [tilespmem:s11+$0xFFFFFF90]  }
0x2ba: {  	v12 =	vadd.s32 v1, v11;
	v4 =	vld [tilespmem:s11+$0xFFFFFFD0];
	_ =	sdelay $0x1  }
0x2bb: {  	[tilespmem:v15+s28+$0x0] =	vst.idx.msk $0xffff, v14  }
0x2bc: {  	v16 =	vadd.s32 v1, v13;
	v15 =	vld [tilespmem:s11+$0x10];
	[tilespmem:v8+s28+$0x0] =	vst.idx.msk $0xffff, v7  }
0x2bd: {  	s14 =	simm.s32 $0x7;
	v14 =	vadd.s32 v2, v5;
	[tilespmem:v10+s28+$0x0] =	vst.idx.msk $0xffff, v9;
	v7 =	vld [tilespmem:s11+$0x60]  }
0x2be: {  	v10 =	vadd.s32 v2, v6;
	v8 =	vmov s14;
	[tilespmem:v12+s28+$0x0] =	vst.idx.msk $0xffff, v4;
	v9 =	vld [tilespmem:s11+$0xFFFFFFA0]  }
0x2bf: {  	s10 =	simm.s32 $0x6580;
	v17 =	vadd.s32 v2, v11;
	v8 =	vand.u32 $0xFF, v8;
	v12 =	vld [tilespmem:s11+$0xFFFFFFE0]  }
0x2c0: {  	s12 =	simm.s32 $0x4;
	v18 =	vld [tilespmem:s10+$0x40];
	v19 =	vadd.s32 v0, v8  }
0x2c1: {  	s15 =	simm.s32 $0x5;
	v4 =	vmov s12;
	[tilespmem:v16+s28+$0x0] =	vst.idx.msk $0xffff, v15  }
0x2c2: {  	v22 =	vmov s15;
	v4 =	vand.u32 $0xFC, v4;
	[tilespmem:v14+s28+$0x0] =	vst.idx.msk $0xffff, v7  }
0x2c3: {  	s24 =	simm.s32 $0x6;
	v20 =	vld [tilespmem:s10+$0xFFFFFF80];
	v21 =	vadd.s32 v0, v4;
	v7 =	vand.u32 $0xFD, v22;
	[tilespmem:v10+s28+$0x0] =	vst.idx.msk $0xffff, v9  }
0x2c4: {  	v14 =	vmov s24;
	v9 =	vld [tilespmem:s10+$0xFFFFFFC0];
	[tilespmem:v17+s28+$0x0] =	vst.idx.msk $0xffff, v12;
	v10 =	vadd.s32 v0, v7  }
0x2c5: {  	v16 =	vadd.s32 v3, v5;
	v12 =	vld [tilespmem:s11+$0x20];
	v5 =	vand.u32 $0xFE, v14;
	[tilespmem:v19+s28+$0x0] =	vst.idx.msk $0xffff, v18;
	v18 =	vadd.s32 v2, v13  }
0x2c6: {  	v14 =	vld [tilespmem:s10+$0x0];
	v63 =	vadd.s32 v0, v5  }
0x2c7: {  	v15 =	vld [tilespmem:s11+$0x70]  }
0x2c8: {  	[tilespmem:v21+s28+$0x0] =	vst.idx.msk $0xffff, v20;
	v20 =	vadd.s32 v1, v8;
	v19 =	vld [tilespmem:s10+$0x50]  }
0x2c9: {  	v23 =	vadd.s32 v1, v4;
	v21 =	vld [tilespmem:s10+$0xFFFFFF90];
	[tilespmem:v10+s28+$0x0] =	vst.idx.msk $0xffff, v9  }
0x2ca: {  	v25 =	vadd.s32 v3, v11;
	v24 =	vld [tilespmem:s11+$0xFFFFFFF0];
	[tilespmem:v18+s28+$0x0] =	vst.idx.msk $0xffff, v12  }
0x2cb: {  	v18 =	vadd.s32 v1, v7;
	v17 =	vld [tilespmem:s10+$0xFFFFFFD0];
	[tilespmem:v63+s28+$0x0] =	vst.idx.msk $0xffff, v14  }
0x2cc: {  	[tilespmem:v16+s28+$0x0] =	vst.idx.msk $0xffff, v15;
	v16 =	vadd.s32 v1, v5;
	v15 =	vld [tilespmem:s10+$0x10]  }
0x2cd: {  	[tilespmem:v20+s28+$0x0] =	vst.idx.msk $0xffff, v19;
	v11 =	vld [tilespmem:s11+$0x30];
	v14 =	vadd.s32 v3, v13  }
0x2ce: {  	v12 =	vadd.s32 v2, v8;
	[tilespmem:v23+s28+$0x0] =	vst.idx.msk $0xffff, v21;
	v9 =	vld [tilespmem:s10+$0x60]  }
0x2cf: {  	s13 =	simm.s32 $0xC;
	s12 =	simm.s32 $0x8;
	s14 =	simm.s32 $0xB;
	[tilespmem:v25+s28+$0x0] =	vst.idx.msk $0xffff, v24;
	v13 =	vadd.s32 v2, v4;
	v10 =	vld [tilespmem:s10+$0xFFFFFFA0]  }
.LBB2_19:
0x2d0: {  	p0 =	slt.u32 s13, $0xFC;
	v19 =	vmov s14;
	[tilespmem:v18+s28+$0x0] =	vst.idx.msk $0xffff, v17;
	v17 =	vld [tilespmem:s11+$0xFFFFFFB0];
	v18 =	vadd.s32 v3, v6;
	v6 =	vmov v4;
	s11 =	smov.u32 s10  }
0x2d1: {  	v4 =	vmov s12;
	v21 =	vadd.s32 v2, v7;
	s10 =	sadd.s32 $0x100, s10;
	v19 =	vand.u32 $0xFF, v19;
	v20 =	vld [tilespmem:s11+$0xFFFFFFE0];
	[tilespmem:v16+s28+$0x0] =	vst.idx.msk $0xffff, v15  }
0x2d2: {  	s14 =	sadd.s32 $0x1, s12;
	v4 =	vand.u32 $0xFC, v4;
	v15 =	vld [tilespmem:s10+$0x40];
	v16 =	vadd.s32 v0, v19;
	[tilespmem:v14+s28+$0x0] =	vst.idx.msk $0xffff, v11  }
0x2d3: {  	v22 =	vmov s14;
	s14 =	sadd.s32 $0x2, s12;
	s12 =	smov.u32 s13;
	v14 =	vadd.s32 v0, v4;
	v11 =	vld [tilespmem:s10+$0xFFFFFF80];
	[tilespmem:v12+s28+$0x0] =	vst.idx.msk $0xffff, v9  }
0x2d4: {  	v9 =	vand.u32 $0xFD, v22;
	v12 =	vmov s14;
	[tilespmem:v13+s28+$0x0] =	vst.idx.msk $0xffff, v10;
	v10 =	vld [tilespmem:s11+$0x70];
	v13 =	vadd.s32 v3, v8;
	v8 =	vmovc v19  }
0x2d5: {  	v22 =	vadd.s32 v0, v9;
	v12 =	vand.u32 $0xFE, v12;
	v19 =	vld [tilespmem:s10+$0xFFFFFFC0];
	[tilespmem:v18+s28+$0x0] =	vst.idx.msk $0xffff, v17  }
0x2d6: {  	v24 =	vadd.s32 v0, v12;
	v23 =	vld [tilespmem:s10+$0x0];
	[tilespmem:v21+s28+$0x0] =	vst.idx.msk $0xffff, v20  }
0x2d7: {  	v21 =	vadd.s32 v2, v5;
	[tilespmem:v16+s28+$0x0] =	vst.idx.msk $0xffff, v15;
	v20 =	vld [tilespmem:s11+$0x20]  }
0x2d8: {  	[tilespmem:v14+s28+$0x0] =	vst.idx.msk $0xffff, v11;
	v11 =	vld [tilespmem:s10+$0x50];
	v14 =	vadd.s32 v1, v8  }
0x2d9: {  	v26 =	vadd.s32 v1, v4;
	v25 =	vld [tilespmem:s10+$0xFFFFFF90];
	[tilespmem:v13+s28+$0x0] =	vst.idx.msk $0xffff, v10  }
0x2da: {  	[tilespmem:v22+s28+$0x0] =	vst.idx.msk $0xffff, v19;
	v19 =	vld [tilespmem:s11+$0xFFFFFFF0];
	v22 =	vadd.s32 v3, v7;
	v7 =	vmov v9  }
.Ltmp8:
0x2db: {  	v17 =	vld [tilespmem:s10+$0xFFFFFFD0];
	v18 =	vadd.s32 v1, v7;
	[tilespmem:v24+s28+$0x0] =	vst.idx.msk $0xffff, v23;
	(pc) =	sbr.rel @p0 .LBB2_19-.Ltmp8, $4  }
0x2dc: {  	v16 =	vadd.s32 v1, v12;
	v15 =	vld [tilespmem:s10+$0x10];
	[tilespmem:v21+s28+$0x0] =	vst.idx.msk $0xffff, v20  }
0x2dd: {  	[tilespmem:v14+s28+$0x0] =	vst.idx.msk $0xffff, v11;
	v11 =	vld [tilespmem:s11+$0x30];
	v14 =	vadd.s32 v3, v5;
	v5 =	vmov v12  }
0x2de: {  	v12 =	vadd.s32 v2, v8;
	[tilespmem:v26+s28+$0x0] =	vst.idx.msk $0xffff, v25;
	v9 =	vld [tilespmem:s10+$0x60]  }
0x2df: {  	s13 =	sadd.s32 $0x4, s13;
	s14 =	sadd.s32 $0x3, s12;
	v13 =	vadd.s32 v2, v4;
	v10 =	vld [tilespmem:s10+$0xFFFFFFA0];
	[tilespmem:v22+s28+$0x0] =	vst.idx.msk $0xffff, v19  }
0x2e0: {  	_ =	sdelay $0x2  }
0x2e1: {  	v19 =	vmov s14  }
0x2e2: {  	s13 =	sadd.s32 $0x1, s12;
	[tilespmem:v18+s28+$0x0] =	vst.idx.msk $0xffff, v17;
	v30 =	vld [tilespmem:s11+$0xFFFFFFB0];
	v6 =	vadd.s32 v3, v6;
	s15 =	sadd.s32 $0x100, s10;
	v21 =	vmov s12;
	v31 =	vand.u32 $0xFF, v19  }
0x2e3: {  	s24 =	sadd.s32 $0x2, s12;
	v32 =	vmov s13;
	[tilespmem:v16+s28+$0x0] =	vst.idx.msk $0xffff, v15;
	v33 =	vld [tilespmem:s15+$0x40];
	v21 =	vand.u32 $0xFC, v21;
	v34 =	vadd.s32 v0, v31  }
0x2e4: {  	v20 =	vmov s24;
	v22 =	vld [tilespmem:s15+$0xFFFFFF80];
	v19 =	vand.u32 $0xFD, v32;
	[tilespmem:v14+s28+$0x0] =	vst.idx.msk $0xffff, v11;
	v39 =	vadd.s32 v0, v21  }
0x2e5: {  	v35 =	vld [tilespmem:s15+$0xFFFFFFC0];
	v20 =	vand.u32 $0xFE, v20;
	v36 =	vadd.s32 v0, v19;
	[tilespmem:v12+s28+$0x0] =	vst.idx.msk $0xffff, v9  }
0x2e6: {  	v37 =	vld [tilespmem:s15+$0x0];
	v38 =	vadd.s32 v0, v20;
	[tilespmem:v13+s28+$0x0] =	vst.idx.msk $0xffff, v10  }
0x2e7: {  	v41 =	vadd.s32 v2, v7;
	v40 =	vld [tilespmem:s10+$0xFFFFFFE0];
	[tilespmem:v6+s28+$0x0] =	vst.idx.msk $0xffff, v30  }
0x2e8: {  	v49 =	vadd.s32 v2, v5;
	v48 =	vld [tilespmem:s10+$0x20];
	[tilespmem:v34+s28+$0x0] =	vst.idx.msk $0xffff, v33  }
0x2e9: {  	v43 =	vadd.s32 v1, v31;
	[tilespmem:v39+s28+$0x0] =	vst.idx.msk $0xffff, v22;
	v15 =	vld [tilespmem:s15+$0x50]  }
0x2ea: {  	v47 =	vadd.s32 v1, v21;
	[tilespmem:v36+s28+$0x0] =	vst.idx.msk $0xffff, v35;
	v46 =	vld [tilespmem:s15+$0xFFFFFF90]  }
0x2eb: {  	v44 =	vadd.s32 v1, v19;
	[tilespmem:v38+s28+$0x0] =	vst.idx.msk $0xffff, v37;
	v11 =	vld [tilespmem:s15+$0xFFFFFFD0]  }
0x2ec: {  	v45 =	vadd.s32 v1, v20;
	[tilespmem:v41+s28+$0x0] =	vst.idx.msk $0xffff, v40;
	v9 =	vld [tilespmem:s15+$0x10]  }
0x2ed: {  	v8 =	vadd.s32 v3, v8;
	v42 =	vld [tilespmem:s10+$0x70];
	[tilespmem:v49+s28+$0x0] =	vst.idx.msk $0xffff, v48  }
0x2ee: {  	v5 =	vadd.s32 v3, v5;
	v13 =	vld [tilespmem:s10+$0x30];
	[tilespmem:v43+s28+$0x0] =	vst.idx.msk $0xffff, v15  }
0x2ef: {  	v52 =	vadd.s32 v2, v31;
	[tilespmem:v47+s28+$0x0] =	vst.idx.msk $0xffff, v46;
	v15 =	vld [tilespmem:s15+$0x60]  }
0x2f0: {  	v57 =	vadd.s32 v2, v21;
	[tilespmem:v44+s28+$0x0] =	vst.idx.msk $0xffff, v11;
	v56 =	vld [tilespmem:s15+$0xFFFFFFA0]  }
0x2f1: {  	v53 =	vadd.s32 v2, v19;
	[tilespmem:v45+s28+$0x0] =	vst.idx.msk $0xffff, v9;
	v11 =	vld [tilespmem:s15+$0xFFFFFFE0]  }
0x2f2: {  	v55 =	vadd.s32 v2, v20;
	[tilespmem:v8+s28+$0x0] =	vst.idx.msk $0xffff, v42;
	v54 =	vld [tilespmem:s15+$0x20]  }
0x2f3: {  	v4 =	vadd.s32 v3, v4;
	v58 =	vld [tilespmem:s10+$0xFFFFFFB0];
	[tilespmem:v5+s28+$0x0] =	vst.idx.msk $0xffff, v13  }
0x2f4: {  	v51 =	vadd.s32 v3, v7;
	v50 =	vld [tilespmem:s10+$0xFFFFFFF0];
	[tilespmem:v52+s28+$0x0] =	vst.idx.msk $0xffff, v15  }
0x2f5: {  	v60 =	vadd.s32 v3, v31;
	[tilespmem:v57+s28+$0x0] =	vst.idx.msk $0xffff, v56;
	v59 =	vld [tilespmem:s15+$0x70]  }
0x2f6: {  	v63 =	vadd.s32 v3, v21;
	[tilespmem:v53+s28+$0x0] =	vst.idx.msk $0xffff, v11;
	v5 =	vld [tilespmem:s15+$0xFFFFFFB0]  }
0x2f7: {  	v61 =	vadd.s32 v3, v19;
	[tilespmem:v55+s28+$0x0] =	vst.idx.msk $0xffff, v54;
	v11 =	vld [tilespmem:s15+$0xFFFFFFF0]  }
0x2f8: {  	v62 =	vadd.s32 v3, v20;
	[tilespmem:v4+s28+$0x0] =	vst.idx.msk $0xffff, v58;
	v6 =	vld [tilespmem:s15+$0x30]  }
0x2f9: {  	[tilespmem:v51+s28+$0x0] =	vst.idx.msk $0xffff, v50  }
0x2fa: {  	s24 =	sshll.u32 s9, $0x15;
	[tilespmem:v60+s28+$0x0] =	vst.idx.msk $0xffff, v59  }
0x2fb: {  	s14 =	sor.u32 s3, s24;
	[tilespmem:v63+s28+$0x0] =	vst.idx.msk $0xffff, v5  }
0x2fc: {  	s10 =	sshrl.u32 s14, $0x3;
	[tilespmem:v61+s28+$0x0] =	vst.idx.msk $0xffff, v11  }
0x2fd: {  	s11 =	simm.s32 $0x420;
	s10 =	sadd.s32 s6, s10;
	s15 =	simm.s32 $0x16400;
	[tilespmem:v62+s28+$0x0] =	vst.idx.msk $0xffff, v6  }
0x2fe: {  	[hbm4b:s10+s2] =	stream.linear.scatter [tilespmem:s15], [sflag:$0x5], $0x100, $0x38;
	[tilespmem:$0x1E800] =	vst v63  }
.LBB2_21:
0x2ff: {  	p0 =	sne.s32 s11, $0x103E0  }
.Ltmp9:
0x300: {  	_ = 	snop;
	(pc) =	sbr.rel @p0 .LBB2_21-.Ltmp9, $4  }
0x301: {  	_ = 	snop  }
0x302: {  	s12 =	sshra.s32 s11, $0x2;
	s11 =	sadd.s32 $0x420, s11  }
0x303: {  	s10 =	sadd.s32 $0x800, s10;
	s12 =	sadd.s32 $0x16400, s12  }
0x304: {  	[hbm4b:s10+s2] =	stream.linear.scatter [tilespmem:s12], [sflag:$0x5], $0x100, $0x38;
	[tilespmem:$0x1E800] =	vst v63  }
0x305: {  	s10 =	sshll.u32 s9, $0xA  }
0x306: {  	s10 =	sand.u32 $0x3FFFFC00, s10  }
0x307: {  	s11 =	sadd.s32 $0x400, s10  }
0x308: {  	[tilespmem:s20], [sflag:$0x1] =	stream.indirect.gather [hbm4b:s4+s18], $0x40, s11, s18, $0xb8;
	[tilespmem:$0x1E800] =	vst v63  }
0x309: {  	_ =	swait.ge [sflag:s29], $0x4000  }
0x30a: {  	[sflag:s29] =	ssyncset.done $0x0  }
0x30b: {  	[sflag:s29] =	ssyncadd.s32 $0xFFFFC000  }
0x30c: {  	s14 =	simm.s32 $0x3;
	_ =	swait.ge [sflag:s7], $0x4000  }
0x30d: {  	s15 =	simm.s32 $0x0;
	v4 =	vmov s14;
	[sflag:s7] =	ssyncset.done $0x0  }
0x30e: {  	s12 =	simm.s32 $0xA480;
	s13 =	simm.s32 $0x1;
	v5 =	vand.u32 $0xFF, v4;
	v4 =	vmov s15;
	[sflag:s7] =	ssyncadd.s32 $0xFFFFC000  }
0x30f: {  	v8 =	vadd.s32 v0, v5;
	v6 =	vand.u32 $0xFC, v4;
	v4 =	vmov s13;
	v7 =	vld [tilespmem:s12+$0x40]  }
0x310: {  	v10 =	vadd.s32 v0, v6;
	v11 =	vand.u32 $0xFD, v4;
	v9 =	vld [tilespmem:s12+$0xFFFFFF80]  }
0x311: {  	s14 =	simm.s32 $0x2;
	v12 =	vadd.s32 v0, v11;
	v4 =	vld [tilespmem:s12+$0xFFFFFFC0]  }
0x312: {  	v13 =	vmov s14  }
0x313: {  	v13 =	vand.u32 $0xFE, v13  }
0x314: {  	v15 =	vadd.s32 v0, v13;
	v14 =	vld [tilespmem:s12+$0x0];
	[tilespmem:v8+s30+$0x0] =	vst.idx.msk $0xffff, v7  }
0x315: {  	v8 =	vadd.s32 v1, v5;
	[tilespmem:v10+s30+$0x0] =	vst.idx.msk $0xffff, v9;
	v7 =	vld [tilespmem:s12+$0x50]  }
0x316: {  	v10 =	vadd.s32 v1, v6;
	[tilespmem:v12+s30+$0x0] =	vst.idx.msk $0xffff, v4;
	v9 =	vld [tilespmem:s12+$0xFFFFFF90]  }
0x317: {  	v12 =	vadd.s32 v1, v11;
	v4 =	vld [tilespmem:s12+$0xFFFFFFD0];
	_ =	sdelay $0x1  }
0x318: {  	[tilespmem:v15+s30+$0x0] =	vst.idx.msk $0xffff, v14  }
0x319: {  	v16 =	vadd.s32 v1, v13;
	v15 =	vld [tilespmem:s12+$0x10];
	[tilespmem:v8+s30+$0x0] =	vst.idx.msk $0xffff, v7  }
0x31a: {  	s15 =	simm.s32 $0x7;
	v14 =	vadd.s32 v2, v5;
	[tilespmem:v10+s30+$0x0] =	vst.idx.msk $0xffff, v9;
	v7 =	vld [tilespmem:s12+$0x60]  }
0x31b: {  	v10 =	vadd.s32 v2, v6;
	v8 =	vmov s15;
	[tilespmem:v12+s30+$0x0] =	vst.idx.msk $0xffff, v4;
	v9 =	vld [tilespmem:s12+$0xFFFFFFA0]  }
0x31c: {  	s11 =	simm.s32 $0xA580;
	v17 =	vadd.s32 v2, v11;
	v8 =	vand.u32 $0xFF, v8;
	v12 =	vld [tilespmem:s12+$0xFFFFFFE0]  }
0x31d: {  	s13 =	simm.s32 $0x4;
	v18 =	vld [tilespmem:s11+$0x40];
	v19 =	vadd.s32 v0, v8  }
0x31e: {  	s14 =	simm.s32 $0x5;
	v4 =	vmov s13;
	[tilespmem:v16+s30+$0x0] =	vst.idx.msk $0xffff, v15  }
0x31f: {  	v22 =	vmov s14;
	v4 =	vand.u32 $0xFC, v4;
	[tilespmem:v14+s30+$0x0] =	vst.idx.msk $0xffff, v7  }
0x320: {  	v20 =	vld [tilespmem:s11+$0xFFFFFF80];
	s15 =	simm.s32 $0x6;
	v21 =	vadd.s32 v0, v4;
	v7 =	vand.u32 $0xFD, v22;
	[tilespmem:v10+s30+$0x0] =	vst.idx.msk $0xffff, v9  }
0x321: {  	v14 =	vmov s15;
	v9 =	vld [tilespmem:s11+$0xFFFFFFC0];
	[tilespmem:v17+s30+$0x0] =	vst.idx.msk $0xffff, v12;
	v10 =	vadd.s32 v0, v7  }
0x322: {  	v16 =	vadd.s32 v3, v5;
	v12 =	vld [tilespmem:s12+$0x20];
	v5 =	vand.u32 $0xFE, v14;
	[tilespmem:v19+s30+$0x0] =	vst.idx.msk $0xffff, v18;
	v18 =	vadd.s32 v2, v13  }
0x323: {  	v14 =	vld [tilespmem:s11+$0x0];
	v63 =	vadd.s32 v0, v5  }
0x324: {  	v15 =	vld [tilespmem:s12+$0x70]  }
0x325: {  	[tilespmem:v21+s30+$0x0] =	vst.idx.msk $0xffff, v20;
	v20 =	vadd.s32 v1, v8;
	v19 =	vld [tilespmem:s11+$0x50]  }
0x326: {  	v23 =	vadd.s32 v1, v4;
	v21 =	vld [tilespmem:s11+$0xFFFFFF90];
	[tilespmem:v10+s30+$0x0] =	vst.idx.msk $0xffff, v9  }
0x327: {  	v25 =	vadd.s32 v3, v11;
	v24 =	vld [tilespmem:s12+$0xFFFFFFF0];
	[tilespmem:v18+s30+$0x0] =	vst.idx.msk $0xffff, v12  }
0x328: {  	v18 =	vadd.s32 v1, v7;
	v17 =	vld [tilespmem:s11+$0xFFFFFFD0];
	[tilespmem:v63+s30+$0x0] =	vst.idx.msk $0xffff, v14  }
0x329: {  	[tilespmem:v16+s30+$0x0] =	vst.idx.msk $0xffff, v15;
	v16 =	vadd.s32 v1, v5;
	v15 =	vld [tilespmem:s11+$0x10]  }
0x32a: {  	[tilespmem:v20+s30+$0x0] =	vst.idx.msk $0xffff, v19;
	v11 =	vld [tilespmem:s12+$0x30];
	v14 =	vadd.s32 v3, v13  }
0x32b: {  	v12 =	vadd.s32 v2, v8;
	[tilespmem:v23+s30+$0x0] =	vst.idx.msk $0xffff, v21;
	v9 =	vld [tilespmem:s11+$0x60]  }
0x32c: {  	s14 =	simm.s32 $0xC;
	s13 =	simm.s32 $0x8;
	s15 =	simm.s32 $0xB;
	[tilespmem:v25+s30+$0x0] =	vst.idx.msk $0xffff, v24;
	v13 =	vadd.s32 v2, v4;
	v10 =	vld [tilespmem:s11+$0xFFFFFFA0]  }
.LBB2_23:
0x32d: {  	p0 =	slt.u32 s14, $0xFC;
	v19 =	vmov s15;
	[tilespmem:v18+s30+$0x0] =	vst.idx.msk $0xffff, v17;
	v17 =	vld [tilespmem:s12+$0xFFFFFFB0];
	v18 =	vadd.s32 v3, v6;
	v6 =	vmov v4;
	s12 =	smov.u32 s11  }
0x32e: {  	v4 =	vmov s13;
	v21 =	vadd.s32 v2, v7;
	s11 =	sadd.s32 $0x100, s11;
	v19 =	vand.u32 $0xFF, v19;
	v20 =	vld [tilespmem:s12+$0xFFFFFFE0];
	[tilespmem:v16+s30+$0x0] =	vst.idx.msk $0xffff, v15  }
0x32f: {  	s15 =	sadd.s32 $0x1, s13;
	v4 =	vand.u32 $0xFC, v4;
	v15 =	vld [tilespmem:s11+$0x40];
	v16 =	vadd.s32 v0, v19;
	[tilespmem:v14+s30+$0x0] =	vst.idx.msk $0xffff, v11  }
0x330: {  	v22 =	vmov s15;
	s15 =	sadd.s32 $0x2, s13;
	s13 =	smov.u32 s14;
	v14 =	vadd.s32 v0, v4;
	v11 =	vld [tilespmem:s11+$0xFFFFFF80];
	[tilespmem:v12+s30+$0x0] =	vst.idx.msk $0xffff, v9  }
0x331: {  	v9 =	vand.u32 $0xFD, v22;
	v12 =	vmov s15;
	[tilespmem:v13+s30+$0x0] =	vst.idx.msk $0xffff, v10;
	v10 =	vld [tilespmem:s12+$0x70];
	v13 =	vadd.s32 v3, v8;
	v8 =	vmovc v19  }
0x332: {  	v22 =	vadd.s32 v0, v9;
	v12 =	vand.u32 $0xFE, v12;
	v19 =	vld [tilespmem:s11+$0xFFFFFFC0];
	[tilespmem:v18+s30+$0x0] =	vst.idx.msk $0xffff, v17  }
0x333: {  	v24 =	vadd.s32 v0, v12;
	v23 =	vld [tilespmem:s11+$0x0];
	[tilespmem:v21+s30+$0x0] =	vst.idx.msk $0xffff, v20  }
0x334: {  	v21 =	vadd.s32 v2, v5;
	[tilespmem:v16+s30+$0x0] =	vst.idx.msk $0xffff, v15;
	v20 =	vld [tilespmem:s12+$0x20]  }
0x335: {  	[tilespmem:v14+s30+$0x0] =	vst.idx.msk $0xffff, v11;
	v11 =	vld [tilespmem:s11+$0x50];
	v14 =	vadd.s32 v1, v8  }
0x336: {  	v26 =	vadd.s32 v1, v4;
	v25 =	vld [tilespmem:s11+$0xFFFFFF90];
	[tilespmem:v13+s30+$0x0] =	vst.idx.msk $0xffff, v10  }
0x337: {  	[tilespmem:v22+s30+$0x0] =	vst.idx.msk $0xffff, v19;
	v19 =	vld [tilespmem:s12+$0xFFFFFFF0];
	v22 =	vadd.s32 v3, v7;
	v7 =	vmov v9  }
.Ltmp10:
0x338: {  	v17 =	vld [tilespmem:s11+$0xFFFFFFD0];
	v18 =	vadd.s32 v1, v7;
	[tilespmem:v24+s30+$0x0] =	vst.idx.msk $0xffff, v23;
	(pc) =	sbr.rel @p0 .LBB2_23-.Ltmp10, $4  }
0x339: {  	v16 =	vadd.s32 v1, v12;
	v15 =	vld [tilespmem:s11+$0x10];
	[tilespmem:v21+s30+$0x0] =	vst.idx.msk $0xffff, v20  }
0x33a: {  	[tilespmem:v14+s30+$0x0] =	vst.idx.msk $0xffff, v11;
	v11 =	vld [tilespmem:s12+$0x30];
	v14 =	vadd.s32 v3, v5;
	v5 =	vmov v12  }
0x33b: {  	v12 =	vadd.s32 v2, v8;
	[tilespmem:v26+s30+$0x0] =	vst.idx.msk $0xffff, v25;
	v9 =	vld [tilespmem:s11+$0x60]  }
0x33c: {  	s14 =	sadd.s32 $0x4, s14;
	s15 =	sadd.s32 $0x3, s13;
	v13 =	vadd.s32 v2, v4;
	v10 =	vld [tilespmem:s11+$0xFFFFFFA0];
	[tilespmem:v22+s30+$0x0] =	vst.idx.msk $0xffff, v19  }
0x33d: {  	_ =	sdelay $0x2  }
0x33e: {  	v19 =	vmov s15  }
0x33f: {  	s14 =	sadd.s32 $0x1, s13;
	[tilespmem:v18+s30+$0x0] =	vst.idx.msk $0xffff, v17;
	v30 =	vld [tilespmem:s12+$0xFFFFFFB0];
	v6 =	vadd.s32 v3, v6;
	s12 =	sadd.s32 $0x100, s11;
	v21 =	vmov s13;
	v31 =	vand.u32 $0xFF, v19  }
0x340: {  	s15 =	sadd.s32 $0x2, s13;
	v32 =	vmov s14;
	[tilespmem:v16+s30+$0x0] =	vst.idx.msk $0xffff, v15;
	v33 =	vld [tilespmem:s12+$0x40];
	v21 =	vand.u32 $0xFC, v21;
	v34 =	vadd.s32 v0, v31  }
0x341: {  	v20 =	vmov s15;
	v22 =	vld [tilespmem:s12+$0xFFFFFF80];
	v19 =	vand.u32 $0xFD, v32;
	[tilespmem:v14+s30+$0x0] =	vst.idx.msk $0xffff, v11;
	v39 =	vadd.s32 v0, v21  }
0x342: {  	v35 =	vld [tilespmem:s12+$0xFFFFFFC0];
	v20 =	vand.u32 $0xFE, v20;
	v36 =	vadd.s32 v0, v19;
	[tilespmem:v12+s30+$0x0] =	vst.idx.msk $0xffff, v9  }
0x343: {  	v37 =	vld [tilespmem:s12+$0x0];
	v38 =	vadd.s32 v0, v20;
	[tilespmem:v13+s30+$0x0] =	vst.idx.msk $0xffff, v10  }
0x344: {  	v41 =	vadd.s32 v2, v7;
	v40 =	vld [tilespmem:s11+$0xFFFFFFE0];
	[tilespmem:v6+s30+$0x0] =	vst.idx.msk $0xffff, v30  }
0x345: {  	v49 =	vadd.s32 v2, v5;
	v48 =	vld [tilespmem:s11+$0x20];
	[tilespmem:v34+s30+$0x0] =	vst.idx.msk $0xffff, v33  }
0x346: {  	v43 =	vadd.s32 v1, v31;
	[tilespmem:v39+s30+$0x0] =	vst.idx.msk $0xffff, v22;
	v15 =	vld [tilespmem:s12+$0x50]  }
0x347: {  	v47 =	vadd.s32 v1, v21;
	[tilespmem:v36+s30+$0x0] =	vst.idx.msk $0xffff, v35;
	v46 =	vld [tilespmem:s12+$0xFFFFFF90]  }
0x348: {  	v44 =	vadd.s32 v1, v19;
	[tilespmem:v38+s30+$0x0] =	vst.idx.msk $0xffff, v37;
	v11 =	vld [tilespmem:s12+$0xFFFFFFD0]  }
0x349: {  	v45 =	vadd.s32 v1, v20;
	[tilespmem:v41+s30+$0x0] =	vst.idx.msk $0xffff, v40;
	v9 =	vld [tilespmem:s12+$0x10]  }
0x34a: {  	v8 =	vadd.s32 v3, v8;
	v42 =	vld [tilespmem:s11+$0x70];
	[tilespmem:v49+s30+$0x0] =	vst.idx.msk $0xffff, v48  }
0x34b: {  	v5 =	vadd.s32 v3, v5;
	v13 =	vld [tilespmem:s11+$0x30];
	[tilespmem:v43+s30+$0x0] =	vst.idx.msk $0xffff, v15  }
0x34c: {  	v52 =	vadd.s32 v2, v31;
	[tilespmem:v47+s30+$0x0] =	vst.idx.msk $0xffff, v46;
	v15 =	vld [tilespmem:s12+$0x60]  }
0x34d: {  	v57 =	vadd.s32 v2, v21;
	[tilespmem:v44+s30+$0x0] =	vst.idx.msk $0xffff, v11;
	v56 =	vld [tilespmem:s12+$0xFFFFFFA0]  }
0x34e: {  	v53 =	vadd.s32 v2, v19;
	[tilespmem:v45+s30+$0x0] =	vst.idx.msk $0xffff, v9;
	v11 =	vld [tilespmem:s12+$0xFFFFFFE0]  }
0x34f: {  	v55 =	vadd.s32 v2, v20;
	[tilespmem:v8+s30+$0x0] =	vst.idx.msk $0xffff, v42;
	v54 =	vld [tilespmem:s12+$0x20]  }
0x350: {  	v4 =	vadd.s32 v3, v4;
	v58 =	vld [tilespmem:s11+$0xFFFFFFB0];
	[tilespmem:v5+s30+$0x0] =	vst.idx.msk $0xffff, v13  }
0x351: {  	v51 =	vadd.s32 v3, v7;
	v50 =	vld [tilespmem:s11+$0xFFFFFFF0];
	[tilespmem:v52+s30+$0x0] =	vst.idx.msk $0xffff, v15  }
0x352: {  	v60 =	vadd.s32 v3, v31;
	[tilespmem:v57+s30+$0x0] =	vst.idx.msk $0xffff, v56;
	v59 =	vld [tilespmem:s12+$0x70]  }
0x353: {  	v63 =	vadd.s32 v3, v21;
	[tilespmem:v53+s30+$0x0] =	vst.idx.msk $0xffff, v11;
	v5 =	vld [tilespmem:s12+$0xFFFFFFB0]  }
0x354: {  	v61 =	vadd.s32 v3, v19;
	[tilespmem:v55+s30+$0x0] =	vst.idx.msk $0xffff, v54;
	v11 =	vld [tilespmem:s12+$0xFFFFFFF0]  }
0x355: {  	v62 =	vadd.s32 v3, v20;
	[tilespmem:v4+s30+$0x0] =	vst.idx.msk $0xffff, v58;
	v6 =	vld [tilespmem:s12+$0x30]  }
0x356: {  	[tilespmem:v51+s30+$0x0] =	vst.idx.msk $0xffff, v50  }
0x357: {  	[tilespmem:v60+s30+$0x0] =	vst.idx.msk $0xffff, v59  }
0x358: {  	s14 =	sor.u32 s19, s24;
	[tilespmem:v63+s30+$0x0] =	vst.idx.msk $0xffff, v5  }
0x359: {  	s11 =	sshrl.u32 s14, $0x3;
	[tilespmem:v61+s30+$0x0] =	vst.idx.msk $0xffff, v11  }
0x35a: {  	s15 =	simm.s32 $0x1A600;
	s11 =	sadd.s32 s6, s11;
	s12 =	simm.s32 $0x420;
	[tilespmem:v62+s30+$0x0] =	vst.idx.msk $0xffff, v6  }
0x35b: {  	[hbm4b:s11+s2] =	stream.linear.scatter [tilespmem:s15], [sflag:$0x6], $0x100, $0x38;
	[tilespmem:$0x1E800] =	vst v63  }
.LBB2_25:
0x35c: {  	p0 =	sne.s32 s12, $0x103E0  }
.Ltmp11:
0x35d: {  	_ = 	snop;
	(pc) =	sbr.rel @p0 .LBB2_25-.Ltmp11, $4  }
0x35e: {  	_ = 	snop  }
0x35f: {  	s13 =	sshra.s32 s12, $0x2;
	s12 =	sadd.s32 $0x420, s12  }
0x360: {  	s11 =	sadd.s32 $0x800, s11;
	s13 =	sadd.s32 $0x1A600, s13  }
0x361: {  	[hbm4b:s11+s2] =	stream.linear.scatter [tilespmem:s13], [sflag:$0x6], $0x100, $0x38;
	[tilespmem:$0x1E800] =	vst v63  }
0x362: {  	s11 =	sadd.s32 $0x500, s10  }
0x363: {  	[tilespmem:s21], [sflag:$0x2] =	stream.indirect.gather [hbm4b:s4+s18], $0x40, s11, s18, $0xb8;
	[tilespmem:$0x1E800] =	vst v63  }
0x364: {  	_ =	swait.ge [sflag:s31], $0x4000  }
0x365: {  	[sflag:s31] =	ssyncset.done $0x0  }
0x366: {  	[sflag:s31] =	ssyncadd.s32 $0xFFFFC000  }
0x367: {  	s14 =	simm.s32 $0x3;
	_ =	swait.ge [sflag:s0], $0x4000  }
0x368: {  	s15 =	simm.s32 $0x0;
	v4 =	vmov s14;
	[sflag:s0] =	ssyncset.done $0x0  }
0x369: {  	s12 =	simm.s32 $0xE480;
	s13 =	simm.s32 $0x1;
	v5 =	vand.u32 $0xFF, v4;
	v4 =	vmov s15;
	[sflag:s0] =	ssyncadd.s32 $0xFFFFC000  }
0x36a: {  	v8 =	vadd.s32 v0, v5;
	v6 =	vand.u32 $0xFC, v4;
	v4 =	vmov s13;
	v7 =	vld [tilespmem:s12+$0x40]  }
0x36b: {  	v10 =	vadd.s32 v0, v6;
	v11 =	vand.u32 $0xFD, v4;
	v9 =	vld [tilespmem:s12+$0xFFFFFF80]  }
0x36c: {  	s14 =	simm.s32 $0x2;
	v12 =	vadd.s32 v0, v11;
	v4 =	vld [tilespmem:s12+$0xFFFFFFC0]  }
0x36d: {  	v13 =	vmov s14  }
0x36e: {  	v13 =	vand.u32 $0xFE, v13  }
0x36f: {  	v15 =	vadd.s32 v0, v13;
	v14 =	vld [tilespmem:s12+$0x0];
	[tilespmem:v8+s28+$0x0] =	vst.idx.msk $0xffff, v7  }
0x370: {  	v8 =	vadd.s32 v1, v5;
	[tilespmem:v10+s28+$0x0] =	vst.idx.msk $0xffff, v9;
	v7 =	vld [tilespmem:s12+$0x50]  }
0x371: {  	v10 =	vadd.s32 v1, v6;
	[tilespmem:v12+s28+$0x0] =	vst.idx.msk $0xffff, v4;
	v9 =	vld [tilespmem:s12+$0xFFFFFF90]  }
0x372: {  	v12 =	vadd.s32 v1, v11;
	v4 =	vld [tilespmem:s12+$0xFFFFFFD0];
	_ =	sdelay $0x1  }
0x373: {  	[tilespmem:v15+s28+$0x0] =	vst.idx.msk $0xffff, v14  }
0x374: {  	v16 =	vadd.s32 v1, v13;
	v15 =	vld [tilespmem:s12+$0x10];
	[tilespmem:v8+s28+$0x0] =	vst.idx.msk $0xffff, v7  }
0x375: {  	s15 =	simm.s32 $0x7;
	v14 =	vadd.s32 v2, v5;
	[tilespmem:v10+s28+$0x0] =	vst.idx.msk $0xffff, v9;
	v7 =	vld [tilespmem:s12+$0x60]  }
0x376: {  	v10 =	vadd.s32 v2, v6;
	v8 =	vmov s15;
	[tilespmem:v12+s28+$0x0] =	vst.idx.msk $0xffff, v4;
	v9 =	vld [tilespmem:s12+$0xFFFFFFA0]  }
0x377: {  	s11 =	simm.s32 $0xE580;
	v17 =	vadd.s32 v2, v11;
	v8 =	vand.u32 $0xFF, v8;
	v12 =	vld [tilespmem:s12+$0xFFFFFFE0]  }
0x378: {  	s13 =	simm.s32 $0x4;
	v18 =	vld [tilespmem:s11+$0x40];
	v19 =	vadd.s32 v0, v8  }
0x379: {  	s14 =	simm.s32 $0x5;
	v4 =	vmov s13;
	[tilespmem:v16+s28+$0x0] =	vst.idx.msk $0xffff, v15  }
0x37a: {  	v22 =	vmov s14;
	v4 =	vand.u32 $0xFC, v4;
	[tilespmem:v14+s28+$0x0] =	vst.idx.msk $0xffff, v7  }
0x37b: {  	v20 =	vld [tilespmem:s11+$0xFFFFFF80];
	s15 =	simm.s32 $0x6;
	v21 =	vadd.s32 v0, v4;
	v7 =	vand.u32 $0xFD, v22;
	[tilespmem:v10+s28+$0x0] =	vst.idx.msk $0xffff, v9  }
0x37c: {  	v14 =	vmov s15;
	v9 =	vld [tilespmem:s11+$0xFFFFFFC0];
	[tilespmem:v17+s28+$0x0] =	vst.idx.msk $0xffff, v12;
	v10 =	vadd.s32 v0, v7  }
0x37d: {  	v16 =	vadd.s32 v3, v5;
	v12 =	vld [tilespmem:s12+$0x20];
	v5 =	vand.u32 $0xFE, v14;
	[tilespmem:v19+s28+$0x0] =	vst.idx.msk $0xffff, v18;
	v18 =	vadd.s32 v2, v13  }
0x37e: {  	v14 =	vld [tilespmem:s11+$0x0];
	v63 =	vadd.s32 v0, v5  }
0x37f: {  	v15 =	vld [tilespmem:s12+$0x70]  }
0x380: {  	[tilespmem:v21+s28+$0x0] =	vst.idx.msk $0xffff, v20;
	v20 =	vadd.s32 v1, v8;
	v19 =	vld [tilespmem:s11+$0x50]  }
0x381: {  	v23 =	vadd.s32 v1, v4;
	v21 =	vld [tilespmem:s11+$0xFFFFFF90];
	[tilespmem:v10+s28+$0x0] =	vst.idx.msk $0xffff, v9  }
0x382: {  	v25 =	vadd.s32 v3, v11;
	v24 =	vld [tilespmem:s12+$0xFFFFFFF0];
	[tilespmem:v18+s28+$0x0] =	vst.idx.msk $0xffff, v12  }
0x383: {  	v18 =	vadd.s32 v1, v7;
	v17 =	vld [tilespmem:s11+$0xFFFFFFD0];
	[tilespmem:v63+s28+$0x0] =	vst.idx.msk $0xffff, v14  }
0x384: {  	[tilespmem:v16+s28+$0x0] =	vst.idx.msk $0xffff, v15;
	v16 =	vadd.s32 v1, v5;
	v15 =	vld [tilespmem:s11+$0x10]  }
0x385: {  	[tilespmem:v20+s28+$0x0] =	vst.idx.msk $0xffff, v19;
	v11 =	vld [tilespmem:s12+$0x30];
	v14 =	vadd.s32 v3, v13  }
0x386: {  	v12 =	vadd.s32 v2, v8;
	[tilespmem:v23+s28+$0x0] =	vst.idx.msk $0xffff, v21;
	v9 =	vld [tilespmem:s11+$0x60]  }
0x387: {  	s14 =	simm.s32 $0xC;
	s13 =	simm.s32 $0x8;
	s15 =	simm.s32 $0xB;
	[tilespmem:v25+s28+$0x0] =	vst.idx.msk $0xffff, v24;
	v13 =	vadd.s32 v2, v4;
	v10 =	vld [tilespmem:s11+$0xFFFFFFA0]  }
.LBB2_27:
0x388: {  	p0 =	slt.u32 s14, $0xFC;
	v19 =	vmov s15;
	[tilespmem:v18+s28+$0x0] =	vst.idx.msk $0xffff, v17;
	v17 =	vld [tilespmem:s12+$0xFFFFFFB0];
	v18 =	vadd.s32 v3, v6;
	v6 =	vmov v4;
	s12 =	smov.u32 s11  }
0x389: {  	v4 =	vmov s13;
	v21 =	vadd.s32 v2, v7;
	s11 =	sadd.s32 $0x100, s11;
	v19 =	vand.u32 $0xFF, v19;
	v20 =	vld [tilespmem:s12+$0xFFFFFFE0];
	[tilespmem:v16+s28+$0x0] =	vst.idx.msk $0xffff, v15  }
0x38a: {  	s15 =	sadd.s32 $0x1, s13;
	v4 =	vand.u32 $0xFC, v4;
	v15 =	vld [tilespmem:s11+$0x40];
	v16 =	vadd.s32 v0, v19;
	[tilespmem:v14+s28+$0x0] =	vst.idx.msk $0xffff, v11  }
0x38b: {  	v22 =	vmov s15;
	s15 =	sadd.s32 $0x2, s13;
	s13 =	smov.u32 s14;
	v14 =	vadd.s32 v0, v4;
	v11 =	vld [tilespmem:s11+$0xFFFFFF80];
	[tilespmem:v12+s28+$0x0] =	vst.idx.msk $0xffff, v9  }
0x38c: {  	v9 =	vand.u32 $0xFD, v22;
	v12 =	vmov s15;
	[tilespmem:v13+s28+$0x0] =	vst.idx.msk $0xffff, v10;
	v10 =	vld [tilespmem:s12+$0x70];
	v13 =	vadd.s32 v3, v8;
	v8 =	vmovc v19  }
0x38d: {  	v22 =	vadd.s32 v0, v9;
	v12 =	vand.u32 $0xFE, v12;
	v19 =	vld [tilespmem:s11+$0xFFFFFFC0];
	[tilespmem:v18+s28+$0x0] =	vst.idx.msk $0xffff, v17  }
0x38e: {  	v24 =	vadd.s32 v0, v12;
	v23 =	vld [tilespmem:s11+$0x0];
	[tilespmem:v21+s28+$0x0] =	vst.idx.msk $0xffff, v20  }
0x38f: {  	v21 =	vadd.s32 v2, v5;
	[tilespmem:v16+s28+$0x0] =	vst.idx.msk $0xffff, v15;
	v20 =	vld [tilespmem:s12+$0x20]  }
0x390: {  	[tilespmem:v14+s28+$0x0] =	vst.idx.msk $0xffff, v11;
	v11 =	vld [tilespmem:s11+$0x50];
	v14 =	vadd.s32 v1, v8  }
0x391: {  	v26 =	vadd.s32 v1, v4;
	v25 =	vld [tilespmem:s11+$0xFFFFFF90];
	[tilespmem:v13+s28+$0x0] =	vst.idx.msk $0xffff, v10  }
0x392: {  	[tilespmem:v22+s28+$0x0] =	vst.idx.msk $0xffff, v19;
	v19 =	vld [tilespmem:s12+$0xFFFFFFF0];
	v22 =	vadd.s32 v3, v7;
	v7 =	vmov v9  }
.Ltmp12:
0x393: {  	v17 =	vld [tilespmem:s11+$0xFFFFFFD0];
	v18 =	vadd.s32 v1, v7;
	[tilespmem:v24+s28+$0x0] =	vst.idx.msk $0xffff, v23;
	(pc) =	sbr.rel @p0 .LBB2_27-.Ltmp12, $4  }
0x394: {  	v16 =	vadd.s32 v1, v12;
	v15 =	vld [tilespmem:s11+$0x10];
	[tilespmem:v21+s28+$0x0] =	vst.idx.msk $0xffff, v20  }
0x395: {  	[tilespmem:v14+s28+$0x0] =	vst.idx.msk $0xffff, v11;
	v11 =	vld [tilespmem:s12+$0x30];
	v14 =	vadd.s32 v3, v5;
	v5 =	vmov v12  }
0x396: {  	v12 =	vadd.s32 v2, v8;
	[tilespmem:v26+s28+$0x0] =	vst.idx.msk $0xffff, v25;
	v9 =	vld [tilespmem:s11+$0x60]  }
0x397: {  	s14 =	sadd.s32 $0x4, s14;
	s15 =	sadd.s32 $0x3, s13;
	v13 =	vadd.s32 v2, v4;
	v10 =	vld [tilespmem:s11+$0xFFFFFFA0];
	[tilespmem:v22+s28+$0x0] =	vst.idx.msk $0xffff, v19  }
0x398: {  	_ =	sdelay $0x2  }
0x399: {  	v19 =	vmov s15  }
0x39a: {  	s14 =	sadd.s32 $0x1, s13;
	[tilespmem:v18+s28+$0x0] =	vst.idx.msk $0xffff, v17;
	v30 =	vld [tilespmem:s12+$0xFFFFFFB0];
	v6 =	vadd.s32 v3, v6;
	s12 =	sadd.s32 $0x100, s11;
	v21 =	vmov s13;
	v31 =	vand.u32 $0xFF, v19  }
0x39b: {  	s15 =	sadd.s32 $0x2, s13;
	v32 =	vmov s14;
	[tilespmem:v16+s28+$0x0] =	vst.idx.msk $0xffff, v15;
	v33 =	vld [tilespmem:s12+$0x40];
	v21 =	vand.u32 $0xFC, v21;
	v34 =	vadd.s32 v0, v31  }
0x39c: {  	v20 =	vmov s15;
	v22 =	vld [tilespmem:s12+$0xFFFFFF80];
	v19 =	vand.u32 $0xFD, v32;
	[tilespmem:v14+s28+$0x0] =	vst.idx.msk $0xffff, v11;
	v39 =	vadd.s32 v0, v21  }
0x39d: {  	v35 =	vld [tilespmem:s12+$0xFFFFFFC0];
	v20 =	vand.u32 $0xFE, v20;
	v36 =	vadd.s32 v0, v19;
	[tilespmem:v12+s28+$0x0] =	vst.idx.msk $0xffff, v9  }
0x39e: {  	v37 =	vld [tilespmem:s12+$0x0];
	v38 =	vadd.s32 v0, v20;
	[tilespmem:v13+s28+$0x0] =	vst.idx.msk $0xffff, v10  }
0x39f: {  	v41 =	vadd.s32 v2, v7;
	v40 =	vld [tilespmem:s11+$0xFFFFFFE0];
	[tilespmem:v6+s28+$0x0] =	vst.idx.msk $0xffff, v30  }
0x3a0: {  	v49 =	vadd.s32 v2, v5;
	v48 =	vld [tilespmem:s11+$0x20];
	[tilespmem:v34+s28+$0x0] =	vst.idx.msk $0xffff, v33  }
0x3a1: {  	v43 =	vadd.s32 v1, v31;
	[tilespmem:v39+s28+$0x0] =	vst.idx.msk $0xffff, v22;
	v15 =	vld [tilespmem:s12+$0x50]  }
0x3a2: {  	v47 =	vadd.s32 v1, v21;
	[tilespmem:v36+s28+$0x0] =	vst.idx.msk $0xffff, v35;
	v46 =	vld [tilespmem:s12+$0xFFFFFF90]  }
0x3a3: {  	v44 =	vadd.s32 v1, v19;
	[tilespmem:v38+s28+$0x0] =	vst.idx.msk $0xffff, v37;
	v11 =	vld [tilespmem:s12+$0xFFFFFFD0]  }
0x3a4: {  	v45 =	vadd.s32 v1, v20;
	[tilespmem:v41+s28+$0x0] =	vst.idx.msk $0xffff, v40;
	v9 =	vld [tilespmem:s12+$0x10]  }
0x3a5: {  	v8 =	vadd.s32 v3, v8;
	v42 =	vld [tilespmem:s11+$0x70];
	[tilespmem:v49+s28+$0x0] =	vst.idx.msk $0xffff, v48  }
0x3a6: {  	v5 =	vadd.s32 v3, v5;
	v13 =	vld [tilespmem:s11+$0x30];
	[tilespmem:v43+s28+$0x0] =	vst.idx.msk $0xffff, v15  }
0x3a7: {  	v52 =	vadd.s32 v2, v31;
	[tilespmem:v47+s28+$0x0] =	vst.idx.msk $0xffff, v46;
	v15 =	vld [tilespmem:s12+$0x60]  }
0x3a8: {  	v57 =	vadd.s32 v2, v21;
	[tilespmem:v44+s28+$0x0] =	vst.idx.msk $0xffff, v11;
	v56 =	vld [tilespmem:s12+$0xFFFFFFA0]  }
0x3a9: {  	v53 =	vadd.s32 v2, v19;
	[tilespmem:v45+s28+$0x0] =	vst.idx.msk $0xffff, v9;
	v11 =	vld [tilespmem:s12+$0xFFFFFFE0]  }
0x3aa: {  	v55 =	vadd.s32 v2, v20;
	[tilespmem:v8+s28+$0x0] =	vst.idx.msk $0xffff, v42;
	v54 =	vld [tilespmem:s12+$0x20]  }
0x3ab: {  	v4 =	vadd.s32 v3, v4;
	v58 =	vld [tilespmem:s11+$0xFFFFFFB0];
	[tilespmem:v5+s28+$0x0] =	vst.idx.msk $0xffff, v13  }
0x3ac: {  	v51 =	vadd.s32 v3, v7;
	v50 =	vld [tilespmem:s11+$0xFFFFFFF0];
	[tilespmem:v52+s28+$0x0] =	vst.idx.msk $0xffff, v15  }
0x3ad: {  	v60 =	vadd.s32 v3, v31;
	[tilespmem:v57+s28+$0x0] =	vst.idx.msk $0xffff, v56;
	v59 =	vld [tilespmem:s12+$0x70]  }
0x3ae: {  	v63 =	vadd.s32 v3, v21;
	[tilespmem:v53+s28+$0x0] =	vst.idx.msk $0xffff, v11;
	v5 =	vld [tilespmem:s12+$0xFFFFFFB0]  }
0x3af: {  	v61 =	vadd.s32 v3, v19;
	[tilespmem:v55+s28+$0x0] =	vst.idx.msk $0xffff, v54;
	v11 =	vld [tilespmem:s12+$0xFFFFFFF0]  }
0x3b0: {  	v62 =	vadd.s32 v3, v20;
	[tilespmem:v4+s28+$0x0] =	vst.idx.msk $0xffff, v58;
	v6 =	vld [tilespmem:s12+$0x30]  }
0x3b1: {  	[tilespmem:v51+s28+$0x0] =	vst.idx.msk $0xffff, v50  }
0x3b2: {  	s24 =	sor.u32 $0x100000, s24;
	[tilespmem:v60+s28+$0x0] =	vst.idx.msk $0xffff, v59  }
0x3b3: {  	s14 =	sor.u32 s3, s24;
	[tilespmem:v63+s28+$0x0] =	vst.idx.msk $0xffff, v5  }
0x3b4: {  	s11 =	sshrl.u32 s14, $0x3;
	[tilespmem:v61+s28+$0x0] =	vst.idx.msk $0xffff, v11  }
0x3b5: {  	s15 =	simm.s32 $0x16400;
	s11 =	sadd.s32 s6, s11;
	s12 =	simm.s32 $0x420;
	[tilespmem:v62+s28+$0x0] =	vst.idx.msk $0xffff, v6  }
0x3b6: {  	[hbm4b:s11+s2] =	stream.linear.scatter [tilespmem:s15], [sflag:$0x5], $0x100, $0x38;
	[tilespmem:$0x1E800] =	vst v63  }
.LBB2_29:
0x3b7: {  	p0 =	sne.s32 s12, $0x103E0  }
.Ltmp13:
0x3b8: {  	_ = 	snop;
	(pc) =	sbr.rel @p0 .LBB2_29-.Ltmp13, $4  }
0x3b9: {  	_ = 	snop  }
0x3ba: {  	s13 =	sshra.s32 s12, $0x2;
	s12 =	sadd.s32 $0x420, s12  }
0x3bb: {  	s11 =	sadd.s32 $0x800, s11;
	s13 =	sadd.s32 $0x16400, s13  }
0x3bc: {  	[hbm4b:s11+s2] =	stream.linear.scatter [tilespmem:s13], [sflag:$0x5], $0x100, $0x38;
	[tilespmem:$0x1E800] =	vst v63  }
0x3bd: {  	s11 =	sadd.s32 $0x600, s10  }
0x3be: {  	[tilespmem:s22], [sflag:$0x3] =	stream.indirect.gather [hbm4b:s4+s18], $0x40, s11, s18, $0xb8;
	[tilespmem:$0x1E800] =	vst v63  }
0x3bf: {  	_ =	swait.ge [sflag:s1], $0x4000  }
0x3c0: {  	[sflag:s1] =	ssyncset.done $0x0  }
0x3c1: {  	[sflag:s1] =	ssyncadd.s32 $0xFFFFC000  }
0x3c2: {  	s14 =	simm.s32 $0x3;
	_ =	swait.ge [sflag:s7], $0x4000  }
0x3c3: {  	s15 =	simm.s32 $0x0;
	v4 =	vmov s14;
	[sflag:s7] =	ssyncset.done $0x0  }
0x3c4: {  	s12 =	simm.s32 $0x12480;
	s13 =	simm.s32 $0x1;
	v5 =	vand.u32 $0xFF, v4;
	v4 =	vmov s15;
	[sflag:s7] =	ssyncadd.s32 $0xFFFFC000  }
0x3c5: {  	v8 =	vadd.s32 v0, v5;
	v6 =	vand.u32 $0xFC, v4;
	v4 =	vmov s13;
	v7 =	vld [tilespmem:s12+$0x40]  }
0x3c6: {  	v10 =	vadd.s32 v0, v6;
	v11 =	vand.u32 $0xFD, v4;
	v9 =	vld [tilespmem:s12+$0xFFFFFF80]  }
0x3c7: {  	s14 =	simm.s32 $0x2;
	v12 =	vadd.s32 v0, v11;
	v4 =	vld [tilespmem:s12+$0xFFFFFFC0]  }
0x3c8: {  	v13 =	vmov s14  }
0x3c9: {  	v13 =	vand.u32 $0xFE, v13  }
0x3ca: {  	v15 =	vadd.s32 v0, v13;
	v14 =	vld [tilespmem:s12+$0x0];
	[tilespmem:v8+s30+$0x0] =	vst.idx.msk $0xffff, v7  }
0x3cb: {  	v8 =	vadd.s32 v1, v5;
	[tilespmem:v10+s30+$0x0] =	vst.idx.msk $0xffff, v9;
	v7 =	vld [tilespmem:s12+$0x50]  }
0x3cc: {  	v10 =	vadd.s32 v1, v6;
	[tilespmem:v12+s30+$0x0] =	vst.idx.msk $0xffff, v4;
	v9 =	vld [tilespmem:s12+$0xFFFFFF90]  }
0x3cd: {  	v12 =	vadd.s32 v1, v11;
	v4 =	vld [tilespmem:s12+$0xFFFFFFD0];
	_ =	sdelay $0x1  }
0x3ce: {  	[tilespmem:v15+s30+$0x0] =	vst.idx.msk $0xffff, v14  }
0x3cf: {  	v16 =	vadd.s32 v1, v13;
	v15 =	vld [tilespmem:s12+$0x10];
	[tilespmem:v8+s30+$0x0] =	vst.idx.msk $0xffff, v7  }
0x3d0: {  	s15 =	simm.s32 $0x7;
	v14 =	vadd.s32 v2, v5;
	[tilespmem:v10+s30+$0x0] =	vst.idx.msk $0xffff, v9;
	v7 =	vld [tilespmem:s12+$0x60]  }
0x3d1: {  	v10 =	vadd.s32 v2, v6;
	v8 =	vmov s15;
	[tilespmem:v12+s30+$0x0] =	vst.idx.msk $0xffff, v4;
	v9 =	vld [tilespmem:s12+$0xFFFFFFA0]  }
0x3d2: {  	s11 =	simm.s32 $0x12580;
	v17 =	vadd.s32 v2, v11;
	v8 =	vand.u32 $0xFF, v8;
	v12 =	vld [tilespmem:s12+$0xFFFFFFE0]  }
0x3d3: {  	s13 =	simm.s32 $0x4;
	v18 =	vld [tilespmem:s11+$0x40];
	v19 =	vadd.s32 v0, v8  }
0x3d4: {  	s14 =	simm.s32 $0x5;
	v4 =	vmov s13;
	[tilespmem:v16+s30+$0x0] =	vst.idx.msk $0xffff, v15  }
0x3d5: {  	v22 =	vmov s14;
	v4 =	vand.u32 $0xFC, v4;
	[tilespmem:v14+s30+$0x0] =	vst.idx.msk $0xffff, v7  }
0x3d6: {  	v20 =	vld [tilespmem:s11+$0xFFFFFF80];
	s15 =	simm.s32 $0x6;
	v21 =	vadd.s32 v0, v4;
	v7 =	vand.u32 $0xFD, v22;
	[tilespmem:v10+s30+$0x0] =	vst.idx.msk $0xffff, v9  }
0x3d7: {  	v14 =	vmov s15;
	v9 =	vld [tilespmem:s11+$0xFFFFFFC0];
	[tilespmem:v17+s30+$0x0] =	vst.idx.msk $0xffff, v12;
	v10 =	vadd.s32 v0, v7  }
0x3d8: {  	v16 =	vadd.s32 v3, v5;
	v12 =	vld [tilespmem:s12+$0x20];
	v5 =	vand.u32 $0xFE, v14;
	[tilespmem:v19+s30+$0x0] =	vst.idx.msk $0xffff, v18;
	v18 =	vadd.s32 v2, v13  }
0x3d9: {  	v14 =	vld [tilespmem:s11+$0x0];
	v63 =	vadd.s32 v0, v5  }
0x3da: {  	v15 =	vld [tilespmem:s12+$0x70]  }
0x3db: {  	[tilespmem:v21+s30+$0x0] =	vst.idx.msk $0xffff, v20;
	v20 =	vadd.s32 v1, v8;
	v19 =	vld [tilespmem:s11+$0x50]  }
0x3dc: {  	v23 =	vadd.s32 v1, v4;
	v21 =	vld [tilespmem:s11+$0xFFFFFF90];
	[tilespmem:v10+s30+$0x0] =	vst.idx.msk $0xffff, v9  }
0x3dd: {  	v25 =	vadd.s32 v3, v11;
	v24 =	vld [tilespmem:s12+$0xFFFFFFF0];
	[tilespmem:v18+s30+$0x0] =	vst.idx.msk $0xffff, v12  }
0x3de: {  	v18 =	vadd.s32 v1, v7;
	v17 =	vld [tilespmem:s11+$0xFFFFFFD0];
	[tilespmem:v63+s30+$0x0] =	vst.idx.msk $0xffff, v14  }
0x3df: {  	[tilespmem:v16+s30+$0x0] =	vst.idx.msk $0xffff, v15;
	v16 =	vadd.s32 v1, v5;
	v15 =	vld [tilespmem:s11+$0x10]  }
0x3e0: {  	[tilespmem:v20+s30+$0x0] =	vst.idx.msk $0xffff, v19;
	v11 =	vld [tilespmem:s12+$0x30];
	v14 =	vadd.s32 v3, v13  }
0x3e1: {  	v12 =	vadd.s32 v2, v8;
	[tilespmem:v23+s30+$0x0] =	vst.idx.msk $0xffff, v21;
	v9 =	vld [tilespmem:s11+$0x60]  }
0x3e2: {  	s14 =	simm.s32 $0xC;
	s13 =	simm.s32 $0x8;
	s15 =	simm.s32 $0xB;
	[tilespmem:v25+s30+$0x0] =	vst.idx.msk $0xffff, v24;
	v13 =	vadd.s32 v2, v4;
	v10 =	vld [tilespmem:s11+$0xFFFFFFA0]  }
.LBB2_31:
0x3e3: {  	p0 =	slt.u32 s14, $0xFC;
	v19 =	vmov s15;
	[tilespmem:v18+s30+$0x0] =	vst.idx.msk $0xffff, v17;
	v17 =	vld [tilespmem:s12+$0xFFFFFFB0];
	v18 =	vadd.s32 v3, v6;
	v6 =	vmov v4;
	s12 =	smov.u32 s11  }
0x3e4: {  	v4 =	vmov s13;
	v21 =	vadd.s32 v2, v7;
	s11 =	sadd.s32 $0x100, s11;
	v19 =	vand.u32 $0xFF, v19;
	v20 =	vld [tilespmem:s12+$0xFFFFFFE0];
	[tilespmem:v16+s30+$0x0] =	vst.idx.msk $0xffff, v15  }
0x3e5: {  	s15 =	sadd.s32 $0x1, s13;
	v4 =	vand.u32 $0xFC, v4;
	v15 =	vld [tilespmem:s11+$0x40];
	v16 =	vadd.s32 v0, v19;
	[tilespmem:v14+s30+$0x0] =	vst.idx.msk $0xffff, v11  }
0x3e6: {  	v22 =	vmov s15;
	s15 =	sadd.s32 $0x2, s13;
	s13 =	smov.u32 s14;
	v14 =	vadd.s32 v0, v4;
	v11 =	vld [tilespmem:s11+$0xFFFFFF80];
	[tilespmem:v12+s30+$0x0] =	vst.idx.msk $0xffff, v9  }
0x3e7: {  	v9 =	vand.u32 $0xFD, v22;
	v12 =	vmov s15;
	[tilespmem:v13+s30+$0x0] =	vst.idx.msk $0xffff, v10;
	v10 =	vld [tilespmem:s12+$0x70];
	v13 =	vadd.s32 v3, v8;
	v8 =	vmovc v19  }
0x3e8: {  	v22 =	vadd.s32 v0, v9;
	v12 =	vand.u32 $0xFE, v12;
	v19 =	vld [tilespmem:s11+$0xFFFFFFC0];
	[tilespmem:v18+s30+$0x0] =	vst.idx.msk $0xffff, v17  }
0x3e9: {  	v24 =	vadd.s32 v0, v12;
	v23 =	vld [tilespmem:s11+$0x0];
	[tilespmem:v21+s30+$0x0] =	vst.idx.msk $0xffff, v20  }
0x3ea: {  	v21 =	vadd.s32 v2, v5;
	[tilespmem:v16+s30+$0x0] =	vst.idx.msk $0xffff, v15;
	v20 =	vld [tilespmem:s12+$0x20]  }
0x3eb: {  	[tilespmem:v14+s30+$0x0] =	vst.idx.msk $0xffff, v11;
	v11 =	vld [tilespmem:s11+$0x50];
	v14 =	vadd.s32 v1, v8  }
0x3ec: {  	v26 =	vadd.s32 v1, v4;
	v25 =	vld [tilespmem:s11+$0xFFFFFF90];
	[tilespmem:v13+s30+$0x0] =	vst.idx.msk $0xffff, v10  }
0x3ed: {  	[tilespmem:v22+s30+$0x0] =	vst.idx.msk $0xffff, v19;
	v19 =	vld [tilespmem:s12+$0xFFFFFFF0];
	v22 =	vadd.s32 v3, v7;
	v7 =	vmov v9  }
.Ltmp14:
0x3ee: {  	v17 =	vld [tilespmem:s11+$0xFFFFFFD0];
	v18 =	vadd.s32 v1, v7;
	[tilespmem:v24+s30+$0x0] =	vst.idx.msk $0xffff, v23;
	(pc) =	sbr.rel @p0 .LBB2_31-.Ltmp14, $4  }
0x3ef: {  	v16 =	vadd.s32 v1, v12;
	v15 =	vld [tilespmem:s11+$0x10];
	[tilespmem:v21+s30+$0x0] =	vst.idx.msk $0xffff, v20  }
0x3f0: {  	[tilespmem:v14+s30+$0x0] =	vst.idx.msk $0xffff, v11;
	v11 =	vld [tilespmem:s12+$0x30];
	v14 =	vadd.s32 v3, v5;
	v5 =	vmov v12  }
0x3f1: {  	v12 =	vadd.s32 v2, v8;
	[tilespmem:v26+s30+$0x0] =	vst.idx.msk $0xffff, v25;
	v9 =	vld [tilespmem:s11+$0x60]  }
0x3f2: {  	s14 =	sadd.s32 $0x4, s14;
	s15 =	sadd.s32 $0x3, s13;
	v13 =	vadd.s32 v2, v4;
	v10 =	vld [tilespmem:s11+$0xFFFFFFA0];
	[tilespmem:v22+s30+$0x0] =	vst.idx.msk $0xffff, v19  }
0x3f3: {  	_ =	sdelay $0x2  }
0x3f4: {  	v19 =	vmov s15  }
0x3f5: {  	s14 =	sadd.s32 $0x1, s13;
	[tilespmem:v18+s30+$0x0] =	vst.idx.msk $0xffff, v17;
	v30 =	vld [tilespmem:s12+$0xFFFFFFB0];
	v6 =	vadd.s32 v3, v6;
	s12 =	sadd.s32 $0x100, s11;
	v21 =	vmov s13;
	v31 =	vand.u32 $0xFF, v19  }
0x3f6: {  	s15 =	sadd.s32 $0x2, s13;
	v32 =	vmov s14;
	[tilespmem:v16+s30+$0x0] =	vst.idx.msk $0xffff, v15;
	v33 =	vld [tilespmem:s12+$0x40];
	v21 =	vand.u32 $0xFC, v21;
	v34 =	vadd.s32 v0, v31  }
0x3f7: {  	v20 =	vmov s15;
	v22 =	vld [tilespmem:s12+$0xFFFFFF80];
	v19 =	vand.u32 $0xFD, v32;
	[tilespmem:v14+s30+$0x0] =	vst.idx.msk $0xffff, v11;
	v39 =	vadd.s32 v0, v21  }
0x3f8: {  	v35 =	vld [tilespmem:s12+$0xFFFFFFC0];
	v20 =	vand.u32 $0xFE, v20;
	v36 =	vadd.s32 v0, v19;
	[tilespmem:v12+s30+$0x0] =	vst.idx.msk $0xffff, v9  }
0x3f9: {  	v37 =	vld [tilespmem:s12+$0x0];
	v38 =	vadd.s32 v0, v20;
	[tilespmem:v13+s30+$0x0] =	vst.idx.msk $0xffff, v10  }
0x3fa: {  	v41 =	vadd.s32 v2, v7;
	v40 =	vld [tilespmem:s11+$0xFFFFFFE0];
	[tilespmem:v6+s30+$0x0] =	vst.idx.msk $0xffff, v30  }
0x3fb: {  	v49 =	vadd.s32 v2, v5;
	v48 =	vld [tilespmem:s11+$0x20];
	[tilespmem:v34+s30+$0x0] =	vst.idx.msk $0xffff, v33  }
0x3fc: {  	v43 =	vadd.s32 v1, v31;
	[tilespmem:v39+s30+$0x0] =	vst.idx.msk $0xffff, v22;
	v15 =	vld [tilespmem:s12+$0x50]  }
0x3fd: {  	v47 =	vadd.s32 v1, v21;
	[tilespmem:v36+s30+$0x0] =	vst.idx.msk $0xffff, v35;
	v46 =	vld [tilespmem:s12+$0xFFFFFF90]  }
0x3fe: {  	v44 =	vadd.s32 v1, v19;
	[tilespmem:v38+s30+$0x0] =	vst.idx.msk $0xffff, v37;
	v11 =	vld [tilespmem:s12+$0xFFFFFFD0]  }
0x3ff: {  	v45 =	vadd.s32 v1, v20;
	[tilespmem:v41+s30+$0x0] =	vst.idx.msk $0xffff, v40;
	v9 =	vld [tilespmem:s12+$0x10]  }
0x400: {  	v8 =	vadd.s32 v3, v8;
	v42 =	vld [tilespmem:s11+$0x70];
	[tilespmem:v49+s30+$0x0] =	vst.idx.msk $0xffff, v48  }
0x401: {  	v5 =	vadd.s32 v3, v5;
	v13 =	vld [tilespmem:s11+$0x30];
	[tilespmem:v43+s30+$0x0] =	vst.idx.msk $0xffff, v15  }
0x402: {  	v52 =	vadd.s32 v2, v31;
	[tilespmem:v47+s30+$0x0] =	vst.idx.msk $0xffff, v46;
	v15 =	vld [tilespmem:s12+$0x60]  }
0x403: {  	v57 =	vadd.s32 v2, v21;
	[tilespmem:v44+s30+$0x0] =	vst.idx.msk $0xffff, v11;
	v56 =	vld [tilespmem:s12+$0xFFFFFFA0]  }
0x404: {  	v53 =	vadd.s32 v2, v19;
	[tilespmem:v45+s30+$0x0] =	vst.idx.msk $0xffff, v9;
	v11 =	vld [tilespmem:s12+$0xFFFFFFE0]  }
0x405: {  	v55 =	vadd.s32 v2, v20;
	[tilespmem:v8+s30+$0x0] =	vst.idx.msk $0xffff, v42;
	v54 =	vld [tilespmem:s12+$0x20]  }
0x406: {  	v4 =	vadd.s32 v3, v4;
	v58 =	vld [tilespmem:s11+$0xFFFFFFB0];
	[tilespmem:v5+s30+$0x0] =	vst.idx.msk $0xffff, v13  }
0x407: {  	v51 =	vadd.s32 v3, v7;
	v50 =	vld [tilespmem:s11+$0xFFFFFFF0];
	[tilespmem:v52+s30+$0x0] =	vst.idx.msk $0xffff, v15  }
0x408: {  	v60 =	vadd.s32 v3, v31;
	[tilespmem:v57+s30+$0x0] =	vst.idx.msk $0xffff, v56;
	v59 =	vld [tilespmem:s12+$0x70]  }
0x409: {  	v63 =	vadd.s32 v3, v21;
	[tilespmem:v53+s30+$0x0] =	vst.idx.msk $0xffff, v11;
	v5 =	vld [tilespmem:s12+$0xFFFFFFB0]  }
0x40a: {  	v61 =	vadd.s32 v3, v19;
	[tilespmem:v55+s30+$0x0] =	vst.idx.msk $0xffff, v54;
	v11 =	vld [tilespmem:s12+$0xFFFFFFF0]  }
0x40b: {  	v62 =	vadd.s32 v3, v20;
	[tilespmem:v4+s30+$0x0] =	vst.idx.msk $0xffff, v58;
	v6 =	vld [tilespmem:s12+$0x30]  }
0x40c: {  	[tilespmem:v51+s30+$0x0] =	vst.idx.msk $0xffff, v50  }
0x40d: {  	[tilespmem:v60+s30+$0x0] =	vst.idx.msk $0xffff, v59  }
0x40e: {  	s15 =	sor.u32 s19, s24;
	[tilespmem:v63+s30+$0x0] =	vst.idx.msk $0xffff, v5  }
0x40f: {  	s11 =	sshrl.u32 s15, $0x3;
	[tilespmem:v61+s30+$0x0] =	vst.idx.msk $0xffff, v11  }
0x410: {  	s24 =	simm.s32 $0x1A600;
	s11 =	sadd.s32 s6, s11;
	s12 =	simm.s32 $0x420;
	[tilespmem:v62+s30+$0x0] =	vst.idx.msk $0xffff, v6  }
0x411: {  	[hbm4b:s11+s2] =	stream.linear.scatter [tilespmem:s24], [sflag:$0x6], $0x100, $0x38;
	[tilespmem:$0x1E800] =	vst v63  }
.LBB2_33:
0x412: {  	p0 =	sne.s32 s12, $0x103E0  }
.Ltmp15:
0x413: {  	_ = 	snop;
	(pc) =	sbr.rel @p0 .LBB2_33-.Ltmp15, $4  }
0x414: {  	_ = 	snop  }
0x415: {  	s13 =	sshra.s32 s12, $0x2;
	s12 =	sadd.s32 $0x420, s12  }
0x416: {  	s11 =	sadd.s32 $0x800, s11;
	s13 =	sadd.s32 $0x1A600, s13  }
0x417: {  	[hbm4b:s11+s2] =	stream.linear.scatter [tilespmem:s13], [sflag:$0x6], $0x100, $0x38;
	[tilespmem:$0x1E800] =	vst v63  }
0x418: {  	s9 =	sadd.s32 $0x1, s9  }
0x419: {  	p0 =	sne.s32 s9, $0x18  }
.Ltmp16:
0x41a: {  	_ = 	snop;
	(pc) =	sbr.rel @p0 .LBB2_18-.Ltmp16, $3  }
0x41b: {  	_ =	sdelay $0x1  }
0x41c: {  	s10 =	sadd.s32 $0x700, s10  }
0x41d: {  	[tilespmem:s25], [sflag:$0x4] =	stream.indirect.gather [hbm4b:s4+s18], $0x40, s10, s18, $0xb8;
	[tilespmem:$0x1E800] =	vst v63  }
0x41e: {  	_ =	swait.ge [sflag:s26], $0x4000  }
0x41f: {  	[sflag:s26] =	ssyncset.done $0x0  }
0x420: {  	[sflag:s26] =	ssyncadd.s32 $0xFFFFC000  }
0x421: {  	s9 =	simm.s32 $0x3;
	_ =	swait.ge [sflag:s0], $0x4000  }
0x422: {  	s11 =	simm.s32 $0x0;
	v4 =	vmov s9;
	[sflag:s0] =	ssyncset.done $0x0  }
0x423: {  	s10 =	simm.s32 $0x6480;
	s12 =	simm.s32 $0x1;
	v5 =	vand.u32 $0xFF, v4;
	v4 =	vmov s11;
	[sflag:s0] =	ssyncadd.s32 $0xFFFFC000  }
0x424: {  	v8 =	vadd.s32 v0, v5;
	v6 =	vand.u32 $0xFC, v4;
	v4 =	vmov s12;
	v7 =	vld [tilespmem:s10+$0x40]  }
0x425: {  	v10 =	vadd.s32 v0, v6;
	v11 =	vand.u32 $0xFD, v4;
	v9 =	vld [tilespmem:s10+$0xFFFFFF80]  }
0x426: {  	s13 =	simm.s32 $0x2;
	v12 =	vadd.s32 v0, v11;
	v4 =	vld [tilespmem:s10+$0xFFFFFFC0]  }
0x427: {  	v13 =	vmov s13  }
0x428: {  	v13 =	vand.u32 $0xFE, v13  }
0x429: {  	v15 =	vadd.s32 v0, v13;
	v14 =	vld [tilespmem:s10+$0x0];
	[tilespmem:v8+s28+$0x0] =	vst.idx.msk $0xffff, v7  }
0x42a: {  	v8 =	vadd.s32 v1, v5;
	[tilespmem:v10+s28+$0x0] =	vst.idx.msk $0xffff, v9;
	v7 =	vld [tilespmem:s10+$0x50]  }
0x42b: {  	v10 =	vadd.s32 v1, v6;
	[tilespmem:v12+s28+$0x0] =	vst.idx.msk $0xffff, v4;
	v9 =	vld [tilespmem:s10+$0xFFFFFF90]  }
0x42c: {  	v12 =	vadd.s32 v1, v11;
	v4 =	vld [tilespmem:s10+$0xFFFFFFD0];
	_ =	sdelay $0x1  }
0x42d: {  	[tilespmem:v15+s28+$0x0] =	vst.idx.msk $0xffff, v14  }
0x42e: {  	v16 =	vadd.s32 v1, v13;
	v15 =	vld [tilespmem:s10+$0x10];
	[tilespmem:v8+s28+$0x0] =	vst.idx.msk $0xffff, v7  }
0x42f: {  	s14 =	simm.s32 $0x7;
	v14 =	vadd.s32 v2, v5;
	[tilespmem:v10+s28+$0x0] =	vst.idx.msk $0xffff, v9;
	v7 =	vld [tilespmem:s10+$0x60]  }
0x430: {  	v10 =	vadd.s32 v2, v6;
	v8 =	vmov s14;
	[tilespmem:v12+s28+$0x0] =	vst.idx.msk $0xffff, v4;
	v9 =	vld [tilespmem:s10+$0xFFFFFFA0]  }
0x431: {  	s9 =	simm.s32 $0x6580;
	v17 =	vadd.s32 v2, v11;
	v8 =	vand.u32 $0xFF, v8;
	v12 =	vld [tilespmem:s10+$0xFFFFFFE0]  }
0x432: {  	s11 =	simm.s32 $0x4;
	v18 =	vld [tilespmem:s9+$0x40];
	v19 =	vadd.s32 v0, v8  }
0x433: {  	s15 =	simm.s32 $0x5;
	v4 =	vmov s11;
	[tilespmem:v16+s28+$0x0] =	vst.idx.msk $0xffff, v15  }
0x434: {  	v22 =	vmov s15;
	v4 =	vand.u32 $0xFC, v4;
	[tilespmem:v14+s28+$0x0] =	vst.idx.msk $0xffff, v7  }
0x435: {  	s24 =	simm.s32 $0x6;
	v20 =	vld [tilespmem:s9+$0xFFFFFF80];
	v21 =	vadd.s32 v0, v4;
	v7 =	vand.u32 $0xFD, v22;
	[tilespmem:v10+s28+$0x0] =	vst.idx.msk $0xffff, v9  }
0x436: {  	v14 =	vmov s24;
	v9 =	vld [tilespmem:s9+$0xFFFFFFC0];
	[tilespmem:v17+s28+$0x0] =	vst.idx.msk $0xffff, v12;
	v10 =	vadd.s32 v0, v7  }
0x437: {  	v16 =	vadd.s32 v3, v5;
	v12 =	vld [tilespmem:s10+$0x20];
	v5 =	vand.u32 $0xFE, v14;
	[tilespmem:v19+s28+$0x0] =	vst.idx.msk $0xffff, v18;
	v18 =	vadd.s32 v2, v13  }
0x438: {  	v14 =	vld [tilespmem:s9+$0x0];
	v63 =	vadd.s32 v0, v5  }
0x439: {  	v15 =	vld [tilespmem:s10+$0x70]  }
0x43a: {  	[tilespmem:v21+s28+$0x0] =	vst.idx.msk $0xffff, v20;
	v20 =	vadd.s32 v1, v8;
	v19 =	vld [tilespmem:s9+$0x50]  }
0x43b: {  	v23 =	vadd.s32 v1, v4;
	v21 =	vld [tilespmem:s9+$0xFFFFFF90];
	[tilespmem:v10+s28+$0x0] =	vst.idx.msk $0xffff, v9  }
0x43c: {  	v25 =	vadd.s32 v3, v11;
	v24 =	vld [tilespmem:s10+$0xFFFFFFF0];
	[tilespmem:v18+s28+$0x0] =	vst.idx.msk $0xffff, v12  }
0x43d: {  	v18 =	vadd.s32 v1, v7;
	v17 =	vld [tilespmem:s9+$0xFFFFFFD0];
	[tilespmem:v63+s28+$0x0] =	vst.idx.msk $0xffff, v14  }
0x43e: {  	[tilespmem:v16+s28+$0x0] =	vst.idx.msk $0xffff, v15;
	v16 =	vadd.s32 v1, v5;
	v15 =	vld [tilespmem:s9+$0x10]  }
0x43f: {  	[tilespmem:v20+s28+$0x0] =	vst.idx.msk $0xffff, v19;
	v11 =	vld [tilespmem:s10+$0x30];
	v14 =	vadd.s32 v3, v13  }
0x440: {  	v12 =	vadd.s32 v2, v8;
	[tilespmem:v23+s28+$0x0] =	vst.idx.msk $0xffff, v21;
	v9 =	vld [tilespmem:s9+$0x60]  }
0x441: {  	s13 =	simm.s32 $0xB;
	s12 =	simm.s32 $0xC;
	s11 =	simm.s32 $0x8;
	[tilespmem:v25+s28+$0x0] =	vst.idx.msk $0xffff, v24;
	v13 =	vadd.s32 v2, v4;
	v10 =	vld [tilespmem:s9+$0xFFFFFFA0]  }
.LBB2_36:
0x442: {  	p0 =	slt.u32 s12, $0xFC;
	v19 =	vmov s13;
	[tilespmem:v18+s28+$0x0] =	vst.idx.msk $0xffff, v17;
	v17 =	vld [tilespmem:s10+$0xFFFFFFB0];
	v18 =	vadd.s32 v3, v6;
	v6 =	vmov v4;
	s10 =	smov.u32 s9  }
0x443: {  	v4 =	vmov s11;
	v21 =	vadd.s32 v2, v7;
	s9 =	sadd.s32 $0x100, s9;
	v19 =	vand.u32 $0xFF, v19;
	v20 =	vld [tilespmem:s10+$0xFFFFFFE0];
	[tilespmem:v16+s28+$0x0] =	vst.idx.msk $0xffff, v15  }
0x444: {  	s13 =	sadd.s32 $0x1, s11;
	v4 =	vand.u32 $0xFC, v4;
	v15 =	vld [tilespmem:s9+$0x40];
	v16 =	vadd.s32 v0, v19;
	[tilespmem:v14+s28+$0x0] =	vst.idx.msk $0xffff, v11  }
0x445: {  	v22 =	vmov s13;
	s13 =	sadd.s32 $0x2, s11;
	s11 =	smov.u32 s12;
	v14 =	vadd.s32 v0, v4;
	v11 =	vld [tilespmem:s9+$0xFFFFFF80];
	[tilespmem:v12+s28+$0x0] =	vst.idx.msk $0xffff, v9  }
0x446: {  	v9 =	vand.u32 $0xFD, v22;
	v12 =	vmov s13;
	[tilespmem:v13+s28+$0x0] =	vst.idx.msk $0xffff, v10;
	v10 =	vld [tilespmem:s10+$0x70];
	v13 =	vadd.s32 v3, v8;
	v8 =	vmovc v19  }
0x447: {  	v22 =	vadd.s32 v0, v9;
	v12 =	vand.u32 $0xFE, v12;
	v19 =	vld [tilespmem:s9+$0xFFFFFFC0];
	[tilespmem:v18+s28+$0x0] =	vst.idx.msk $0xffff, v17  }
0x448: {  	v24 =	vadd.s32 v0, v12;
	v23 =	vld [tilespmem:s9+$0x0];
	[tilespmem:v21+s28+$0x0] =	vst.idx.msk $0xffff, v20  }
0x449: {  	v21 =	vadd.s32 v2, v5;
	[tilespmem:v16+s28+$0x0] =	vst.idx.msk $0xffff, v15;
	v20 =	vld [tilespmem:s10+$0x20]  }
0x44a: {  	[tilespmem:v14+s28+$0x0] =	vst.idx.msk $0xffff, v11;
	v11 =	vld [tilespmem:s9+$0x50];
	v14 =	vadd.s32 v1, v8  }
0x44b: {  	v26 =	vadd.s32 v1, v4;
	v25 =	vld [tilespmem:s9+$0xFFFFFF90];
	[tilespmem:v13+s28+$0x0] =	vst.idx.msk $0xffff, v10  }
0x44c: {  	[tilespmem:v22+s28+$0x0] =	vst.idx.msk $0xffff, v19;
	v19 =	vld [tilespmem:s10+$0xFFFFFFF0];
	v22 =	vadd.s32 v3, v7;
	v7 =	vmov v9  }
.Ltmp17:
0x44d: {  	v17 =	vld [tilespmem:s9+$0xFFFFFFD0];
	v18 =	vadd.s32 v1, v7;
	[tilespmem:v24+s28+$0x0] =	vst.idx.msk $0xffff, v23;
	(pc) =	sbr.rel @p0 .LBB2_36-.Ltmp17, $4  }
0x44e: {  	v16 =	vadd.s32 v1, v12;
	v15 =	vld [tilespmem:s9+$0x10];
	[tilespmem:v21+s28+$0x0] =	vst.idx.msk $0xffff, v20  }
0x44f: {  	[tilespmem:v14+s28+$0x0] =	vst.idx.msk $0xffff, v11;
	v11 =	vld [tilespmem:s10+$0x30];
	v14 =	vadd.s32 v3, v5;
	v5 =	vmov v12  }
0x450: {  	v12 =	vadd.s32 v2, v8;
	[tilespmem:v26+s28+$0x0] =	vst.idx.msk $0xffff, v25;
	v9 =	vld [tilespmem:s9+$0x60]  }
0x451: {  	s12 =	sadd.s32 $0x4, s12;
	s13 =	sadd.s32 $0x3, s11;
	v13 =	vadd.s32 v2, v4;
	v10 =	vld [tilespmem:s9+$0xFFFFFFA0];
	[tilespmem:v22+s28+$0x0] =	vst.idx.msk $0xffff, v19  }
0x452: {  	_ =	sdelay $0x2  }
0x453: {  	v19 =	vmov s13  }
0x454: {  	s12 =	sadd.s32 $0x1, s11;
	[tilespmem:v18+s28+$0x0] =	vst.idx.msk $0xffff, v17;
	v30 =	vld [tilespmem:s10+$0xFFFFFFB0];
	v6 =	vadd.s32 v3, v6;
	s14 =	sadd.s32 $0x100, s9;
	v21 =	vmov s11;
	v31 =	vand.u32 $0xFF, v19  }
0x455: {  	s15 =	sadd.s32 $0x2, s11;
	v32 =	vmov s12;
	[tilespmem:v16+s28+$0x0] =	vst.idx.msk $0xffff, v15;
	v33 =	vld [tilespmem:s14+$0x40];
	v21 =	vand.u32 $0xFC, v21;
	v34 =	vadd.s32 v0, v31  }
0x456: {  	v20 =	vmov s15;
	v22 =	vld [tilespmem:s14+$0xFFFFFF80];
	v19 =	vand.u32 $0xFD, v32;
	[tilespmem:v14+s28+$0x0] =	vst.idx.msk $0xffff, v11;
	v39 =	vadd.s32 v0, v21  }
0x457: {  	v35 =	vld [tilespmem:s14+$0xFFFFFFC0];
	v20 =	vand.u32 $0xFE, v20;
	v36 =	vadd.s32 v0, v19;
	[tilespmem:v12+s28+$0x0] =	vst.idx.msk $0xffff, v9  }
0x458: {  	v37 =	vld [tilespmem:s14+$0x0];
	v38 =	vadd.s32 v0, v20;
	[tilespmem:v13+s28+$0x0] =	vst.idx.msk $0xffff, v10  }
0x459: {  	v41 =	vadd.s32 v2, v7;
	v40 =	vld [tilespmem:s9+$0xFFFFFFE0];
	[tilespmem:v6+s28+$0x0] =	vst.idx.msk $0xffff, v30  }
0x45a: {  	v49 =	vadd.s32 v2, v5;
	v48 =	vld [tilespmem:s9+$0x20];
	[tilespmem:v34+s28+$0x0] =	vst.idx.msk $0xffff, v33  }
0x45b: {  	v43 =	vadd.s32 v1, v31;
	[tilespmem:v39+s28+$0x0] =	vst.idx.msk $0xffff, v22;
	v15 =	vld [tilespmem:s14+$0x50]  }
0x45c: {  	v47 =	vadd.s32 v1, v21;
	[tilespmem:v36+s28+$0x0] =	vst.idx.msk $0xffff, v35;
	v46 =	vld [tilespmem:s14+$0xFFFFFF90]  }
0x45d: {  	v44 =	vadd.s32 v1, v19;
	[tilespmem:v38+s28+$0x0] =	vst.idx.msk $0xffff, v37;
	v11 =	vld [tilespmem:s14+$0xFFFFFFD0]  }
0x45e: {  	v45 =	vadd.s32 v1, v20;
	[tilespmem:v41+s28+$0x0] =	vst.idx.msk $0xffff, v40;
	v9 =	vld [tilespmem:s14+$0x10]  }
0x45f: {  	v8 =	vadd.s32 v3, v8;
	v42 =	vld [tilespmem:s9+$0x70];
	[tilespmem:v49+s28+$0x0] =	vst.idx.msk $0xffff, v48  }
0x460: {  	v5 =	vadd.s32 v3, v5;
	v13 =	vld [tilespmem:s9+$0x30];
	[tilespmem:v43+s28+$0x0] =	vst.idx.msk $0xffff, v15  }
0x461: {  	v52 =	vadd.s32 v2, v31;
	[tilespmem:v47+s28+$0x0] =	vst.idx.msk $0xffff, v46;
	v15 =	vld [tilespmem:s14+$0x60]  }
0x462: {  	v57 =	vadd.s32 v2, v21;
	[tilespmem:v44+s28+$0x0] =	vst.idx.msk $0xffff, v11;
	v56 =	vld [tilespmem:s14+$0xFFFFFFA0]  }
0x463: {  	v53 =	vadd.s32 v2, v19;
	[tilespmem:v45+s28+$0x0] =	vst.idx.msk $0xffff, v9;
	v11 =	vld [tilespmem:s14+$0xFFFFFFE0]  }
0x464: {  	v55 =	vadd.s32 v2, v20;
	[tilespmem:v8+s28+$0x0] =	vst.idx.msk $0xffff, v42;
	v54 =	vld [tilespmem:s14+$0x20]  }
0x465: {  	v4 =	vadd.s32 v3, v4;
	v58 =	vld [tilespmem:s9+$0xFFFFFFB0];
	[tilespmem:v5+s28+$0x0] =	vst.idx.msk $0xffff, v13  }
0x466: {  	v51 =	vadd.s32 v3, v7;
	v50 =	vld [tilespmem:s9+$0xFFFFFFF0];
	[tilespmem:v52+s28+$0x0] =	vst.idx.msk $0xffff, v15  }
0x467: {  	v60 =	vadd.s32 v3, v31;
	[tilespmem:v57+s28+$0x0] =	vst.idx.msk $0xffff, v56;
	v59 =	vld [tilespmem:s14+$0x70]  }
0x468: {  	v63 =	vadd.s32 v3, v21;
	[tilespmem:v53+s28+$0x0] =	vst.idx.msk $0xffff, v11;
	v5 =	vld [tilespmem:s14+$0xFFFFFFB0]  }
0x469: {  	v61 =	vadd.s32 v3, v19;
	[tilespmem:v55+s28+$0x0] =	vst.idx.msk $0xffff, v54;
	v11 =	vld [tilespmem:s14+$0xFFFFFFF0]  }
0x46a: {  	v62 =	vadd.s32 v3, v20;
	[tilespmem:v4+s28+$0x0] =	vst.idx.msk $0xffff, v58;
	v6 =	vld [tilespmem:s14+$0x30]  }
0x46b: {  	[tilespmem:v51+s28+$0x0] =	vst.idx.msk $0xffff, v50  }
0x46c: {  	[tilespmem:v60+s28+$0x0] =	vst.idx.msk $0xffff, v59  }
0x46d: {  	[tilespmem:v63+s28+$0x0] =	vst.idx.msk $0xffff, v5  }
0x46e: {  	[tilespmem:v61+s28+$0x0] =	vst.idx.msk $0xffff, v11  }
0x46f: {  	[tilespmem:v62+s28+$0x0] =	vst.idx.msk $0xffff, v6  }
0x470: {  	s10 =	sld [smem:$0x7FB];
	_ =	sdelay $0x1  }
0x471: {  	s24 =	simm.s32 $0x16400;
	s9 =	simm.s32 $0x420;
	s14 =	simm.s32 $0x400  }
0x472: {  	[hbm4b:s10+s2] =	stream.linear.scatter [tilespmem:s24], [sflag:$0x5], $0x100, $0x38;
	[tilespmem:$0x1E800] =	vst v63  }
.LBB2_38:
0x473: {  	p0 =	sne.s32 s9, $0x103E0  }
.Ltmp18:
0x474: {  	_ = 	snop;
	(pc) =	sbr.rel @p0 .LBB2_38-.Ltmp18, $4  }
0x475: {  	_ = 	snop  }
0x476: {  	s11 =	sshra.s32 s9, $0x2;
	s9 =	sadd.s32 $0x420, s9  }
0x477: {  	s10 =	sadd.s32 $0x800, s10;
	s11 =	sadd.s32 $0x16400, s11  }
0x478: {  	[hbm4b:s10+s2] =	stream.linear.scatter [tilespmem:s11], [sflag:$0x5], $0x100, $0x38;
	[tilespmem:$0x1E800] =	vst v63  }
0x479: {  	_ =	swait.ge [sflag:s29], $0x4000  }
0x47a: {  	[sflag:s29] =	ssyncset.done $0x0  }
0x47b: {  	[sflag:s29] =	ssyncadd.s32 $0xFFFFC000  }
0x47c: {  	s9 =	simm.s32 $0x3;
	_ =	swait.ge [sflag:s7], $0x4000  }
0x47d: {  	s24 =	simm.s32 $0x0;
	v4 =	vmov s9;
	[sflag:s7] =	ssyncset.done $0x0  }
0x47e: {  	s10 =	simm.s32 $0xA480;
	s11 =	simm.s32 $0x1;
	v5 =	vand.u32 $0xFF, v4;
	v4 =	vmov s24;
	[sflag:s7] =	ssyncadd.s32 $0xFFFFC000  }
0x47f: {  	v8 =	vadd.s32 v0, v5;
	v6 =	vand.u32 $0xFC, v4;
	v4 =	vmov s11;
	v7 =	vld [tilespmem:s10+$0x40]  }
0x480: {  	v10 =	vadd.s32 v0, v6;
	v11 =	vand.u32 $0xFD, v4;
	v9 =	vld [tilespmem:s10+$0xFFFFFF80]  }
0x481: {  	s12 =	simm.s32 $0x2;
	v12 =	vadd.s32 v0, v11;
	v4 =	vld [tilespmem:s10+$0xFFFFFFC0]  }
0x482: {  	v13 =	vmov s12  }
0x483: {  	v13 =	vand.u32 $0xFE, v13  }
0x484: {  	v15 =	vadd.s32 v0, v13;
	v14 =	vld [tilespmem:s10+$0x0];
	[tilespmem:v8+s30+$0x0] =	vst.idx.msk $0xffff, v7  }
0x485: {  	v8 =	vadd.s32 v1, v5;
	[tilespmem:v10+s30+$0x0] =	vst.idx.msk $0xffff, v9;
	v7 =	vld [tilespmem:s10+$0x50]  }
0x486: {  	v10 =	vadd.s32 v1, v6;
	[tilespmem:v12+s30+$0x0] =	vst.idx.msk $0xffff, v4;
	v9 =	vld [tilespmem:s10+$0xFFFFFF90]  }
0x487: {  	v12 =	vadd.s32 v1, v11;
	v4 =	vld [tilespmem:s10+$0xFFFFFFD0];
	_ =	sdelay $0x1  }
0x488: {  	[tilespmem:v15+s30+$0x0] =	vst.idx.msk $0xffff, v14  }
0x489: {  	v16 =	vadd.s32 v1, v13;
	v15 =	vld [tilespmem:s10+$0x10];
	[tilespmem:v8+s30+$0x0] =	vst.idx.msk $0xffff, v7  }
0x48a: {  	s13 =	simm.s32 $0x7;
	v14 =	vadd.s32 v2, v5;
	[tilespmem:v10+s30+$0x0] =	vst.idx.msk $0xffff, v9;
	v7 =	vld [tilespmem:s10+$0x60]  }
0x48b: {  	v10 =	vadd.s32 v2, v6;
	v8 =	vmov s13;
	[tilespmem:v12+s30+$0x0] =	vst.idx.msk $0xffff, v4;
	v9 =	vld [tilespmem:s10+$0xFFFFFFA0]  }
0x48c: {  	s9 =	simm.s32 $0xA580;
	v17 =	vadd.s32 v2, v11;
	v8 =	vand.u32 $0xFF, v8;
	v12 =	vld [tilespmem:s10+$0xFFFFFFE0]  }
0x48d: {  	s11 =	simm.s32 $0x4;
	v18 =	vld [tilespmem:s9+$0x40];
	v19 =	vadd.s32 v0, v8  }
0x48e: {  	s15 =	simm.s32 $0x5;
	v4 =	vmov s11;
	[tilespmem:v16+s30+$0x0] =	vst.idx.msk $0xffff, v15  }
0x48f: {  	v22 =	vmov s15;
	v4 =	vand.u32 $0xFC, v4;
	[tilespmem:v14+s30+$0x0] =	vst.idx.msk $0xffff, v7  }
0x490: {  	s24 =	simm.s32 $0x6;
	v20 =	vld [tilespmem:s9+$0xFFFFFF80];
	v21 =	vadd.s32 v0, v4;
	v7 =	vand.u32 $0xFD, v22;
	[tilespmem:v10+s30+$0x0] =	vst.idx.msk $0xffff, v9  }
0x491: {  	v14 =	vmov s24;
	v9 =	vld [tilespmem:s9+$0xFFFFFFC0];
	[tilespmem:v17+s30+$0x0] =	vst.idx.msk $0xffff, v12;
	v10 =	vadd.s32 v0, v7  }
0x492: {  	v16 =	vadd.s32 v3, v5;
	v12 =	vld [tilespmem:s10+$0x20];
	v5 =	vand.u32 $0xFE, v14;
	[tilespmem:v19+s30+$0x0] =	vst.idx.msk $0xffff, v18;
	v18 =	vadd.s32 v2, v13  }
0x493: {  	v14 =	vld [tilespmem:s9+$0x0];
	v63 =	vadd.s32 v0, v5  }
0x494: {  	v15 =	vld [tilespmem:s10+$0x70]  }
0x495: {  	[tilespmem:v21+s30+$0x0] =	vst.idx.msk $0xffff, v20;
	v20 =	vadd.s32 v1, v8;
	v19 =	vld [tilespmem:s9+$0x50]  }
0x496: {  	v23 =	vadd.s32 v1, v4;
	v21 =	vld [tilespmem:s9+$0xFFFFFF90];
	[tilespmem:v10+s30+$0x0] =	vst.idx.msk $0xffff, v9  }
0x497: {  	v25 =	vadd.s32 v3, v11;
	v24 =	vld [tilespmem:s10+$0xFFFFFFF0];
	[tilespmem:v18+s30+$0x0] =	vst.idx.msk $0xffff, v12  }
0x498: {  	v18 =	vadd.s32 v1, v7;
	v17 =	vld [tilespmem:s9+$0xFFFFFFD0];
	[tilespmem:v63+s30+$0x0] =	vst.idx.msk $0xffff, v14  }
0x499: {  	[tilespmem:v16+s30+$0x0] =	vst.idx.msk $0xffff, v15;
	v16 =	vadd.s32 v1, v5;
	v15 =	vld [tilespmem:s9+$0x10]  }
0x49a: {  	[tilespmem:v20+s30+$0x0] =	vst.idx.msk $0xffff, v19;
	v11 =	vld [tilespmem:s10+$0x30];
	v14 =	vadd.s32 v3, v13  }
0x49b: {  	v12 =	vadd.s32 v2, v8;
	[tilespmem:v23+s30+$0x0] =	vst.idx.msk $0xffff, v21;
	v9 =	vld [tilespmem:s9+$0x60]  }
0x49c: {  	s12 =	simm.s32 $0xC;
	s11 =	simm.s32 $0x8;
	s13 =	simm.s32 $0xB;
	[tilespmem:v25+s30+$0x0] =	vst.idx.msk $0xffff, v24;
	v13 =	vadd.s32 v2, v4;
	v10 =	vld [tilespmem:s9+$0xFFFFFFA0]  }
.LBB2_40:
0x49d: {  	p0 =	slt.u32 s12, $0xFC;
	v19 =	vmov s13;
	[tilespmem:v18+s30+$0x0] =	vst.idx.msk $0xffff, v17;
	v17 =	vld [tilespmem:s10+$0xFFFFFFB0];
	v18 =	vadd.s32 v3, v6;
	v6 =	vmov v4;
	s10 =	smov.u32 s9  }
0x49e: {  	v4 =	vmov s11;
	v21 =	vadd.s32 v2, v7;
	s9 =	sadd.s32 $0x100, s9;
	v19 =	vand.u32 $0xFF, v19;
	v20 =	vld [tilespmem:s10+$0xFFFFFFE0];
	[tilespmem:v16+s30+$0x0] =	vst.idx.msk $0xffff, v15  }
0x49f: {  	s13 =	sadd.s32 $0x1, s11;
	v4 =	vand.u32 $0xFC, v4;
	v15 =	vld [tilespmem:s9+$0x40];
	v16 =	vadd.s32 v0, v19;
	[tilespmem:v14+s30+$0x0] =	vst.idx.msk $0xffff, v11  }
0x4a0: {  	v22 =	vmov s13;
	s13 =	sadd.s32 $0x2, s11;
	s11 =	smov.u32 s12;
	v14 =	vadd.s32 v0, v4;
	v11 =	vld [tilespmem:s9+$0xFFFFFF80];
	[tilespmem:v12+s30+$0x0] =	vst.idx.msk $0xffff, v9  }
0x4a1: {  	v9 =	vand.u32 $0xFD, v22;
	v12 =	vmov s13;
	[tilespmem:v13+s30+$0x0] =	vst.idx.msk $0xffff, v10;
	v10 =	vld [tilespmem:s10+$0x70];
	v13 =	vadd.s32 v3, v8;
	v8 =	vmovc v19  }
0x4a2: {  	v22 =	vadd.s32 v0, v9;
	v12 =	vand.u32 $0xFE, v12;
	v19 =	vld [tilespmem:s9+$0xFFFFFFC0];
	[tilespmem:v18+s30+$0x0] =	vst.idx.msk $0xffff, v17  }
0x4a3: {  	v24 =	vadd.s32 v0, v12;
	v23 =	vld [tilespmem:s9+$0x0];
	[tilespmem:v21+s30+$0x0] =	vst.idx.msk $0xffff, v20  }
0x4a4: {  	v21 =	vadd.s32 v2, v5;
	[tilespmem:v16+s30+$0x0] =	vst.idx.msk $0xffff, v15;
	v20 =	vld [tilespmem:s10+$0x20]  }
0x4a5: {  	[tilespmem:v14+s30+$0x0] =	vst.idx.msk $0xffff, v11;
	v11 =	vld [tilespmem:s9+$0x50];
	v14 =	vadd.s32 v1, v8  }
0x4a6: {  	v26 =	vadd.s32 v1, v4;
	v25 =	vld [tilespmem:s9+$0xFFFFFF90];
	[tilespmem:v13+s30+$0x0] =	vst.idx.msk $0xffff, v10  }
0x4a7: {  	[tilespmem:v22+s30+$0x0] =	vst.idx.msk $0xffff, v19;
	v19 =	vld [tilespmem:s10+$0xFFFFFFF0];
	v22 =	vadd.s32 v3, v7;
	v7 =	vmov v9  }
.Ltmp19:
0x4a8: {  	v17 =	vld [tilespmem:s9+$0xFFFFFFD0];
	v18 =	vadd.s32 v1, v7;
	[tilespmem:v24+s30+$0x0] =	vst.idx.msk $0xffff, v23;
	(pc) =	sbr.rel @p0 .LBB2_40-.Ltmp19, $4  }
0x4a9: {  	v16 =	vadd.s32 v1, v12;
	v15 =	vld [tilespmem:s9+$0x10];
	[tilespmem:v21+s30+$0x0] =	vst.idx.msk $0xffff, v20  }
0x4aa: {  	[tilespmem:v14+s30+$0x0] =	vst.idx.msk $0xffff, v11;
	v11 =	vld [tilespmem:s10+$0x30];
	v14 =	vadd.s32 v3, v5;
	v5 =	vmov v12  }
0x4ab: {  	v12 =	vadd.s32 v2, v8;
	[tilespmem:v26+s30+$0x0] =	vst.idx.msk $0xffff, v25;
	v9 =	vld [tilespmem:s9+$0x60]  }
0x4ac: {  	s12 =	sadd.s32 $0x4, s12;
	s13 =	sadd.s32 $0x3, s11;
	v13 =	vadd.s32 v2, v4;
	v10 =	vld [tilespmem:s9+$0xFFFFFFA0];
	[tilespmem:v22+s30+$0x0] =	vst.idx.msk $0xffff, v19  }
0x4ad: {  	_ =	sdelay $0x2  }
0x4ae: {  	v19 =	vmov s13  }
0x4af: {  	s12 =	sadd.s32 $0x1, s11;
	[tilespmem:v18+s30+$0x0] =	vst.idx.msk $0xffff, v17;
	v30 =	vld [tilespmem:s10+$0xFFFFFFB0];
	v6 =	vadd.s32 v3, v6;
	s13 =	sadd.s32 $0x100, s9;
	v21 =	vmov s11;
	v31 =	vand.u32 $0xFF, v19  }
0x4b0: {  	s15 =	sadd.s32 $0x2, s11;
	v32 =	vmov s12;
	[tilespmem:v16+s30+$0x0] =	vst.idx.msk $0xffff, v15;
	v33 =	vld [tilespmem:s13+$0x40];
	v21 =	vand.u32 $0xFC, v21;
	v34 =	vadd.s32 v0, v31  }
0x4b1: {  	v20 =	vmov s15;
	v22 =	vld [tilespmem:s13+$0xFFFFFF80];
	v19 =	vand.u32 $0xFD, v32;
	[tilespmem:v14+s30+$0x0] =	vst.idx.msk $0xffff, v11;
	v39 =	vadd.s32 v0, v21  }
0x4b2: {  	v35 =	vld [tilespmem:s13+$0xFFFFFFC0];
	v20 =	vand.u32 $0xFE, v20;
	v36 =	vadd.s32 v0, v19;
	[tilespmem:v12+s30+$0x0] =	vst.idx.msk $0xffff, v9  }
0x4b3: {  	v37 =	vld [tilespmem:s13+$0x0];
	v38 =	vadd.s32 v0, v20;
	[tilespmem:v13+s30+$0x0] =	vst.idx.msk $0xffff, v10  }
0x4b4: {  	v41 =	vadd.s32 v2, v7;
	v40 =	vld [tilespmem:s9+$0xFFFFFFE0];
	[tilespmem:v6+s30+$0x0] =	vst.idx.msk $0xffff, v30  }
0x4b5: {  	v49 =	vadd.s32 v2, v5;
	v48 =	vld [tilespmem:s9+$0x20];
	[tilespmem:v34+s30+$0x0] =	vst.idx.msk $0xffff, v33  }
0x4b6: {  	v43 =	vadd.s32 v1, v31;
	[tilespmem:v39+s30+$0x0] =	vst.idx.msk $0xffff, v22;
	v15 =	vld [tilespmem:s13+$0x50]  }
0x4b7: {  	v47 =	vadd.s32 v1, v21;
	[tilespmem:v36+s30+$0x0] =	vst.idx.msk $0xffff, v35;
	v46 =	vld [tilespmem:s13+$0xFFFFFF90]  }
0x4b8: {  	v44 =	vadd.s32 v1, v19;
	[tilespmem:v38+s30+$0x0] =	vst.idx.msk $0xffff, v37;
	v11 =	vld [tilespmem:s13+$0xFFFFFFD0]  }
0x4b9: {  	v45 =	vadd.s32 v1, v20;
	[tilespmem:v41+s30+$0x0] =	vst.idx.msk $0xffff, v40;
	v9 =	vld [tilespmem:s13+$0x10]  }
0x4ba: {  	v8 =	vadd.s32 v3, v8;
	v42 =	vld [tilespmem:s9+$0x70];
	[tilespmem:v49+s30+$0x0] =	vst.idx.msk $0xffff, v48  }
0x4bb: {  	v5 =	vadd.s32 v3, v5;
	v13 =	vld [tilespmem:s9+$0x30];
	[tilespmem:v43+s30+$0x0] =	vst.idx.msk $0xffff, v15  }
0x4bc: {  	v52 =	vadd.s32 v2, v31;
	[tilespmem:v47+s30+$0x0] =	vst.idx.msk $0xffff, v46;
	v15 =	vld [tilespmem:s13+$0x60]  }
0x4bd: {  	v57 =	vadd.s32 v2, v21;
	[tilespmem:v44+s30+$0x0] =	vst.idx.msk $0xffff, v11;
	v56 =	vld [tilespmem:s13+$0xFFFFFFA0]  }
0x4be: {  	v53 =	vadd.s32 v2, v19;
	[tilespmem:v45+s30+$0x0] =	vst.idx.msk $0xffff, v9;
	v11 =	vld [tilespmem:s13+$0xFFFFFFE0]  }
0x4bf: {  	v55 =	vadd.s32 v2, v20;
	[tilespmem:v8+s30+$0x0] =	vst.idx.msk $0xffff, v42;
	v54 =	vld [tilespmem:s13+$0x20]  }
0x4c0: {  	v4 =	vadd.s32 v3, v4;
	v58 =	vld [tilespmem:s9+$0xFFFFFFB0];
	[tilespmem:v5+s30+$0x0] =	vst.idx.msk $0xffff, v13  }
0x4c1: {  	v51 =	vadd.s32 v3, v7;
	v50 =	vld [tilespmem:s9+$0xFFFFFFF0];
	[tilespmem:v52+s30+$0x0] =	vst.idx.msk $0xffff, v15  }
0x4c2: {  	v60 =	vadd.s32 v3, v31;
	[tilespmem:v57+s30+$0x0] =	vst.idx.msk $0xffff, v56;
	v59 =	vld [tilespmem:s13+$0x70]  }
0x4c3: {  	v63 =	vadd.s32 v3, v21;
	[tilespmem:v53+s30+$0x0] =	vst.idx.msk $0xffff, v11;
	v5 =	vld [tilespmem:s13+$0xFFFFFFB0]  }
0x4c4: {  	v61 =	vadd.s32 v3, v19;
	[tilespmem:v55+s30+$0x0] =	vst.idx.msk $0xffff, v54;
	v11 =	vld [tilespmem:s13+$0xFFFFFFF0]  }
0x4c5: {  	v62 =	vadd.s32 v3, v20;
	[tilespmem:v4+s30+$0x0] =	vst.idx.msk $0xffff, v58;
	v6 =	vld [tilespmem:s13+$0x30]  }
0x4c6: {  	[tilespmem:v51+s30+$0x0] =	vst.idx.msk $0xffff, v50  }
0x4c7: {  	[tilespmem:v60+s30+$0x0] =	vst.idx.msk $0xffff, v59  }
0x4c8: {  	[tilespmem:v63+s30+$0x0] =	vst.idx.msk $0xffff, v5  }
0x4c9: {  	[tilespmem:v61+s30+$0x0] =	vst.idx.msk $0xffff, v11  }
0x4ca: {  	[tilespmem:v62+s30+$0x0] =	vst.idx.msk $0xffff, v6  }
0x4cb: {  	s10 =	sld [smem:$0x7FC];
	_ =	sdelay $0x1  }
0x4cc: {  	s24 =	simm.s32 $0x1A600;
	s9 =	simm.s32 $0x420  }
0x4cd: {  	[hbm4b:s10+s2] =	stream.linear.scatter [tilespmem:s24], [sflag:$0x6], $0x100, $0x38;
	[tilespmem:$0x1E800] =	vst v63  }
.LBB2_42:
0x4ce: {  	p0 =	sne.s32 s9, $0x103E0  }
.Ltmp20:
0x4cf: {  	_ = 	snop;
	(pc) =	sbr.rel @p0 .LBB2_42-.Ltmp20, $4  }
0x4d0: {  	_ = 	snop  }
0x4d1: {  	s11 =	sshra.s32 s9, $0x2;
	s9 =	sadd.s32 $0x420, s9  }
0x4d2: {  	s10 =	sadd.s32 $0x800, s10;
	s11 =	sadd.s32 $0x1A600, s11  }
0x4d3: {  	[hbm4b:s10+s2] =	stream.linear.scatter [tilespmem:s11], [sflag:$0x6], $0x100, $0x38;
	[tilespmem:$0x1E800] =	vst v63  }
0x4d4: {  	_ =	swait.ge [sflag:s31], $0x4000  }
0x4d5: {  	[sflag:s31] =	ssyncset.done $0x0  }
0x4d6: {  	[sflag:s31] =	ssyncadd.s32 $0xFFFFC000  }
0x4d7: {  	s9 =	simm.s32 $0x3;
	_ =	swait.ge [sflag:s0], $0x4000  }
0x4d8: {  	s24 =	simm.s32 $0x0;
	v4 =	vmov s9;
	[sflag:s0] =	ssyncset.done $0x0  }
0x4d9: {  	s10 =	simm.s32 $0xE480;
	s11 =	simm.s32 $0x1;
	v5 =	vand.u32 $0xFF, v4;
	v4 =	vmov s24;
	[sflag:s0] =	ssyncadd.s32 $0xFFFFC000  }
0x4da: {  	v8 =	vadd.s32 v0, v5;
	v6 =	vand.u32 $0xFC, v4;
	v4 =	vmov s11;
	v7 =	vld [tilespmem:s10+$0x40]  }
0x4db: {  	v10 =	vadd.s32 v0, v6;
	v11 =	vand.u32 $0xFD, v4;
	v9 =	vld [tilespmem:s10+$0xFFFFFF80]  }
0x4dc: {  	s12 =	simm.s32 $0x2;
	v12 =	vadd.s32 v0, v11;
	v4 =	vld [tilespmem:s10+$0xFFFFFFC0]  }
0x4dd: {  	v13 =	vmov s12  }
0x4de: {  	v13 =	vand.u32 $0xFE, v13  }
0x4df: {  	v15 =	vadd.s32 v0, v13;
	v14 =	vld [tilespmem:s10+$0x0];
	[tilespmem:v8+s28+$0x0] =	vst.idx.msk $0xffff, v7  }
0x4e0: {  	v8 =	vadd.s32 v1, v5;
	[tilespmem:v10+s28+$0x0] =	vst.idx.msk $0xffff, v9;
	v7 =	vld [tilespmem:s10+$0x50]  }
0x4e1: {  	v10 =	vadd.s32 v1, v6;
	[tilespmem:v12+s28+$0x0] =	vst.idx.msk $0xffff, v4;
	v9 =	vld [tilespmem:s10+$0xFFFFFF90]  }
0x4e2: {  	v12 =	vadd.s32 v1, v11;
	v4 =	vld [tilespmem:s10+$0xFFFFFFD0];
	_ =	sdelay $0x1  }
0x4e3: {  	[tilespmem:v15+s28+$0x0] =	vst.idx.msk $0xffff, v14  }
0x4e4: {  	v16 =	vadd.s32 v1, v13;
	v15 =	vld [tilespmem:s10+$0x10];
	[tilespmem:v8+s28+$0x0] =	vst.idx.msk $0xffff, v7  }
0x4e5: {  	s13 =	simm.s32 $0x7;
	v14 =	vadd.s32 v2, v5;
	[tilespmem:v10+s28+$0x0] =	vst.idx.msk $0xffff, v9;
	v7 =	vld [tilespmem:s10+$0x60]  }
0x4e6: {  	v10 =	vadd.s32 v2, v6;
	v8 =	vmov s13;
	[tilespmem:v12+s28+$0x0] =	vst.idx.msk $0xffff, v4;
	v9 =	vld [tilespmem:s10+$0xFFFFFFA0]  }
0x4e7: {  	s9 =	simm.s32 $0xE580;
	v17 =	vadd.s32 v2, v11;
	v8 =	vand.u32 $0xFF, v8;
	v12 =	vld [tilespmem:s10+$0xFFFFFFE0]  }
0x4e8: {  	s11 =	simm.s32 $0x4;
	v18 =	vld [tilespmem:s9+$0x40];
	v19 =	vadd.s32 v0, v8  }
0x4e9: {  	s15 =	simm.s32 $0x5;
	v4 =	vmov s11;
	[tilespmem:v16+s28+$0x0] =	vst.idx.msk $0xffff, v15  }
0x4ea: {  	v22 =	vmov s15;
	v4 =	vand.u32 $0xFC, v4;
	[tilespmem:v14+s28+$0x0] =	vst.idx.msk $0xffff, v7  }
0x4eb: {  	s24 =	simm.s32 $0x6;
	v20 =	vld [tilespmem:s9+$0xFFFFFF80];
	v21 =	vadd.s32 v0, v4;
	v7 =	vand.u32 $0xFD, v22;
	[tilespmem:v10+s28+$0x0] =	vst.idx.msk $0xffff, v9  }
0x4ec: {  	v14 =	vmov s24;
	v9 =	vld [tilespmem:s9+$0xFFFFFFC0];
	[tilespmem:v17+s28+$0x0] =	vst.idx.msk $0xffff, v12;
	v10 =	vadd.s32 v0, v7  }
0x4ed: {  	v16 =	vadd.s32 v3, v5;
	v12 =	vld [tilespmem:s10+$0x20];
	v5 =	vand.u32 $0xFE, v14;
	[tilespmem:v19+s28+$0x0] =	vst.idx.msk $0xffff, v18;
	v18 =	vadd.s32 v2, v13  }
0x4ee: {  	v14 =	vld [tilespmem:s9+$0x0];
	v63 =	vadd.s32 v0, v5  }
0x4ef: {  	v15 =	vld [tilespmem:s10+$0x70]  }
0x4f0: {  	[tilespmem:v21+s28+$0x0] =	vst.idx.msk $0xffff, v20;
	v20 =	vadd.s32 v1, v8;
	v19 =	vld [tilespmem:s9+$0x50]  }
0x4f1: {  	v23 =	vadd.s32 v1, v4;
	v21 =	vld [tilespmem:s9+$0xFFFFFF90];
	[tilespmem:v10+s28+$0x0] =	vst.idx.msk $0xffff, v9  }
0x4f2: {  	v25 =	vadd.s32 v3, v11;
	v24 =	vld [tilespmem:s10+$0xFFFFFFF0];
	[tilespmem:v18+s28+$0x0] =	vst.idx.msk $0xffff, v12  }
0x4f3: {  	v18 =	vadd.s32 v1, v7;
	v17 =	vld [tilespmem:s9+$0xFFFFFFD0];
	[tilespmem:v63+s28+$0x0] =	vst.idx.msk $0xffff, v14  }
0x4f4: {  	[tilespmem:v16+s28+$0x0] =	vst.idx.msk $0xffff, v15;
	v16 =	vadd.s32 v1, v5;
	v15 =	vld [tilespmem:s9+$0x10]  }
0x4f5: {  	[tilespmem:v20+s28+$0x0] =	vst.idx.msk $0xffff, v19;
	v11 =	vld [tilespmem:s10+$0x30];
	v14 =	vadd.s32 v3, v13  }
0x4f6: {  	v12 =	vadd.s32 v2, v8;
	[tilespmem:v23+s28+$0x0] =	vst.idx.msk $0xffff, v21;
	v9 =	vld [tilespmem:s9+$0x60]  }
0x4f7: {  	s12 =	simm.s32 $0xC;
	s11 =	simm.s32 $0x8;
	s13 =	simm.s32 $0xB;
	[tilespmem:v25+s28+$0x0] =	vst.idx.msk $0xffff, v24;
	v13 =	vadd.s32 v2, v4;
	v10 =	vld [tilespmem:s9+$0xFFFFFFA0]  }
.LBB2_44:
0x4f8: {  	p0 =	slt.u32 s12, $0xFC;
	v19 =	vmov s13;
	[tilespmem:v18+s28+$0x0] =	vst.idx.msk $0xffff, v17;
	v17 =	vld [tilespmem:s10+$0xFFFFFFB0];
	v18 =	vadd.s32 v3, v6;
	v6 =	vmov v4;
	s10 =	smov.u32 s9  }
0x4f9: {  	v4 =	vmov s11;
	v21 =	vadd.s32 v2, v7;
	s9 =	sadd.s32 $0x100, s9;
	v19 =	vand.u32 $0xFF, v19;
	v20 =	vld [tilespmem:s10+$0xFFFFFFE0];
	[tilespmem:v16+s28+$0x0] =	vst.idx.msk $0xffff, v15  }
0x4fa: {  	s13 =	sadd.s32 $0x1, s11;
	v4 =	vand.u32 $0xFC, v4;
	v15 =	vld [tilespmem:s9+$0x40];
	v16 =	vadd.s32 v0, v19;
	[tilespmem:v14+s28+$0x0] =	vst.idx.msk $0xffff, v11  }
0x4fb: {  	v22 =	vmov s13;
	s13 =	sadd.s32 $0x2, s11;
	s11 =	smov.u32 s12;
	v14 =	vadd.s32 v0, v4;
	v11 =	vld [tilespmem:s9+$0xFFFFFF80];
	[tilespmem:v12+s28+$0x0] =	vst.idx.msk $0xffff, v9  }
0x4fc: {  	v9 =	vand.u32 $0xFD, v22;
	v12 =	vmov s13;
	[tilespmem:v13+s28+$0x0] =	vst.idx.msk $0xffff, v10;
	v10 =	vld [tilespmem:s10+$0x70];
	v13 =	vadd.s32 v3, v8;
	v8 =	vmovc v19  }
0x4fd: {  	v22 =	vadd.s32 v0, v9;
	v12 =	vand.u32 $0xFE, v12;
	v19 =	vld [tilespmem:s9+$0xFFFFFFC0];
	[tilespmem:v18+s28+$0x0] =	vst.idx.msk $0xffff, v17  }
0x4fe: {  	v24 =	vadd.s32 v0, v12;
	v23 =	vld [tilespmem:s9+$0x0];
	[tilespmem:v21+s28+$0x0] =	vst.idx.msk $0xffff, v20  }
0x4ff: {  	v21 =	vadd.s32 v2, v5;
	[tilespmem:v16+s28+$0x0] =	vst.idx.msk $0xffff, v15;
	v20 =	vld [tilespmem:s10+$0x20]  }
0x500: {  	[tilespmem:v14+s28+$0x0] =	vst.idx.msk $0xffff, v11;
	v11 =	vld [tilespmem:s9+$0x50];
	v14 =	vadd.s32 v1, v8  }
0x501: {  	v26 =	vadd.s32 v1, v4;
	v25 =	vld [tilespmem:s9+$0xFFFFFF90];
	[tilespmem:v13+s28+$0x0] =	vst.idx.msk $0xffff, v10  }
0x502: {  	[tilespmem:v22+s28+$0x0] =	vst.idx.msk $0xffff, v19;
	v19 =	vld [tilespmem:s10+$0xFFFFFFF0];
	v22 =	vadd.s32 v3, v7;
	v7 =	vmov v9  }
.Ltmp21:
0x503: {  	v17 =	vld [tilespmem:s9+$0xFFFFFFD0];
	v18 =	vadd.s32 v1, v7;
	[tilespmem:v24+s28+$0x0] =	vst.idx.msk $0xffff, v23;
	(pc) =	sbr.rel @p0 .LBB2_44-.Ltmp21, $4  }
0x504: {  	v16 =	vadd.s32 v1, v12;
	v15 =	vld [tilespmem:s9+$0x10];
	[tilespmem:v21+s28+$0x0] =	vst.idx.msk $0xffff, v20  }
0x505: {  	[tilespmem:v14+s28+$0x0] =	vst.idx.msk $0xffff, v11;
	v11 =	vld [tilespmem:s10+$0x30];
	v14 =	vadd.s32 v3, v5;
	v5 =	vmov v12  }
0x506: {  	v12 =	vadd.s32 v2, v8;
	[tilespmem:v26+s28+$0x0] =	vst.idx.msk $0xffff, v25;
	v9 =	vld [tilespmem:s9+$0x60]  }
0x507: {  	s12 =	sadd.s32 $0x4, s12;
	s13 =	sadd.s32 $0x3, s11;
	v13 =	vadd.s32 v2, v4;
	v10 =	vld [tilespmem:s9+$0xFFFFFFA0];
	[tilespmem:v22+s28+$0x0] =	vst.idx.msk $0xffff, v19  }
0x508: {  	_ =	sdelay $0x2  }
0x509: {  	v19 =	vmov s13  }
0x50a: {  	s12 =	sadd.s32 $0x1, s11;
	[tilespmem:v18+s28+$0x0] =	vst.idx.msk $0xffff, v17;
	v30 =	vld [tilespmem:s10+$0xFFFFFFB0];
	v6 =	vadd.s32 v3, v6;
	s13 =	sadd.s32 $0x100, s9;
	v21 =	vmov s11;
	v31 =	vand.u32 $0xFF, v19  }
0x50b: {  	s15 =	sadd.s32 $0x2, s11;
	v32 =	vmov s12;
	[tilespmem:v16+s28+$0x0] =	vst.idx.msk $0xffff, v15;
	v33 =	vld [tilespmem:s13+$0x40];
	v21 =	vand.u32 $0xFC, v21;
	v34 =	vadd.s32 v0, v31  }
0x50c: {  	v20 =	vmov s15;
	v22 =	vld [tilespmem:s13+$0xFFFFFF80];
	v19 =	vand.u32 $0xFD, v32;
	[tilespmem:v14+s28+$0x0] =	vst.idx.msk $0xffff, v11;
	v39 =	vadd.s32 v0, v21  }
0x50d: {  	v35 =	vld [tilespmem:s13+$0xFFFFFFC0];
	v20 =	vand.u32 $0xFE, v20;
	v36 =	vadd.s32 v0, v19;
	[tilespmem:v12+s28+$0x0] =	vst.idx.msk $0xffff, v9  }
0x50e: {  	v37 =	vld [tilespmem:s13+$0x0];
	v38 =	vadd.s32 v0, v20;
	[tilespmem:v13+s28+$0x0] =	vst.idx.msk $0xffff, v10  }
0x50f: {  	v41 =	vadd.s32 v2, v7;
	v40 =	vld [tilespmem:s9+$0xFFFFFFE0];
	[tilespmem:v6+s28+$0x0] =	vst.idx.msk $0xffff, v30  }
0x510: {  	v49 =	vadd.s32 v2, v5;
	v48 =	vld [tilespmem:s9+$0x20];
	[tilespmem:v34+s28+$0x0] =	vst.idx.msk $0xffff, v33  }
0x511: {  	v43 =	vadd.s32 v1, v31;
	[tilespmem:v39+s28+$0x0] =	vst.idx.msk $0xffff, v22;
	v15 =	vld [tilespmem:s13+$0x50]  }
0x512: {  	v47 =	vadd.s32 v1, v21;
	[tilespmem:v36+s28+$0x0] =	vst.idx.msk $0xffff, v35;
	v46 =	vld [tilespmem:s13+$0xFFFFFF90]  }
0x513: {  	v44 =	vadd.s32 v1, v19;
	[tilespmem:v38+s28+$0x0] =	vst.idx.msk $0xffff, v37;
	v11 =	vld [tilespmem:s13+$0xFFFFFFD0]  }
0x514: {  	v45 =	vadd.s32 v1, v20;
	[tilespmem:v41+s28+$0x0] =	vst.idx.msk $0xffff, v40;
	v9 =	vld [tilespmem:s13+$0x10]  }
0x515: {  	v8 =	vadd.s32 v3, v8;
	v42 =	vld [tilespmem:s9+$0x70];
	[tilespmem:v49+s28+$0x0] =	vst.idx.msk $0xffff, v48  }
0x516: {  	v5 =	vadd.s32 v3, v5;
	v13 =	vld [tilespmem:s9+$0x30];
	[tilespmem:v43+s28+$0x0] =	vst.idx.msk $0xffff, v15  }
0x517: {  	v52 =	vadd.s32 v2, v31;
	[tilespmem:v47+s28+$0x0] =	vst.idx.msk $0xffff, v46;
	v15 =	vld [tilespmem:s13+$0x60]  }
0x518: {  	v57 =	vadd.s32 v2, v21;
	[tilespmem:v44+s28+$0x0] =	vst.idx.msk $0xffff, v11;
	v56 =	vld [tilespmem:s13+$0xFFFFFFA0]  }
0x519: {  	v53 =	vadd.s32 v2, v19;
	[tilespmem:v45+s28+$0x0] =	vst.idx.msk $0xffff, v9;
	v11 =	vld [tilespmem:s13+$0xFFFFFFE0]  }
0x51a: {  	v55 =	vadd.s32 v2, v20;
	[tilespmem:v8+s28+$0x0] =	vst.idx.msk $0xffff, v42;
	v54 =	vld [tilespmem:s13+$0x20]  }
0x51b: {  	v4 =	vadd.s32 v3, v4;
	v58 =	vld [tilespmem:s9+$0xFFFFFFB0];
	[tilespmem:v5+s28+$0x0] =	vst.idx.msk $0xffff, v13  }
0x51c: {  	v51 =	vadd.s32 v3, v7;
	v50 =	vld [tilespmem:s9+$0xFFFFFFF0];
	[tilespmem:v52+s28+$0x0] =	vst.idx.msk $0xffff, v15  }
0x51d: {  	v60 =	vadd.s32 v3, v31;
	[tilespmem:v57+s28+$0x0] =	vst.idx.msk $0xffff, v56;
	v59 =	vld [tilespmem:s13+$0x70]  }
0x51e: {  	v63 =	vadd.s32 v3, v21;
	[tilespmem:v53+s28+$0x0] =	vst.idx.msk $0xffff, v11;
	v5 =	vld [tilespmem:s13+$0xFFFFFFB0]  }
0x51f: {  	v61 =	vadd.s32 v3, v19;
	[tilespmem:v55+s28+$0x0] =	vst.idx.msk $0xffff, v54;
	v11 =	vld [tilespmem:s13+$0xFFFFFFF0]  }
0x520: {  	v62 =	vadd.s32 v3, v20;
	[tilespmem:v4+s28+$0x0] =	vst.idx.msk $0xffff, v58;
	v6 =	vld [tilespmem:s13+$0x30]  }
0x521: {  	[tilespmem:v51+s28+$0x0] =	vst.idx.msk $0xffff, v50  }
0x522: {  	[tilespmem:v60+s28+$0x0] =	vst.idx.msk $0xffff, v59  }
0x523: {  	[tilespmem:v63+s28+$0x0] =	vst.idx.msk $0xffff, v5  }
0x524: {  	[tilespmem:v61+s28+$0x0] =	vst.idx.msk $0xffff, v11  }
0x525: {  	[tilespmem:v62+s28+$0x0] =	vst.idx.msk $0xffff, v6  }
0x526: {  	s10 =	sld [smem:$0x7FD];
	_ =	sdelay $0x1  }
0x527: {  	s24 =	simm.s32 $0x16400;
	s9 =	simm.s32 $0x420  }
0x528: {  	[hbm4b:s10+s2] =	stream.linear.scatter [tilespmem:s24], [sflag:$0x5], $0x100, $0x38;
	[tilespmem:$0x1E800] =	vst v63  }
.LBB2_46:
0x529: {  	p0 =	sne.s32 s9, $0x103E0  }
.Ltmp22:
0x52a: {  	_ = 	snop;
	(pc) =	sbr.rel @p0 .LBB2_46-.Ltmp22, $4  }
0x52b: {  	_ = 	snop  }
0x52c: {  	s11 =	sshra.s32 s9, $0x2;
	s9 =	sadd.s32 $0x420, s9  }
0x52d: {  	s10 =	sadd.s32 $0x800, s10;
	s11 =	sadd.s32 $0x16400, s11  }
0x52e: {  	[hbm4b:s10+s2] =	stream.linear.scatter [tilespmem:s11], [sflag:$0x5], $0x100, $0x38;
	[tilespmem:$0x1E800] =	vst v63  }
0x52f: {  	_ =	swait.ge [sflag:s1], $0x4000  }
0x530: {  	[sflag:s1] =	ssyncset.done $0x0  }
0x531: {  	[sflag:s1] =	ssyncadd.s32 $0xFFFFC000  }
0x532: {  	s9 =	simm.s32 $0x3;
	_ =	swait.ge [sflag:s7], $0x4000  }
0x533: {  	s24 =	simm.s32 $0x0;
	v4 =	vmov s9;
	[sflag:s7] =	ssyncset.done $0x0  }
0x534: {  	s10 =	simm.s32 $0x12480;
	s11 =	simm.s32 $0x1;
	v5 =	vand.u32 $0xFF, v4;
	v4 =	vmov s24;
	[sflag:s7] =	ssyncadd.s32 $0xFFFFC000  }
0x535: {  	v8 =	vadd.s32 v0, v5;
	v6 =	vand.u32 $0xFC, v4;
	v4 =	vmov s11;
	v7 =	vld [tilespmem:s10+$0x40]  }
0x536: {  	v10 =	vadd.s32 v0, v6;
	v11 =	vand.u32 $0xFD, v4;
	v9 =	vld [tilespmem:s10+$0xFFFFFF80]  }
0x537: {  	s12 =	simm.s32 $0x2;
	v12 =	vadd.s32 v0, v11;
	v4 =	vld [tilespmem:s10+$0xFFFFFFC0]  }
0x538: {  	v13 =	vmov s12  }
0x539: {  	v13 =	vand.u32 $0xFE, v13  }
0x53a: {  	v15 =	vadd.s32 v0, v13;
	v14 =	vld [tilespmem:s10+$0x0];
	[tilespmem:v8+s30+$0x0] =	vst.idx.msk $0xffff, v7  }
0x53b: {  	v8 =	vadd.s32 v1, v5;
	[tilespmem:v10+s30+$0x0] =	vst.idx.msk $0xffff, v9;
	v7 =	vld [tilespmem:s10+$0x50]  }
0x53c: {  	v10 =	vadd.s32 v1, v6;
	[tilespmem:v12+s30+$0x0] =	vst.idx.msk $0xffff, v4;
	v9 =	vld [tilespmem:s10+$0xFFFFFF90]  }
0x53d: {  	v12 =	vadd.s32 v1, v11;
	v4 =	vld [tilespmem:s10+$0xFFFFFFD0];
	_ =	sdelay $0x1  }
0x53e: {  	[tilespmem:v15+s30+$0x0] =	vst.idx.msk $0xffff, v14  }
0x53f: {  	v16 =	vadd.s32 v1, v13;
	v15 =	vld [tilespmem:s10+$0x10];
	[tilespmem:v8+s30+$0x0] =	vst.idx.msk $0xffff, v7  }
0x540: {  	s13 =	simm.s32 $0x7;
	v14 =	vadd.s32 v2, v5;
	[tilespmem:v10+s30+$0x0] =	vst.idx.msk $0xffff, v9;
	v7 =	vld [tilespmem:s10+$0x60]  }
0x541: {  	v10 =	vadd.s32 v2, v6;
	v8 =	vmov s13;
	[tilespmem:v12+s30+$0x0] =	vst.idx.msk $0xffff, v4;
	v9 =	vld [tilespmem:s10+$0xFFFFFFA0]  }
0x542: {  	s9 =	simm.s32 $0x12580;
	v17 =	vadd.s32 v2, v11;
	v8 =	vand.u32 $0xFF, v8;
	v12 =	vld [tilespmem:s10+$0xFFFFFFE0]  }
0x543: {  	s11 =	simm.s32 $0x4;
	v18 =	vld [tilespmem:s9+$0x40];
	v19 =	vadd.s32 v0, v8  }
0x544: {  	s15 =	simm.s32 $0x5;
	v4 =	vmov s11;
	[tilespmem:v16+s30+$0x0] =	vst.idx.msk $0xffff, v15  }
0x545: {  	v22 =	vmov s15;
	v4 =	vand.u32 $0xFC, v4;
	[tilespmem:v14+s30+$0x0] =	vst.idx.msk $0xffff, v7  }
0x546: {  	s24 =	simm.s32 $0x6;
	v20 =	vld [tilespmem:s9+$0xFFFFFF80];
	v21 =	vadd.s32 v0, v4;
	v7 =	vand.u32 $0xFD, v22;
	[tilespmem:v10+s30+$0x0] =	vst.idx.msk $0xffff, v9  }
0x547: {  	v14 =	vmov s24;
	v9 =	vld [tilespmem:s9+$0xFFFFFFC0];
	[tilespmem:v17+s30+$0x0] =	vst.idx.msk $0xffff, v12;
	v10 =	vadd.s32 v0, v7  }
0x548: {  	v16 =	vadd.s32 v3, v5;
	v12 =	vld [tilespmem:s10+$0x20];
	v5 =	vand.u32 $0xFE, v14;
	[tilespmem:v19+s30+$0x0] =	vst.idx.msk $0xffff, v18;
	v18 =	vadd.s32 v2, v13  }
0x549: {  	v14 =	vld [tilespmem:s9+$0x0];
	v63 =	vadd.s32 v0, v5  }
0x54a: {  	v15 =	vld [tilespmem:s10+$0x70]  }
0x54b: {  	[tilespmem:v21+s30+$0x0] =	vst.idx.msk $0xffff, v20;
	v20 =	vadd.s32 v1, v8;
	v19 =	vld [tilespmem:s9+$0x50]  }
0x54c: {  	v23 =	vadd.s32 v1, v4;
	v21 =	vld [tilespmem:s9+$0xFFFFFF90];
	[tilespmem:v10+s30+$0x0] =	vst.idx.msk $0xffff, v9  }
0x54d: {  	v25 =	vadd.s32 v3, v11;
	v24 =	vld [tilespmem:s10+$0xFFFFFFF0];
	[tilespmem:v18+s30+$0x0] =	vst.idx.msk $0xffff, v12  }
0x54e: {  	v18 =	vadd.s32 v1, v7;
	v17 =	vld [tilespmem:s9+$0xFFFFFFD0];
	[tilespmem:v63+s30+$0x0] =	vst.idx.msk $0xffff, v14  }
0x54f: {  	[tilespmem:v16+s30+$0x0] =	vst.idx.msk $0xffff, v15;
	v16 =	vadd.s32 v1, v5;
	v15 =	vld [tilespmem:s9+$0x10]  }
0x550: {  	[tilespmem:v20+s30+$0x0] =	vst.idx.msk $0xffff, v19;
	v11 =	vld [tilespmem:s10+$0x30];
	v14 =	vadd.s32 v3, v13  }
0x551: {  	v12 =	vadd.s32 v2, v8;
	[tilespmem:v23+s30+$0x0] =	vst.idx.msk $0xffff, v21;
	v9 =	vld [tilespmem:s9+$0x60]  }
0x552: {  	s12 =	simm.s32 $0xC;
	s11 =	simm.s32 $0x8;
	s13 =	simm.s32 $0xB;
	[tilespmem:v25+s30+$0x0] =	vst.idx.msk $0xffff, v24;
	v13 =	vadd.s32 v2, v4;
	v10 =	vld [tilespmem:s9+$0xFFFFFFA0]  }
.LBB2_48:
0x553: {  	p0 =	slt.u32 s12, $0xFC;
	v19 =	vmov s13;
	[tilespmem:v18+s30+$0x0] =	vst.idx.msk $0xffff, v17;
	v17 =	vld [tilespmem:s10+$0xFFFFFFB0];
	v18 =	vadd.s32 v3, v6;
	v6 =	vmov v4;
	s10 =	smov.u32 s9  }
0x554: {  	v4 =	vmov s11;
	v21 =	vadd.s32 v2, v7;
	s9 =	sadd.s32 $0x100, s9;
	v19 =	vand.u32 $0xFF, v19;
	v20 =	vld [tilespmem:s10+$0xFFFFFFE0];
	[tilespmem:v16+s30+$0x0] =	vst.idx.msk $0xffff, v15  }
0x555: {  	s13 =	sadd.s32 $0x1, s11;
	v4 =	vand.u32 $0xFC, v4;
	v15 =	vld [tilespmem:s9+$0x40];
	v16 =	vadd.s32 v0, v19;
	[tilespmem:v14+s30+$0x0] =	vst.idx.msk $0xffff, v11  }
0x556: {  	v22 =	vmov s13;
	s13 =	sadd.s32 $0x2, s11;
	s11 =	smov.u32 s12;
	v14 =	vadd.s32 v0, v4;
	v11 =	vld [tilespmem:s9+$0xFFFFFF80];
	[tilespmem:v12+s30+$0x0] =	vst.idx.msk $0xffff, v9  }
0x557: {  	v9 =	vand.u32 $0xFD, v22;
	v12 =	vmov s13;
	[tilespmem:v13+s30+$0x0] =	vst.idx.msk $0xffff, v10;
	v10 =	vld [tilespmem:s10+$0x70];
	v13 =	vadd.s32 v3, v8;
	v8 =	vmovc v19  }
0x558: {  	v22 =	vadd.s32 v0, v9;
	v12 =	vand.u32 $0xFE, v12;
	v19 =	vld [tilespmem:s9+$0xFFFFFFC0];
	[tilespmem:v18+s30+$0x0] =	vst.idx.msk $0xffff, v17  }
0x559: {  	v24 =	vadd.s32 v0, v12;
	v23 =	vld [tilespmem:s9+$0x0];
	[tilespmem:v21+s30+$0x0] =	vst.idx.msk $0xffff, v20  }
0x55a: {  	v21 =	vadd.s32 v2, v5;
	[tilespmem:v16+s30+$0x0] =	vst.idx.msk $0xffff, v15;
	v20 =	vld [tilespmem:s10+$0x20]  }
0x55b: {  	[tilespmem:v14+s30+$0x0] =	vst.idx.msk $0xffff, v11;
	v11 =	vld [tilespmem:s9+$0x50];
	v14 =	vadd.s32 v1, v8  }
0x55c: {  	v26 =	vadd.s32 v1, v4;
	v25 =	vld [tilespmem:s9+$0xFFFFFF90];
	[tilespmem:v13+s30+$0x0] =	vst.idx.msk $0xffff, v10  }
0x55d: {  	[tilespmem:v22+s30+$0x0] =	vst.idx.msk $0xffff, v19;
	v19 =	vld [tilespmem:s10+$0xFFFFFFF0];
	v22 =	vadd.s32 v3, v7;
	v7 =	vmov v9  }
.Ltmp23:
0x55e: {  	v17 =	vld [tilespmem:s9+$0xFFFFFFD0];
	v18 =	vadd.s32 v1, v7;
	[tilespmem:v24+s30+$0x0] =	vst.idx.msk $0xffff, v23;
	(pc) =	sbr.rel @p0 .LBB2_48-.Ltmp23, $4  }
0x55f: {  	v16 =	vadd.s32 v1, v12;
	v15 =	vld [tilespmem:s9+$0x10];
	[tilespmem:v21+s30+$0x0] =	vst.idx.msk $0xffff, v20  }
0x560: {  	[tilespmem:v14+s30+$0x0] =	vst.idx.msk $0xffff, v11;
	v11 =	vld [tilespmem:s10+$0x30];
	v14 =	vadd.s32 v3, v5;
	v5 =	vmov v12  }
0x561: {  	v12 =	vadd.s32 v2, v8;
	[tilespmem:v26+s30+$0x0] =	vst.idx.msk $0xffff, v25;
	v9 =	vld [tilespmem:s9+$0x60]  }
0x562: {  	s12 =	sadd.s32 $0x4, s12;
	s13 =	sadd.s32 $0x3, s11;
	v13 =	vadd.s32 v2, v4;
	v10 =	vld [tilespmem:s9+$0xFFFFFFA0];
	[tilespmem:v22+s30+$0x0] =	vst.idx.msk $0xffff, v19  }
0x563: {  	_ =	sdelay $0x2  }
0x564: {  	v19 =	vmov s13  }
0x565: {  	s12 =	sadd.s32 $0x1, s11;
	[tilespmem:v18+s30+$0x0] =	vst.idx.msk $0xffff, v17;
	v30 =	vld [tilespmem:s10+$0xFFFFFFB0];
	v6 =	vadd.s32 v3, v6;
	s13 =	sadd.s32 $0x100, s9;
	v21 =	vmov s11;
	v31 =	vand.u32 $0xFF, v19  }
0x566: {  	s15 =	sadd.s32 $0x2, s11;
	v32 =	vmov s12;
	[tilespmem:v16+s30+$0x0] =	vst.idx.msk $0xffff, v15;
	v33 =	vld [tilespmem:s13+$0x40];
	v21 =	vand.u32 $0xFC, v21;
	v34 =	vadd.s32 v0, v31  }
0x567: {  	v20 =	vmov s15;
	v22 =	vld [tilespmem:s13+$0xFFFFFF80];
	v19 =	vand.u32 $0xFD, v32;
	[tilespmem:v14+s30+$0x0] =	vst.idx.msk $0xffff, v11;
	v39 =	vadd.s32 v0, v21  }
0x568: {  	v35 =	vld [tilespmem:s13+$0xFFFFFFC0];
	v20 =	vand.u32 $0xFE, v20;
	v36 =	vadd.s32 v0, v19;
	[tilespmem:v12+s30+$0x0] =	vst.idx.msk $0xffff, v9  }
0x569: {  	v37 =	vld [tilespmem:s13+$0x0];
	v38 =	vadd.s32 v0, v20;
	[tilespmem:v13+s30+$0x0] =	vst.idx.msk $0xffff, v10  }
0x56a: {  	v41 =	vadd.s32 v2, v7;
	v40 =	vld [tilespmem:s9+$0xFFFFFFE0];
	[tilespmem:v6+s30+$0x0] =	vst.idx.msk $0xffff, v30  }
0x56b: {  	v49 =	vadd.s32 v2, v5;
	v48 =	vld [tilespmem:s9+$0x20];
	[tilespmem:v34+s30+$0x0] =	vst.idx.msk $0xffff, v33  }
0x56c: {  	v43 =	vadd.s32 v1, v31;
	[tilespmem:v39+s30+$0x0] =	vst.idx.msk $0xffff, v22;
	v15 =	vld [tilespmem:s13+$0x50]  }
0x56d: {  	v47 =	vadd.s32 v1, v21;
	[tilespmem:v36+s30+$0x0] =	vst.idx.msk $0xffff, v35;
	v46 =	vld [tilespmem:s13+$0xFFFFFF90]  }
0x56e: {  	v44 =	vadd.s32 v1, v19;
	[tilespmem:v38+s30+$0x0] =	vst.idx.msk $0xffff, v37;
	v11 =	vld [tilespmem:s13+$0xFFFFFFD0]  }
0x56f: {  	v45 =	vadd.s32 v1, v20;
	[tilespmem:v41+s30+$0x0] =	vst.idx.msk $0xffff, v40;
	v9 =	vld [tilespmem:s13+$0x10]  }
0x570: {  	v8 =	vadd.s32 v3, v8;
	v42 =	vld [tilespmem:s9+$0x70];
	[tilespmem:v49+s30+$0x0] =	vst.idx.msk $0xffff, v48  }
0x571: {  	v5 =	vadd.s32 v3, v5;
	v13 =	vld [tilespmem:s9+$0x30];
	[tilespmem:v43+s30+$0x0] =	vst.idx.msk $0xffff, v15  }
0x572: {  	v52 =	vadd.s32 v2, v31;
	[tilespmem:v47+s30+$0x0] =	vst.idx.msk $0xffff, v46;
	v15 =	vld [tilespmem:s13+$0x60]  }
0x573: {  	v57 =	vadd.s32 v2, v21;
	[tilespmem:v44+s30+$0x0] =	vst.idx.msk $0xffff, v11;
	v56 =	vld [tilespmem:s13+$0xFFFFFFA0]  }
0x574: {  	v53 =	vadd.s32 v2, v19;
	[tilespmem:v45+s30+$0x0] =	vst.idx.msk $0xffff, v9;
	v11 =	vld [tilespmem:s13+$0xFFFFFFE0]  }
0x575: {  	v55 =	vadd.s32 v2, v20;
	[tilespmem:v8+s30+$0x0] =	vst.idx.msk $0xffff, v42;
	v54 =	vld [tilespmem:s13+$0x20]  }
0x576: {  	v4 =	vadd.s32 v3, v4;
	v58 =	vld [tilespmem:s9+$0xFFFFFFB0];
	[tilespmem:v5+s30+$0x0] =	vst.idx.msk $0xffff, v13  }
0x577: {  	v51 =	vadd.s32 v3, v7;
	v50 =	vld [tilespmem:s9+$0xFFFFFFF0];
	[tilespmem:v52+s30+$0x0] =	vst.idx.msk $0xffff, v15  }
0x578: {  	v60 =	vadd.s32 v3, v31;
	[tilespmem:v57+s30+$0x0] =	vst.idx.msk $0xffff, v56;
	v59 =	vld [tilespmem:s13+$0x70]  }
0x579: {  	v63 =	vadd.s32 v3, v21;
	[tilespmem:v53+s30+$0x0] =	vst.idx.msk $0xffff, v11;
	v5 =	vld [tilespmem:s13+$0xFFFFFFB0]  }
0x57a: {  	v61 =	vadd.s32 v3, v19;
	[tilespmem:v55+s30+$0x0] =	vst.idx.msk $0xffff, v54;
	v11 =	vld [tilespmem:s13+$0xFFFFFFF0]  }
0x57b: {  	v62 =	vadd.s32 v3, v20;
	[tilespmem:v4+s30+$0x0] =	vst.idx.msk $0xffff, v58;
	v6 =	vld [tilespmem:s13+$0x30]  }
0x57c: {  	[tilespmem:v51+s30+$0x0] =	vst.idx.msk $0xffff, v50  }
0x57d: {  	[tilespmem:v60+s30+$0x0] =	vst.idx.msk $0xffff, v59  }
0x57e: {  	[tilespmem:v63+s30+$0x0] =	vst.idx.msk $0xffff, v5  }
0x57f: {  	[tilespmem:v61+s30+$0x0] =	vst.idx.msk $0xffff, v11  }
0x580: {  	s24 =	simm.s32 $0x1A600;
	s10 =	smov.u32 s16;
	s9 =	simm.s32 $0x420;
	[tilespmem:v62+s30+$0x0] =	vst.idx.msk $0xffff, v6  }
0x581: {  	[hbm4b:s16+s2] =	stream.linear.scatter [tilespmem:s24], [sflag:$0x6], $0x100, $0x38;
	[tilespmem:$0x1E800] =	vst v63  }
.LBB2_50:
0x582: {  	p0 =	sne.s32 s9, $0x103E0  }
.Ltmp24:
0x583: {  	_ = 	snop;
	(pc) =	sbr.rel @p0 .LBB2_50-.Ltmp24, $4  }
0x584: {  	_ = 	snop  }
0x585: {  	s11 =	sshra.s32 s9, $0x2;
	s9 =	sadd.s32 $0x420, s9  }
0x586: {  	s10 =	sadd.s32 $0x800, s10;
	s11 =	sadd.s32 $0x1A600, s11  }
0x587: {  	[hbm4b:s10+s2] =	stream.linear.scatter [tilespmem:s11], [sflag:$0x6], $0x100, $0x38;
	[tilespmem:$0x1E800] =	vst v63  }
0x588: {  	_ =	swait.ge [sflag:s0], $0x4000  }
0x589: {  	[sflag:s0] =	ssyncset.done $0x0  }
0x58a: {  	[sflag:s0] =	ssyncadd.s32 $0xFFFFC000  }
0x58b: {  	_ =	swait.ge [sflag:s7], $0x4000  }
0x58c: {  	s8 =	sadd.s32 $0x1, s8;
	s9 =	rddreg [dreg:$0x13]  }
0x58d: {  	p0 =	sne.s32 s8, s9  }
.Ltmp25:
0x58e: {  	_ = 	snop;
	(pc) =	sbr.rel @p0 .LBB2_1-.Ltmp25, $3  }
0x58f: {  	_ =	sdelay $0x1  }
0x590: {  	[sflag:s7] =	ssyncset.done $0x0  }
0x591: {  	[sflag:s7] =	ssyncadd.s32 $0xFFFFC000  }
0x592: {  	_ =	sfence.sel $0x180000  }
0x593: {  	[bflag:$0x0] =	sbarrier.arrive $0xFFFF  }
0x594: {  	_ =	strace $0x90000047  }
0x595: {  	s0 =	stileid.u32;
	[bflag:$0x2] =	sbarrier.arrive $0xFFFF  }
0x596: {  	p0 =	sne.s32 s0, $0x0;
	s0 =	rddreg [dreg:$0x2]  }
0x597: {  	s0 =	sadd.s32 @!p0 $0x100000, s0  }
0x598: {  	[sflag:s0] =	ssyncadd.tile.s32 @!p0 $0x1;
	_ =	shalt  }
.Lfunc_end2:
_tile_overlayer_lowered:
.L_overlay_start_2:
0x599: {  	(tag) =	ssettag $0x2  }
0x59a: {  	s0 =	rddreg [dreg:$0x0];
	s2 =	stileid.u32  }
0x59b: {  	s1 =	rddreg [dreg:$0x1];
	p0 =	sne.s32 s2, $0x0  }
0x59c: {  	s3 =	rddreg [dreg:$0x2];
	[bflag:$0x3] =	sbarrier.arrive $0xFFFF;
	s2 =	simm.s32 @!p0 $0x1C08  }
0x59d: {  	[timem:s3], [sflag:s2] =	dma.local @!p0 [hbm:s0], s1  }
0x59e: {  	s0 =	simm.s32 @!p0 $0x8  }
0x59f: {  	_ =	swait.ge @!p0 [sflag:s0], s1  }
0x5a0: {  	s1 =	ssub.s32 @!p0 $0x0, s1;
	[sflag:s0] =	ssyncset.done @!p0 $0x0  }
0x5a1: {  	[sflag:s0] =	ssyncadd.s32 @!p0 s1  }
0x5a2: {  	[bflag:$0x3] =	sbarrier.arrive $0xFFFF  }
0x5a3: {  	_ =	shalt  }

</sc_bundles>
